<compile_context>
chip_gen: v7x
topology: tpu7x:2x2x1
jax: 0.10.2.dev20260603
libtpu: 0.0.44.dev20260713+nightly
codegen_flags: <defaults>
</compile_context>

<pallas_src>
import functools

import jax
import jax.numpy as jnp
from jax import lax
from jax.experimental import pallas as pl
from jax.experimental.pallas import tpu as pltpu
from jax.experimental.pallas import tpu_sc as plsc

_B = 16
_N = 512
_E = 1536
_T = _N + _E
_D = 1024
_K2 = 256
_VOCAB = 512

_NC = 2
_NS = 16
_NW = _NC * _NS
_L = 16

_CH = 16

_GROUP_SIZES = (4, 4, 4, 4)
assert sum(_GROUP_SIZES) == _B


def _make_sc_body(b0, bg):
    def body(node_hbm, edge_hbm, emb_hbm, out_hbm,
             table_v, in0, in1, out0, out1,
             sin0, sin1, sout0, sout1):
        rpt = bg * _T // _NW
        tpb = _NW // bg
        c = lax.axis_index("c")
        s = lax.axis_index("s")
        wid = s * _NC + c
        b_local = wid // tpb
        t0 = (wid % tpb) * rpt
        b = b0 + b_local
        dst0 = wid * rpt

        pltpu.sync_copy(emb_hbm, table_v)

        ins = (in0, in1)
        outs = (out0, out1)
        sins = (sin0, sin1)
        souts = (sout0, sout1)

        himask = jnp.int32(-65536)

        def gather_chunk(iv, ov):
            def row_body(i, carry):
                @plsc.parallel_loop(0, _D // 2, _L, unroll=4)
                def _(c):
                    c = pl.multiple_of(c, _L)
                    a = plsc.bitcast(plsc.load_gather(
                        table_v, [iv[i, pl.ds(c, _L)]]), jnp.int32)
                    b = plsc.bitcast(plsc.load_gather(
                        table_v, [iv[i, pl.ds(c + _D // 2, _L)]]), jnp.int32)
                    ov[i, pl.ds(c, _L)] = (
                        lax.shift_right_logical(a, 16) | (b & himask))
                return carry
            lax.fori_loop(0, _CH, row_body, 0, unroll=False)

        def run_segment(src_hbm, src_row0):
            nch = rpt // _CH

            def start_in(ci, buf):
                pltpu.make_async_copy(
                    src_hbm.at[pl.ds(src_row0 + ci * _CH, _CH), :],
                    ins[buf], sins[buf]).start()

            def wait_in(buf):
                pltpu.make_async_copy(
                    src_hbm.at[pl.ds(src_row0, _CH), :],
                    ins[buf], sins[buf]).wait()

            def start_out(ci, buf):
                pltpu.make_async_copy(
                    outs[buf],
                    out_hbm.at[pl.ds(dst0 + ci * _CH, _CH), :],
                    souts[buf]).start()

            def wait_out(buf):
                pltpu.make_async_copy(
                    outs[buf],
                    out_hbm.at[pl.ds(dst0, _CH), :],
                    souts[buf]).wait()

            start_in(0, 0)

            def loop_body(j, carry):
                ca = j * 2

                start_in(ca + 1, 1)
                wait_in(0)

                @pl.when(j > 0)
                def _():
                    wait_out(0)

                gather_chunk(ins[0], outs[0])
                start_out(ca, 0)

                cb = ca + 1

                @pl.when(cb + 1 < nch)
                def _():
                    start_in(cb + 1, 0)

                wait_in(1)

                @pl.when(j > 0)
                def _():
                    wait_out(1)

                gather_chunk(ins[1], outs[1])
                start_out(cb, 1)
                return carry

            lax.fori_loop(0, nch // 2, loop_body, 0, unroll=False)
            wait_out(0)
            wait_out(1)

        @pl.when(t0 < _N)
        def _():
            run_segment(node_hbm, b * _N + t0)

        @pl.when(t0 >= _N)
        def _():
            run_segment(edge_hbm, b * _E + (t0 - _N))

    return body


@functools.lru_cache(maxsize=None)
def _sc_gather(b0, bg):
    return pl.kernel(
        _make_sc_body(b0, bg),
        out_type=jax.ShapeDtypeStruct((bg * _T, _D // 2), jnp.int32),
        mesh=plsc.VectorSubcoreMesh(core_axis_name="c", subcore_axis_name="s",
                                    num_cores=_NC, num_subcores=_NS),
        scratch_types=[
            pltpu.VMEM((_VOCAB,), jnp.float32),
            pltpu.VMEM((_CH, _D), jnp.int32),
            pltpu.VMEM((_CH, _D), jnp.int32),
            pltpu.VMEM((_CH, _D // 2), jnp.int32),
            pltpu.VMEM((_CH, _D // 2), jnp.int32),
            pltpu.SemaphoreType.DMA,
            pltpu.SemaphoreType.DMA,
            pltpu.SemaphoreType.DMA,
            pltpu.SemaphoreType.DMA,
        ],
        compiler_params=pltpu.CompilerParams(needs_layout_passes=False),
    )


_R = 1024


def _tc_compute(feat_ref, lap_ref, pi_ref, mask_ref, w_ref, ord_ref, out_ref):
    mm = lax.dot_general(lap_ref[...], w_ref[...],
                         (((1,), (0,)), ((), ())),
                         preferred_element_type=jnp.float32)
    pi = pi_ref[...]
    order = pi[:, 0:1] == pi[:, 1:2]
    ordvec = jnp.where(order, ord_ref[1:2, :], ord_ref[0:1, :])
    rest = mm + ordvec
    w = feat_ref[...]
    left = lax.bitcast_convert_type(lax.shift_left(w, 16), jnp.float32)
    right = lax.bitcast_convert_type(w & jnp.int32(-65536), jnp.float32)
    keep = mask_ref[...] == 0
    half = _D // 2
    out_ref[:, 0:half] = jnp.where(
        keep, left + rest[:, 0:half], jnp.float32(0.0))
    out_ref[:, half:_D] = jnp.where(
        keep, right + rest[:, half:_D], jnp.float32(0.0))


def _tc_body_first(feat_ref, lap_ref, pi_ref, mask_ref, w_ref, ord_ref, out_ref):
    _tc_compute(feat_ref, lap_ref, pi_ref, mask_ref, w_ref, ord_ref, out_ref)


def _tc_body_acc(acc_ref, feat_ref, lap_ref, pi_ref, mask_ref, w_ref, ord_ref,
                 out_ref):
    del acc_ref
    _tc_compute(feat_ref, lap_ref, pi_ref, mask_ref, w_ref, ord_ref, out_ref)


def _tc_stage(row0, bg, acc, feat_g, lap2, pi2, mask2, w, ordt):
    bpg = bg * _T // _R
    blk0 = row0 // _R

    def off(i):
        return (i + blk0, 0)

    common_specs = [
        pl.BlockSpec((_R, _D // 2), lambda i: (i, 0)),
        pl.BlockSpec((_R, _K2), off),
        pl.BlockSpec((_R, 2), off),
        pl.BlockSpec((_R, 1), off),
        pl.BlockSpec((_K2, _D), lambda i: (0, 0)),
        pl.BlockSpec((2, _D), lambda i: (0, 0)),
    ]
    out_spec = pl.BlockSpec((_R, _D), off)
    out_shape = jax.ShapeDtypeStruct((_B * _T, _D), jnp.float32)
    if acc is None:
        return pl.pallas_call(
            _tc_body_first,
            grid=(bpg,),
            in_specs=common_specs,
            out_specs=out_spec,
            out_shape=out_shape,
        )(feat_g, lap2, pi2, mask2, w, ordt)
    return pl.pallas_call(
        _tc_body_acc,
        grid=(bpg,),
        in_specs=[pl.BlockSpec(memory_space=pl.ANY)] + common_specs,
        out_specs=out_spec,
        out_shape=out_shape,
        input_output_aliases={0: 0},
    )(acc, feat_g, lap2, pi2, mask2, w, ordt)


def kernel(edge_index, edge_data, node_data, node_num, edge_num, lap_eigvec,
           padded_index, padding_mask, padded_node_mask, padded_edge_mask,
           emb_table, W_lap, order_table):
    emb_flat = emb_table.reshape(-1)

    lap2 = lap_eigvec.reshape(_B * _T, _K2)
    pi2 = padded_index.reshape(_B * _T, 2)
    mask2 = padding_mask.reshape(_B * _T, 1).astype(jnp.int32)

    starts = [sum(_GROUP_SIZES[:i]) for i in range(len(_GROUP_SIZES))]
    feats = [_sc_gather(b0, bg)(node_data, edge_data, emb_flat)
             for b0, bg in zip(starts, _GROUP_SIZES)]
    out = None
    for b0, bg, feat_g in zip(starts, _GROUP_SIZES, feats):
        out = _tc_stage(b0 * _T, bg, out, feat_g,
                        lap2, pi2, mask2, W_lap, order_table)
    return out.reshape(_B, _T, _D)

# --- scband reference (transcript-rebuilt; emitter-appended) ---
"""Pipeline reference for scband-graph-feature-tokenizer-5961414606924 (READ-ONLY COPY).

The authoritative reference and input builder live on the scoring server;
editing this copy changes nothing except your own understanding.
"""

import jax, jax.numpy as jnp
import numpy as np

B = 16
N_NODES = 512
N_EDGES = 1536
T = N_NODES + N_EDGES
D = 1024
K = 128
VOCAB = 512


def setup_inputs(seed: int = 0) -> dict:
    key = jax.random.key(seed)
    ks = jax.random.split(key, 8)
    edge_index = jax.random.randint(ks[0], (2, B * N_EDGES), 0, N_NODES, dtype=jnp.int32)
    edge_data = jax.random.randint(ks[1], (B * N_EDGES, D), 0, VOCAB, dtype=jnp.int32)
    node_data = jax.random.randint(ks[2], (B * N_NODES, D), 0, VOCAB, dtype=jnp.int32)
    node_num = jnp.full((B,), N_NODES, dtype=jnp.int32)
    edge_num = jnp.full((B,), N_EDGES, dtype=jnp.int32)
    lap_eigvec = jax.random.normal(ks[3], (B, T, 2 * K), dtype=jnp.float32)
    padded_index = jax.random.randint(ks[4], (B, T, 2), 0, N_NODES, dtype=jnp.int32)
    padding_mask = jnp.zeros((B, T), dtype=bool)
    padded_node_mask = jnp.concatenate(
        [jnp.ones((B, N_NODES), dtype=bool), jnp.zeros((B, N_EDGES), dtype=bool)], axis=1)
    padded_edge_mask = jnp.logical_not(padded_node_mask)
    # learned parameters
    emb_table = jax.random.normal(ks[5], (VOCAB, 1), dtype=jnp.float32) * 0.02
    W_lap = jax.random.normal(ks[6], (2 * K, D), dtype=jnp.float32) * (0.02 / np.sqrt(12.0))
    order_table = jax.random.normal(ks[7], (2, D), dtype=jnp.float32) * 0.02
    return {
        'edge_index': edge_index,
        'edge_data': edge_data,
        'node_data': node_data,
        'node_num': node_num,
        'edge_num': edge_num,
        'lap_eigvec': lap_eigvec,
        'padded_index': padded_index,
        'padding_mask': padding_mask,
        'padded_node_mask': padded_node_mask,
        'padded_edge_mask': padded_edge_mask,
        'emb_table': emb_table,
        'W_lap': W_lap,
        'order_table': order_table,
    }


def reference(edge_index, edge_data, node_data, node_num, edge_num, lap_eigvec,
              padded_index, padding_mask, padded_node_mask, padded_edge_mask,
              emb_table, W_lap, order_table):
    # embedding with output dim 1, squeezed -> per-token feature of width D
    node_feature = jnp.take(emb_table, node_data, axis=0).squeeze(-1)  # [B*N_NODES, D]
    edge_feature = jnp.take(emb_table, edge_data, axis=0).squeeze(-1)  # [B*N_EDGES, D]
    b = node_num.shape[0]
    n = node_feature.shape[0] // b
    e = edge_feature.shape[0] // b
    # uniform graphs: node tokens occupy positions [0, n), edge tokens [n, n+e)
    # (equivalent to padded_feature[padded_node_mask] = node_feature; padded_feature[padded_edge_mask] = edge_feature)
    padded_feature = jnp.concatenate(
        [node_feature.reshape(b, n, -1), edge_feature.reshape(b, e, -1)], axis=1)  # [B, T, D]
    # lap_node_id branch
    padded_feature = padded_feature + lap_eigvec @ W_lap
    # type_id branch
    order = (padded_index[..., 0] == padded_index[..., 1]).astype(jnp.int32)
    padded_feature = padded_feature + jnp.take(order_table, order, axis=0)
    # masked_fill(padding_mask[..., None], 0)
    padded_feature = jnp.where(padding_mask[..., None], jnp.float32(0.0), padded_feature)
    return padded_feature


if False:  # reference __main__ guard neutralized (emitter)
    out = reference(**setup_inputs())
    print(out.shape, out.dtype)

if __name__ == "__main__":
    import jax
    _d = setup_inputs()
    print(jax.jit(kernel)(*tuple(_d.values())))

</pallas_src>

<mosaic_0001>
#map = affine_map<(d0, d1) -> (0, 0)>
#map1 = affine_map<(d0, d1) -> (0)>
module attributes {stable_mosaic.version = 14 : i64} {
  func.func @body(%arg0: i32, %arg1: i32, %arg2: memref<8192x1024xi32, #tpu.memory_space<hbm>>, %arg3: memref<24576x1024xi32, #tpu.memory_space<hbm>>, %arg4: memref<512xf32, #tpu.memory_space<hbm>>, %arg5: memref<8192x512xi32, #tpu.memory_space<hbm>>, %arg6: memref<512xf32, #tpu.memory_space<vmem>>, %arg7: memref<16x1024xi32, #tpu.memory_space<vmem>>, %arg8: memref<16x1024xi32, #tpu.memory_space<vmem>>, %arg9: memref<16x512xi32, #tpu.memory_space<vmem>>, %arg10: memref<16x512xi32, #tpu.memory_space<vmem>>, %arg11: memref<!tpu.dma_semaphore, #tpu.memory_space<semaphore_mem>>, %arg12: memref<!tpu.dma_semaphore, #tpu.memory_space<semaphore_mem>>, %arg13: memref<!tpu.dma_semaphore, #tpu.memory_space<semaphore_mem>>, %arg14: memref<!tpu.dma_semaphore, #tpu.memory_space<semaphore_mem>>) attributes {dimension_semantics = [#tpu.dimension_semantics<core_parallel>, #tpu.dimension_semantics<subcore_parallel>], iteration_bounds = array<i64: 2, 16>, scalar_prefetch = 0 : i64, scratch_operands = 9 : i64, tpu.core_type = #tpu.core_type<sc_vector_subcore>, window_params = [{transform_indices = #map}, {transform_indices = #map}, {transform_indices = #map1}, {transform_indices = #map}]} {
    %mul3A = arith.constant 2 : i32
    %mul3A_0 = arith.muli %arg1, %mul3A : i32
    %add3A = arith.addi %mul3A_0, %arg0 : i32
    %jit3A = arith.constant 8 : i32
    %div3A = arith.divsi %add3A, %jit3A : i32
    %sign3A = arith.constant 0 : i32
    %sign3A_1 = arith.cmpi sgt, %add3A, %sign3A : i32
    %sign3A_2 = arith.extui %sign3A_1 : i1 to i32
    %sign3A_3 = arith.constant 0 : i32
    %sign3A_4 = arith.cmpi slt, %add3A, %sign3A_3 : i32
    %sign3A_5 = arith.extui %sign3A_4 : i1 to i32
    %sign3A_6 = arith.subi %sign3A_2, %sign3A_5 : i32
    %sign3A_7 = arith.constant 0 : i32
    %sign3A_8 = arith.cmpi sgt, %jit3A, %sign3A_7 : i32
    %sign3A_9 = arith.extui %sign3A_8 : i1 to i32
    %sign3A_10 = arith.constant 0 : i32
    %sign3A_11 = arith.cmpi slt, %jit3A, %sign3A_10 : i32
    %sign3A_12 = arith.extui %sign3A_11 : i1 to i32
    %sign3A_13 = arith.subi %sign3A_9, %sign3A_12 : i32
    %ne3A = arith.cmpi ne, %sign3A_6, %sign3A_13 : i32
    %rem3A = arith.remsi %add3A, %jit3A : i32
    %ne3A_14 = arith.constant 0 : i32
    %ne3A_15 = arith.cmpi ne, %rem3A, %ne3A_14 : i32
    %and3A = arith.andi %ne3A, %ne3A_15 : i1
    %sub3A = arith.constant 1 : i32
    %sub3A_16 = arith.subi %div3A, %sub3A : i32
    %select_n3A = arith.select %and3A, %sub3A_16, %div3A : i32
    %jit3A_17 = arith.constant 8 : i32
    %eq3A = arith.constant 0 : i32
    %eq3A_18 = arith.cmpi eq, %jit3A_17, %eq3A : i32
    %jit3A_19 = arith.constant 1 : i32
    %select_n3A_20 = arith.select %eq3A_18, %jit3A_19, %jit3A_17 : i32
    %rem3A_21 = arith.remsi %add3A, %select_n3A_20 : i32
    %ne3A_22 = arith.constant 0 : i32
    %ne3A_23 = arith.cmpi ne, %rem3A_21, %ne3A_22 : i32
    %lt3A = arith.constant 0 : i32
    %lt3A_24 = arith.cmpi slt, %rem3A_21, %lt3A : i32
    %lt3A_25 = arith.constant 0 : i32
    %lt3A_26 = arith.cmpi slt, %select_n3A_20, %lt3A_25 : i32
    %ne3A_27 = arith.xori %lt3A_24, %lt3A_26 : i1
    %and3A_28 = arith.andi %ne3A_27, %ne3A_23 : i1
    %add3A_29 = arith.addi %rem3A_21, %select_n3A_20 : i32
    %select_n3A_30 = arith.select %and3A_28, %add3A_29, %rem3A_21 : i32
    %mul3A_31 = arith.constant 256 : i32
    %mul3A_32 = arith.muli %select_n3A_30, %mul3A_31 : i32
    %add3A_33 = arith.constant 0 : i32
    %add3A_34 = arith.addi %add3A_33, %select_n3A : i32
    %mul3A_35 = arith.constant 256 : i32
    %mul3A_36 = arith.muli %add3A, %mul3A_35 : i32
    "tpu.region"() ({
      %run_scoped3A = tpu.sem_alloc : memref<!tpu.dma_semaphore, #tpu.memory_space<semaphore_mem>>
      tpu.enqueue_dma source(%arg4 : memref<512xf32, #tpu.memory_space<hbm>>) target(%arg6 : memref<512xf32, #tpu.memory_space<vmem>>) target_semaphore(%run_scoped3A : memref<!tpu.dma_semaphore, #tpu.memory_space<semaphore_mem>>)
      tpu.wait_dma2 semaphore(%run_scoped3A : memref<!tpu.dma_semaphore, #tpu.memory_space<semaphore_mem>>) src(%arg4 : memref<512xf32, #tpu.memory_space<hbm>>) dst(%arg6 : memref<512xf32, #tpu.memory_space<vmem>>)
      tpu.yield
    }) : () -> ()
    %lt3A_37 = arith.constant 512 : i32
    %lt3A_38 = arith.cmpi slt, %mul3A_32, %lt3A_37 : i32
    %convert_element_type3A = arith.extui %lt3A_38 : i1 to i32
    %cond3A = arith.constant -65536 : i32
    %cond3A_39 = arith.constant 0 : i32
    %cond3A_40 = arith.cmpi ne, %convert_element_type3A, %cond3A_39 : i32
    scf.if %cond3A_40 {
      %mul3A_46 = arith.constant 512 : i32
      %mul3A_47 = arith.muli %add3A_34, %mul3A_46 : i32
      %add3A_48 = arith.addi %mul3A_47, %mul3A_32 : i32
      %add3A_49 = arith.constant 0 : i32
      %add3A_50 = arith.addi %add3A_48, %add3A_49 : i32
      %dma_start3A = arith.constant 0 : i32
      %dma_start3A_51 = tpu.memref_slice %arg2[%add3A_50, %dma_start3A] : memref<8192x1024xi32, #tpu.memory_space<hbm>> -> memref<16x1024xi32, #tpu.memory_space<hbm>>
      %dma_start3A_52 = arith.constant 0 : i32
      %dma_start3A_53 = tpu.memref_slice %arg2[%add3A_50, %dma_start3A_52] : memref<8192x1024xi32, #tpu.memory_space<hbm>> -> memref<16x1024xi32, #tpu.memory_space<hbm>>
      tpu.enqueue_dma source(%dma_start3A_53 : memref<16x1024xi32, #tpu.memory_space<hbm>>) target(%arg7 : memref<16x1024xi32, #tpu.memory_space<vmem>>) target_semaphore(%arg11 : memref<!tpu.dma_semaphore, #tpu.memory_space<semaphore_mem>>)
      %scan3A = arith.constant 0 : i32
      %scan3A_54 = arith.constant 0 : i32
      %scan3A_55 = arith.constant 8 : i32
      %scan3A_56 = arith.addi %scan3A_54, %scan3A_55 : i32
      %scan3A_57 = arith.constant 1 : i32
      scf.for %scan3A_66 = %scan3A_54 to %scan3A_56 step %scan3A_57  : i32 {
        %mul3A_67 = arith.constant 2 : i32
        %mul3A_68 = arith.muli %scan3A_66, %mul3A_67 : i32
        %add3A_69 = arith.constant 1 : i32
        %add3A_70 = arith.addi %mul3A_68, %add3A_69 : i32
        %mul3A_71 = arith.constant 16 : i32
        %mul3A_72 = arith.muli %add3A_70, %mul3A_71 : i32
        %add3A_73 = arith.addi %add3A_48, %mul3A_72 : i32
        %dma_start3A_74 = arith.constant 0 : i32
        %dma_start3A_75 = tpu.memref_slice %arg2[%add3A_73, %dma_start3A_74] : memref<8192x1024xi32, #tpu.memory_space<hbm>> -> memref<16x1024xi32, #tpu.memory_space<hbm>>
        %dma_start3A_76 = arith.constant 0 : i32
        %dma_start3A_77 = tpu.memref_slice %arg2[%add3A_73, %dma_start3A_76] : memref<8192x1024xi32, #tpu.memory_space<hbm>> -> memref<16x1024xi32, #tpu.memory_space<hbm>>
        tpu.enqueue_dma source(%dma_start3A_77 : memref<16x1024xi32, #tpu.memory_space<hbm>>) target(%arg8 : memref<16x1024xi32, #tpu.memory_space<vmem>>) target_semaphore(%arg12 : memref<!tpu.dma_semaphore, #tpu.memory_space<semaphore_mem>>)
        %dma_wait3A_78 = arith.constant 0 : i32
        %dma_wait3A_79 = tpu.memref_slice %arg2[%add3A_48, %dma_wait3A_78] : memref<8192x1024xi32, #tpu.memory_space<hbm>> -> memref<16x1024xi32, #tpu.memory_space<hbm>>
        %dma_wait3A_80 = arith.constant 0 : i32
        %dma_wait3A_81 = tpu.memref_slice %arg2[%add3A_48, %dma_wait3A_80] : memref<8192x1024xi32, #tpu.memory_space<hbm>> -> memref<16x1024xi32, #tpu.memory_space<hbm>>
        tpu.wait_dma2 semaphore(%arg11 : memref<!tpu.dma_semaphore, #tpu.memory_space<semaphore_mem>>) src(%dma_wait3A_81 : memref<16x1024xi32, #tpu.memory_space<hbm>>) dst(%arg7 : memref<16x1024xi32, #tpu.memory_space<vmem>>)
        %gt3A = arith.constant 0 : i32
        %gt3A_82 = arith.cmpi sgt, %scan3A_66, %gt3A : i32
        %convert_element_type3A_83 = arith.extui %gt3A_82 : i1 to i32
        %cond3A_84 = arith.constant 0 : i32
        %cond3A_85 = arith.cmpi ne, %convert_element_type3A_83, %cond3A_84 : i32
        scf.if %cond3A_85 {
          %dma_wait3A_130 = arith.constant 0 : i32
          %dma_wait3A_131 = tpu.memref_slice %arg5[%mul3A_36, %dma_wait3A_130] : memref<8192x512xi32, #tpu.memory_space<hbm>> -> memref<16x512xi32, #tpu.memory_space<hbm>>
          %dma_wait3A_132 = arith.constant 0 : i32
          %dma_wait3A_133 = tpu.memref_slice %arg5[%mul3A_36, %dma_wait3A_132] : memref<8192x512xi32, #tpu.memory_space<hbm>> -> memref<16x512xi32, #tpu.memory_space<hbm>>
          tpu.wait_dma2 semaphore(%arg13 : memref<!tpu.dma_semaphore, #tpu.memory_space<semaphore_mem>>) src(%arg9 : memref<16x512xi32, #tpu.memory_space<vmem>>) dst(%dma_wait3A_133 : memref<16x512xi32, #tpu.memory_space<hbm>>)
        } else {
        }
        %scan3A_86 = arith.constant 0 : i32
        %scan3A_87 = arith.constant 0 : i32
        %scan3A_88 = arith.constant 16 : i32
        %scan3A_89 = arith.addi %scan3A_87, %scan3A_88 : i32
        %scan3A_90 = arith.constant 1 : i32
        scf.for %scan3A_130 = %scan3A_87 to %scan3A_89 step %scan3A_90  : i32 {
          %parallel_loop3A = arith.constant 0 : i32
          %parallel_loop3A_131 = arith.constant 512 : i32
          %parallel_loop3A_132 = arith.constant 16 : i32
          scf.for %parallel_loop3A_133 = %parallel_loop3A to %parallel_loop3A_131 step %parallel_loop3A_132  : i32 {
            %parallel_loop3A_134 = tpu.assume_multiple %parallel_loop3A_133, 16 : i32
            %parallel_loop3A_135 = arith.index_cast %scan3A_130 : i32 to index
            %parallel_loop3A_136 = arith.index_cast %parallel_loop3A_134 : i32 to index
            %parallel_loop3A_137 = tpu.vector_load %arg7[%parallel_loop3A_135, %parallel_loop3A_136] {strides = array<i32>} : memref<16x1024xi32, #tpu.memory_space<vmem>>, vector<16xi32>,
            %parallel_loop3A_138 = tpu.vector_load_idx %arg6[%parallel_loop3A_137] : memref<512xf32, #tpu.memory_space<vmem>>[vector<16xi32>], vector<16xf32>,
            %parallel_loop3A_139 = vector.bitcast %parallel_loop3A_138 : vector<16xf32> to vector<16xi32>
            %parallel_loop3A_140 = arith.constant 512 : i32
            %parallel_loop3A_141 = arith.addi %parallel_loop3A_134, %parallel_loop3A_140 : i32
            %parallel_loop3A_142 = arith.index_cast %scan3A_130 : i32 to index
            %parallel_loop3A_143 = arith.index_cast %parallel_loop3A_141 : i32 to index
            %parallel_loop3A_144 = tpu.vector_load %arg7[%parallel_loop3A_142, %parallel_loop3A_143] {strides = array<i32>} : memref<16x1024xi32, #tpu.memory_space<vmem>>, vector<16xi32>,
            %parallel_loop3A_145 = tpu.vector_load_idx %arg6[%parallel_loop3A_144] : memref<512xf32, #tpu.memory_space<vmem>>[vector<16xi32>], vector<16xf32>,
            %parallel_loop3A_146 = vector.bitcast %parallel_loop3A_145 : vector<16xf32> to vector<16xi32>
            %parallel_loop3A_147 = arith.constant 16 : i32
            %parallel_loop3A_148 = vector.broadcast %parallel_loop3A_147 : i32 to vector<16xi32>
            %parallel_loop3A_149 = arith.shrui %parallel_loop3A_139, %parallel_loop3A_148 : vector<16xi32>
            %parallel_loop3A_150 = vector.broadcast %cond3A : i32 to vector<16xi32>
            %parallel_loop3A_151 = arith.andi %parallel_loop3A_146, %parallel_loop3A_150 : vector<16xi32>
            %parallel_loop3A_152 = arith.ori %parallel_loop3A_149, %parallel_loop3A_151 : vector<16xi32>
            %parallel_loop3A_153 = arith.index_cast %scan3A_130 : i32 to index
            %parallel_loop3A_154 = arith.index_cast %parallel_loop3A_134 : i32 to index
            %parallel_loop3A_155 = tpu.vector_load %arg9[%parallel_loop3A_153, %parallel_loop3A_154] {strides = array<i32>} : memref<16x512xi32, #tpu.memory_space<vmem>>, vector<16xi32>,
            tpu.vector_store %arg9[%parallel_loop3A_153, %parallel_loop3A_154], %parallel_loop3A_152 {strides = array<i32>} : memref<16x512xi32, #tpu.memory_space<vmem>>, vector<16xi32>,
          } {sc.loop_unroll_factor = 4 : i64, sc.parallel_access}
        }
        %scan3A_91 = arith.constant 16 : i32
        %mul3A_92 = arith.constant 16 : i32
        %mul3A_93 = arith.muli %mul3A_68, %mul3A_92 : i32
        %add3A_94 = arith.addi %mul3A_36, %mul3A_93 : i32
        %dma_start3A_95 = arith.constant 0 : i32
        %dma_start3A_96 = tpu.memref_slice %arg5[%add3A_94, %dma_start3A_95] : memref<8192x512xi32, #tpu.memory_space<hbm>> -> memref<16x512xi32, #tpu.memory_space<hbm>>
        %dma_start3A_97 = arith.constant 0 : i32
        %dma_start3A_98 = tpu.memref_slice %arg5[%add3A_94, %dma_start3A_97] : memref<8192x512xi32, #tpu.memory_space<hbm>> -> memref<16x512xi32, #tpu.memory_space<hbm>>
        tpu.enqueue_dma source(%arg9 : memref<16x512xi32, #tpu.memory_space<vmem>>) target(%dma_start3A_98 : memref<16x512xi32, #tpu.memory_space<hbm>>) target_semaphore(%arg13 : memref<!tpu.dma_semaphore, #tpu.memory_space<semaphore_mem>>)
        %add3A_99 = arith.constant 1 : i32
        %add3A_100 = arith.addi %mul3A_68, %add3A_99 : i32
        %add3A_101 = arith.constant 1 : i32
        %add3A_102 = arith.addi %add3A_100, %add3A_101 : i32
        %lt3A_103 = arith.constant 16 : i32
        %lt3A_104 = arith.cmpi slt, %add3A_102, %lt3A_103 : i32
        %convert_element_type3A_105 = arith.extui %lt3A_104 : i1 to i32
        %cond3A_106 = arith.constant 0 : i32
        %cond3A_107 = arith.cmpi ne, %convert_element_type3A_105, %cond3A_106 : i32
        scf.if %cond3A_107 {
          %add3A_130 = arith.constant 1 : i32
          %add3A_131 = arith.addi %add3A_100, %add3A_130 : i32
          %mul3A_132 = arith.constant 16 : i32
          %mul3A_133 = arith.muli %add3A_131, %mul3A_132 : i32
          %add3A_134 = arith.addi %add3A_48, %mul3A_133 : i32
          %dma_start3A_135 = arith.constant 0 : i32
          %dma_start3A_136 = tpu.memref_slice %arg2[%add3A_134, %dma_start3A_135] : memref<8192x1024xi32, #tpu.memory_space<hbm>> -> memref<16x1024xi32, #tpu.memory_space<hbm>>
          %dma_start3A_137 = arith.constant 0 : i32
          %dma_start3A_138 = tpu.memref_slice %arg2[%add3A_134, %dma_start3A_137] : memref<8192x1024xi32, #tpu.memory_space<hbm>> -> memref<16x1024xi32, #tpu.memory_space<hbm>>
          tpu.enqueue_dma source(%dma_start3A_138 : memref<16x1024xi32, #tpu.memory_space<hbm>>) target(%arg7 : memref<16x1024xi32, #tpu.memory_space<vmem>>) target_semaphore(%arg11 : memref<!tpu.dma_semaphore, #tpu.memory_space<semaphore_mem>>)
        } else {
        }
        %dma_wait3A_108 = arith.constant 0 : i32
        %dma_wait3A_109 = tpu.memref_slice %arg2[%add3A_48, %dma_wait3A_108] : memref<8192x1024xi32, #tpu.memory_space<hbm>> -> memref<16x1024xi32, #tpu.memory_space<hbm>>
        %dma_wait3A_110 = arith.constant 0 : i32
        %dma_wait3A_111 = tpu.memref_slice %arg2[%add3A_48, %dma_wait3A_110] : memref<8192x1024xi32, #tpu.memory_space<hbm>> -> memref<16x1024xi32, #tpu.memory_space<hbm>>
        tpu.wait_dma2 semaphore(%arg12 : memref<!tpu.dma_semaphore, #tpu.memory_space<semaphore_mem>>) src(%dma_wait3A_111 : memref<16x1024xi32, #tpu.memory_space<hbm>>) dst(%arg8 : memref<16x1024xi32, #tpu.memory_space<vmem>>)
        %gt3A_112 = arith.constant 0 : i32
        %gt3A_113 = arith.cmpi sgt, %scan3A_66, %gt3A_112 : i32
        %convert_element_type3A_114 = arith.extui %gt3A_113 : i1 to i32
        %cond3A_115 = arith.constant 0 : i32
        %cond3A_116 = arith.cmpi ne, %convert_element_type3A_114, %cond3A_115 : i32
        scf.if %cond3A_116 {
          %dma_wait3A_130 = arith.constant 0 : i32
          %dma_wait3A_131 = tpu.memref_slice %arg5[%mul3A_36, %dma_wait3A_130] : memref<8192x512xi32, #tpu.memory_space<hbm>> -> memref<16x512xi32, #tpu.memory_space<hbm>>
          %dma_wait3A_132 = arith.constant 0 : i32
          %dma_wait3A_133 = tpu.memref_slice %arg5[%mul3A_36, %dma_wait3A_132] : memref<8192x512xi32, #tpu.memory_space<hbm>> -> memref<16x512xi32, #tpu.memory_space<hbm>>
          tpu.wait_dma2 semaphore(%arg14 : memref<!tpu.dma_semaphore, #tpu.memory_space<semaphore_mem>>) src(%arg10 : memref<16x512xi32, #tpu.memory_space<vmem>>) dst(%dma_wait3A_133 : memref<16x512xi32, #tpu.memory_space<hbm>>)
        } else {
        }
        %scan3A_117 = arith.constant 0 : i32
        %scan3A_118 = arith.constant 0 : i32
        %scan3A_119 = arith.constant 16 : i32
        %scan3A_120 = arith.addi %scan3A_118, %scan3A_119 : i32
        %scan3A_121 = arith.constant 1 : i32
        scf.for %scan3A_130 = %scan3A_118 to %scan3A_120 step %scan3A_121  : i32 {
          %parallel_loop3A = arith.constant 0 : i32
          %parallel_loop3A_131 = arith.constant 512 : i32
          %parallel_loop3A_132 = arith.constant 16 : i32
          scf.for %parallel_loop3A_133 = %parallel_loop3A to %parallel_loop3A_131 step %parallel_loop3A_132  : i32 {
            %parallel_loop3A_134 = tpu.assume_multiple %parallel_loop3A_133, 16 : i32
            %parallel_loop3A_135 = arith.index_cast %scan3A_130 : i32 to index
            %parallel_loop3A_136 = arith.index_cast %parallel_loop3A_134 : i32 to index
            %parallel_loop3A_137 = tpu.vector_load %arg8[%parallel_loop3A_135, %parallel_loop3A_136] {strides = array<i32>} : memref<16x1024xi32, #tpu.memory_space<vmem>>, vector<16xi32>,
            %parallel_loop3A_138 = tpu.vector_load_idx %arg6[%parallel_loop3A_137] : memref<512xf32, #tpu.memory_space<vmem>>[vector<16xi32>], vector<16xf32>,
            %parallel_loop3A_139 = vector.bitcast %parallel_loop3A_138 : vector<16xf32> to vector<16xi32>
            %parallel_loop3A_140 = arith.constant 512 : i32
            %parallel_loop3A_141 = arith.addi %parallel_loop3A_134, %parallel_loop3A_140 : i32
            %parallel_loop3A_142 = arith.index_cast %scan3A_130 : i32 to index
            %parallel_loop3A_143 = arith.index_cast %parallel_loop3A_141 : i32 to index
            %parallel_loop3A_144 = tpu.vector_load %arg8[%parallel_loop3A_142, %parallel_loop3A_143] {strides = array<i32>} : memref<16x1024xi32, #tpu.memory_space<vmem>>, vector<16xi32>,
            %parallel_loop3A_145 = tpu.vector_load_idx %arg6[%parallel_loop3A_144] : memref<512xf32, #tpu.memory_space<vmem>>[vector<16xi32>], vector<16xf32>,
            %parallel_loop3A_146 = vector.bitcast %parallel_loop3A_145 : vector<16xf32> to vector<16xi32>
            %parallel_loop3A_147 = arith.constant 16 : i32
            %parallel_loop3A_148 = vector.broadcast %parallel_loop3A_147 : i32 to vector<16xi32>
            %parallel_loop3A_149 = arith.shrui %parallel_loop3A_139, %parallel_loop3A_148 : vector<16xi32>
            %parallel_loop3A_150 = vector.broadcast %cond3A : i32 to vector<16xi32>
            %parallel_loop3A_151 = arith.andi %parallel_loop3A_146, %parallel_loop3A_150 : vector<16xi32>
            %parallel_loop3A_152 = arith.ori %parallel_loop3A_149, %parallel_loop3A_151 : vector<16xi32>
            %parallel_loop3A_153 = arith.index_cast %scan3A_130 : i32 to index
            %parallel_loop3A_154 = arith.index_cast %parallel_loop3A_134 : i32 to index
            %parallel_loop3A_155 = tpu.vector_load %arg10[%parallel_loop3A_153, %parallel_loop3A_154] {strides = array<i32>} : memref<16x512xi32, #tpu.memory_space<vmem>>, vector<16xi32>,
            tpu.vector_store %arg10[%parallel_loop3A_153, %parallel_loop3A_154], %parallel_loop3A_152 {strides = array<i32>} : memref<16x512xi32, #tpu.memory_space<vmem>>, vector<16xi32>,
          } {sc.loop_unroll_factor = 4 : i64, sc.parallel_access}
        }
        %scan3A_122 = arith.constant 16 : i32
        %mul3A_123 = arith.constant 16 : i32
        %mul3A_124 = arith.muli %add3A_100, %mul3A_123 : i32
        %add3A_125 = arith.addi %mul3A_36, %mul3A_124 : i32
        %dma_start3A_126 = arith.constant 0 : i32
        %dma_start3A_127 = tpu.memref_slice %arg5[%add3A_125, %dma_start3A_126] : memref<8192x512xi32, #tpu.memory_space<hbm>> -> memref<16x512xi32, #tpu.memory_space<hbm>>
        %dma_start3A_128 = arith.constant 0 : i32
        %dma_start3A_129 = tpu.memref_slice %arg5[%add3A_125, %dma_start3A_128] : memref<8192x512xi32, #tpu.memory_space<hbm>> -> memref<16x512xi32, #tpu.memory_space<hbm>>
        tpu.enqueue_dma source(%arg10 : memref<16x512xi32, #tpu.memory_space<vmem>>) target(%dma_start3A_129 : memref<16x512xi32, #tpu.memory_space<hbm>>) target_semaphore(%arg14 : memref<!tpu.dma_semaphore, #tpu.memory_space<semaphore_mem>>)
      }
      %scan3A_58 = arith.constant 8 : i32
      %dma_wait3A = arith.constant 0 : i32
      %dma_wait3A_59 = tpu.memref_slice %arg5[%mul3A_36, %dma_wait3A] : memref<8192x512xi32, #tpu.memory_space<hbm>> -> memref<16x512xi32, #tpu.memory_space<hbm>>
      %dma_wait3A_60 = arith.constant 0 : i32
      %dma_wait3A_61 = tpu.memref_slice %arg5[%mul3A_36, %dma_wait3A_60] : memref<8192x512xi32, #tpu.memory_space<hbm>> -> memref<16x512xi32, #tpu.memory_space<hbm>>
      tpu.wait_dma2 semaphore(%arg13 : memref<!tpu.dma_semaphore, #tpu.memory_space<semaphore_mem>>) src(%arg9 : memref<16x512xi32, #tpu.memory_space<vmem>>) dst(%dma_wait3A_61 : memref<16x512xi32, #tpu.memory_space<hbm>>)
      %dma_wait3A_62 = arith.constant 0 : i32
      %dma_wait3A_63 = tpu.memref_slice %arg5[%mul3A_36, %dma_wait3A_62] : memref<8192x512xi32, #tpu.memory_space<hbm>> -> memref<16x512xi32, #tpu.memory_space<hbm>>
      %dma_wait3A_64 = arith.constant 0 : i32
      %dma_wait3A_65 = tpu.memref_slice %arg5[%mul3A_36, %dma_wait3A_64] : memref<8192x512xi32, #tpu.memory_space<hbm>> -> memref<16x512xi32, #tpu.memory_space<hbm>>
      tpu.wait_dma2 semaphore(%arg14 : memref<!tpu.dma_semaphore, #tpu.memory_space<semaphore_mem>>) src(%arg10 : memref<16x512xi32, #tpu.memory_space<vmem>>) dst(%dma_wait3A_65 : memref<16x512xi32, #tpu.memory_space<hbm>>)
    } else {
    }
    %ge3A = arith.constant 512 : i32
    %ge3A_41 = arith.cmpi sge, %mul3A_32, %ge3A : i32
    %convert_element_type3A_42 = arith.extui %ge3A_41 : i1 to i32
    %cond3A_43 = arith.constant -65536 : i32
    %cond3A_44 = arith.constant 0 : i32
    %cond3A_45 = arith.cmpi ne, %convert_element_type3A_42, %cond3A_44 : i32
    scf.if %cond3A_45 {
      %mul3A_46 = arith.constant 1536 : i32
      %mul3A_47 = arith.muli %add3A_34, %mul3A_46 : i32
      %sub3A_48 = arith.constant 512 : i32
      %sub3A_49 = arith.subi %mul3A_32, %sub3A_48 : i32
      %add3A_50 = arith.addi %mul3A_47, %sub3A_49 : i32
      %add3A_51 = arith.constant 0 : i32
      %add3A_52 = arith.addi %add3A_50, %add3A_51 : i32
      %dma_start3A = arith.constant 0 : i32
      %dma_start3A_53 = tpu.memref_slice %arg3[%add3A_52, %dma_start3A] : memref<24576x1024xi32, #tpu.memory_space<hbm>> -> memref<16x1024xi32, #tpu.memory_space<hbm>>
      %dma_start3A_54 = arith.constant 0 : i32
      %dma_start3A_55 = tpu.memref_slice %arg3[%add3A_52, %dma_start3A_54] : memref<24576x1024xi32, #tpu.memory_space<hbm>> -> memref<16x1024xi32, #tpu.memory_space<hbm>>
      tpu.enqueue_dma source(%dma_start3A_55 : memref<16x1024xi32, #tpu.memory_space<hbm>>) target(%arg7 : memref<16x1024xi32, #tpu.memory_space<vmem>>) target_semaphore(%arg11 : memref<!tpu.dma_semaphore, #tpu.memory_space<semaphore_mem>>)
      %scan3A = arith.constant 0 : i32
      %scan3A_56 = arith.constant 0 : i32
      %scan3A_57 = arith.constant 8 : i32
      %scan3A_58 = arith.addi %scan3A_56, %scan3A_57 : i32
      %scan3A_59 = arith.constant 1 : i32
      scf.for %scan3A_68 = %scan3A_56 to %scan3A_58 step %scan3A_59  : i32 {
        %mul3A_69 = arith.constant 2 : i32
        %mul3A_70 = arith.muli %scan3A_68, %mul3A_69 : i32
        %add3A_71 = arith.constant 1 : i32
        %add3A_72 = arith.addi %mul3A_70, %add3A_71 : i32
        %mul3A_73 = arith.constant 16 : i32
        %mul3A_74 = arith.muli %add3A_72, %mul3A_73 : i32
        %add3A_75 = arith.addi %add3A_50, %mul3A_74 : i32
        %dma_start3A_76 = arith.constant 0 : i32
        %dma_start3A_77 = tpu.memref_slice %arg3[%add3A_75, %dma_start3A_76] : memref<24576x1024xi32, #tpu.memory_space<hbm>> -> memref<16x1024xi32, #tpu.memory_space<hbm>>
        %dma_start3A_78 = arith.constant 0 : i32
        %dma_start3A_79 = tpu.memref_slice %arg3[%add3A_75, %dma_start3A_78] : memref<24576x1024xi32, #tpu.memory_space<hbm>> -> memref<16x1024xi32, #tpu.memory_space<hbm>>
        tpu.enqueue_dma source(%dma_start3A_79 : memref<16x1024xi32, #tpu.memory_space<hbm>>) target(%arg8 : memref<16x1024xi32, #tpu.memory_space<vmem>>) target_semaphore(%arg12 : memref<!tpu.dma_semaphore, #tpu.memory_space<semaphore_mem>>)
        %dma_wait3A_80 = arith.constant 0 : i32
        %dma_wait3A_81 = tpu.memref_slice %arg3[%add3A_50, %dma_wait3A_80] : memref<24576x1024xi32, #tpu.memory_space<hbm>> -> memref<16x1024xi32, #tpu.memory_space<hbm>>
        %dma_wait3A_82 = arith.constant 0 : i32
        %dma_wait3A_83 = tpu.memref_slice %arg3[%add3A_50, %dma_wait3A_82] : memref<24576x1024xi32, #tpu.memory_space<hbm>> -> memref<16x1024xi32, #tpu.memory_space<hbm>>
        tpu.wait_dma2 semaphore(%arg11 : memref<!tpu.dma_semaphore, #tpu.memory_space<semaphore_mem>>) src(%dma_wait3A_83 : memref<16x1024xi32, #tpu.memory_space<hbm>>) dst(%arg7 : memref<16x1024xi32, #tpu.memory_space<vmem>>)
        %gt3A = arith.constant 0 : i32
        %gt3A_84 = arith.cmpi sgt, %scan3A_68, %gt3A : i32
        %convert_element_type3A_85 = arith.extui %gt3A_84 : i1 to i32
        %cond3A_86 = arith.constant 0 : i32
        %cond3A_87 = arith.cmpi ne, %convert_element_type3A_85, %cond3A_86 : i32
        scf.if %cond3A_87 {
          %dma_wait3A_132 = arith.constant 0 : i32
          %dma_wait3A_133 = tpu.memref_slice %arg5[%mul3A_36, %dma_wait3A_132] : memref<8192x512xi32, #tpu.memory_space<hbm>> -> memref<16x512xi32, #tpu.memory_space<hbm>>
          %dma_wait3A_134 = arith.constant 0 : i32
          %dma_wait3A_135 = tpu.memref_slice %arg5[%mul3A_36, %dma_wait3A_134] : memref<8192x512xi32, #tpu.memory_space<hbm>> -> memref<16x512xi32, #tpu.memory_space<hbm>>
          tpu.wait_dma2 semaphore(%arg13 : memref<!tpu.dma_semaphore, #tpu.memory_space<semaphore_mem>>) src(%arg9 : memref<16x512xi32, #tpu.memory_space<vmem>>) dst(%dma_wait3A_135 : memref<16x512xi32, #tpu.memory_space<hbm>>)
        } else {
        }
        %scan3A_88 = arith.constant 0 : i32
        %scan3A_89 = arith.constant 0 : i32
        %scan3A_90 = arith.constant 16 : i32
        %scan3A_91 = arith.addi %scan3A_89, %scan3A_90 : i32
        %scan3A_92 = arith.constant 1 : i32
        scf.for %scan3A_132 = %scan3A_89 to %scan3A_91 step %scan3A_92  : i32 {
          %parallel_loop3A = arith.constant 0 : i32
          %parallel_loop3A_133 = arith.constant 512 : i32
          %parallel_loop3A_134 = arith.constant 16 : i32
          scf.for %parallel_loop3A_135 = %parallel_loop3A to %parallel_loop3A_133 step %parallel_loop3A_134  : i32 {
            %parallel_loop3A_136 = tpu.assume_multiple %parallel_loop3A_135, 16 : i32
            %parallel_loop3A_137 = arith.index_cast %scan3A_132 : i32 to index
            %parallel_loop3A_138 = arith.index_cast %parallel_loop3A_136 : i32 to index
            %parallel_loop3A_139 = tpu.vector_load %arg7[%parallel_loop3A_137, %parallel_loop3A_138] {strides = array<i32>} : memref<16x1024xi32, #tpu.memory_space<vmem>>, vector<16xi32>,
            %parallel_loop3A_140 = tpu.vector_load_idx %arg6[%parallel_loop3A_139] : memref<512xf32, #tpu.memory_space<vmem>>[vector<16xi32>], vector<16xf32>,
            %parallel_loop3A_141 = vector.bitcast %parallel_loop3A_140 : vector<16xf32> to vector<16xi32>
            %parallel_loop3A_142 = arith.constant 512 : i32
            %parallel_loop3A_143 = arith.addi %parallel_loop3A_136, %parallel_loop3A_142 : i32
            %parallel_loop3A_144 = arith.index_cast %scan3A_132 : i32 to index
            %parallel_loop3A_145 = arith.index_cast %parallel_loop3A_143 : i32 to index
            %parallel_loop3A_146 = tpu.vector_load %arg7[%parallel_loop3A_144, %parallel_loop3A_145] {strides = array<i32>} : memref<16x1024xi32, #tpu.memory_space<vmem>>, vector<16xi32>,
            %parallel_loop3A_147 = tpu.vector_load_idx %arg6[%parallel_loop3A_146] : memref<512xf32, #tpu.memory_space<vmem>>[vector<16xi32>], vector<16xf32>,
            %parallel_loop3A_148 = vector.bitcast %parallel_loop3A_147 : vector<16xf32> to vector<16xi32>
            %parallel_loop3A_149 = arith.constant 16 : i32
            %parallel_loop3A_150 = vector.broadcast %parallel_loop3A_149 : i32 to vector<16xi32>
            %parallel_loop3A_151 = arith.shrui %parallel_loop3A_141, %parallel_loop3A_150 : vector<16xi32>
            %parallel_loop3A_152 = vector.broadcast %cond3A_43 : i32 to vector<16xi32>
            %parallel_loop3A_153 = arith.andi %parallel_loop3A_148, %parallel_loop3A_152 : vector<16xi32>
            %parallel_loop3A_154 = arith.ori %parallel_loop3A_151, %parallel_loop3A_153 : vector<16xi32>
            %parallel_loop3A_155 = arith.index_cast %scan3A_132 : i32 to index
            %parallel_loop3A_156 = arith.index_cast %parallel_loop3A_136 : i32 to index
            %parallel_loop3A_157 = tpu.vector_load %arg9[%parallel_loop3A_155, %parallel_loop3A_156] {strides = array<i32>} : memref<16x512xi32, #tpu.memory_space<vmem>>, vector<16xi32>,
            tpu.vector_store %arg9[%parallel_loop3A_155, %parallel_loop3A_156], %parallel_loop3A_154 {strides = array<i32>} : memref<16x512xi32, #tpu.memory_space<vmem>>, vector<16xi32>,
          } {sc.loop_unroll_factor = 4 : i64, sc.parallel_access}
        }
        %scan3A_93 = arith.constant 16 : i32
        %mul3A_94 = arith.constant 16 : i32
        %mul3A_95 = arith.muli %mul3A_70, %mul3A_94 : i32
        %add3A_96 = arith.addi %mul3A_36, %mul3A_95 : i32
        %dma_start3A_97 = arith.constant 0 : i32
        %dma_start3A_98 = tpu.memref_slice %arg5[%add3A_96, %dma_start3A_97] : memref<8192x512xi32, #tpu.memory_space<hbm>> -> memref<16x512xi32, #tpu.memory_space<hbm>>
        %dma_start3A_99 = arith.constant 0 : i32
        %dma_start3A_100 = tpu.memref_slice %arg5[%add3A_96, %dma_start3A_99] : memref<8192x512xi32, #tpu.memory_space<hbm>> -> memref<16x512xi32, #tpu.memory_space<hbm>>
        tpu.enqueue_dma source(%arg9 : memref<16x512xi32, #tpu.memory_space<vmem>>) target(%dma_start3A_100 : memref<16x512xi32, #tpu.memory_space<hbm>>) target_semaphore(%arg13 : memref<!tpu.dma_semaphore, #tpu.memory_space<semaphore_mem>>)
        %add3A_101 = arith.constant 1 : i32
        %add3A_102 = arith.addi %mul3A_70, %add3A_101 : i32
        %add3A_103 = arith.constant 1 : i32
        %add3A_104 = arith.addi %add3A_102, %add3A_103 : i32
        %lt3A_105 = arith.constant 16 : i32
        %lt3A_106 = arith.cmpi slt, %add3A_104, %lt3A_105 : i32
        %convert_element_type3A_107 = arith.extui %lt3A_106 : i1 to i32
        %cond3A_108 = arith.constant 0 : i32
        %cond3A_109 = arith.cmpi ne, %convert_element_type3A_107, %cond3A_108 : i32
        scf.if %cond3A_109 {
          %add3A_132 = arith.constant 1 : i32
          %add3A_133 = arith.addi %add3A_102, %add3A_132 : i32
          %mul3A_134 = arith.constant 16 : i32
          %mul3A_135 = arith.muli %add3A_133, %mul3A_134 : i32
          %add3A_136 = arith.addi %add3A_50, %mul3A_135 : i32
          %dma_start3A_137 = arith.constant 0 : i32
          %dma_start3A_138 = tpu.memref_slice %arg3[%add3A_136, %dma_start3A_137] : memref<24576x1024xi32, #tpu.memory_space<hbm>> -> memref<16x1024xi32, #tpu.memory_space<hbm>>
          %dma_start3A_139 = arith.constant 0 : i32
          %dma_start3A_140 = tpu.memref_slice %arg3[%add3A_136, %dma_start3A_139] : memref<24576x1024xi32, #tpu.memory_space<hbm>> -> memref<16x1024xi32, #tpu.memory_space<hbm>>
          tpu.enqueue_dma source(%dma_start3A_140 : memref<16x1024xi32, #tpu.memory_space<hbm>>) target(%arg7 : memref<16x1024xi32, #tpu.memory_space<vmem>>) target_semaphore(%arg11 : memref<!tpu.dma_semaphore, #tpu.memory_space<semaphore_mem>>)
        } else {
        }
        %dma_wait3A_110 = arith.constant 0 : i32
        %dma_wait3A_111 = tpu.memref_slice %arg3[%add3A_50, %dma_wait3A_110] : memref<24576x1024xi32, #tpu.memory_space<hbm>> -> memref<16x1024xi32, #tpu.memory_space<hbm>>
        %dma_wait3A_112 = arith.constant 0 : i32
        %dma_wait3A_113 = tpu.memref_slice %arg3[%add3A_50, %dma_wait3A_112] : memref<24576x1024xi32, #tpu.memory_space<hbm>> -> memref<16x1024xi32, #tpu.memory_space<hbm>>
        tpu.wait_dma2 semaphore(%arg12 : memref<!tpu.dma_semaphore, #tpu.memory_space<semaphore_mem>>) src(%dma_wait3A_113 : memref<16x1024xi32, #tpu.memory_space<hbm>>) dst(%arg8 : memref<16x1024xi32, #tpu.memory_space<vmem>>)
        %gt3A_114 = arith.constant 0 : i32
        %gt3A_115 = arith.cmpi sgt, %scan3A_68, %gt3A_114 : i32
        %convert_element_type3A_116 = arith.extui %gt3A_115 : i1 to i32
        %cond3A_117 = arith.constant 0 : i32
        %cond3A_118 = arith.cmpi ne, %convert_element_type3A_116, %cond3A_117 : i32
        scf.if %cond3A_118 {
          %dma_wait3A_132 = arith.constant 0 : i32
          %dma_wait3A_133 = tpu.memref_slice %arg5[%mul3A_36, %dma_wait3A_132] : memref<8192x512xi32, #tpu.memory_space<hbm>> -> memref<16x512xi32, #tpu.memory_space<hbm>>
          %dma_wait3A_134 = arith.constant 0 : i32
          %dma_wait3A_135 = tpu.memref_slice %arg5[%mul3A_36, %dma_wait3A_134] : memref<8192x512xi32, #tpu.memory_space<hbm>> -> memref<16x512xi32, #tpu.memory_space<hbm>>
          tpu.wait_dma2 semaphore(%arg14 : memref<!tpu.dma_semaphore, #tpu.memory_space<semaphore_mem>>) src(%arg10 : memref<16x512xi32, #tpu.memory_space<vmem>>) dst(%dma_wait3A_135 : memref<16x512xi32, #tpu.memory_space<hbm>>)
        } else {
        }
        %scan3A_119 = arith.constant 0 : i32
        %scan3A_120 = arith.constant 0 : i32
        %scan3A_121 = arith.constant 16 : i32
        %scan3A_122 = arith.addi %scan3A_120, %scan3A_121 : i32
        %scan3A_123 = arith.constant 1 : i32
        scf.for %scan3A_132 = %scan3A_120 to %scan3A_122 step %scan3A_123  : i32 {
          %parallel_loop3A = arith.constant 0 : i32
          %parallel_loop3A_133 = arith.constant 512 : i32
          %parallel_loop3A_134 = arith.constant 16 : i32
          scf.for %parallel_loop3A_135 = %parallel_loop3A to %parallel_loop3A_133 step %parallel_loop3A_134  : i32 {
            %parallel_loop3A_136 = tpu.assume_multiple %parallel_loop3A_135, 16 : i32
            %parallel_loop3A_137 = arith.index_cast %scan3A_132 : i32 to index
            %parallel_loop3A_138 = arith.index_cast %parallel_loop3A_136 : i32 to index
            %parallel_loop3A_139 = tpu.vector_load %arg8[%parallel_loop3A_137, %parallel_loop3A_138] {strides = array<i32>} : memref<16x1024xi32, #tpu.memory_space<vmem>>, vector<16xi32>,
            %parallel_loop3A_140 = tpu.vector_load_idx %arg6[%parallel_loop3A_139] : memref<512xf32, #tpu.memory_space<vmem>>[vector<16xi32>], vector<16xf32>,
            %parallel_loop3A_141 = vector.bitcast %parallel_loop3A_140 : vector<16xf32> to vector<16xi32>
            %parallel_loop3A_142 = arith.constant 512 : i32
            %parallel_loop3A_143 = arith.addi %parallel_loop3A_136, %parallel_loop3A_142 : i32
            %parallel_loop3A_144 = arith.index_cast %scan3A_132 : i32 to index
            %parallel_loop3A_145 = arith.index_cast %parallel_loop3A_143 : i32 to index
            %parallel_loop3A_146 = tpu.vector_load %arg8[%parallel_loop3A_144, %parallel_loop3A_145] {strides = array<i32>} : memref<16x1024xi32, #tpu.memory_space<vmem>>, vector<16xi32>,
            %parallel_loop3A_147 = tpu.vector_load_idx %arg6[%parallel_loop3A_146] : memref<512xf32, #tpu.memory_space<vmem>>[vector<16xi32>], vector<16xf32>,
            %parallel_loop3A_148 = vector.bitcast %parallel_loop3A_147 : vector<16xf32> to vector<16xi32>
            %parallel_loop3A_149 = arith.constant 16 : i32
            %parallel_loop3A_150 = vector.broadcast %parallel_loop3A_149 : i32 to vector<16xi32>
            %parallel_loop3A_151 = arith.shrui %parallel_loop3A_141, %parallel_loop3A_150 : vector<16xi32>
            %parallel_loop3A_152 = vector.broadcast %cond3A_43 : i32 to vector<16xi32>
            %parallel_loop3A_153 = arith.andi %parallel_loop3A_148, %parallel_loop3A_152 : vector<16xi32>
            %parallel_loop3A_154 = arith.ori %parallel_loop3A_151, %parallel_loop3A_153 : vector<16xi32>
            %parallel_loop3A_155 = arith.index_cast %scan3A_132 : i32 to index
            %parallel_loop3A_156 = arith.index_cast %parallel_loop3A_136 : i32 to index
            %parallel_loop3A_157 = tpu.vector_load %arg10[%parallel_loop3A_155, %parallel_loop3A_156] {strides = array<i32>} : memref<16x512xi32, #tpu.memory_space<vmem>>, vector<16xi32>,
            tpu.vector_store %arg10[%parallel_loop3A_155, %parallel_loop3A_156], %parallel_loop3A_154 {strides = array<i32>} : memref<16x512xi32, #tpu.memory_space<vmem>>, vector<16xi32>,
          } {sc.loop_unroll_factor = 4 : i64, sc.parallel_access}
        }
        %scan3A_124 = arith.constant 16 : i32
        %mul3A_125 = arith.constant 16 : i32
        %mul3A_126 = arith.muli %add3A_102, %mul3A_125 : i32
        %add3A_127 = arith.addi %mul3A_36, %mul3A_126 : i32
        %dma_start3A_128 = arith.constant 0 : i32
        %dma_start3A_129 = tpu.memref_slice %arg5[%add3A_127, %dma_start3A_128] : memref<8192x512xi32, #tpu.memory_space<hbm>> -> memref<16x512xi32, #tpu.memory_space<hbm>>
        %dma_start3A_130 = arith.constant 0 : i32
        %dma_start3A_131 = tpu.memref_slice %arg5[%add3A_127, %dma_start3A_130] : memref<8192x512xi32, #tpu.memory_space<hbm>> -> memref<16x512xi32, #tpu.memory_space<hbm>>
        tpu.enqueue_dma source(%arg10 : memref<16x512xi32, #tpu.memory_space<vmem>>) target(%dma_start3A_131 : memref<16x512xi32, #tpu.memory_space<hbm>>) target_semaphore(%arg14 : memref<!tpu.dma_semaphore, #tpu.memory_space<semaphore_mem>>)
      }
      %scan3A_60 = arith.constant 8 : i32
      %dma_wait3A = arith.constant 0 : i32
      %dma_wait3A_61 = tpu.memref_slice %arg5[%mul3A_36, %dma_wait3A] : memref<8192x512xi32, #tpu.memory_space<hbm>> -> memref<16x512xi32, #tpu.memory_space<hbm>>
      %dma_wait3A_62 = arith.constant 0 : i32
      %dma_wait3A_63 = tpu.memref_slice %arg5[%mul3A_36, %dma_wait3A_62] : memref<8192x512xi32, #tpu.memory_space<hbm>> -> memref<16x512xi32, #tpu.memory_space<hbm>>
      tpu.wait_dma2 semaphore(%arg13 : memref<!tpu.dma_semaphore, #tpu.memory_space<semaphore_mem>>) src(%arg9 : memref<16x512xi32, #tpu.memory_space<vmem>>) dst(%dma_wait3A_63 : memref<16x512xi32, #tpu.memory_space<hbm>>)
      %dma_wait3A_64 = arith.constant 0 : i32
      %dma_wait3A_65 = tpu.memref_slice %arg5[%mul3A_36, %dma_wait3A_64] : memref<8192x512xi32, #tpu.memory_space<hbm>> -> memref<16x512xi32, #tpu.memory_space<hbm>>
      %dma_wait3A_66 = arith.constant 0 : i32
      %dma_wait3A_67 = tpu.memref_slice %arg5[%mul3A_36, %dma_wait3A_66] : memref<8192x512xi32, #tpu.memory_space<hbm>> -> memref<16x512xi32, #tpu.memory_space<hbm>>
      tpu.wait_dma2 semaphore(%arg14 : memref<!tpu.dma_semaphore, #tpu.memory_space<semaphore_mem>>) src(%arg10 : memref<16x512xi32, #tpu.memory_space<vmem>>) dst(%dma_wait3A_67 : memref<16x512xi32, #tpu.memory_space<hbm>>)
    } else {
    }
    return
  }
}

#map = affine_map<(d0, d1) -> (0, 0)>
#map1 = affine_map<(d0, d1) -> (0)>
module attributes {stable_mosaic.version = 14 : i64} {
  func.func @body(%arg0: i32, %arg1: i32, %arg2: memref<8192x1024xi32, #tpu.memory_space<hbm>>, %arg3: memref<24576x1024xi32, #tpu.memory_space<hbm>>, %arg4: memref<512xf32, #tpu.memory_space<hbm>>, %arg5: memref<8192x512xi32, #tpu.memory_space<hbm>>, %arg6: memref<512xf32, #tpu.memory_space<vmem>>, %arg7: memref<16x1024xi32, #tpu.memory_space<vmem>>, %arg8: memref<16x1024xi32, #tpu.memory_space<vmem>>, %arg9: memref<16x512xi32, #tpu.memory_space<vmem>>, %arg10: memref<16x512xi32, #tpu.memory_space<vmem>>, %arg11: memref<!tpu.dma_semaphore, #tpu.memory_space<semaphore_mem>>, %arg12: memref<!tpu.dma_semaphore, #tpu.memory_space<semaphore_mem>>, %arg13: memref<!tpu.dma_semaphore, #tpu.memory_space<semaphore_mem>>, %arg14: memref<!tpu.dma_semaphore, #tpu.memory_space<semaphore_mem>>) attributes {dimension_semantics = [#tpu.dimension_semantics<core_parallel>, #tpu.dimension_semantics<subcore_parallel>], iteration_bounds = array<i64: 2, 16>, scalar_prefetch = 0 : i64, scratch_operands = 9 : i64, tpu.core_type = #tpu.core_type<sc_vector_subcore>, window_params = [{transform_indices = #map}, {transform_indices = #map}, {transform_indices = #map1}, {transform_indices = #map}]} {
    %mul3A = arith.constant 2 : i32
    %mul3A_0 = arith.muli %arg1, %mul3A : i32
    %add3A = arith.addi %mul3A_0, %arg0 : i32
    %jit3A = arith.constant 8 : i32
    %div3A = arith.divsi %add3A, %jit3A : i32
    %sign3A = arith.constant 0 : i32
    %sign3A_1 = arith.cmpi sgt, %add3A, %sign3A : i32
    %sign3A_2 = arith.extui %sign3A_1 : i1 to i32
    %sign3A_3 = arith.constant 0 : i32
    %sign3A_4 = arith.cmpi slt, %add3A, %sign3A_3 : i32
    %sign3A_5 = arith.extui %sign3A_4 : i1 to i32
    %sign3A_6 = arith.subi %sign3A_2, %sign3A_5 : i32
    %sign3A_7 = arith.constant 0 : i32
    %sign3A_8 = arith.cmpi sgt, %jit3A, %sign3A_7 : i32
    %sign3A_9 = arith.extui %sign3A_8 : i1 to i32
    %sign3A_10 = arith.constant 0 : i32
    %sign3A_11 = arith.cmpi slt, %jit3A, %sign3A_10 : i32
    %sign3A_12 = arith.extui %sign3A_11 : i1 to i32
    %sign3A_13 = arith.subi %sign3A_9, %sign3A_12 : i32
    %ne3A = arith.cmpi ne, %sign3A_6, %sign3A_13 : i32
    %rem3A = arith.remsi %add3A, %jit3A : i32
    %ne3A_14 = arith.constant 0 : i32
    %ne3A_15 = arith.cmpi ne, %rem3A, %ne3A_14 : i32
    %and3A = arith.andi %ne3A, %ne3A_15 : i1
    %sub3A = arith.constant 1 : i32
    %sub3A_16 = arith.subi %div3A, %sub3A : i32
    %select_n3A = arith.select %and3A, %sub3A_16, %div3A : i32
    %jit3A_17 = arith.constant 8 : i32
    %eq3A = arith.constant 0 : i32
    %eq3A_18 = arith.cmpi eq, %jit3A_17, %eq3A : i32
    %jit3A_19 = arith.constant 1 : i32
    %select_n3A_20 = arith.select %eq3A_18, %jit3A_19, %jit3A_17 : i32
    %rem3A_21 = arith.remsi %add3A, %select_n3A_20 : i32
    %ne3A_22 = arith.constant 0 : i32
    %ne3A_23 = arith.cmpi ne, %rem3A_21, %ne3A_22 : i32
    %lt3A = arith.constant 0 : i32
    %lt3A_24 = arith.cmpi slt, %rem3A_21, %lt3A : i32
    %lt3A_25 = arith.constant 0 : i32
    %lt3A_26 = arith.cmpi slt, %select_n3A_20, %lt3A_25 : i32
    %ne3A_27 = arith.xori %lt3A_24, %lt3A_26 : i1
    %and3A_28 = arith.andi %ne3A_27, %ne3A_23 : i1
    %add3A_29 = arith.addi %rem3A_21, %select_n3A_20 : i32
    %select_n3A_30 = arith.select %and3A_28, %add3A_29, %rem3A_21 : i32
    %mul3A_31 = arith.constant 256 : i32
    %mul3A_32 = arith.muli %select_n3A_30, %mul3A_31 : i32
    %add3A_33 = arith.constant 12 : i32
    %add3A_34 = arith.addi %add3A_33, %select_n3A : i32
    %mul3A_35 = arith.constant 256 : i32
    %mul3A_36 = arith.muli %add3A, %mul3A_35 : i32
    "tpu.region"() ({
      %run_scoped3A = tpu.sem_alloc : memref<!tpu.dma_semaphore, #tpu.memory_space<semaphore_mem>>
      tpu.enqueue_dma source(%arg4 : memref<512xf32, #tpu.memory_space<hbm>>) target(%arg6 : memref<512xf32, #tpu.memory_space<vmem>>) target_semaphore(%run_scoped3A : memref<!tpu.dma_semaphore, #tpu.memory_space<semaphore_mem>>)
      tpu.wait_dma2 semaphore(%run_scoped3A : memref<!tpu.dma_semaphore, #tpu.memory_space<semaphore_mem>>) src(%arg4 : memref<512xf32, #tpu.memory_space<hbm>>) dst(%arg6 : memref<512xf32, #tpu.memory_space<vmem>>)
      tpu.yield
    }) : () -> ()
    %lt3A_37 = arith.constant 512 : i32
    %lt3A_38 = arith.cmpi slt, %mul3A_32, %lt3A_37 : i32
    %convert_element_type3A = arith.extui %lt3A_38 : i1 to i32
    %cond3A = arith.constant -65536 : i32
    %cond3A_39 = arith.constant 0 : i32
    %cond3A_40 = arith.cmpi ne, %convert_element_type3A, %cond3A_39 : i32
    scf.if %cond3A_40 {
      %mul3A_46 = arith.constant 512 : i32
      %mul3A_47 = arith.muli %add3A_34, %mul3A_46 : i32
      %add3A_48 = arith.addi %mul3A_47, %mul3A_32 : i32
      %add3A_49 = arith.constant 0 : i32
      %add3A_50 = arith.addi %add3A_48, %add3A_49 : i32
      %dma_start3A = arith.constant 0 : i32
      %dma_start3A_51 = tpu.memref_slice %arg2[%add3A_50, %dma_start3A] : memref<8192x1024xi32, #tpu.memory_space<hbm>> -> memref<16x1024xi32, #tpu.memory_space<hbm>>
      %dma_start3A_52 = arith.constant 0 : i32
      %dma_start3A_53 = tpu.memref_slice %arg2[%add3A_50, %dma_start3A_52] : memref<8192x1024xi32, #tpu.memory_space<hbm>> -> memref<16x1024xi32, #tpu.memory_space<hbm>>
      tpu.enqueue_dma source(%dma_start3A_53 : memref<16x1024xi32, #tpu.memory_space<hbm>>) target(%arg7 : memref<16x1024xi32, #tpu.memory_space<vmem>>) target_semaphore(%arg11 : memref<!tpu.dma_semaphore, #tpu.memory_space<semaphore_mem>>)
      %scan3A = arith.constant 0 : i32
      %scan3A_54 = arith.constant 0 : i32
      %scan3A_55 = arith.constant 8 : i32
      %scan3A_56 = arith.addi %scan3A_54, %scan3A_55 : i32
      %scan3A_57 = arith.constant 1 : i32
      scf.for %scan3A_66 = %scan3A_54 to %scan3A_56 step %scan3A_57  : i32 {
        %mul3A_67 = arith.constant 2 : i32
        %mul3A_68 = arith.muli %scan3A_66, %mul3A_67 : i32
        %add3A_69 = arith.constant 1 : i32
        %add3A_70 = arith.addi %mul3A_68, %add3A_69 : i32
        %mul3A_71 = arith.constant 16 : i32
        %mul3A_72 = arith.muli %add3A_70, %mul3A_71 : i32
        %add3A_73 = arith.addi %add3A_48, %mul3A_72 : i32
        %dma_start3A_74 = arith.constant 0 : i32
        %dma_start3A_75 = tpu.memref_slice %arg2[%add3A_73, %dma_start3A_74] : memref<8192x1024xi32, #tpu.memory_space<hbm>> -> memref<16x1024xi32, #tpu.memory_space<hbm>>
        %dma_start3A_76 = arith.constant 0 : i32
        %dma_start3A_77 = tpu.memref_slice %arg2[%add3A_73, %dma_start3A_76] : memref<8192x1024xi32, #tpu.memory_space<hbm>> -> memref<16x1024xi32, #tpu.memory_space<hbm>>
        tpu.enqueue_dma source(%dma_start3A_77 : memref<16x1024xi32, #tpu.memory_space<hbm>>) target(%arg8 : memref<16x1024xi32, #tpu.memory_space<vmem>>) target_semaphore(%arg12 : memref<!tpu.dma_semaphore, #tpu.memory_space<semaphore_mem>>)
        %dma_wait3A_78 = arith.constant 0 : i32
        %dma_wait3A_79 = tpu.memref_slice %arg2[%add3A_48, %dma_wait3A_78] : memref<8192x1024xi32, #tpu.memory_space<hbm>> -> memref<16x1024xi32, #tpu.memory_space<hbm>>
        %dma_wait3A_80 = arith.constant 0 : i32
        %dma_wait3A_81 = tpu.memref_slice %arg2[%add3A_48, %dma_wait3A_80] : memref<8192x1024xi32, #tpu.memory_space<hbm>> -> memref<16x1024xi32, #tpu.memory_space<hbm>>
        tpu.wait_dma2 semaphore(%arg11 : memref<!tpu.dma_semaphore, #tpu.memory_space<semaphore_mem>>) src(%dma_wait3A_81 : memref<16x1024xi32, #tpu.memory_space<hbm>>) dst(%arg7 : memref<16x1024xi32, #tpu.memory_space<vmem>>)
        %gt3A = arith.constant 0 : i32
        %gt3A_82 = arith.cmpi sgt, %scan3A_66, %gt3A : i32
        %convert_element_type3A_83 = arith.extui %gt3A_82 : i1 to i32
        %cond3A_84 = arith.constant 0 : i32
        %cond3A_85 = arith.cmpi ne, %convert_element_type3A_83, %cond3A_84 : i32
        scf.if %cond3A_85 {
          %dma_wait3A_130 = arith.constant 0 : i32
          %dma_wait3A_131 = tpu.memref_slice %arg5[%mul3A_36, %dma_wait3A_130] : memref<8192x512xi32, #tpu.memory_space<hbm>> -> memref<16x512xi32, #tpu.memory_space<hbm>>
          %dma_wait3A_132 = arith.constant 0 : i32
          %dma_wait3A_133 = tpu.memref_slice %arg5[%mul3A_36, %dma_wait3A_132] : memref<8192x512xi32, #tpu.memory_space<hbm>> -> memref<16x512xi32, #tpu.memory_space<hbm>>
          tpu.wait_dma2 semaphore(%arg13 : memref<!tpu.dma_semaphore, #tpu.memory_space<semaphore_mem>>) src(%arg9 : memref<16x512xi32, #tpu.memory_space<vmem>>) dst(%dma_wait3A_133 : memref<16x512xi32, #tpu.memory_space<hbm>>)
        } else {
        }
        %scan3A_86 = arith.constant 0 : i32
        %scan3A_87 = arith.constant 0 : i32
        %scan3A_88 = arith.constant 16 : i32
        %scan3A_89 = arith.addi %scan3A_87, %scan3A_88 : i32
        %scan3A_90 = arith.constant 1 : i32
        scf.for %scan3A_130 = %scan3A_87 to %scan3A_89 step %scan3A_90  : i32 {
          %parallel_loop3A = arith.constant 0 : i32
          %parallel_loop3A_131 = arith.constant 512 : i32
          %parallel_loop3A_132 = arith.constant 16 : i32
          scf.for %parallel_loop3A_133 = %parallel_loop3A to %parallel_loop3A_131 step %parallel_loop3A_132  : i32 {
            %parallel_loop3A_134 = tpu.assume_multiple %parallel_loop3A_133, 16 : i32
            %parallel_loop3A_135 = arith.index_cast %scan3A_130 : i32 to index
            %parallel_loop3A_136 = arith.index_cast %parallel_loop3A_134 : i32 to index
            %parallel_loop3A_137 = tpu.vector_load %arg7[%parallel_loop3A_135, %parallel_loop3A_136] {strides = array<i32>} : memref<16x1024xi32, #tpu.memory_space<vmem>>, vector<16xi32>,
            %parallel_loop3A_138 = tpu.vector_load_idx %arg6[%parallel_loop3A_137] : memref<512xf32, #tpu.memory_space<vmem>>[vector<16xi32>], vector<16xf32>,
            %parallel_loop3A_139 = vector.bitcast %parallel_loop3A_138 : vector<16xf32> to vector<16xi32>
            %parallel_loop3A_140 = arith.constant 512 : i32
            %parallel_loop3A_141 = arith.addi %parallel_loop3A_134, %parallel_loop3A_140 : i32
            %parallel_loop3A_142 = arith.index_cast %scan3A_130 : i32 to index
            %parallel_loop3A_143 = arith.index_cast %parallel_loop3A_141 : i32 to index
            %parallel_loop3A_144 = tpu.vector_load %arg7[%parallel_loop3A_142, %parallel_loop3A_143] {strides = array<i32>} : memref<16x1024xi32, #tpu.memory_space<vmem>>, vector<16xi32>,
            %parallel_loop3A_145 = tpu.vector_load_idx %arg6[%parallel_loop3A_144] : memref<512xf32, #tpu.memory_space<vmem>>[vector<16xi32>], vector<16xf32>,
            %parallel_loop3A_146 = vector.bitcast %parallel_loop3A_145 : vector<16xf32> to vector<16xi32>
            %parallel_loop3A_147 = arith.constant 16 : i32
            %parallel_loop3A_148 = vector.broadcast %parallel_loop3A_147 : i32 to vector<16xi32>
            %parallel_loop3A_149 = arith.shrui %parallel_loop3A_139, %parallel_loop3A_148 : vector<16xi32>
            %parallel_loop3A_150 = vector.broadcast %cond3A : i32 to vector<16xi32>
            %parallel_loop3A_151 = arith.andi %parallel_loop3A_146, %parallel_loop3A_150 : vector<16xi32>
            %parallel_loop3A_152 = arith.ori %parallel_loop3A_149, %parallel_loop3A_151 : vector<16xi32>
            %parallel_loop3A_153 = arith.index_cast %scan3A_130 : i32 to index
            %parallel_loop3A_154 = arith.index_cast %parallel_loop3A_134 : i32 to index
            %parallel_loop3A_155 = tpu.vector_load %arg9[%parallel_loop3A_153, %parallel_loop3A_154] {strides = array<i32>} : memref<16x512xi32, #tpu.memory_space<vmem>>, vector<16xi32>,
            tpu.vector_store %arg9[%parallel_loop3A_153, %parallel_loop3A_154], %parallel_loop3A_152 {strides = array<i32>} : memref<16x512xi32, #tpu.memory_space<vmem>>, vector<16xi32>,
          } {sc.loop_unroll_factor = 4 : i64, sc.parallel_access}
        }
        %scan3A_91 = arith.constant 16 : i32
        %mul3A_92 = arith.constant 16 : i32
        %mul3A_93 = arith.muli %mul3A_68, %mul3A_92 : i32
        %add3A_94 = arith.addi %mul3A_36, %mul3A_93 : i32
        %dma_start3A_95 = arith.constant 0 : i32
        %dma_start3A_96 = tpu.memref_slice %arg5[%add3A_94, %dma_start3A_95] : memref<8192x512xi32, #tpu.memory_space<hbm>> -> memref<16x512xi32, #tpu.memory_space<hbm>>
        %dma_start3A_97 = arith.constant 0 : i32
        %dma_start3A_98 = tpu.memref_slice %arg5[%add3A_94, %dma_start3A_97] : memref<8192x512xi32, #tpu.memory_space<hbm>> -> memref<16x512xi32, #tpu.memory_space<hbm>>
        tpu.enqueue_dma source(%arg9 : memref<16x512xi32, #tpu.memory_space<vmem>>) target(%dma_start3A_98 : memref<16x512xi32, #tpu.memory_space<hbm>>) target_semaphore(%arg13 : memref<!tpu.dma_semaphore, #tpu.memory_space<semaphore_mem>>)
        %add3A_99 = arith.constant 1 : i32
        %add3A_100 = arith.addi %mul3A_68, %add3A_99 : i32
        %add3A_101 = arith.constant 1 : i32
        %add3A_102 = arith.addi %add3A_100, %add3A_101 : i32
        %lt3A_103 = arith.constant 16 : i32
        %lt3A_104 = arith.cmpi slt, %add3A_102, %lt3A_103 : i32
        %convert_element_type3A_105 = arith.extui %lt3A_104 : i1 to i32
        %cond3A_106 = arith.constant 0 : i32
        %cond3A_107 = arith.cmpi ne, %convert_element_type3A_105, %cond3A_106 : i32
        scf.if %cond3A_107 {
          %add3A_130 = arith.constant 1 : i32
          %add3A_131 = arith.addi %add3A_100, %add3A_130 : i32
          %mul3A_132 = arith.constant 16 : i32
          %mul3A_133 = arith.muli %add3A_131, %mul3A_132 : i32
          %add3A_134 = arith.addi %add3A_48, %mul3A_133 : i32
          %dma_start3A_135 = arith.constant 0 : i32
          %dma_start3A_136 = tpu.memref_slice %arg2[%add3A_134, %dma_start3A_135] : memref<8192x1024xi32, #tpu.memory_space<hbm>> -> memref<16x1024xi32, #tpu.memory_space<hbm>>
          %dma_start3A_137 = arith.constant 0 : i32
          %dma_start3A_138 = tpu.memref_slice %arg2[%add3A_134, %dma_start3A_137] : memref<8192x1024xi32, #tpu.memory_space<hbm>> -> memref<16x1024xi32, #tpu.memory_space<hbm>>
          tpu.enqueue_dma source(%dma_start3A_138 : memref<16x1024xi32, #tpu.memory_space<hbm>>) target(%arg7 : memref<16x1024xi32, #tpu.memory_space<vmem>>) target_semaphore(%arg11 : memref<!tpu.dma_semaphore, #tpu.memory_space<semaphore_mem>>)
        } else {
        }
        %dma_wait3A_108 = arith.constant 0 : i32
        %dma_wait3A_109 = tpu.memref_slice %arg2[%add3A_48, %dma_wait3A_108] : memref<8192x1024xi32, #tpu.memory_space<hbm>> -> memref<16x1024xi32, #tpu.memory_space<hbm>>
        %dma_wait3A_110 = arith.constant 0 : i32
        %dma_wait3A_111 = tpu.memref_slice %arg2[%add3A_48, %dma_wait3A_110] : memref<8192x1024xi32, #tpu.memory_space<hbm>> -> memref<16x1024xi32, #tpu.memory_space<hbm>>
        tpu.wait_dma2 semaphore(%arg12 : memref<!tpu.dma_semaphore, #tpu.memory_space<semaphore_mem>>) src(%dma_wait3A_111 : memref<16x1024xi32, #tpu.memory_space<hbm>>) dst(%arg8 : memref<16x1024xi32, #tpu.memory_space<vmem>>)
        %gt3A_112 = arith.constant 0 : i32
        %gt3A_113 = arith.cmpi sgt, %scan3A_66, %gt3A_112 : i32
        %convert_element_type3A_114 = arith.extui %gt3A_113 : i1 to i32
        %cond3A_115 = arith.constant 0 : i32
        %cond3A_116 = arith.cmpi ne, %convert_element_type3A_114, %cond3A_115 : i32
        scf.if %cond3A_116 {
          %dma_wait3A_130 = arith.constant 0 : i32
          %dma_wait3A_131 = tpu.memref_slice %arg5[%mul3A_36, %dma_wait3A_130] : memref<8192x512xi32, #tpu.memory_space<hbm>> -> memref<16x512xi32, #tpu.memory_space<hbm>>
          %dma_wait3A_132 = arith.constant 0 : i32
          %dma_wait3A_133 = tpu.memref_slice %arg5[%mul3A_36, %dma_wait3A_132] : memref<8192x512xi32, #tpu.memory_space<hbm>> -> memref<16x512xi32, #tpu.memory_space<hbm>>
          tpu.wait_dma2 semaphore(%arg14 : memref<!tpu.dma_semaphore, #tpu.memory_space<semaphore_mem>>) src(%arg10 : memref<16x512xi32, #tpu.memory_space<vmem>>) dst(%dma_wait3A_133 : memref<16x512xi32, #tpu.memory_space<hbm>>)
        } else {
        }
        %scan3A_117 = arith.constant 0 : i32
        %scan3A_118 = arith.constant 0 : i32
        %scan3A_119 = arith.constant 16 : i32
        %scan3A_120 = arith.addi %scan3A_118, %scan3A_119 : i32
        %scan3A_121 = arith.constant 1 : i32
        scf.for %scan3A_130 = %scan3A_118 to %scan3A_120 step %scan3A_121  : i32 {
          %parallel_loop3A = arith.constant 0 : i32
          %parallel_loop3A_131 = arith.constant 512 : i32
          %parallel_loop3A_132 = arith.constant 16 : i32
          scf.for %parallel_loop3A_133 = %parallel_loop3A to %parallel_loop3A_131 step %parallel_loop3A_132  : i32 {
            %parallel_loop3A_134 = tpu.assume_multiple %parallel_loop3A_133, 16 : i32
            %parallel_loop3A_135 = arith.index_cast %scan3A_130 : i32 to index
            %parallel_loop3A_136 = arith.index_cast %parallel_loop3A_134 : i32 to index
            %parallel_loop3A_137 = tpu.vector_load %arg8[%parallel_loop3A_135, %parallel_loop3A_136] {strides = array<i32>} : memref<16x1024xi32, #tpu.memory_space<vmem>>, vector<16xi32>,
            %parallel_loop3A_138 = tpu.vector_load_idx %arg6[%parallel_loop3A_137] : memref<512xf32, #tpu.memory_space<vmem>>[vector<16xi32>], vector<16xf32>,
            %parallel_loop3A_139 = vector.bitcast %parallel_loop3A_138 : vector<16xf32> to vector<16xi32>
            %parallel_loop3A_140 = arith.constant 512 : i32
            %parallel_loop3A_141 = arith.addi %parallel_loop3A_134, %parallel_loop3A_140 : i32
            %parallel_loop3A_142 = arith.index_cast %scan3A_130 : i32 to index
            %parallel_loop3A_143 = arith.index_cast %parallel_loop3A_141 : i32 to index
            %parallel_loop3A_144 = tpu.vector_load %arg8[%parallel_loop3A_142, %parallel_loop3A_143] {strides = array<i32>} : memref<16x1024xi32, #tpu.memory_space<vmem>>, vector<16xi32>,
            %parallel_loop3A_145 = tpu.vector_load_idx %arg6[%parallel_loop3A_144] : memref<512xf32, #tpu.memory_space<vmem>>[vector<16xi32>], vector<16xf32>,
            %parallel_loop3A_146 = vector.bitcast %parallel_loop3A_145 : vector<16xf32> to vector<16xi32>
            %parallel_loop3A_147 = arith.constant 16 : i32
            %parallel_loop3A_148 = vector.broadcast %parallel_loop3A_147 : i32 to vector<16xi32>
            %parallel_loop3A_149 = arith.shrui %parallel_loop3A_139, %parallel_loop3A_148 : vector<16xi32>
            %parallel_loop3A_150 = vector.broadcast %cond3A : i32 to vector<16xi32>
            %parallel_loop3A_151 = arith.andi %parallel_loop3A_146, %parallel_loop3A_150 : vector<16xi32>
            %parallel_loop3A_152 = arith.ori %parallel_loop3A_149, %parallel_loop3A_151 : vector<16xi32>
            %parallel_loop3A_153 = arith.index_cast %scan3A_130 : i32 to index
            %parallel_loop3A_154 = arith.index_cast %parallel_loop3A_134 : i32 to index
            %parallel_loop3A_155 = tpu.vector_load %arg10[%parallel_loop3A_153, %parallel_loop3A_154] {strides = array<i32>} : memref<16x512xi32, #tpu.memory_space<vmem>>, vector<16xi32>,
            tpu.vector_store %arg10[%parallel_loop3A_153, %parallel_loop3A_154], %parallel_loop3A_152 {strides = array<i32>} : memref<16x512xi32, #tpu.memory_space<vmem>>, vector<16xi32>,
          } {sc.loop_unroll_factor = 4 : i64, sc.parallel_access}
        }
        %scan3A_122 = arith.constant 16 : i32
        %mul3A_123 = arith.constant 16 : i32
        %mul3A_124 = arith.muli %add3A_100, %mul3A_123 : i32
        %add3A_125 = arith.addi %mul3A_36, %mul3A_124 : i32
        %dma_start3A_126 = arith.constant 0 : i32
        %dma_start3A_127 = tpu.memref_slice %arg5[%add3A_125, %dma_start3A_126] : memref<8192x512xi32, #tpu.memory_space<hbm>> -> memref<16x512xi32, #tpu.memory_space<hbm>>
        %dma_start3A_128 = arith.constant 0 : i32
        %dma_start3A_129 = tpu.memref_slice %arg5[%add3A_125, %dma_start3A_128] : memref<8192x512xi32, #tpu.memory_space<hbm>> -> memref<16x512xi32, #tpu.memory_space<hbm>>
        tpu.enqueue_dma source(%arg10 : memref<16x512xi32, #tpu.memory_space<vmem>>) target(%dma_start3A_129 : memref<16x512xi32, #tpu.memory_space<hbm>>) target_semaphore(%arg14 : memref<!tpu.dma_semaphore, #tpu.memory_space<semaphore_mem>>)
      }
      %scan3A_58 = arith.constant 8 : i32
      %dma_wait3A = arith.constant 0 : i32
      %dma_wait3A_59 = tpu.memref_slice %arg5[%mul3A_36, %dma_wait3A] : memref<8192x512xi32, #tpu.memory_space<hbm>> -> memref<16x512xi32, #tpu.memory_space<hbm>>
      %dma_wait3A_60 = arith.constant 0 : i32
      %dma_wait3A_61 = tpu.memref_slice %arg5[%mul3A_36, %dma_wait3A_60] : memref<8192x512xi32, #tpu.memory_space<hbm>> -> memref<16x512xi32, #tpu.memory_space<hbm>>
      tpu.wait_dma2 semaphore(%arg13 : memref<!tpu.dma_semaphore, #tpu.memory_space<semaphore_mem>>) src(%arg9 : memref<16x512xi32, #tpu.memory_space<vmem>>) dst(%dma_wait3A_61 : memref<16x512xi32, #tpu.memory_space<hbm>>)
      %dma_wait3A_62 = arith.constant 0 : i32
      %dma_wait3A_63 = tpu.memref_slice %arg5[%mul3A_36, %dma_wait3A_62] : memref<8192x512xi32, #tpu.memory_space<hbm>> -> memref<16x512xi32, #tpu.memory_space<hbm>>
      %dma_wait3A_64 = arith.constant 0 : i32
      %dma_wait3A_65 = tpu.memref_slice %arg5[%mul3A_36, %dma_wait3A_64] : memref<8192x512xi32, #tpu.memory_space<hbm>> -> memref<16x512xi32, #tpu.memory_space<hbm>>
      tpu.wait_dma2 semaphore(%arg14 : memref<!tpu.dma_semaphore, #tpu.memory_space<semaphore_mem>>) src(%arg10 : memref<16x512xi32, #tpu.memory_space<vmem>>) dst(%dma_wait3A_65 : memref<16x512xi32, #tpu.memory_space<hbm>>)
    } else {
    }
    %ge3A = arith.constant 512 : i32
    %ge3A_41 = arith.cmpi sge, %mul3A_32, %ge3A : i32
    %convert_element_type3A_42 = arith.extui %ge3A_41 : i1 to i32
    %cond3A_43 = arith.constant -65536 : i32
    %cond3A_44 = arith.constant 0 : i32
    %cond3A_45 = arith.cmpi ne, %convert_element_type3A_42, %cond3A_44 : i32
    scf.if %cond3A_45 {
      %mul3A_46 = arith.constant 1536 : i32
      %mul3A_47 = arith.muli %add3A_34, %mul3A_46 : i32
      %sub3A_48 = arith.constant 512 : i32
      %sub3A_49 = arith.subi %mul3A_32, %sub3A_48 : i32
      %add3A_50 = arith.addi %mul3A_47, %sub3A_49 : i32
      %add3A_51 = arith.constant 0 : i32
      %add3A_52 = arith.addi %add3A_50, %add3A_51 : i32
      %dma_start3A = arith.constant 0 : i32
      %dma_start3A_53 = tpu.memref_slice %arg3[%add3A_52, %dma_start3A] : memref<24576x1024xi32, #tpu.memory_space<hbm>> -> memref<16x1024xi32, #tpu.memory_space<hbm>>
      %dma_start3A_54 = arith.constant 0 : i32
      %dma_start3A_55 = tpu.memref_slice %arg3[%add3A_52, %dma_start3A_54] : memref<24576x1024xi32, #tpu.memory_space<hbm>> -> memref<16x1024xi32, #tpu.memory_space<hbm>>
      tpu.enqueue_dma source(%dma_start3A_55 : memref<16x1024xi32, #tpu.memory_space<hbm>>) target(%arg7 : memref<16x1024xi32, #tpu.memory_space<vmem>>) target_semaphore(%arg11 : memref<!tpu.dma_semaphore, #tpu.memory_space<semaphore_mem>>)
      %scan3A = arith.constant 0 : i32
      %scan3A_56 = arith.constant 0 : i32
      %scan3A_57 = arith.constant 8 : i32
      %scan3A_58 = arith.addi %scan3A_56, %scan3A_57 : i32
      %scan3A_59 = arith.constant 1 : i32
      scf.for %scan3A_68 = %scan3A_56 to %scan3A_58 step %scan3A_59  : i32 {
        %mul3A_69 = arith.constant 2 : i32
        %mul3A_70 = arith.muli %scan3A_68, %mul3A_69 : i32
        %add3A_71 = arith.constant 1 : i32
        %add3A_72 = arith.addi %mul3A_70, %add3A_71 : i32
        %mul3A_73 = arith.constant 16 : i32
        %mul3A_74 = arith.muli %add3A_72, %mul3A_73 : i32
        %add3A_75 = arith.addi %add3A_50, %mul3A_74 : i32
        %dma_start3A_76 = arith.constant 0 : i32
        %dma_start3A_77 = tpu.memref_slice %arg3[%add3A_75, %dma_start3A_76] : memref<24576x1024xi32, #tpu.memory_space<hbm>> -> memref<16x1024xi32, #tpu.memory_space<hbm>>
        %dma_start3A_78 = arith.constant 0 : i32
        %dma_start3A_79 = tpu.memref_slice %arg3[%add3A_75, %dma_start3A_78] : memref<24576x1024xi32, #tpu.memory_space<hbm>> -> memref<16x1024xi32, #tpu.memory_space<hbm>>
        tpu.enqueue_dma source(%dma_start3A_79 : memref<16x1024xi32, #tpu.memory_space<hbm>>) target(%arg8 : memref<16x1024xi32, #tpu.memory_space<vmem>>) target_semaphore(%arg12 : memref<!tpu.dma_semaphore, #tpu.memory_space<semaphore_mem>>)
        %dma_wait3A_80 = arith.constant 0 : i32
        %dma_wait3A_81 = tpu.memref_slice %arg3[%add3A_50, %dma_wait3A_80] : memref<24576x1024xi32, #tpu.memory_space<hbm>> -> memref<16x1024xi32, #tpu.memory_space<hbm>>
        %dma_wait3A_82 = arith.constant 0 : i32
        %dma_wait3A_83 = tpu.memref_slice %arg3[%add3A_50, %dma_wait3A_82] : memref<24576x1024xi32, #tpu.memory_space<hbm>> -> memref<16x1024xi32, #tpu.memory_space<hbm>>
        tpu.wait_dma2 semaphore(%arg11 : memref<!tpu.dma_semaphore, #tpu.memory_space<semaphore_mem>>) src(%dma_wait3A_83 : memref<16x1024xi32, #tpu.memory_space<hbm>>) dst(%arg7 : memref<16x1024xi32, #tpu.memory_space<vmem>>)
        %gt3A = arith.constant 0 : i32
        %gt3A_84 = arith.cmpi sgt, %scan3A_68, %gt3A : i32
        %convert_element_type3A_85 = arith.extui %gt3A_84 : i1 to i32
        %cond3A_86 = arith.constant 0 : i32
        %cond3A_87 = arith.cmpi ne, %convert_element_type3A_85, %cond3A_86 : i32
        scf.if %cond3A_87 {
          %dma_wait3A_132 = arith.constant 0 : i32
          %dma_wait3A_133 = tpu.memref_slice %arg5[%mul3A_36, %dma_wait3A_132] : memref<8192x512xi32, #tpu.memory_space<hbm>> -> memref<16x512xi32, #tpu.memory_space<hbm>>
          %dma_wait3A_134 = arith.constant 0 : i32
          %dma_wait3A_135 = tpu.memref_slice %arg5[%mul3A_36, %dma_wait3A_134] : memref<8192x512xi32, #tpu.memory_space<hbm>> -> memref<16x512xi32, #tpu.memory_space<hbm>>
          tpu.wait_dma2 semaphore(%arg13 : memref<!tpu.dma_semaphore, #tpu.memory_space<semaphore_mem>>) src(%arg9 : memref<16x512xi32, #tpu.memory_space<vmem>>) dst(%dma_wait3A_135 : memref<16x512xi32, #tpu.memory_space<hbm>>)
        } else {
        }
        %scan3A_88 = arith.constant 0 : i32
        %scan3A_89 = arith.constant 0 : i32
        %scan3A_90 = arith.constant 16 : i32
        %scan3A_91 = arith.addi %scan3A_89, %scan3A_90 : i32
        %scan3A_92 = arith.constant 1 : i32
        scf.for %scan3A_132 = %scan3A_89 to %scan3A_91 step %scan3A_92  : i32 {
          %parallel_loop3A = arith.constant 0 : i32
          %parallel_loop3A_133 = arith.constant 512 : i32
          %parallel_loop3A_134 = arith.constant 16 : i32
          scf.for %parallel_loop3A_135 = %parallel_loop3A to %parallel_loop3A_133 step %parallel_loop3A_134  : i32 {
            %parallel_loop3A_136 = tpu.assume_multiple %parallel_loop3A_135, 16 : i32
            %parallel_loop3A_137 = arith.index_cast %scan3A_132 : i32 to index
            %parallel_loop3A_138 = arith.index_cast %parallel_loop3A_136 : i32 to index
            %parallel_loop3A_139 = tpu.vector_load %arg7[%parallel_loop3A_137, %parallel_loop3A_138] {strides = array<i32>} : memref<16x1024xi32, #tpu.memory_space<vmem>>, vector<16xi32>,
            %parallel_loop3A_140 = tpu.vector_load_idx %arg6[%parallel_loop3A_139] : memref<512xf32, #tpu.memory_space<vmem>>[vector<16xi32>], vector<16xf32>,
            %parallel_loop3A_141 = vector.bitcast %parallel_loop3A_140 : vector<16xf32> to vector<16xi32>
            %parallel_loop3A_142 = arith.constant 512 : i32
            %parallel_loop3A_143 = arith.addi %parallel_loop3A_136, %parallel_loop3A_142 : i32
            %parallel_loop3A_144 = arith.index_cast %scan3A_132 : i32 to index
            %parallel_loop3A_145 = arith.index_cast %parallel_loop3A_143 : i32 to index
            %parallel_loop3A_146 = tpu.vector_load %arg7[%parallel_loop3A_144, %parallel_loop3A_145] {strides = array<i32>} : memref<16x1024xi32, #tpu.memory_space<vmem>>, vector<16xi32>,
            %parallel_loop3A_147 = tpu.vector_load_idx %arg6[%parallel_loop3A_146] : memref<512xf32, #tpu.memory_space<vmem>>[vector<16xi32>], vector<16xf32>,
            %parallel_loop3A_148 = vector.bitcast %parallel_loop3A_147 : vector<16xf32> to vector<16xi32>
            %parallel_loop3A_149 = arith.constant 16 : i32
            %parallel_loop3A_150 = vector.broadcast %parallel_loop3A_149 : i32 to vector<16xi32>
            %parallel_loop3A_151 = arith.shrui %parallel_loop3A_141, %parallel_loop3A_150 : vector<16xi32>
            %parallel_loop3A_152 = vector.broadcast %cond3A_43 : i32 to vector<16xi32>
            %parallel_loop3A_153 = arith.andi %parallel_loop3A_148, %parallel_loop3A_152 : vector<16xi32>
            %parallel_loop3A_154 = arith.ori %parallel_loop3A_151, %parallel_loop3A_153 : vector<16xi32>
            %parallel_loop3A_155 = arith.index_cast %scan3A_132 : i32 to index
            %parallel_loop3A_156 = arith.index_cast %parallel_loop3A_136 : i32 to index
            %parallel_loop3A_157 = tpu.vector_load %arg9[%parallel_loop3A_155, %parallel_loop3A_156] {strides = array<i32>} : memref<16x512xi32, #tpu.memory_space<vmem>>, vector<16xi32>,
            tpu.vector_store %arg9[%parallel_loop3A_155, %parallel_loop3A_156], %parallel_loop3A_154 {strides = array<i32>} : memref<16x512xi32, #tpu.memory_space<vmem>>, vector<16xi32>,
          } {sc.loop_unroll_factor = 4 : i64, sc.parallel_access}
        }
        %scan3A_93 = arith.constant 16 : i32
        %mul3A_94 = arith.constant 16 : i32
        %mul3A_95 = arith.muli %mul3A_70, %mul3A_94 : i32
        %add3A_96 = arith.addi %mul3A_36, %mul3A_95 : i32
        %dma_start3A_97 = arith.constant 0 : i32
        %dma_start3A_98 = tpu.memref_slice %arg5[%add3A_96, %dma_start3A_97] : memref<8192x512xi32, #tpu.memory_space<hbm>> -> memref<16x512xi32, #tpu.memory_space<hbm>>
        %dma_start3A_99 = arith.constant 0 : i32
        %dma_start3A_100 = tpu.memref_slice %arg5[%add3A_96, %dma_start3A_99] : memref<8192x512xi32, #tpu.memory_space<hbm>> -> memref<16x512xi32, #tpu.memory_space<hbm>>
        tpu.enqueue_dma source(%arg9 : memref<16x512xi32, #tpu.memory_space<vmem>>) target(%dma_start3A_100 : memref<16x512xi32, #tpu.memory_space<hbm>>) target_semaphore(%arg13 : memref<!tpu.dma_semaphore, #tpu.memory_space<semaphore_mem>>)
        %add3A_101 = arith.constant 1 : i32
        %add3A_102 = arith.addi %mul3A_70, %add3A_101 : i32
        %add3A_103 = arith.constant 1 : i32
        %add3A_104 = arith.addi %add3A_102, %add3A_103 : i32
        %lt3A_105 = arith.constant 16 : i32
        %lt3A_106 = arith.cmpi slt, %add3A_104, %lt3A_105 : i32
        %convert_element_type3A_107 = arith.extui %lt3A_106 : i1 to i32
        %cond3A_108 = arith.constant 0 : i32
        %cond3A_109 = arith.cmpi ne, %convert_element_type3A_107, %cond3A_108 : i32
        scf.if %cond3A_109 {
          %add3A_132 = arith.constant 1 : i32
          %add3A_133 = arith.addi %add3A_102, %add3A_132 : i32
          %mul3A_134 = arith.constant 16 : i32
          %mul3A_135 = arith.muli %add3A_133, %mul3A_134 : i32
          %add3A_136 = arith.addi %add3A_50, %mul3A_135 : i32
          %dma_start3A_137 = arith.constant 0 : i32
          %dma_start3A_138 = tpu.memref_slice %arg3[%add3A_136, %dma_start3A_137] : memref<24576x1024xi32, #tpu.memory_space<hbm>> -> memref<16x1024xi32, #tpu.memory_space<hbm>>
          %dma_start3A_139 = arith.constant 0 : i32
          %dma_start3A_140 = tpu.memref_slice %arg3[%add3A_136, %dma_start3A_139] : memref<24576x1024xi32, #tpu.memory_space<hbm>> -> memref<16x1024xi32, #tpu.memory_space<hbm>>
          tpu.enqueue_dma source(%dma_start3A_140 : memref<16x1024xi32, #tpu.memory_space<hbm>>) target(%arg7 : memref<16x1024xi32, #tpu.memory_space<vmem>>) target_semaphore(%arg11 : memref<!tpu.dma_semaphore, #tpu.memory_space<semaphore_mem>>)
        } else {
        }
        %dma_wait3A_110 = arith.constant 0 : i32
        %dma_wait3A_111 = tpu.memref_slice %arg3[%add3A_50, %dma_wait3A_110] : memref<24576x1024xi32, #tpu.memory_space<hbm>> -> memref<16x1024xi32, #tpu.memory_space<hbm>>
        %dma_wait3A_112 = arith.constant 0 : i32
        %dma_wait3A_113 = tpu.memref_slice %arg3[%add3A_50, %dma_wait3A_112] : memref<24576x1024xi32, #tpu.memory_space<hbm>> -> memref<16x1024xi32, #tpu.memory_space<hbm>>
        tpu.wait_dma2 semaphore(%arg12 : memref<!tpu.dma_semaphore, #tpu.memory_space<semaphore_mem>>) src(%dma_wait3A_113 : memref<16x1024xi32, #tpu.memory_space<hbm>>) dst(%arg8 : memref<16x1024xi32, #tpu.memory_space<vmem>>)
        %gt3A_114 = arith.constant 0 : i32
        %gt3A_115 = arith.cmpi sgt, %scan3A_68, %gt3A_114 : i32
        %convert_element_type3A_116 = arith.extui %gt3A_115 : i1 to i32
        %cond3A_117 = arith.constant 0 : i32
        %cond3A_118 = arith.cmpi ne, %convert_element_type3A_116, %cond3A_117 : i32
        scf.if %cond3A_118 {
          %dma_wait3A_132 = arith.constant 0 : i32
          %dma_wait3A_133 = tpu.memref_slice %arg5[%mul3A_36, %dma_wait3A_132] : memref<8192x512xi32, #tpu.memory_space<hbm>> -> memref<16x512xi32, #tpu.memory_space<hbm>>
          %dma_wait3A_134 = arith.constant 0 : i32
          %dma_wait3A_135 = tpu.memref_slice %arg5[%mul3A_36, %dma_wait3A_134] : memref<8192x512xi32, #tpu.memory_space<hbm>> -> memref<16x512xi32, #tpu.memory_space<hbm>>
          tpu.wait_dma2 semaphore(%arg14 : memref<!tpu.dma_semaphore, #tpu.memory_space<semaphore_mem>>) src(%arg10 : memref<16x512xi32, #tpu.memory_space<vmem>>) dst(%dma_wait3A_135 : memref<16x512xi32, #tpu.memory_space<hbm>>)
        } else {
        }
        %scan3A_119 = arith.constant 0 : i32
        %scan3A_120 = arith.constant 0 : i32
        %scan3A_121 = arith.constant 16 : i32
        %scan3A_122 = arith.addi %scan3A_120, %scan3A_121 : i32
        %scan3A_123 = arith.constant 1 : i32
        scf.for %scan3A_132 = %scan3A_120 to %scan3A_122 step %scan3A_123  : i32 {
          %parallel_loop3A = arith.constant 0 : i32
          %parallel_loop3A_133 = arith.constant 512 : i32
          %parallel_loop3A_134 = arith.constant 16 : i32
          scf.for %parallel_loop3A_135 = %parallel_loop3A to %parallel_loop3A_133 step %parallel_loop3A_134  : i32 {
            %parallel_loop3A_136 = tpu.assume_multiple %parallel_loop3A_135, 16 : i32
            %parallel_loop3A_137 = arith.index_cast %scan3A_132 : i32 to index
            %parallel_loop3A_138 = arith.index_cast %parallel_loop3A_136 : i32 to index
            %parallel_loop3A_139 = tpu.vector_load %arg8[%parallel_loop3A_137, %parallel_loop3A_138] {strides = array<i32>} : memref<16x1024xi32, #tpu.memory_space<vmem>>, vector<16xi32>,
            %parallel_loop3A_140 = tpu.vector_load_idx %arg6[%parallel_loop3A_139] : memref<512xf32, #tpu.memory_space<vmem>>[vector<16xi32>], vector<16xf32>,
            %parallel_loop3A_141 = vector.bitcast %parallel_loop3A_140 : vector<16xf32> to vector<16xi32>
            %parallel_loop3A_142 = arith.constant 512 : i32
            %parallel_loop3A_143 = arith.addi %parallel_loop3A_136, %parallel_loop3A_142 : i32
            %parallel_loop3A_144 = arith.index_cast %scan3A_132 : i32 to index
            %parallel_loop3A_145 = arith.index_cast %parallel_loop3A_143 : i32 to index
            %parallel_loop3A_146 = tpu.vector_load %arg8[%parallel_loop3A_144, %parallel_loop3A_145] {strides = array<i32>} : memref<16x1024xi32, #tpu.memory_space<vmem>>, vector<16xi32>,
            %parallel_loop3A_147 = tpu.vector_load_idx %arg6[%parallel_loop3A_146] : memref<512xf32, #tpu.memory_space<vmem>>[vector<16xi32>], vector<16xf32>,
            %parallel_loop3A_148 = vector.bitcast %parallel_loop3A_147 : vector<16xf32> to vector<16xi32>
            %parallel_loop3A_149 = arith.constant 16 : i32
            %parallel_loop3A_150 = vector.broadcast %parallel_loop3A_149 : i32 to vector<16xi32>
            %parallel_loop3A_151 = arith.shrui %parallel_loop3A_141, %parallel_loop3A_150 : vector<16xi32>
            %parallel_loop3A_152 = vector.broadcast %cond3A_43 : i32 to vector<16xi32>
            %parallel_loop3A_153 = arith.andi %parallel_loop3A_148, %parallel_loop3A_152 : vector<16xi32>
            %parallel_loop3A_154 = arith.ori %parallel_loop3A_151, %parallel_loop3A_153 : vector<16xi32>
            %parallel_loop3A_155 = arith.index_cast %scan3A_132 : i32 to index
            %parallel_loop3A_156 = arith.index_cast %parallel_loop3A_136 : i32 to index
            %parallel_loop3A_157 = tpu.vector_load %arg10[%parallel_loop3A_155, %parallel_loop3A_156] {strides = array<i32>} : memref<16x512xi32, #tpu.memory_space<vmem>>, vector<16xi32>,
            tpu.vector_store %arg10[%parallel_loop3A_155, %parallel_loop3A_156], %parallel_loop3A_154 {strides = array<i32>} : memref<16x512xi32, #tpu.memory_space<vmem>>, vector<16xi32>,
          } {sc.loop_unroll_factor = 4 : i64, sc.parallel_access}
        }
        %scan3A_124 = arith.constant 16 : i32
        %mul3A_125 = arith.constant 16 : i32
        %mul3A_126 = arith.muli %add3A_102, %mul3A_125 : i32
        %add3A_127 = arith.addi %mul3A_36, %mul3A_126 : i32
        %dma_start3A_128 = arith.constant 0 : i32
        %dma_start3A_129 = tpu.memref_slice %arg5[%add3A_127, %dma_start3A_128] : memref<8192x512xi32, #tpu.memory_space<hbm>> -> memref<16x512xi32, #tpu.memory_space<hbm>>
        %dma_start3A_130 = arith.constant 0 : i32
        %dma_start3A_131 = tpu.memref_slice %arg5[%add3A_127, %dma_start3A_130] : memref<8192x512xi32, #tpu.memory_space<hbm>> -> memref<16x512xi32, #tpu.memory_space<hbm>>
        tpu.enqueue_dma source(%arg10 : memref<16x512xi32, #tpu.memory_space<vmem>>) target(%dma_start3A_131 : memref<16x512xi32, #tpu.memory_space<hbm>>) target_semaphore(%arg14 : memref<!tpu.dma_semaphore, #tpu.memory_space<semaphore_mem>>)
      }
      %scan3A_60 = arith.constant 8 : i32
      %dma_wait3A = arith.constant 0 : i32
      %dma_wait3A_61 = tpu.memref_slice %arg5[%mul3A_36, %dma_wait3A] : memref<8192x512xi32, #tpu.memory_space<hbm>> -> memref<16x512xi32, #tpu.memory_space<hbm>>
      %dma_wait3A_62 = arith.constant 0 : i32
      %dma_wait3A_63 = tpu.memref_slice %arg5[%mul3A_36, %dma_wait3A_62] : memref<8192x512xi32, #tpu.memory_space<hbm>> -> memref<16x512xi32, #tpu.memory_space<hbm>>
      tpu.wait_dma2 semaphore(%arg13 : memref<!tpu.dma_semaphore, #tpu.memory_space<semaphore_mem>>) src(%arg9 : memref<16x512xi32, #tpu.memory_space<vmem>>) dst(%dma_wait3A_63 : memref<16x512xi32, #tpu.memory_space<hbm>>)
      %dma_wait3A_64 = arith.constant 0 : i32
      %dma_wait3A_65 = tpu.memref_slice %arg5[%mul3A_36, %dma_wait3A_64] : memref<8192x512xi32, #tpu.memory_space<hbm>> -> memref<16x512xi32, #tpu.memory_space<hbm>>
      %dma_wait3A_66 = arith.constant 0 : i32
      %dma_wait3A_67 = tpu.memref_slice %arg5[%mul3A_36, %dma_wait3A_66] : memref<8192x512xi32, #tpu.memory_space<hbm>> -> memref<16x512xi32, #tpu.memory_space<hbm>>
      tpu.wait_dma2 semaphore(%arg14 : memref<!tpu.dma_semaphore, #tpu.memory_space<semaphore_mem>>) src(%arg10 : memref<16x512xi32, #tpu.memory_space<vmem>>) dst(%dma_wait3A_67 : memref<16x512xi32, #tpu.memory_space<hbm>>)
    } else {
    }
    return
  }
}

#map = affine_map<(d0, d1) -> (0, 0)>
#map1 = affine_map<(d0, d1) -> (0)>
module attributes {stable_mosaic.version = 14 : i64} {
  func.func @body(%arg0: i32, %arg1: i32, %arg2: memref<8192x1024xi32, #tpu.memory_space<hbm>>, %arg3: memref<24576x1024xi32, #tpu.memory_space<hbm>>, %arg4: memref<512xf32, #tpu.memory_space<hbm>>, %arg5: memref<8192x512xi32, #tpu.memory_space<hbm>>, %arg6: memref<512xf32, #tpu.memory_space<vmem>>, %arg7: memref<16x1024xi32, #tpu.memory_space<vmem>>, %arg8: memref<16x1024xi32, #tpu.memory_space<vmem>>, %arg9: memref<16x512xi32, #tpu.memory_space<vmem>>, %arg10: memref<16x512xi32, #tpu.memory_space<vmem>>, %arg11: memref<!tpu.dma_semaphore, #tpu.memory_space<semaphore_mem>>, %arg12: memref<!tpu.dma_semaphore, #tpu.memory_space<semaphore_mem>>, %arg13: memref<!tpu.dma_semaphore, #tpu.memory_space<semaphore_mem>>, %arg14: memref<!tpu.dma_semaphore, #tpu.memory_space<semaphore_mem>>) attributes {dimension_semantics = [#tpu.dimension_semantics<core_parallel>, #tpu.dimension_semantics<subcore_parallel>], iteration_bounds = array<i64: 2, 16>, scalar_prefetch = 0 : i64, scratch_operands = 9 : i64, tpu.core_type = #tpu.core_type<sc_vector_subcore>, window_params = [{transform_indices = #map}, {transform_indices = #map}, {transform_indices = #map1}, {transform_indices = #map}]} {
    %mul3A = arith.constant 2 : i32
    %mul3A_0 = arith.muli %arg1, %mul3A : i32
    %add3A = arith.addi %mul3A_0, %arg0 : i32
    %jit3A = arith.constant 8 : i32
    %div3A = arith.divsi %add3A, %jit3A : i32
    %sign3A = arith.constant 0 : i32
    %sign3A_1 = arith.cmpi sgt, %add3A, %sign3A : i32
    %sign3A_2 = arith.extui %sign3A_1 : i1 to i32
    %sign3A_3 = arith.constant 0 : i32
    %sign3A_4 = arith.cmpi slt, %add3A, %sign3A_3 : i32
    %sign3A_5 = arith.extui %sign3A_4 : i1 to i32
    %sign3A_6 = arith.subi %sign3A_2, %sign3A_5 : i32
    %sign3A_7 = arith.constant 0 : i32
    %sign3A_8 = arith.cmpi sgt, %jit3A, %sign3A_7 : i32
    %sign3A_9 = arith.extui %sign3A_8 : i1 to i32
    %sign3A_10 = arith.constant 0 : i32
    %sign3A_11 = arith.cmpi slt, %jit3A, %sign3A_10 : i32
    %sign3A_12 = arith.extui %sign3A_11 : i1 to i32
    %sign3A_13 = arith.subi %sign3A_9, %sign3A_12 : i32
    %ne3A = arith.cmpi ne, %sign3A_6, %sign3A_13 : i32
    %rem3A = arith.remsi %add3A, %jit3A : i32
    %ne3A_14 = arith.constant 0 : i32
    %ne3A_15 = arith.cmpi ne, %rem3A, %ne3A_14 : i32
    %and3A = arith.andi %ne3A, %ne3A_15 : i1
    %sub3A = arith.constant 1 : i32
    %sub3A_16 = arith.subi %div3A, %sub3A : i32
    %select_n3A = arith.select %and3A, %sub3A_16, %div3A : i32
    %jit3A_17 = arith.constant 8 : i32
    %eq3A = arith.constant 0 : i32
    %eq3A_18 = arith.cmpi eq, %jit3A_17, %eq3A : i32
    %jit3A_19 = arith.constant 1 : i32
    %select_n3A_20 = arith.select %eq3A_18, %jit3A_19, %jit3A_17 : i32
    %rem3A_21 = arith.remsi %add3A, %select_n3A_20 : i32
    %ne3A_22 = arith.constant 0 : i32
    %ne3A_23 = arith.cmpi ne, %rem3A_21, %ne3A_22 : i32
    %lt3A = arith.constant 0 : i32
    %lt3A_24 = arith.cmpi slt, %rem3A_21, %lt3A : i32
    %lt3A_25 = arith.constant 0 : i32
    %lt3A_26 = arith.cmpi slt, %select_n3A_20, %lt3A_25 : i32
    %ne3A_27 = arith.xori %lt3A_24, %lt3A_26 : i1
    %and3A_28 = arith.andi %ne3A_27, %ne3A_23 : i1
    %add3A_29 = arith.addi %rem3A_21, %select_n3A_20 : i32
    %select_n3A_30 = arith.select %and3A_28, %add3A_29, %rem3A_21 : i32
    %mul3A_31 = arith.constant 256 : i32
    %mul3A_32 = arith.muli %select_n3A_30, %mul3A_31 : i32
    %add3A_33 = arith.constant 4 : i32
    %add3A_34 = arith.addi %add3A_33, %select_n3A : i32
    %mul3A_35 = arith.constant 256 : i32
    %mul3A_36 = arith.muli %add3A, %mul3A_35 : i32
    "tpu.region"() ({
      %run_scoped3A = tpu.sem_alloc : memref<!tpu.dma_semaphore, #tpu.memory_space<semaphore_mem>>
      tpu.enqueue_dma source(%arg4 : memref<512xf32, #tpu.memory_space<hbm>>) target(%arg6 : memref<512xf32, #tpu.memory_space<vmem>>) target_semaphore(%run_scoped3A : memref<!tpu.dma_semaphore, #tpu.memory_space<semaphore_mem>>)
      tpu.wait_dma2 semaphore(%run_scoped3A : memref<!tpu.dma_semaphore, #tpu.memory_space<semaphore_mem>>) src(%arg4 : memref<512xf32, #tpu.memory_space<hbm>>) dst(%arg6 : memref<512xf32, #tpu.memory_space<vmem>>)
      tpu.yield
    }) : () -> ()
    %lt3A_37 = arith.constant 512 : i32
    %lt3A_38 = arith.cmpi slt, %mul3A_32, %lt3A_37 : i32
    %convert_element_type3A = arith.extui %lt3A_38 : i1 to i32
    %cond3A = arith.constant -65536 : i32
    %cond3A_39 = arith.constant 0 : i32
    %cond3A_40 = arith.cmpi ne, %convert_element_type3A, %cond3A_39 : i32
    scf.if %cond3A_40 {
      %mul3A_46 = arith.constant 512 : i32
      %mul3A_47 = arith.muli %add3A_34, %mul3A_46 : i32
      %add3A_48 = arith.addi %mul3A_47, %mul3A_32 : i32
      %add3A_49 = arith.constant 0 : i32
      %add3A_50 = arith.addi %add3A_48, %add3A_49 : i32
      %dma_start3A = arith.constant 0 : i32
      %dma_start3A_51 = tpu.memref_slice %arg2[%add3A_50, %dma_start3A] : memref<8192x1024xi32, #tpu.memory_space<hbm>> -> memref<16x1024xi32, #tpu.memory_space<hbm>>
      %dma_start3A_52 = arith.constant 0 : i32
      %dma_start3A_53 = tpu.memref_slice %arg2[%add3A_50, %dma_start3A_52] : memref<8192x1024xi32, #tpu.memory_space<hbm>> -> memref<16x1024xi32, #tpu.memory_space<hbm>>
      tpu.enqueue_dma source(%dma_start3A_53 : memref<16x1024xi32, #tpu.memory_space<hbm>>) target(%arg7 : memref<16x1024xi32, #tpu.memory_space<vmem>>) target_semaphore(%arg11 : memref<!tpu.dma_semaphore, #tpu.memory_space<semaphore_mem>>)
      %scan3A = arith.constant 0 : i32
      %scan3A_54 = arith.constant 0 : i32
      %scan3A_55 = arith.constant 8 : i32
      %scan3A_56 = arith.addi %scan3A_54, %scan3A_55 : i32
      %scan3A_57 = arith.constant 1 : i32
      scf.for %scan3A_66 = %scan3A_54 to %scan3A_56 step %scan3A_57  : i32 {
        %mul3A_67 = arith.constant 2 : i32
        %mul3A_68 = arith.muli %scan3A_66, %mul3A_67 : i32
        %add3A_69 = arith.constant 1 : i32
        %add3A_70 = arith.addi %mul3A_68, %add3A_69 : i32
        %mul3A_71 = arith.constant 16 : i32
        %mul3A_72 = arith.muli %add3A_70, %mul3A_71 : i32
        %add3A_73 = arith.addi %add3A_48, %mul3A_72 : i32
        %dma_start3A_74 = arith.constant 0 : i32
        %dma_start3A_75 = tpu.memref_slice %arg2[%add3A_73, %dma_start3A_74] : memref<8192x1024xi32, #tpu.memory_space<hbm>> -> memref<16x1024xi32, #tpu.memory_space<hbm>>
        %dma_start3A_76 = arith.constant 0 : i32
        %dma_start3A_77 = tpu.memref_slice %arg2[%add3A_73, %dma_start3A_76] : memref<8192x1024xi32, #tpu.memory_space<hbm>> -> memref<16x1024xi32, #tpu.memory_space<hbm>>
        tpu.enqueue_dma source(%dma_start3A_77 : memref<16x1024xi32, #tpu.memory_space<hbm>>) target(%arg8 : memref<16x1024xi32, #tpu.memory_space<vmem>>) target_semaphore(%arg12 : memref<!tpu.dma_semaphore, #tpu.memory_space<semaphore_mem>>)
        %dma_wait3A_78 = arith.constant 0 : i32
        %dma_wait3A_79 = tpu.memref_slice %arg2[%add3A_48, %dma_wait3A_78] : memref<8192x1024xi32, #tpu.memory_space<hbm>> -> memref<16x1024xi32, #tpu.memory_space<hbm>>
        %dma_wait3A_80 = arith.constant 0 : i32
        %dma_wait3A_81 = tpu.memref_slice %arg2[%add3A_48, %dma_wait3A_80] : memref<8192x1024xi32, #tpu.memory_space<hbm>> -> memref<16x1024xi32, #tpu.memory_space<hbm>>
        tpu.wait_dma2 semaphore(%arg11 : memref<!tpu.dma_semaphore, #tpu.memory_space<semaphore_mem>>) src(%dma_wait3A_81 : memref<16x1024xi32, #tpu.memory_space<hbm>>) dst(%arg7 : memref<16x1024xi32, #tpu.memory_space<vmem>>)
        %gt3A = arith.constant 0 : i32
        %gt3A_82 = arith.cmpi sgt, %scan3A_66, %gt3A : i32
        %convert_element_type3A_83 = arith.extui %gt3A_82 : i1 to i32
        %cond3A_84 = arith.constant 0 : i32
        %cond3A_85 = arith.cmpi ne, %convert_element_type3A_83, %cond3A_84 : i32
        scf.if %cond3A_85 {
          %dma_wait3A_130 = arith.constant 0 : i32
          %dma_wait3A_131 = tpu.memref_slice %arg5[%mul3A_36, %dma_wait3A_130] : memref<8192x512xi32, #tpu.memory_space<hbm>> -> memref<16x512xi32, #tpu.memory_space<hbm>>
          %dma_wait3A_132 = arith.constant 0 : i32
          %dma_wait3A_133 = tpu.memref_slice %arg5[%mul3A_36, %dma_wait3A_132] : memref<8192x512xi32, #tpu.memory_space<hbm>> -> memref<16x512xi32, #tpu.memory_space<hbm>>
          tpu.wait_dma2 semaphore(%arg13 : memref<!tpu.dma_semaphore, #tpu.memory_space<semaphore_mem>>) src(%arg9 : memref<16x512xi32, #tpu.memory_space<vmem>>) dst(%dma_wait3A_133 : memref<16x512xi32, #tpu.memory_space<hbm>>)
        } else {
        }
        %scan3A_86 = arith.constant 0 : i32
        %scan3A_87 = arith.constant 0 : i32
        %scan3A_88 = arith.constant 16 : i32
        %scan3A_89 = arith.addi %scan3A_87, %scan3A_88 : i32
        %scan3A_90 = arith.constant 1 : i32
        scf.for %scan3A_130 = %scan3A_87 to %scan3A_89 step %scan3A_90  : i32 {
          %parallel_loop3A = arith.constant 0 : i32
          %parallel_loop3A_131 = arith.constant 512 : i32
          %parallel_loop3A_132 = arith.constant 16 : i32
          scf.for %parallel_loop3A_133 = %parallel_loop3A to %parallel_loop3A_131 step %parallel_loop3A_132  : i32 {
            %parallel_loop3A_134 = tpu.assume_multiple %parallel_loop3A_133, 16 : i32
            %parallel_loop3A_135 = arith.index_cast %scan3A_130 : i32 to index
            %parallel_loop3A_136 = arith.index_cast %parallel_loop3A_134 : i32 to index
            %parallel_loop3A_137 = tpu.vector_load %arg7[%parallel_loop3A_135, %parallel_loop3A_136] {strides = array<i32>} : memref<16x1024xi32, #tpu.memory_space<vmem>>, vector<16xi32>,
            %parallel_loop3A_138 = tpu.vector_load_idx %arg6[%parallel_loop3A_137] : memref<512xf32, #tpu.memory_space<vmem>>[vector<16xi32>], vector<16xf32>,
            %parallel_loop3A_139 = vector.bitcast %parallel_loop3A_138 : vector<16xf32> to vector<16xi32>
            %parallel_loop3A_140 = arith.constant 512 : i32
            %parallel_loop3A_141 = arith.addi %parallel_loop3A_134, %parallel_loop3A_140 : i32
            %parallel_loop3A_142 = arith.index_cast %scan3A_130 : i32 to index
            %parallel_loop3A_143 = arith.index_cast %parallel_loop3A_141 : i32 to index
            %parallel_loop3A_144 = tpu.vector_load %arg7[%parallel_loop3A_142, %parallel_loop3A_143] {strides = array<i32>} : memref<16x1024xi32, #tpu.memory_space<vmem>>, vector<16xi32>,
            %parallel_loop3A_145 = tpu.vector_load_idx %arg6[%parallel_loop3A_144] : memref<512xf32, #tpu.memory_space<vmem>>[vector<16xi32>], vector<16xf32>,
            %parallel_loop3A_146 = vector.bitcast %parallel_loop3A_145 : vector<16xf32> to vector<16xi32>
            %parallel_loop3A_147 = arith.constant 16 : i32
            %parallel_loop3A_148 = vector.broadcast %parallel_loop3A_147 : i32 to vector<16xi32>
            %parallel_loop3A_149 = arith.shrui %parallel_loop3A_139, %parallel_loop3A_148 : vector<16xi32>
            %parallel_loop3A_150 = vector.broadcast %cond3A : i32 to vector<16xi32>
            %parallel_loop3A_151 = arith.andi %parallel_loop3A_146, %parallel_loop3A_150 : vector<16xi32>
            %parallel_loop3A_152 = arith.ori %parallel_loop3A_149, %parallel_loop3A_151 : vector<16xi32>
            %parallel_loop3A_153 = arith.index_cast %scan3A_130 : i32 to index
            %parallel_loop3A_154 = arith.index_cast %parallel_loop3A_134 : i32 to index
            %parallel_loop3A_155 = tpu.vector_load %arg9[%parallel_loop3A_153, %parallel_loop3A_154] {strides = array<i32>} : memref<16x512xi32, #tpu.memory_space<vmem>>, vector<16xi32>,
            tpu.vector_store %arg9[%parallel_loop3A_153, %parallel_loop3A_154], %parallel_loop3A_152 {strides = array<i32>} : memref<16x512xi32, #tpu.memory_space<vmem>>, vector<16xi32>,
          } {sc.loop_unroll_factor = 4 : i64, sc.parallel_access}
        }
        %scan3A_91 = arith.constant 16 : i32
        %mul3A_92 = arith.constant 16 : i32
        %mul3A_93 = arith.muli %mul3A_68, %mul3A_92 : i32
        %add3A_94 = arith.addi %mul3A_36, %mul3A_93 : i32
        %dma_start3A_95 = arith.constant 0 : i32
        %dma_start3A_96 = tpu.memref_slice %arg5[%add3A_94, %dma_start3A_95] : memref<8192x512xi32, #tpu.memory_space<hbm>> -> memref<16x512xi32, #tpu.memory_space<hbm>>
        %dma_start3A_97 = arith.constant 0 : i32
        %dma_start3A_98 = tpu.memref_slice %arg5[%add3A_94, %dma_start3A_97] : memref<8192x512xi32, #tpu.memory_space<hbm>> -> memref<16x512xi32, #tpu.memory_space<hbm>>
        tpu.enqueue_dma source(%arg9 : memref<16x512xi32, #tpu.memory_space<vmem>>) target(%dma_start3A_98 : memref<16x512xi32, #tpu.memory_space<hbm>>) target_semaphore(%arg13 : memref<!tpu.dma_semaphore, #tpu.memory_space<semaphore_mem>>)
        %add3A_99 = arith.constant 1 : i32
        %add3A_100 = arith.addi %mul3A_68, %add3A_99 : i32
        %add3A_101 = arith.constant 1 : i32
        %add3A_102 = arith.addi %add3A_100, %add3A_101 : i32
        %lt3A_103 = arith.constant 16 : i32
        %lt3A_104 = arith.cmpi slt, %add3A_102, %lt3A_103 : i32
        %convert_element_type3A_105 = arith.extui %lt3A_104 : i1 to i32
        %cond3A_106 = arith.constant 0 : i32
        %cond3A_107 = arith.cmpi ne, %convert_element_type3A_105, %cond3A_106 : i32
        scf.if %cond3A_107 {
          %add3A_130 = arith.constant 1 : i32
          %add3A_131 = arith.addi %add3A_100, %add3A_130 : i32
          %mul3A_132 = arith.constant 16 : i32
          %mul3A_133 = arith.muli %add3A_131, %mul3A_132 : i32
          %add3A_134 = arith.addi %add3A_48, %mul3A_133 : i32
          %dma_start3A_135 = arith.constant 0 : i32
          %dma_start3A_136 = tpu.memref_slice %arg2[%add3A_134, %dma_start3A_135] : memref<8192x1024xi32, #tpu.memory_space<hbm>> -> memref<16x1024xi32, #tpu.memory_space<hbm>>
          %dma_start3A_137 = arith.constant 0 : i32
          %dma_start3A_138 = tpu.memref_slice %arg2[%add3A_134, %dma_start3A_137] : memref<8192x1024xi32, #tpu.memory_space<hbm>> -> memref<16x1024xi32, #tpu.memory_space<hbm>>
          tpu.enqueue_dma source(%dma_start3A_138 : memref<16x1024xi32, #tpu.memory_space<hbm>>) target(%arg7 : memref<16x1024xi32, #tpu.memory_space<vmem>>) target_semaphore(%arg11 : memref<!tpu.dma_semaphore, #tpu.memory_space<semaphore_mem>>)
        } else {
        }
        %dma_wait3A_108 = arith.constant 0 : i32
        %dma_wait3A_109 = tpu.memref_slice %arg2[%add3A_48, %dma_wait3A_108] : memref<8192x1024xi32, #tpu.memory_space<hbm>> -> memref<16x1024xi32, #tpu.memory_space<hbm>>
        %dma_wait3A_110 = arith.constant 0 : i32
        %dma_wait3A_111 = tpu.memref_slice %arg2[%add3A_48, %dma_wait3A_110] : memref<8192x1024xi32, #tpu.memory_space<hbm>> -> memref<16x1024xi32, #tpu.memory_space<hbm>>
        tpu.wait_dma2 semaphore(%arg12 : memref<!tpu.dma_semaphore, #tpu.memory_space<semaphore_mem>>) src(%dma_wait3A_111 : memref<16x1024xi32, #tpu.memory_space<hbm>>) dst(%arg8 : memref<16x1024xi32, #tpu.memory_space<vmem>>)
        %gt3A_112 = arith.constant 0 : i32
        %gt3A_113 = arith.cmpi sgt, %scan3A_66, %gt3A_112 : i32
        %convert_element_type3A_114 = arith.extui %gt3A_113 : i1 to i32
        %cond3A_115 = arith.constant 0 : i32
        %cond3A_116 = arith.cmpi ne, %convert_element_type3A_114, %cond3A_115 : i32
        scf.if %cond3A_116 {
          %dma_wait3A_130 = arith.constant 0 : i32
          %dma_wait3A_131 = tpu.memref_slice %arg5[%mul3A_36, %dma_wait3A_130] : memref<8192x512xi32, #tpu.memory_space<hbm>> -> memref<16x512xi32, #tpu.memory_space<hbm>>
          %dma_wait3A_132 = arith.constant 0 : i32
          %dma_wait3A_133 = tpu.memref_slice %arg5[%mul3A_36, %dma_wait3A_132] : memref<8192x512xi32, #tpu.memory_space<hbm>> -> memref<16x512xi32, #tpu.memory_space<hbm>>
          tpu.wait_dma2 semaphore(%arg14 : memref<!tpu.dma_semaphore, #tpu.memory_space<semaphore_mem>>) src(%arg10 : memref<16x512xi32, #tpu.memory_space<vmem>>) dst(%dma_wait3A_133 : memref<16x512xi32, #tpu.memory_space<hbm>>)
        } else {
        }
        %scan3A_117 = arith.constant 0 : i32
        %scan3A_118 = arith.constant 0 : i32
        %scan3A_119 = arith.constant 16 : i32
        %scan3A_120 = arith.addi %scan3A_118, %scan3A_119 : i32
        %scan3A_121 = arith.constant 1 : i32
        scf.for %scan3A_130 = %scan3A_118 to %scan3A_120 step %scan3A_121  : i32 {
          %parallel_loop3A = arith.constant 0 : i32
          %parallel_loop3A_131 = arith.constant 512 : i32
          %parallel_loop3A_132 = arith.constant 16 : i32
          scf.for %parallel_loop3A_133 = %parallel_loop3A to %parallel_loop3A_131 step %parallel_loop3A_132  : i32 {
            %parallel_loop3A_134 = tpu.assume_multiple %parallel_loop3A_133, 16 : i32
            %parallel_loop3A_135 = arith.index_cast %scan3A_130 : i32 to index
            %parallel_loop3A_136 = arith.index_cast %parallel_loop3A_134 : i32 to index
            %parallel_loop3A_137 = tpu.vector_load %arg8[%parallel_loop3A_135, %parallel_loop3A_136] {strides = array<i32>} : memref<16x1024xi32, #tpu.memory_space<vmem>>, vector<16xi32>,
            %parallel_loop3A_138 = tpu.vector_load_idx %arg6[%parallel_loop3A_137] : memref<512xf32, #tpu.memory_space<vmem>>[vector<16xi32>], vector<16xf32>,
            %parallel_loop3A_139 = vector.bitcast %parallel_loop3A_138 : vector<16xf32> to vector<16xi32>
            %parallel_loop3A_140 = arith.constant 512 : i32
            %parallel_loop3A_141 = arith.addi %parallel_loop3A_134, %parallel_loop3A_140 : i32
            %parallel_loop3A_142 = arith.index_cast %scan3A_130 : i32 to index
            %parallel_loop3A_143 = arith.index_cast %parallel_loop3A_141 : i32 to index
            %parallel_loop3A_144 = tpu.vector_load %arg8[%parallel_loop3A_142, %parallel_loop3A_143] {strides = array<i32>} : memref<16x1024xi32, #tpu.memory_space<vmem>>, vector<16xi32>,
            %parallel_loop3A_145 = tpu.vector_load_idx %arg6[%parallel_loop3A_144] : memref<512xf32, #tpu.memory_space<vmem>>[vector<16xi32>], vector<16xf32>,
            %parallel_loop3A_146 = vector.bitcast %parallel_loop3A_145 : vector<16xf32> to vector<16xi32>
            %parallel_loop3A_147 = arith.constant 16 : i32
            %parallel_loop3A_148 = vector.broadcast %parallel_loop3A_147 : i32 to vector<16xi32>
            %parallel_loop3A_149 = arith.shrui %parallel_loop3A_139, %parallel_loop3A_148 : vector<16xi32>
            %parallel_loop3A_150 = vector.broadcast %cond3A : i32 to vector<16xi32>
            %parallel_loop3A_151 = arith.andi %parallel_loop3A_146, %parallel_loop3A_150 : vector<16xi32>
            %parallel_loop3A_152 = arith.ori %parallel_loop3A_149, %parallel_loop3A_151 : vector<16xi32>
            %parallel_loop3A_153 = arith.index_cast %scan3A_130 : i32 to index
            %parallel_loop3A_154 = arith.index_cast %parallel_loop3A_134 : i32 to index
            %parallel_loop3A_155 = tpu.vector_load %arg10[%parallel_loop3A_153, %parallel_loop3A_154] {strides = array<i32>} : memref<16x512xi32, #tpu.memory_space<vmem>>, vector<16xi32>,
            tpu.vector_store %arg10[%parallel_loop3A_153, %parallel_loop3A_154], %parallel_loop3A_152 {strides = array<i32>} : memref<16x512xi32, #tpu.memory_space<vmem>>, vector<16xi32>,
          } {sc.loop_unroll_factor = 4 : i64, sc.parallel_access}
        }
        %scan3A_122 = arith.constant 16 : i32
        %mul3A_123 = arith.constant 16 : i32
        %mul3A_124 = arith.muli %add3A_100, %mul3A_123 : i32
        %add3A_125 = arith.addi %mul3A_36, %mul3A_124 : i32
        %dma_start3A_126 = arith.constant 0 : i32
        %dma_start3A_127 = tpu.memref_slice %arg5[%add3A_125, %dma_start3A_126] : memref<8192x512xi32, #tpu.memory_space<hbm>> -> memref<16x512xi32, #tpu.memory_space<hbm>>
        %dma_start3A_128 = arith.constant 0 : i32
        %dma_start3A_129 = tpu.memref_slice %arg5[%add3A_125, %dma_start3A_128] : memref<8192x512xi32, #tpu.memory_space<hbm>> -> memref<16x512xi32, #tpu.memory_space<hbm>>
        tpu.enqueue_dma source(%arg10 : memref<16x512xi32, #tpu.memory_space<vmem>>) target(%dma_start3A_129 : memref<16x512xi32, #tpu.memory_space<hbm>>) target_semaphore(%arg14 : memref<!tpu.dma_semaphore, #tpu.memory_space<semaphore_mem>>)
      }
      %scan3A_58 = arith.constant 8 : i32
      %dma_wait3A = arith.constant 0 : i32
      %dma_wait3A_59 = tpu.memref_slice %arg5[%mul3A_36, %dma_wait3A] : memref<8192x512xi32, #tpu.memory_space<hbm>> -> memref<16x512xi32, #tpu.memory_space<hbm>>
      %dma_wait3A_60 = arith.constant 0 : i32
      %dma_wait3A_61 = tpu.memref_slice %arg5[%mul3A_36, %dma_wait3A_60] : memref<8192x512xi32, #tpu.memory_space<hbm>> -> memref<16x512xi32, #tpu.memory_space<hbm>>
      tpu.wait_dma2 semaphore(%arg13 : memref<!tpu.dma_semaphore, #tpu.memory_space<semaphore_mem>>) src(%arg9 : memref<16x512xi32, #tpu.memory_space<vmem>>) dst(%dma_wait3A_61 : memref<16x512xi32, #tpu.memory_space<hbm>>)
      %dma_wait3A_62 = arith.constant 0 : i32
      %dma_wait3A_63 = tpu.memref_slice %arg5[%mul3A_36, %dma_wait3A_62] : memref<8192x512xi32, #tpu.memory_space<hbm>> -> memref<16x512xi32, #tpu.memory_space<hbm>>
      %dma_wait3A_64 = arith.constant 0 : i32
      %dma_wait3A_65 = tpu.memref_slice %arg5[%mul3A_36, %dma_wait3A_64] : memref<8192x512xi32, #tpu.memory_space<hbm>> -> memref<16x512xi32, #tpu.memory_space<hbm>>
      tpu.wait_dma2 semaphore(%arg14 : memref<!tpu.dma_semaphore, #tpu.memory_space<semaphore_mem>>) src(%arg10 : memref<16x512xi32, #tpu.memory_space<vmem>>) dst(%dma_wait3A_65 : memref<16x512xi32, #tpu.memory_space<hbm>>)
    } else {
    }
    %ge3A = arith.constant 512 : i32
    %ge3A_41 = arith.cmpi sge, %mul3A_32, %ge3A : i32
    %convert_element_type3A_42 = arith.extui %ge3A_41 : i1 to i32
    %cond3A_43 = arith.constant -65536 : i32
    %cond3A_44 = arith.constant 0 : i32
    %cond3A_45 = arith.cmpi ne, %convert_element_type3A_42, %cond3A_44 : i32
    scf.if %cond3A_45 {
      %mul3A_46 = arith.constant 1536 : i32
      %mul3A_47 = arith.muli %add3A_34, %mul3A_46 : i32
      %sub3A_48 = arith.constant 512 : i32
      %sub3A_49 = arith.subi %mul3A_32, %sub3A_48 : i32
      %add3A_50 = arith.addi %mul3A_47, %sub3A_49 : i32
      %add3A_51 = arith.constant 0 : i32
      %add3A_52 = arith.addi %add3A_50, %add3A_51 : i32
      %dma_start3A = arith.constant 0 : i32
      %dma_start3A_53 = tpu.memref_slice %arg3[%add3A_52, %dma_start3A] : memref<24576x1024xi32, #tpu.memory_space<hbm>> -> memref<16x1024xi32, #tpu.memory_space<hbm>>
      %dma_start3A_54 = arith.constant 0 : i32
      %dma_start3A_55 = tpu.memref_slice %arg3[%add3A_52, %dma_start3A_54] : memref<24576x1024xi32, #tpu.memory_space<hbm>> -> memref<16x1024xi32, #tpu.memory_space<hbm>>
      tpu.enqueue_dma source(%dma_start3A_55 : memref<16x1024xi32, #tpu.memory_space<hbm>>) target(%arg7 : memref<16x1024xi32, #tpu.memory_space<vmem>>) target_semaphore(%arg11 : memref<!tpu.dma_semaphore, #tpu.memory_space<semaphore_mem>>)
      %scan3A = arith.constant 0 : i32
      %scan3A_56 = arith.constant 0 : i32
      %scan3A_57 = arith.constant 8 : i32
      %scan3A_58 = arith.addi %scan3A_56, %scan3A_57 : i32
      %scan3A_59 = arith.constant 1 : i32
      scf.for %scan3A_68 = %scan3A_56 to %scan3A_58 step %scan3A_59  : i32 {
        %mul3A_69 = arith.constant 2 : i32
        %mul3A_70 = arith.muli %scan3A_68, %mul3A_69 : i32
        %add3A_71 = arith.constant 1 : i32
        %add3A_72 = arith.addi %mul3A_70, %add3A_71 : i32
        %mul3A_73 = arith.constant 16 : i32
        %mul3A_74 = arith.muli %add3A_72, %mul3A_73 : i32
        %add3A_75 = arith.addi %add3A_50, %mul3A_74 : i32
        %dma_start3A_76 = arith.constant 0 : i32
        %dma_start3A_77 = tpu.memref_slice %arg3[%add3A_75, %dma_start3A_76] : memref<24576x1024xi32, #tpu.memory_space<hbm>> -> memref<16x1024xi32, #tpu.memory_space<hbm>>
        %dma_start3A_78 = arith.constant 0 : i32
        %dma_start3A_79 = tpu.memref_slice %arg3[%add3A_75, %dma_start3A_78] : memref<24576x1024xi32, #tpu.memory_space<hbm>> -> memref<16x1024xi32, #tpu.memory_space<hbm>>
        tpu.enqueue_dma source(%dma_start3A_79 : memref<16x1024xi32, #tpu.memory_space<hbm>>) target(%arg8 : memref<16x1024xi32, #tpu.memory_space<vmem>>) target_semaphore(%arg12 : memref<!tpu.dma_semaphore, #tpu.memory_space<semaphore_mem>>)
        %dma_wait3A_80 = arith.constant 0 : i32
        %dma_wait3A_81 = tpu.memref_slice %arg3[%add3A_50, %dma_wait3A_80] : memref<24576x1024xi32, #tpu.memory_space<hbm>> -> memref<16x1024xi32, #tpu.memory_space<hbm>>
        %dma_wait3A_82 = arith.constant 0 : i32
        %dma_wait3A_83 = tpu.memref_slice %arg3[%add3A_50, %dma_wait3A_82] : memref<24576x1024xi32, #tpu.memory_space<hbm>> -> memref<16x1024xi32, #tpu.memory_space<hbm>>
        tpu.wait_dma2 semaphore(%arg11 : memref<!tpu.dma_semaphore, #tpu.memory_space<semaphore_mem>>) src(%dma_wait3A_83 : memref<16x1024xi32, #tpu.memory_space<hbm>>) dst(%arg7 : memref<16x1024xi32, #tpu.memory_space<vmem>>)
        %gt3A = arith.constant 0 : i32
        %gt3A_84 = arith.cmpi sgt, %scan3A_68, %gt3A : i32
        %convert_element_type3A_85 = arith.extui %gt3A_84 : i1 to i32
        %cond3A_86 = arith.constant 0 : i32
        %cond3A_87 = arith.cmpi ne, %convert_element_type3A_85, %cond3A_86 : i32
        scf.if %cond3A_87 {
          %dma_wait3A_132 = arith.constant 0 : i32
          %dma_wait3A_133 = tpu.memref_slice %arg5[%mul3A_36, %dma_wait3A_132] : memref<8192x512xi32, #tpu.memory_space<hbm>> -> memref<16x512xi32, #tpu.memory_space<hbm>>
          %dma_wait3A_134 = arith.constant 0 : i32
          %dma_wait3A_135 = tpu.memref_slice %arg5[%mul3A_36, %dma_wait3A_134] : memref<8192x512xi32, #tpu.memory_space<hbm>> -> memref<16x512xi32, #tpu.memory_space<hbm>>
          tpu.wait_dma2 semaphore(%arg13 : memref<!tpu.dma_semaphore, #tpu.memory_space<semaphore_mem>>) src(%arg9 : memref<16x512xi32, #tpu.memory_space<vmem>>) dst(%dma_wait3A_135 : memref<16x512xi32, #tpu.memory_space<hbm>>)
        } else {
        }
        %scan3A_88 = arith.constant 0 : i32
        %scan3A_89 = arith.constant 0 : i32
        %scan3A_90 = arith.constant 16 : i32
        %scan3A_91 = arith.addi %scan3A_89, %scan3A_90 : i32
        %scan3A_92 = arith.constant 1 : i32
        scf.for %scan3A_132 = %scan3A_89 to %scan3A_91 step %scan3A_92  : i32 {
          %parallel_loop3A = arith.constant 0 : i32
          %parallel_loop3A_133 = arith.constant 512 : i32
          %parallel_loop3A_134 = arith.constant 16 : i32
          scf.for %parallel_loop3A_135 = %parallel_loop3A to %parallel_loop3A_133 step %parallel_loop3A_134  : i32 {
            %parallel_loop3A_136 = tpu.assume_multiple %parallel_loop3A_135, 16 : i32
            %parallel_loop3A_137 = arith.index_cast %scan3A_132 : i32 to index
            %parallel_loop3A_138 = arith.index_cast %parallel_loop3A_136 : i32 to index
            %parallel_loop3A_139 = tpu.vector_load %arg7[%parallel_loop3A_137, %parallel_loop3A_138] {strides = array<i32>} : memref<16x1024xi32, #tpu.memory_space<vmem>>, vector<16xi32>,
            %parallel_loop3A_140 = tpu.vector_load_idx %arg6[%parallel_loop3A_139] : memref<512xf32, #tpu.memory_space<vmem>>[vector<16xi32>], vector<16xf32>,
            %parallel_loop3A_141 = vector.bitcast %parallel_loop3A_140 : vector<16xf32> to vector<16xi32>
            %parallel_loop3A_142 = arith.constant 512 : i32
            %parallel_loop3A_143 = arith.addi %parallel_loop3A_136, %parallel_loop3A_142 : i32
            %parallel_loop3A_144 = arith.index_cast %scan3A_132 : i32 to index
            %parallel_loop3A_145 = arith.index_cast %parallel_loop3A_143 : i32 to index
            %parallel_loop3A_146 = tpu.vector_load %arg7[%parallel_loop3A_144, %parallel_loop3A_145] {strides = array<i32>} : memref<16x1024xi32, #tpu.memory_space<vmem>>, vector<16xi32>,
            %parallel_loop3A_147 = tpu.vector_load_idx %arg6[%parallel_loop3A_146] : memref<512xf32, #tpu.memory_space<vmem>>[vector<16xi32>], vector<16xf32>,
            %parallel_loop3A_148 = vector.bitcast %parallel_loop3A_147 : vector<16xf32> to vector<16xi32>
            %parallel_loop3A_149 = arith.constant 16 : i32
            %parallel_loop3A_150 = vector.broadcast %parallel_loop3A_149 : i32 to vector<16xi32>
            %parallel_loop3A_151 = arith.shrui %parallel_loop3A_141, %parallel_loop3A_150 : vector<16xi32>
            %parallel_loop3A_152 = vector.broadcast %cond3A_43 : i32 to vector<16xi32>
            %parallel_loop3A_153 = arith.andi %parallel_loop3A_148, %parallel_loop3A_152 : vector<16xi32>
            %parallel_loop3A_154 = arith.ori %parallel_loop3A_151, %parallel_loop3A_153 : vector<16xi32>
            %parallel_loop3A_155 = arith.index_cast %scan3A_132 : i32 to index
            %parallel_loop3A_156 = arith.index_cast %parallel_loop3A_136 : i32 to index
            %parallel_loop3A_157 = tpu.vector_load %arg9[%parallel_loop3A_155, %parallel_loop3A_156] {strides = array<i32>} : memref<16x512xi32, #tpu.memory_space<vmem>>, vector<16xi32>,
            tpu.vector_store %arg9[%parallel_loop3A_155, %parallel_loop3A_156], %parallel_loop3A_154 {strides = array<i32>} : memref<16x512xi32, #tpu.memory_space<vmem>>, vector<16xi32>,
          } {sc.loop_unroll_factor = 4 : i64, sc.parallel_access}
        }
        %scan3A_93 = arith.constant 16 : i32
        %mul3A_94 = arith.constant 16 : i32
        %mul3A_95 = arith.muli %mul3A_70, %mul3A_94 : i32
        %add3A_96 = arith.addi %mul3A_36, %mul3A_95 : i32
        %dma_start3A_97 = arith.constant 0 : i32
        %dma_start3A_98 = tpu.memref_slice %arg5[%add3A_96, %dma_start3A_97] : memref<8192x512xi32, #tpu.memory_space<hbm>> -> memref<16x512xi32, #tpu.memory_space<hbm>>
        %dma_start3A_99 = arith.constant 0 : i32
        %dma_start3A_100 = tpu.memref_slice %arg5[%add3A_96, %dma_start3A_99] : memref<8192x512xi32, #tpu.memory_space<hbm>> -> memref<16x512xi32, #tpu.memory_space<hbm>>
        tpu.enqueue_dma source(%arg9 : memref<16x512xi32, #tpu.memory_space<vmem>>) target(%dma_start3A_100 : memref<16x512xi32, #tpu.memory_space<hbm>>) target_semaphore(%arg13 : memref<!tpu.dma_semaphore, #tpu.memory_space<semaphore_mem>>)
        %add3A_101 = arith.constant 1 : i32
        %add3A_102 = arith.addi %mul3A_70, %add3A_101 : i32
        %add3A_103 = arith.constant 1 : i32
        %add3A_104 = arith.addi %add3A_102, %add3A_103 : i32
        %lt3A_105 = arith.constant 16 : i32
        %lt3A_106 = arith.cmpi slt, %add3A_104, %lt3A_105 : i32
        %convert_element_type3A_107 = arith.extui %lt3A_106 : i1 to i32
        %cond3A_108 = arith.constant 0 : i32
        %cond3A_109 = arith.cmpi ne, %convert_element_type3A_107, %cond3A_108 : i32
        scf.if %cond3A_109 {
          %add3A_132 = arith.constant 1 : i32
          %add3A_133 = arith.addi %add3A_102, %add3A_132 : i32
          %mul3A_134 = arith.constant 16 : i32
          %mul3A_135 = arith.muli %add3A_133, %mul3A_134 : i32
          %add3A_136 = arith.addi %add3A_50, %mul3A_135 : i32
          %dma_start3A_137 = arith.constant 0 : i32
          %dma_start3A_138 = tpu.memref_slice %arg3[%add3A_136, %dma_start3A_137] : memref<24576x1024xi32, #tpu.memory_space<hbm>> -> memref<16x1024xi32, #tpu.memory_space<hbm>>
          %dma_start3A_139 = arith.constant 0 : i32
          %dma_start3A_140 = tpu.memref_slice %arg3[%add3A_136, %dma_start3A_139] : memref<24576x1024xi32, #tpu.memory_space<hbm>> -> memref<16x1024xi32, #tpu.memory_space<hbm>>
          tpu.enqueue_dma source(%dma_start3A_140 : memref<16x1024xi32, #tpu.memory_space<hbm>>) target(%arg7 : memref<16x1024xi32, #tpu.memory_space<vmem>>) target_semaphore(%arg11 : memref<!tpu.dma_semaphore, #tpu.memory_space<semaphore_mem>>)
        } else {
        }
        %dma_wait3A_110 = arith.constant 0 : i32
        %dma_wait3A_111 = tpu.memref_slice %arg3[%add3A_50, %dma_wait3A_110] : memref<24576x1024xi32, #tpu.memory_space<hbm>> -> memref<16x1024xi32, #tpu.memory_space<hbm>>
        %dma_wait3A_112 = arith.constant 0 : i32
        %dma_wait3A_113 = tpu.memref_slice %arg3[%add3A_50, %dma_wait3A_112] : memref<24576x1024xi32, #tpu.memory_space<hbm>> -> memref<16x1024xi32, #tpu.memory_space<hbm>>
        tpu.wait_dma2 semaphore(%arg12 : memref<!tpu.dma_semaphore, #tpu.memory_space<semaphore_mem>>) src(%dma_wait3A_113 : memref<16x1024xi32, #tpu.memory_space<hbm>>) dst(%arg8 : memref<16x1024xi32, #tpu.memory_space<vmem>>)
        %gt3A_114 = arith.constant 0 : i32
        %gt3A_115 = arith.cmpi sgt, %scan3A_68, %gt3A_114 : i32
        %convert_element_type3A_116 = arith.extui %gt3A_115 : i1 to i32
        %cond3A_117 = arith.constant 0 : i32
        %cond3A_118 = arith.cmpi ne, %convert_element_type3A_116, %cond3A_117 : i32
        scf.if %cond3A_118 {
          %dma_wait3A_132 = arith.constant 0 : i32
          %dma_wait3A_133 = tpu.memref_slice %arg5[%mul3A_36, %dma_wait3A_132] : memref<8192x512xi32, #tpu.memory_space<hbm>> -> memref<16x512xi32, #tpu.memory_space<hbm>>
          %dma_wait3A_134 = arith.constant 0 : i32
          %dma_wait3A_135 = tpu.memref_slice %arg5[%mul3A_36, %dma_wait3A_134] : memref<8192x512xi32, #tpu.memory_space<hbm>> -> memref<16x512xi32, #tpu.memory_space<hbm>>
          tpu.wait_dma2 semaphore(%arg14 : memref<!tpu.dma_semaphore, #tpu.memory_space<semaphore_mem>>) src(%arg10 : memref<16x512xi32, #tpu.memory_space<vmem>>) dst(%dma_wait3A_135 : memref<16x512xi32, #tpu.memory_space<hbm>>)
        } else {
        }
        %scan3A_119 = arith.constant 0 : i32
        %scan3A_120 = arith.constant 0 : i32
        %scan3A_121 = arith.constant 16 : i32
        %scan3A_122 = arith.addi %scan3A_120, %scan3A_121 : i32
        %scan3A_123 = arith.constant 1 : i32
        scf.for %scan3A_132 = %scan3A_120 to %scan3A_122 step %scan3A_123  : i32 {
          %parallel_loop3A = arith.constant 0 : i32
          %parallel_loop3A_133 = arith.constant 512 : i32
          %parallel_loop3A_134 = arith.constant 16 : i32
          scf.for %parallel_loop3A_135 = %parallel_loop3A to %parallel_loop3A_133 step %parallel_loop3A_134  : i32 {
            %parallel_loop3A_136 = tpu.assume_multiple %parallel_loop3A_135, 16 : i32
            %parallel_loop3A_137 = arith.index_cast %scan3A_132 : i32 to index
            %parallel_loop3A_138 = arith.index_cast %parallel_loop3A_136 : i32 to index
            %parallel_loop3A_139 = tpu.vector_load %arg8[%parallel_loop3A_137, %parallel_loop3A_138] {strides = array<i32>} : memref<16x1024xi32, #tpu.memory_space<vmem>>, vector<16xi32>,
            %parallel_loop3A_140 = tpu.vector_load_idx %arg6[%parallel_loop3A_139] : memref<512xf32, #tpu.memory_space<vmem>>[vector<16xi32>], vector<16xf32>,
            %parallel_loop3A_141 = vector.bitcast %parallel_loop3A_140 : vector<16xf32> to vector<16xi32>
            %parallel_loop3A_142 = arith.constant 512 : i32
            %parallel_loop3A_143 = arith.addi %parallel_loop3A_136, %parallel_loop3A_142 : i32
            %parallel_loop3A_144 = arith.index_cast %scan3A_132 : i32 to index
            %parallel_loop3A_145 = arith.index_cast %parallel_loop3A_143 : i32 to index
            %parallel_loop3A_146 = tpu.vector_load %arg8[%parallel_loop3A_144, %parallel_loop3A_145] {strides = array<i32>} : memref<16x1024xi32, #tpu.memory_space<vmem>>, vector<16xi32>,
            %parallel_loop3A_147 = tpu.vector_load_idx %arg6[%parallel_loop3A_146] : memref<512xf32, #tpu.memory_space<vmem>>[vector<16xi32>], vector<16xf32>,
            %parallel_loop3A_148 = vector.bitcast %parallel_loop3A_147 : vector<16xf32> to vector<16xi32>
            %parallel_loop3A_149 = arith.constant 16 : i32
            %parallel_loop3A_150 = vector.broadcast %parallel_loop3A_149 : i32 to vector<16xi32>
            %parallel_loop3A_151 = arith.shrui %parallel_loop3A_141, %parallel_loop3A_150 : vector<16xi32>
            %parallel_loop3A_152 = vector.broadcast %cond3A_43 : i32 to vector<16xi32>
            %parallel_loop3A_153 = arith.andi %parallel_loop3A_148, %parallel_loop3A_152 : vector<16xi32>
            %parallel_loop3A_154 = arith.ori %parallel_loop3A_151, %parallel_loop3A_153 : vector<16xi32>
            %parallel_loop3A_155 = arith.index_cast %scan3A_132 : i32 to index
            %parallel_loop3A_156 = arith.index_cast %parallel_loop3A_136 : i32 to index
            %parallel_loop3A_157 = tpu.vector_load %arg10[%parallel_loop3A_155, %parallel_loop3A_156] {strides = array<i32>} : memref<16x512xi32, #tpu.memory_space<vmem>>, vector<16xi32>,
            tpu.vector_store %arg10[%parallel_loop3A_155, %parallel_loop3A_156], %parallel_loop3A_154 {strides = array<i32>} : memref<16x512xi32, #tpu.memory_space<vmem>>, vector<16xi32>,
          } {sc.loop_unroll_factor = 4 : i64, sc.parallel_access}
        }
        %scan3A_124 = arith.constant 16 : i32
        %mul3A_125 = arith.constant 16 : i32
        %mul3A_126 = arith.muli %add3A_102, %mul3A_125 : i32
        %add3A_127 = arith.addi %mul3A_36, %mul3A_126 : i32
        %dma_start3A_128 = arith.constant 0 : i32
        %dma_start3A_129 = tpu.memref_slice %arg5[%add3A_127, %dma_start3A_128] : memref<8192x512xi32, #tpu.memory_space<hbm>> -> memref<16x512xi32, #tpu.memory_space<hbm>>
        %dma_start3A_130 = arith.constant 0 : i32
        %dma_start3A_131 = tpu.memref_slice %arg5[%add3A_127, %dma_start3A_130] : memref<8192x512xi32, #tpu.memory_space<hbm>> -> memref<16x512xi32, #tpu.memory_space<hbm>>
        tpu.enqueue_dma source(%arg10 : memref<16x512xi32, #tpu.memory_space<vmem>>) target(%dma_start3A_131 : memref<16x512xi32, #tpu.memory_space<hbm>>) target_semaphore(%arg14 : memref<!tpu.dma_semaphore, #tpu.memory_space<semaphore_mem>>)
      }
      %scan3A_60 = arith.constant 8 : i32
      %dma_wait3A = arith.constant 0 : i32
      %dma_wait3A_61 = tpu.memref_slice %arg5[%mul3A_36, %dma_wait3A] : memref<8192x512xi32, #tpu.memory_space<hbm>> -> memref<16x512xi32, #tpu.memory_space<hbm>>
      %dma_wait3A_62 = arith.constant 0 : i32
      %dma_wait3A_63 = tpu.memref_slice %arg5[%mul3A_36, %dma_wait3A_62] : memref<8192x512xi32, #tpu.memory_space<hbm>> -> memref<16x512xi32, #tpu.memory_space<hbm>>
      tpu.wait_dma2 semaphore(%arg13 : memref<!tpu.dma_semaphore, #tpu.memory_space<semaphore_mem>>) src(%arg9 : memref<16x512xi32, #tpu.memory_space<vmem>>) dst(%dma_wait3A_63 : memref<16x512xi32, #tpu.memory_space<hbm>>)
      %dma_wait3A_64 = arith.constant 0 : i32
      %dma_wait3A_65 = tpu.memref_slice %arg5[%mul3A_36, %dma_wait3A_64] : memref<8192x512xi32, #tpu.memory_space<hbm>> -> memref<16x512xi32, #tpu.memory_space<hbm>>
      %dma_wait3A_66 = arith.constant 0 : i32
      %dma_wait3A_67 = tpu.memref_slice %arg5[%mul3A_36, %dma_wait3A_66] : memref<8192x512xi32, #tpu.memory_space<hbm>> -> memref<16x512xi32, #tpu.memory_space<hbm>>
      tpu.wait_dma2 semaphore(%arg14 : memref<!tpu.dma_semaphore, #tpu.memory_space<semaphore_mem>>) src(%arg10 : memref<16x512xi32, #tpu.memory_space<vmem>>) dst(%dma_wait3A_67 : memref<16x512xi32, #tpu.memory_space<hbm>>)
    } else {
    }
    return
  }
}

#map = affine_map<(d0, d1) -> (0, 0)>
#map1 = affine_map<(d0, d1) -> (0)>
module attributes {stable_mosaic.version = 14 : i64} {
  func.func @body(%arg0: i32, %arg1: i32, %arg2: memref<8192x1024xi32, #tpu.memory_space<hbm>>, %arg3: memref<24576x1024xi32, #tpu.memory_space<hbm>>, %arg4: memref<512xf32, #tpu.memory_space<hbm>>, %arg5: memref<8192x512xi32, #tpu.memory_space<hbm>>, %arg6: memref<512xf32, #tpu.memory_space<vmem>>, %arg7: memref<16x1024xi32, #tpu.memory_space<vmem>>, %arg8: memref<16x1024xi32, #tpu.memory_space<vmem>>, %arg9: memref<16x512xi32, #tpu.memory_space<vmem>>, %arg10: memref<16x512xi32, #tpu.memory_space<vmem>>, %arg11: memref<!tpu.dma_semaphore, #tpu.memory_space<semaphore_mem>>, %arg12: memref<!tpu.dma_semaphore, #tpu.memory_space<semaphore_mem>>, %arg13: memref<!tpu.dma_semaphore, #tpu.memory_space<semaphore_mem>>, %arg14: memref<!tpu.dma_semaphore, #tpu.memory_space<semaphore_mem>>) attributes {dimension_semantics = [#tpu.dimension_semantics<core_parallel>, #tpu.dimension_semantics<subcore_parallel>], iteration_bounds = array<i64: 2, 16>, scalar_prefetch = 0 : i64, scratch_operands = 9 : i64, tpu.core_type = #tpu.core_type<sc_vector_subcore>, window_params = [{transform_indices = #map}, {transform_indices = #map}, {transform_indices = #map1}, {transform_indices = #map}]} {
    %mul3A = arith.constant 2 : i32
    %mul3A_0 = arith.muli %arg1, %mul3A : i32
    %add3A = arith.addi %mul3A_0, %arg0 : i32
    %jit3A = arith.constant 8 : i32
    %div3A = arith.divsi %add3A, %jit3A : i32
    %sign3A = arith.constant 0 : i32
    %sign3A_1 = arith.cmpi sgt, %add3A, %sign3A : i32
    %sign3A_2 = arith.extui %sign3A_1 : i1 to i32
    %sign3A_3 = arith.constant 0 : i32
    %sign3A_4 = arith.cmpi slt, %add3A, %sign3A_3 : i32
    %sign3A_5 = arith.extui %sign3A_4 : i1 to i32
    %sign3A_6 = arith.subi %sign3A_2, %sign3A_5 : i32
    %sign3A_7 = arith.constant 0 : i32
    %sign3A_8 = arith.cmpi sgt, %jit3A, %sign3A_7 : i32
    %sign3A_9 = arith.extui %sign3A_8 : i1 to i32
    %sign3A_10 = arith.constant 0 : i32
    %sign3A_11 = arith.cmpi slt, %jit3A, %sign3A_10 : i32
    %sign3A_12 = arith.extui %sign3A_11 : i1 to i32
    %sign3A_13 = arith.subi %sign3A_9, %sign3A_12 : i32
    %ne3A = arith.cmpi ne, %sign3A_6, %sign3A_13 : i32
    %rem3A = arith.remsi %add3A, %jit3A : i32
    %ne3A_14 = arith.constant 0 : i32
    %ne3A_15 = arith.cmpi ne, %rem3A, %ne3A_14 : i32
    %and3A = arith.andi %ne3A, %ne3A_15 : i1
    %sub3A = arith.constant 1 : i32
    %sub3A_16 = arith.subi %div3A, %sub3A : i32
    %select_n3A = arith.select %and3A, %sub3A_16, %div3A : i32
    %jit3A_17 = arith.constant 8 : i32
    %eq3A = arith.constant 0 : i32
    %eq3A_18 = arith.cmpi eq, %jit3A_17, %eq3A : i32
    %jit3A_19 = arith.constant 1 : i32
    %select_n3A_20 = arith.select %eq3A_18, %jit3A_19, %jit3A_17 : i32
    %rem3A_21 = arith.remsi %add3A, %select_n3A_20 : i32
    %ne3A_22 = arith.constant 0 : i32
    %ne3A_23 = arith.cmpi ne, %rem3A_21, %ne3A_22 : i32
    %lt3A = arith.constant 0 : i32
    %lt3A_24 = arith.cmpi slt, %rem3A_21, %lt3A : i32
    %lt3A_25 = arith.constant 0 : i32
    %lt3A_26 = arith.cmpi slt, %select_n3A_20, %lt3A_25 : i32
    %ne3A_27 = arith.xori %lt3A_24, %lt3A_26 : i1
    %and3A_28 = arith.andi %ne3A_27, %ne3A_23 : i1
    %add3A_29 = arith.addi %rem3A_21, %select_n3A_20 : i32
    %select_n3A_30 = arith.select %and3A_28, %add3A_29, %rem3A_21 : i32
    %mul3A_31 = arith.constant 256 : i32
    %mul3A_32 = arith.muli %select_n3A_30, %mul3A_31 : i32
    %add3A_33 = arith.constant 8 : i32
    %add3A_34 = arith.addi %add3A_33, %select_n3A : i32
    %mul3A_35 = arith.constant 256 : i32
    %mul3A_36 = arith.muli %add3A, %mul3A_35 : i32
    "tpu.region"() ({
      %run_scoped3A = tpu.sem_alloc : memref<!tpu.dma_semaphore, #tpu.memory_space<semaphore_mem>>
      tpu.enqueue_dma source(%arg4 : memref<512xf32, #tpu.memory_space<hbm>>) target(%arg6 : memref<512xf32, #tpu.memory_space<vmem>>) target_semaphore(%run_scoped3A : memref<!tpu.dma_semaphore, #tpu.memory_space<semaphore_mem>>)
      tpu.wait_dma2 semaphore(%run_scoped3A : memref<!tpu.dma_semaphore, #tpu.memory_space<semaphore_mem>>) src(%arg4 : memref<512xf32, #tpu.memory_space<hbm>>) dst(%arg6 : memref<512xf32, #tpu.memory_space<vmem>>)
      tpu.yield
    }) : () -> ()
    %lt3A_37 = arith.constant 512 : i32
    %lt3A_38 = arith.cmpi slt, %mul3A_32, %lt3A_37 : i32
    %convert_element_type3A = arith.extui %lt3A_38 : i1 to i32
    %cond3A = arith.constant -65536 : i32
    %cond3A_39 = arith.constant 0 : i32
    %cond3A_40 = arith.cmpi ne, %convert_element_type3A, %cond3A_39 : i32
    scf.if %cond3A_40 {
      %mul3A_46 = arith.constant 512 : i32
      %mul3A_47 = arith.muli %add3A_34, %mul3A_46 : i32
      %add3A_48 = arith.addi %mul3A_47, %mul3A_32 : i32
      %add3A_49 = arith.constant 0 : i32
      %add3A_50 = arith.addi %add3A_48, %add3A_49 : i32
      %dma_start3A = arith.constant 0 : i32
      %dma_start3A_51 = tpu.memref_slice %arg2[%add3A_50, %dma_start3A] : memref<8192x1024xi32, #tpu.memory_space<hbm>> -> memref<16x1024xi32, #tpu.memory_space<hbm>>
      %dma_start3A_52 = arith.constant 0 : i32
      %dma_start3A_53 = tpu.memref_slice %arg2[%add3A_50, %dma_start3A_52] : memref<8192x1024xi32, #tpu.memory_space<hbm>> -> memref<16x1024xi32, #tpu.memory_space<hbm>>
      tpu.enqueue_dma source(%dma_start3A_53 : memref<16x1024xi32, #tpu.memory_space<hbm>>) target(%arg7 : memref<16x1024xi32, #tpu.memory_space<vmem>>) target_semaphore(%arg11 : memref<!tpu.dma_semaphore, #tpu.memory_space<semaphore_mem>>)
      %scan3A = arith.constant 0 : i32
      %scan3A_54 = arith.constant 0 : i32
      %scan3A_55 = arith.constant 8 : i32
      %scan3A_56 = arith.addi %scan3A_54, %scan3A_55 : i32
      %scan3A_57 = arith.constant 1 : i32
      scf.for %scan3A_66 = %scan3A_54 to %scan3A_56 step %scan3A_57  : i32 {
        %mul3A_67 = arith.constant 2 : i32
        %mul3A_68 = arith.muli %scan3A_66, %mul3A_67 : i32
        %add3A_69 = arith.constant 1 : i32
        %add3A_70 = arith.addi %mul3A_68, %add3A_69 : i32
        %mul3A_71 = arith.constant 16 : i32
        %mul3A_72 = arith.muli %add3A_70, %mul3A_71 : i32
        %add3A_73 = arith.addi %add3A_48, %mul3A_72 : i32
        %dma_start3A_74 = arith.constant 0 : i32
        %dma_start3A_75 = tpu.memref_slice %arg2[%add3A_73, %dma_start3A_74] : memref<8192x1024xi32, #tpu.memory_space<hbm>> -> memref<16x1024xi32, #tpu.memory_space<hbm>>
        %dma_start3A_76 = arith.constant 0 : i32
        %dma_start3A_77 = tpu.memref_slice %arg2[%add3A_73, %dma_start3A_76] : memref<8192x1024xi32, #tpu.memory_space<hbm>> -> memref<16x1024xi32, #tpu.memory_space<hbm>>
        tpu.enqueue_dma source(%dma_start3A_77 : memref<16x1024xi32, #tpu.memory_space<hbm>>) target(%arg8 : memref<16x1024xi32, #tpu.memory_space<vmem>>) target_semaphore(%arg12 : memref<!tpu.dma_semaphore, #tpu.memory_space<semaphore_mem>>)
        %dma_wait3A_78 = arith.constant 0 : i32
        %dma_wait3A_79 = tpu.memref_slice %arg2[%add3A_48, %dma_wait3A_78] : memref<8192x1024xi32, #tpu.memory_space<hbm>> -> memref<16x1024xi32, #tpu.memory_space<hbm>>
        %dma_wait3A_80 = arith.constant 0 : i32
        %dma_wait3A_81 = tpu.memref_slice %arg2[%add3A_48, %dma_wait3A_80] : memref<8192x1024xi32, #tpu.memory_space<hbm>> -> memref<16x1024xi32, #tpu.memory_space<hbm>>
        tpu.wait_dma2 semaphore(%arg11 : memref<!tpu.dma_semaphore, #tpu.memory_space<semaphore_mem>>) src(%dma_wait3A_81 : memref<16x1024xi32, #tpu.memory_space<hbm>>) dst(%arg7 : memref<16x1024xi32, #tpu.memory_space<vmem>>)
        %gt3A = arith.constant 0 : i32
        %gt3A_82 = arith.cmpi sgt, %scan3A_66, %gt3A : i32
        %convert_element_type3A_83 = arith.extui %gt3A_82 : i1 to i32
        %cond3A_84 = arith.constant 0 : i32
        %cond3A_85 = arith.cmpi ne, %convert_element_type3A_83, %cond3A_84 : i32
        scf.if %cond3A_85 {
          %dma_wait3A_130 = arith.constant 0 : i32
          %dma_wait3A_131 = tpu.memref_slice %arg5[%mul3A_36, %dma_wait3A_130] : memref<8192x512xi32, #tpu.memory_space<hbm>> -> memref<16x512xi32, #tpu.memory_space<hbm>>
          %dma_wait3A_132 = arith.constant 0 : i32
          %dma_wait3A_133 = tpu.memref_slice %arg5[%mul3A_36, %dma_wait3A_132] : memref<8192x512xi32, #tpu.memory_space<hbm>> -> memref<16x512xi32, #tpu.memory_space<hbm>>
          tpu.wait_dma2 semaphore(%arg13 : memref<!tpu.dma_semaphore, #tpu.memory_space<semaphore_mem>>) src(%arg9 : memref<16x512xi32, #tpu.memory_space<vmem>>) dst(%dma_wait3A_133 : memref<16x512xi32, #tpu.memory_space<hbm>>)
        } else {
        }
        %scan3A_86 = arith.constant 0 : i32
        %scan3A_87 = arith.constant 0 : i32
        %scan3A_88 = arith.constant 16 : i32
        %scan3A_89 = arith.addi %scan3A_87, %scan3A_88 : i32
        %scan3A_90 = arith.constant 1 : i32
        scf.for %scan3A_130 = %scan3A_87 to %scan3A_89 step %scan3A_90  : i32 {
          %parallel_loop3A = arith.constant 0 : i32
          %parallel_loop3A_131 = arith.constant 512 : i32
          %parallel_loop3A_132 = arith.constant 16 : i32
          scf.for %parallel_loop3A_133 = %parallel_loop3A to %parallel_loop3A_131 step %parallel_loop3A_132  : i32 {
            %parallel_loop3A_134 = tpu.assume_multiple %parallel_loop3A_133, 16 : i32
            %parallel_loop3A_135 = arith.index_cast %scan3A_130 : i32 to index
            %parallel_loop3A_136 = arith.index_cast %parallel_loop3A_134 : i32 to index
            %parallel_loop3A_137 = tpu.vector_load %arg7[%parallel_loop3A_135, %parallel_loop3A_136] {strides = array<i32>} : memref<16x1024xi32, #tpu.memory_space<vmem>>, vector<16xi32>,
            %parallel_loop3A_138 = tpu.vector_load_idx %arg6[%parallel_loop3A_137] : memref<512xf32, #tpu.memory_space<vmem>>[vector<16xi32>], vector<16xf32>,
            %parallel_loop3A_139 = vector.bitcast %parallel_loop3A_138 : vector<16xf32> to vector<16xi32>
            %parallel_loop3A_140 = arith.constant 512 : i32
            %parallel_loop3A_141 = arith.addi %parallel_loop3A_134, %parallel_loop3A_140 : i32
            %parallel_loop3A_142 = arith.index_cast %scan3A_130 : i32 to index
            %parallel_loop3A_143 = arith.index_cast %parallel_loop3A_141 : i32 to index
            %parallel_loop3A_144 = tpu.vector_load %arg7[%parallel_loop3A_142, %parallel_loop3A_143] {strides = array<i32>} : memref<16x1024xi32, #tpu.memory_space<vmem>>, vector<16xi32>,
            %parallel_loop3A_145 = tpu.vector_load_idx %arg6[%parallel_loop3A_144] : memref<512xf32, #tpu.memory_space<vmem>>[vector<16xi32>], vector<16xf32>,
            %parallel_loop3A_146 = vector.bitcast %parallel_loop3A_145 : vector<16xf32> to vector<16xi32>
            %parallel_loop3A_147 = arith.constant 16 : i32
            %parallel_loop3A_148 = vector.broadcast %parallel_loop3A_147 : i32 to vector<16xi32>
            %parallel_loop3A_149 = arith.shrui %parallel_loop3A_139, %parallel_loop3A_148 : vector<16xi32>
            %parallel_loop3A_150 = vector.broadcast %cond3A : i32 to vector<16xi32>
            %parallel_loop3A_151 = arith.andi %parallel_loop3A_146, %parallel_loop3A_150 : vector<16xi32>
            %parallel_loop3A_152 = arith.ori %parallel_loop3A_149, %parallel_loop3A_151 : vector<16xi32>
            %parallel_loop3A_153 = arith.index_cast %scan3A_130 : i32 to index
            %parallel_loop3A_154 = arith.index_cast %parallel_loop3A_134 : i32 to index
            %parallel_loop3A_155 = tpu.vector_load %arg9[%parallel_loop3A_153, %parallel_loop3A_154] {strides = array<i32>} : memref<16x512xi32, #tpu.memory_space<vmem>>, vector<16xi32>,
            tpu.vector_store %arg9[%parallel_loop3A_153, %parallel_loop3A_154], %parallel_loop3A_152 {strides = array<i32>} : memref<16x512xi32, #tpu.memory_space<vmem>>, vector<16xi32>,
          } {sc.loop_unroll_factor = 4 : i64, sc.parallel_access}
        }
        %scan3A_91 = arith.constant 16 : i32
        %mul3A_92 = arith.constant 16 : i32
        %mul3A_93 = arith.muli %mul3A_68, %mul3A_92 : i32
        %add3A_94 = arith.addi %mul3A_36, %mul3A_93 : i32
        %dma_start3A_95 = arith.constant 0 : i32
        %dma_start3A_96 = tpu.memref_slice %arg5[%add3A_94, %dma_start3A_95] : memref<8192x512xi32, #tpu.memory_space<hbm>> -> memref<16x512xi32, #tpu.memory_space<hbm>>
        %dma_start3A_97 = arith.constant 0 : i32
        %dma_start3A_98 = tpu.memref_slice %arg5[%add3A_94, %dma_start3A_97] : memref<8192x512xi32, #tpu.memory_space<hbm>> -> memref<16x512xi32, #tpu.memory_space<hbm>>
        tpu.enqueue_dma source(%arg9 : memref<16x512xi32, #tpu.memory_space<vmem>>) target(%dma_start3A_98 : memref<16x512xi32, #tpu.memory_space<hbm>>) target_semaphore(%arg13 : memref<!tpu.dma_semaphore, #tpu.memory_space<semaphore_mem>>)
        %add3A_99 = arith.constant 1 : i32
        %add3A_100 = arith.addi %mul3A_68, %add3A_99 : i32
        %add3A_101 = arith.constant 1 : i32
        %add3A_102 = arith.addi %add3A_100, %add3A_101 : i32
        %lt3A_103 = arith.constant 16 : i32
        %lt3A_104 = arith.cmpi slt, %add3A_102, %lt3A_103 : i32
        %convert_element_type3A_105 = arith.extui %lt3A_104 : i1 to i32
        %cond3A_106 = arith.constant 0 : i32
        %cond3A_107 = arith.cmpi ne, %convert_element_type3A_105, %cond3A_106 : i32
        scf.if %cond3A_107 {
          %add3A_130 = arith.constant 1 : i32
          %add3A_131 = arith.addi %add3A_100, %add3A_130 : i32
          %mul3A_132 = arith.constant 16 : i32
          %mul3A_133 = arith.muli %add3A_131, %mul3A_132 : i32
          %add3A_134 = arith.addi %add3A_48, %mul3A_133 : i32
          %dma_start3A_135 = arith.constant 0 : i32
          %dma_start3A_136 = tpu.memref_slice %arg2[%add3A_134, %dma_start3A_135] : memref<8192x1024xi32, #tpu.memory_space<hbm>> -> memref<16x1024xi32, #tpu.memory_space<hbm>>
          %dma_start3A_137 = arith.constant 0 : i32
          %dma_start3A_138 = tpu.memref_slice %arg2[%add3A_134, %dma_start3A_137] : memref<8192x1024xi32, #tpu.memory_space<hbm>> -> memref<16x1024xi32, #tpu.memory_space<hbm>>
          tpu.enqueue_dma source(%dma_start3A_138 : memref<16x1024xi32, #tpu.memory_space<hbm>>) target(%arg7 : memref<16x1024xi32, #tpu.memory_space<vmem>>) target_semaphore(%arg11 : memref<!tpu.dma_semaphore, #tpu.memory_space<semaphore_mem>>)
        } else {
        }
        %dma_wait3A_108 = arith.constant 0 : i32
        %dma_wait3A_109 = tpu.memref_slice %arg2[%add3A_48, %dma_wait3A_108] : memref<8192x1024xi32, #tpu.memory_space<hbm>> -> memref<16x1024xi32, #tpu.memory_space<hbm>>
        %dma_wait3A_110 = arith.constant 0 : i32
        %dma_wait3A_111 = tpu.memref_slice %arg2[%add3A_48, %dma_wait3A_110] : memref<8192x1024xi32, #tpu.memory_space<hbm>> -> memref<16x1024xi32, #tpu.memory_space<hbm>>
        tpu.wait_dma2 semaphore(%arg12 : memref<!tpu.dma_semaphore, #tpu.memory_space<semaphore_mem>>) src(%dma_wait3A_111 : memref<16x1024xi32, #tpu.memory_space<hbm>>) dst(%arg8 : memref<16x1024xi32, #tpu.memory_space<vmem>>)
        %gt3A_112 = arith.constant 0 : i32
        %gt3A_113 = arith.cmpi sgt, %scan3A_66, %gt3A_112 : i32
        %convert_element_type3A_114 = arith.extui %gt3A_113 : i1 to i32
        %cond3A_115 = arith.constant 0 : i32
        %cond3A_116 = arith.cmpi ne, %convert_element_type3A_114, %cond3A_115 : i32
        scf.if %cond3A_116 {
          %dma_wait3A_130 = arith.constant 0 : i32
          %dma_wait3A_131 = tpu.memref_slice %arg5[%mul3A_36, %dma_wait3A_130] : memref<8192x512xi32, #tpu.memory_space<hbm>> -> memref<16x512xi32, #tpu.memory_space<hbm>>
          %dma_wait3A_132 = arith.constant 0 : i32
          %dma_wait3A_133 = tpu.memref_slice %arg5[%mul3A_36, %dma_wait3A_132] : memref<8192x512xi32, #tpu.memory_space<hbm>> -> memref<16x512xi32, #tpu.memory_space<hbm>>
          tpu.wait_dma2 semaphore(%arg14 : memref<!tpu.dma_semaphore, #tpu.memory_space<semaphore_mem>>) src(%arg10 : memref<16x512xi32, #tpu.memory_space<vmem>>) dst(%dma_wait3A_133 : memref<16x512xi32, #tpu.memory_space<hbm>>)
        } else {
        }
        %scan3A_117 = arith.constant 0 : i32
        %scan3A_118 = arith.constant 0 : i32
        %scan3A_119 = arith.constant 16 : i32
        %scan3A_120 = arith.addi %scan3A_118, %scan3A_119 : i32
        %scan3A_121 = arith.constant 1 : i32
        scf.for %scan3A_130 = %scan3A_118 to %scan3A_120 step %scan3A_121  : i32 {
          %parallel_loop3A = arith.constant 0 : i32
          %parallel_loop3A_131 = arith.constant 512 : i32
          %parallel_loop3A_132 = arith.constant 16 : i32
          scf.for %parallel_loop3A_133 = %parallel_loop3A to %parallel_loop3A_131 step %parallel_loop3A_132  : i32 {
            %parallel_loop3A_134 = tpu.assume_multiple %parallel_loop3A_133, 16 : i32
            %parallel_loop3A_135 = arith.index_cast %scan3A_130 : i32 to index
            %parallel_loop3A_136 = arith.index_cast %parallel_loop3A_134 : i32 to index
            %parallel_loop3A_137 = tpu.vector_load %arg8[%parallel_loop3A_135, %parallel_loop3A_136] {strides = array<i32>} : memref<16x1024xi32, #tpu.memory_space<vmem>>, vector<16xi32>,
            %parallel_loop3A_138 = tpu.vector_load_idx %arg6[%parallel_loop3A_137] : memref<512xf32, #tpu.memory_space<vmem>>[vector<16xi32>], vector<16xf32>,
            %parallel_loop3A_139 = vector.bitcast %parallel_loop3A_138 : vector<16xf32> to vector<16xi32>
            %parallel_loop3A_140 = arith.constant 512 : i32
            %parallel_loop3A_141 = arith.addi %parallel_loop3A_134, %parallel_loop3A_140 : i32
            %parallel_loop3A_142 = arith.index_cast %scan3A_130 : i32 to index
            %parallel_loop3A_143 = arith.index_cast %parallel_loop3A_141 : i32 to index
            %parallel_loop3A_144 = tpu.vector_load %arg8[%parallel_loop3A_142, %parallel_loop3A_143] {strides = array<i32>} : memref<16x1024xi32, #tpu.memory_space<vmem>>, vector<16xi32>,
            %parallel_loop3A_145 = tpu.vector_load_idx %arg6[%parallel_loop3A_144] : memref<512xf32, #tpu.memory_space<vmem>>[vector<16xi32>], vector<16xf32>,
            %parallel_loop3A_146 = vector.bitcast %parallel_loop3A_145 : vector<16xf32> to vector<16xi32>
            %parallel_loop3A_147 = arith.constant 16 : i32
            %parallel_loop3A_148 = vector.broadcast %parallel_loop3A_147 : i32 to vector<16xi32>
            %parallel_loop3A_149 = arith.shrui %parallel_loop3A_139, %parallel_loop3A_148 : vector<16xi32>
            %parallel_loop3A_150 = vector.broadcast %cond3A : i32 to vector<16xi32>
            %parallel_loop3A_151 = arith.andi %parallel_loop3A_146, %parallel_loop3A_150 : vector<16xi32>
            %parallel_loop3A_152 = arith.ori %parallel_loop3A_149, %parallel_loop3A_151 : vector<16xi32>
            %parallel_loop3A_153 = arith.index_cast %scan3A_130 : i32 to index
            %parallel_loop3A_154 = arith.index_cast %parallel_loop3A_134 : i32 to index
            %parallel_loop3A_155 = tpu.vector_load %arg10[%parallel_loop3A_153, %parallel_loop3A_154] {strides = array<i32>} : memref<16x512xi32, #tpu.memory_space<vmem>>, vector<16xi32>,
            tpu.vector_store %arg10[%parallel_loop3A_153, %parallel_loop3A_154], %parallel_loop3A_152 {strides = array<i32>} : memref<16x512xi32, #tpu.memory_space<vmem>>, vector<16xi32>,
          } {sc.loop_unroll_factor = 4 : i64, sc.parallel_access}
        }
        %scan3A_122 = arith.constant 16 : i32
        %mul3A_123 = arith.constant 16 : i32
        %mul3A_124 = arith.muli %add3A_100, %mul3A_123 : i32
        %add3A_125 = arith.addi %mul3A_36, %mul3A_124 : i32
        %dma_start3A_126 = arith.constant 0 : i32
        %dma_start3A_127 = tpu.memref_slice %arg5[%add3A_125, %dma_start3A_126] : memref<8192x512xi32, #tpu.memory_space<hbm>> -> memref<16x512xi32, #tpu.memory_space<hbm>>
        %dma_start3A_128 = arith.constant 0 : i32
        %dma_start3A_129 = tpu.memref_slice %arg5[%add3A_125, %dma_start3A_128] : memref<8192x512xi32, #tpu.memory_space<hbm>> -> memref<16x512xi32, #tpu.memory_space<hbm>>
        tpu.enqueue_dma source(%arg10 : memref<16x512xi32, #tpu.memory_space<vmem>>) target(%dma_start3A_129 : memref<16x512xi32, #tpu.memory_space<hbm>>) target_semaphore(%arg14 : memref<!tpu.dma_semaphore, #tpu.memory_space<semaphore_mem>>)
      }
      %scan3A_58 = arith.constant 8 : i32
      %dma_wait3A = arith.constant 0 : i32
      %dma_wait3A_59 = tpu.memref_slice %arg5[%mul3A_36, %dma_wait3A] : memref<8192x512xi32, #tpu.memory_space<hbm>> -> memref<16x512xi32, #tpu.memory_space<hbm>>
      %dma_wait3A_60 = arith.constant 0 : i32
      %dma_wait3A_61 = tpu.memref_slice %arg5[%mul3A_36, %dma_wait3A_60] : memref<8192x512xi32, #tpu.memory_space<hbm>> -> memref<16x512xi32, #tpu.memory_space<hbm>>
      tpu.wait_dma2 semaphore(%arg13 : memref<!tpu.dma_semaphore, #tpu.memory_space<semaphore_mem>>) src(%arg9 : memref<16x512xi32, #tpu.memory_space<vmem>>) dst(%dma_wait3A_61 : memref<16x512xi32, #tpu.memory_space<hbm>>)
      %dma_wait3A_62 = arith.constant 0 : i32
      %dma_wait3A_63 = tpu.memref_slice %arg5[%mul3A_36, %dma_wait3A_62] : memref<8192x512xi32, #tpu.memory_space<hbm>> -> memref<16x512xi32, #tpu.memory_space<hbm>>
      %dma_wait3A_64 = arith.constant 0 : i32
      %dma_wait3A_65 = tpu.memref_slice %arg5[%mul3A_36, %dma_wait3A_64] : memref<8192x512xi32, #tpu.memory_space<hbm>> -> memref<16x512xi32, #tpu.memory_space<hbm>>
      tpu.wait_dma2 semaphore(%arg14 : memref<!tpu.dma_semaphore, #tpu.memory_space<semaphore_mem>>) src(%arg10 : memref<16x512xi32, #tpu.memory_space<vmem>>) dst(%dma_wait3A_65 : memref<16x512xi32, #tpu.memory_space<hbm>>)
    } else {
    }
    %ge3A = arith.constant 512 : i32
    %ge3A_41 = arith.cmpi sge, %mul3A_32, %ge3A : i32
    %convert_element_type3A_42 = arith.extui %ge3A_41 : i1 to i32
    %cond3A_43 = arith.constant -65536 : i32
    %cond3A_44 = arith.constant 0 : i32
    %cond3A_45 = arith.cmpi ne, %convert_element_type3A_42, %cond3A_44 : i32
    scf.if %cond3A_45 {
      %mul3A_46 = arith.constant 1536 : i32
      %mul3A_47 = arith.muli %add3A_34, %mul3A_46 : i32
      %sub3A_48 = arith.constant 512 : i32
      %sub3A_49 = arith.subi %mul3A_32, %sub3A_48 : i32
      %add3A_50 = arith.addi %mul3A_47, %sub3A_49 : i32
      %add3A_51 = arith.constant 0 : i32
      %add3A_52 = arith.addi %add3A_50, %add3A_51 : i32
      %dma_start3A = arith.constant 0 : i32
      %dma_start3A_53 = tpu.memref_slice %arg3[%add3A_52, %dma_start3A] : memref<24576x1024xi32, #tpu.memory_space<hbm>> -> memref<16x1024xi32, #tpu.memory_space<hbm>>
      %dma_start3A_54 = arith.constant 0 : i32
      %dma_start3A_55 = tpu.memref_slice %arg3[%add3A_52, %dma_start3A_54] : memref<24576x1024xi32, #tpu.memory_space<hbm>> -> memref<16x1024xi32, #tpu.memory_space<hbm>>
      tpu.enqueue_dma source(%dma_start3A_55 : memref<16x1024xi32, #tpu.memory_space<hbm>>) target(%arg7 : memref<16x1024xi32, #tpu.memory_space<vmem>>) target_semaphore(%arg11 : memref<!tpu.dma_semaphore, #tpu.memory_space<semaphore_mem>>)
      %scan3A = arith.constant 0 : i32
      %scan3A_56 = arith.constant 0 : i32
      %scan3A_57 = arith.constant 8 : i32
      %scan3A_58 = arith.addi %scan3A_56, %scan3A_57 : i32
      %scan3A_59 = arith.constant 1 : i32
      scf.for %scan3A_68 = %scan3A_56 to %scan3A_58 step %scan3A_59  : i32 {
        %mul3A_69 = arith.constant 2 : i32
        %mul3A_70 = arith.muli %scan3A_68, %mul3A_69 : i32
        %add3A_71 = arith.constant 1 : i32
        %add3A_72 = arith.addi %mul3A_70, %add3A_71 : i32
        %mul3A_73 = arith.constant 16 : i32
        %mul3A_74 = arith.muli %add3A_72, %mul3A_73 : i32
        %add3A_75 = arith.addi %add3A_50, %mul3A_74 : i32
        %dma_start3A_76 = arith.constant 0 : i32
        %dma_start3A_77 = tpu.memref_slice %arg3[%add3A_75, %dma_start3A_76] : memref<24576x1024xi32, #tpu.memory_space<hbm>> -> memref<16x1024xi32, #tpu.memory_space<hbm>>
        %dma_start3A_78 = arith.constant 0 : i32
        %dma_start3A_79 = tpu.memref_slice %arg3[%add3A_75, %dma_start3A_78] : memref<24576x1024xi32, #tpu.memory_space<hbm>> -> memref<16x1024xi32, #tpu.memory_space<hbm>>
        tpu.enqueue_dma source(%dma_start3A_79 : memref<16x1024xi32, #tpu.memory_space<hbm>>) target(%arg8 : memref<16x1024xi32, #tpu.memory_space<vmem>>) target_semaphore(%arg12 : memref<!tpu.dma_semaphore, #tpu.memory_space<semaphore_mem>>)
        %dma_wait3A_80 = arith.constant 0 : i32
        %dma_wait3A_81 = tpu.memref_slice %arg3[%add3A_50, %dma_wait3A_80] : memref<24576x1024xi32, #tpu.memory_space<hbm>> -> memref<16x1024xi32, #tpu.memory_space<hbm>>
        %dma_wait3A_82 = arith.constant 0 : i32
        %dma_wait3A_83 = tpu.memref_slice %arg3[%add3A_50, %dma_wait3A_82] : memref<24576x1024xi32, #tpu.memory_space<hbm>> -> memref<16x1024xi32, #tpu.memory_space<hbm>>
        tpu.wait_dma2 semaphore(%arg11 : memref<!tpu.dma_semaphore, #tpu.memory_space<semaphore_mem>>) src(%dma_wait3A_83 : memref<16x1024xi32, #tpu.memory_space<hbm>>) dst(%arg7 : memref<16x1024xi32, #tpu.memory_space<vmem>>)
        %gt3A = arith.constant 0 : i32
        %gt3A_84 = arith.cmpi sgt, %scan3A_68, %gt3A : i32
        %convert_element_type3A_85 = arith.extui %gt3A_84 : i1 to i32
        %cond3A_86 = arith.constant 0 : i32
        %cond3A_87 = arith.cmpi ne, %convert_element_type3A_85, %cond3A_86 : i32
        scf.if %cond3A_87 {
          %dma_wait3A_132 = arith.constant 0 : i32
          %dma_wait3A_133 = tpu.memref_slice %arg5[%mul3A_36, %dma_wait3A_132] : memref<8192x512xi32, #tpu.memory_space<hbm>> -> memref<16x512xi32, #tpu.memory_space<hbm>>
          %dma_wait3A_134 = arith.constant 0 : i32
          %dma_wait3A_135 = tpu.memref_slice %arg5[%mul3A_36, %dma_wait3A_134] : memref<8192x512xi32, #tpu.memory_space<hbm>> -> memref<16x512xi32, #tpu.memory_space<hbm>>
          tpu.wait_dma2 semaphore(%arg13 : memref<!tpu.dma_semaphore, #tpu.memory_space<semaphore_mem>>) src(%arg9 : memref<16x512xi32, #tpu.memory_space<vmem>>) dst(%dma_wait3A_135 : memref<16x512xi32, #tpu.memory_space<hbm>>)
        } else {
        }
        %scan3A_88 = arith.constant 0 : i32
        %scan3A_89 = arith.constant 0 : i32
        %scan3A_90 = arith.constant 16 : i32
        %scan3A_91 = arith.addi %scan3A_89, %scan3A_90 : i32
        %scan3A_92 = arith.constant 1 : i32
        scf.for %scan3A_132 = %scan3A_89 to %scan3A_91 step %scan3A_92  : i32 {
          %parallel_loop3A = arith.constant 0 : i32
          %parallel_loop3A_133 = arith.constant 512 : i32
          %parallel_loop3A_134 = arith.constant 16 : i32
          scf.for %parallel_loop3A_135 = %parallel_loop3A to %parallel_loop3A_133 step %parallel_loop3A_134  : i32 {
            %parallel_loop3A_136 = tpu.assume_multiple %parallel_loop3A_135, 16 : i32
            %parallel_loop3A_137 = arith.index_cast %scan3A_132 : i32 to index
            %parallel_loop3A_138 = arith.index_cast %parallel_loop3A_136 : i32 to index
            %parallel_loop3A_139 = tpu.vector_load %arg7[%parallel_loop3A_137, %parallel_loop3A_138] {strides = array<i32>} : memref<16x1024xi32, #tpu.memory_space<vmem>>, vector<16xi32>,
            %parallel_loop3A_140 = tpu.vector_load_idx %arg6[%parallel_loop3A_139] : memref<512xf32, #tpu.memory_space<vmem>>[vector<16xi32>], vector<16xf32>,
            %parallel_loop3A_141 = vector.bitcast %parallel_loop3A_140 : vector<16xf32> to vector<16xi32>
            %parallel_loop3A_142 = arith.constant 512 : i32
            %parallel_loop3A_143 = arith.addi %parallel_loop3A_136, %parallel_loop3A_142 : i32
            %parallel_loop3A_144 = arith.index_cast %scan3A_132 : i32 to index
            %parallel_loop3A_145 = arith.index_cast %parallel_loop3A_143 : i32 to index
            %parallel_loop3A_146 = tpu.vector_load %arg7[%parallel_loop3A_144, %parallel_loop3A_145] {strides = array<i32>} : memref<16x1024xi32, #tpu.memory_space<vmem>>, vector<16xi32>,
            %parallel_loop3A_147 = tpu.vector_load_idx %arg6[%parallel_loop3A_146] : memref<512xf32, #tpu.memory_space<vmem>>[vector<16xi32>], vector<16xf32>,
            %parallel_loop3A_148 = vector.bitcast %parallel_loop3A_147 : vector<16xf32> to vector<16xi32>
            %parallel_loop3A_149 = arith.constant 16 : i32
            %parallel_loop3A_150 = vector.broadcast %parallel_loop3A_149 : i32 to vector<16xi32>
            %parallel_loop3A_151 = arith.shrui %parallel_loop3A_141, %parallel_loop3A_150 : vector<16xi32>
            %parallel_loop3A_152 = vector.broadcast %cond3A_43 : i32 to vector<16xi32>
            %parallel_loop3A_153 = arith.andi %parallel_loop3A_148, %parallel_loop3A_152 : vector<16xi32>
            %parallel_loop3A_154 = arith.ori %parallel_loop3A_151, %parallel_loop3A_153 : vector<16xi32>
            %parallel_loop3A_155 = arith.index_cast %scan3A_132 : i32 to index
            %parallel_loop3A_156 = arith.index_cast %parallel_loop3A_136 : i32 to index
            %parallel_loop3A_157 = tpu.vector_load %arg9[%parallel_loop3A_155, %parallel_loop3A_156] {strides = array<i32>} : memref<16x512xi32, #tpu.memory_space<vmem>>, vector<16xi32>,
            tpu.vector_store %arg9[%parallel_loop3A_155, %parallel_loop3A_156], %parallel_loop3A_154 {strides = array<i32>} : memref<16x512xi32, #tpu.memory_space<vmem>>, vector<16xi32>,
          } {sc.loop_unroll_factor = 4 : i64, sc.parallel_access}
        }
        %scan3A_93 = arith.constant 16 : i32
        %mul3A_94 = arith.constant 16 : i32
        %mul3A_95 = arith.muli %mul3A_70, %mul3A_94 : i32
        %add3A_96 = arith.addi %mul3A_36, %mul3A_95 : i32
        %dma_start3A_97 = arith.constant 0 : i32
        %dma_start3A_98 = tpu.memref_slice %arg5[%add3A_96, %dma_start3A_97] : memref<8192x512xi32, #tpu.memory_space<hbm>> -> memref<16x512xi32, #tpu.memory_space<hbm>>
        %dma_start3A_99 = arith.constant 0 : i32
        %dma_start3A_100 = tpu.memref_slice %arg5[%add3A_96, %dma_start3A_99] : memref<8192x512xi32, #tpu.memory_space<hbm>> -> memref<16x512xi32, #tpu.memory_space<hbm>>
        tpu.enqueue_dma source(%arg9 : memref<16x512xi32, #tpu.memory_space<vmem>>) target(%dma_start3A_100 : memref<16x512xi32, #tpu.memory_space<hbm>>) target_semaphore(%arg13 : memref<!tpu.dma_semaphore, #tpu.memory_space<semaphore_mem>>)
        %add3A_101 = arith.constant 1 : i32
        %add3A_102 = arith.addi %mul3A_70, %add3A_101 : i32
        %add3A_103 = arith.constant 1 : i32
        %add3A_104 = arith.addi %add3A_102, %add3A_103 : i32
        %lt3A_105 = arith.constant 16 : i32
        %lt3A_106 = arith.cmpi slt, %add3A_104, %lt3A_105 : i32
        %convert_element_type3A_107 = arith.extui %lt3A_106 : i1 to i32
        %cond3A_108 = arith.constant 0 : i32
        %cond3A_109 = arith.cmpi ne, %convert_element_type3A_107, %cond3A_108 : i32
        scf.if %cond3A_109 {
          %add3A_132 = arith.constant 1 : i32
          %add3A_133 = arith.addi %add3A_102, %add3A_132 : i32
          %mul3A_134 = arith.constant 16 : i32
          %mul3A_135 = arith.muli %add3A_133, %mul3A_134 : i32
          %add3A_136 = arith.addi %add3A_50, %mul3A_135 : i32
          %dma_start3A_137 = arith.constant 0 : i32
          %dma_start3A_138 = tpu.memref_slice %arg3[%add3A_136, %dma_start3A_137] : memref<24576x1024xi32, #tpu.memory_space<hbm>> -> memref<16x1024xi32, #tpu.memory_space<hbm>>
          %dma_start3A_139 = arith.constant 0 : i32
          %dma_start3A_140 = tpu.memref_slice %arg3[%add3A_136, %dma_start3A_139] : memref<24576x1024xi32, #tpu.memory_space<hbm>> -> memref<16x1024xi32, #tpu.memory_space<hbm>>
          tpu.enqueue_dma source(%dma_start3A_140 : memref<16x1024xi32, #tpu.memory_space<hbm>>) target(%arg7 : memref<16x1024xi32, #tpu.memory_space<vmem>>) target_semaphore(%arg11 : memref<!tpu.dma_semaphore, #tpu.memory_space<semaphore_mem>>)
        } else {
        }
        %dma_wait3A_110 = arith.constant 0 : i32
        %dma_wait3A_111 = tpu.memref_slice %arg3[%add3A_50, %dma_wait3A_110] : memref<24576x1024xi32, #tpu.memory_space<hbm>> -> memref<16x1024xi32, #tpu.memory_space<hbm>>
        %dma_wait3A_112 = arith.constant 0 : i32
        %dma_wait3A_113 = tpu.memref_slice %arg3[%add3A_50, %dma_wait3A_112] : memref<24576x1024xi32, #tpu.memory_space<hbm>> -> memref<16x1024xi32, #tpu.memory_space<hbm>>
        tpu.wait_dma2 semaphore(%arg12 : memref<!tpu.dma_semaphore, #tpu.memory_space<semaphore_mem>>) src(%dma_wait3A_113 : memref<16x1024xi32, #tpu.memory_space<hbm>>) dst(%arg8 : memref<16x1024xi32, #tpu.memory_space<vmem>>)
        %gt3A_114 = arith.constant 0 : i32
        %gt3A_115 = arith.cmpi sgt, %scan3A_68, %gt3A_114 : i32
        %convert_element_type3A_116 = arith.extui %gt3A_115 : i1 to i32
        %cond3A_117 = arith.constant 0 : i32
        %cond3A_118 = arith.cmpi ne, %convert_element_type3A_116, %cond3A_117 : i32
        scf.if %cond3A_118 {
          %dma_wait3A_132 = arith.constant 0 : i32
          %dma_wait3A_133 = tpu.memref_slice %arg5[%mul3A_36, %dma_wait3A_132] : memref<8192x512xi32, #tpu.memory_space<hbm>> -> memref<16x512xi32, #tpu.memory_space<hbm>>
          %dma_wait3A_134 = arith.constant 0 : i32
          %dma_wait3A_135 = tpu.memref_slice %arg5[%mul3A_36, %dma_wait3A_134] : memref<8192x512xi32, #tpu.memory_space<hbm>> -> memref<16x512xi32, #tpu.memory_space<hbm>>
          tpu.wait_dma2 semaphore(%arg14 : memref<!tpu.dma_semaphore, #tpu.memory_space<semaphore_mem>>) src(%arg10 : memref<16x512xi32, #tpu.memory_space<vmem>>) dst(%dma_wait3A_135 : memref<16x512xi32, #tpu.memory_space<hbm>>)
        } else {
        }
        %scan3A_119 = arith.constant 0 : i32
        %scan3A_120 = arith.constant 0 : i32
        %scan3A_121 = arith.constant 16 : i32
        %scan3A_122 = arith.addi %scan3A_120, %scan3A_121 : i32
        %scan3A_123 = arith.constant 1 : i32
        scf.for %scan3A_132 = %scan3A_120 to %scan3A_122 step %scan3A_123  : i32 {
          %parallel_loop3A = arith.constant 0 : i32
          %parallel_loop3A_133 = arith.constant 512 : i32
          %parallel_loop3A_134 = arith.constant 16 : i32
          scf.for %parallel_loop3A_135 = %parallel_loop3A to %parallel_loop3A_133 step %parallel_loop3A_134  : i32 {
            %parallel_loop3A_136 = tpu.assume_multiple %parallel_loop3A_135, 16 : i32
            %parallel_loop3A_137 = arith.index_cast %scan3A_132 : i32 to index
            %parallel_loop3A_138 = arith.index_cast %parallel_loop3A_136 : i32 to index
            %parallel_loop3A_139 = tpu.vector_load %arg8[%parallel_loop3A_137, %parallel_loop3A_138] {strides = array<i32>} : memref<16x1024xi32, #tpu.memory_space<vmem>>, vector<16xi32>,
            %parallel_loop3A_140 = tpu.vector_load_idx %arg6[%parallel_loop3A_139] : memref<512xf32, #tpu.memory_space<vmem>>[vector<16xi32>], vector<16xf32>,
            %parallel_loop3A_141 = vector.bitcast %parallel_loop3A_140 : vector<16xf32> to vector<16xi32>
            %parallel_loop3A_142 = arith.constant 512 : i32
            %parallel_loop3A_143 = arith.addi %parallel_loop3A_136, %parallel_loop3A_142 : i32
            %parallel_loop3A_144 = arith.index_cast %scan3A_132 : i32 to index
            %parallel_loop3A_145 = arith.index_cast %parallel_loop3A_143 : i32 to index
            %parallel_loop3A_146 = tpu.vector_load %arg8[%parallel_loop3A_144, %parallel_loop3A_145] {strides = array<i32>} : memref<16x1024xi32, #tpu.memory_space<vmem>>, vector<16xi32>,
            %parallel_loop3A_147 = tpu.vector_load_idx %arg6[%parallel_loop3A_146] : memref<512xf32, #tpu.memory_space<vmem>>[vector<16xi32>], vector<16xf32>,
            %parallel_loop3A_148 = vector.bitcast %parallel_loop3A_147 : vector<16xf32> to vector<16xi32>
            %parallel_loop3A_149 = arith.constant 16 : i32
            %parallel_loop3A_150 = vector.broadcast %parallel_loop3A_149 : i32 to vector<16xi32>
            %parallel_loop3A_151 = arith.shrui %parallel_loop3A_141, %parallel_loop3A_150 : vector<16xi32>
            %parallel_loop3A_152 = vector.broadcast %cond3A_43 : i32 to vector<16xi32>
            %parallel_loop3A_153 = arith.andi %parallel_loop3A_148, %parallel_loop3A_152 : vector<16xi32>
            %parallel_loop3A_154 = arith.ori %parallel_loop3A_151, %parallel_loop3A_153 : vector<16xi32>
            %parallel_loop3A_155 = arith.index_cast %scan3A_132 : i32 to index
            %parallel_loop3A_156 = arith.index_cast %parallel_loop3A_136 : i32 to index
            %parallel_loop3A_157 = tpu.vector_load %arg10[%parallel_loop3A_155, %parallel_loop3A_156] {strides = array<i32>} : memref<16x512xi32, #tpu.memory_space<vmem>>, vector<16xi32>,
            tpu.vector_store %arg10[%parallel_loop3A_155, %parallel_loop3A_156], %parallel_loop3A_154 {strides = array<i32>} : memref<16x512xi32, #tpu.memory_space<vmem>>, vector<16xi32>,
          } {sc.loop_unroll_factor = 4 : i64, sc.parallel_access}
        }
        %scan3A_124 = arith.constant 16 : i32
        %mul3A_125 = arith.constant 16 : i32
        %mul3A_126 = arith.muli %add3A_102, %mul3A_125 : i32
        %add3A_127 = arith.addi %mul3A_36, %mul3A_126 : i32
        %dma_start3A_128 = arith.constant 0 : i32
        %dma_start3A_129 = tpu.memref_slice %arg5[%add3A_127, %dma_start3A_128] : memref<8192x512xi32, #tpu.memory_space<hbm>> -> memref<16x512xi32, #tpu.memory_space<hbm>>
        %dma_start3A_130 = arith.constant 0 : i32
        %dma_start3A_131 = tpu.memref_slice %arg5[%add3A_127, %dma_start3A_130] : memref<8192x512xi32, #tpu.memory_space<hbm>> -> memref<16x512xi32, #tpu.memory_space<hbm>>
        tpu.enqueue_dma source(%arg10 : memref<16x512xi32, #tpu.memory_space<vmem>>) target(%dma_start3A_131 : memref<16x512xi32, #tpu.memory_space<hbm>>) target_semaphore(%arg14 : memref<!tpu.dma_semaphore, #tpu.memory_space<semaphore_mem>>)
      }
      %scan3A_60 = arith.constant 8 : i32
      %dma_wait3A = arith.constant 0 : i32
      %dma_wait3A_61 = tpu.memref_slice %arg5[%mul3A_36, %dma_wait3A] : memref<8192x512xi32, #tpu.memory_space<hbm>> -> memref<16x512xi32, #tpu.memory_space<hbm>>
      %dma_wait3A_62 = arith.constant 0 : i32
      %dma_wait3A_63 = tpu.memref_slice %arg5[%mul3A_36, %dma_wait3A_62] : memref<8192x512xi32, #tpu.memory_space<hbm>> -> memref<16x512xi32, #tpu.memory_space<hbm>>
      tpu.wait_dma2 semaphore(%arg13 : memref<!tpu.dma_semaphore, #tpu.memory_space<semaphore_mem>>) src(%arg9 : memref<16x512xi32, #tpu.memory_space<vmem>>) dst(%dma_wait3A_63 : memref<16x512xi32, #tpu.memory_space<hbm>>)
      %dma_wait3A_64 = arith.constant 0 : i32
      %dma_wait3A_65 = tpu.memref_slice %arg5[%mul3A_36, %dma_wait3A_64] : memref<8192x512xi32, #tpu.memory_space<hbm>> -> memref<16x512xi32, #tpu.memory_space<hbm>>
      %dma_wait3A_66 = arith.constant 0 : i32
      %dma_wait3A_67 = tpu.memref_slice %arg5[%mul3A_36, %dma_wait3A_66] : memref<8192x512xi32, #tpu.memory_space<hbm>> -> memref<16x512xi32, #tpu.memory_space<hbm>>
      tpu.wait_dma2 semaphore(%arg14 : memref<!tpu.dma_semaphore, #tpu.memory_space<semaphore_mem>>) src(%arg10 : memref<16x512xi32, #tpu.memory_space<vmem>>) dst(%dma_wait3A_67 : memref<16x512xi32, #tpu.memory_space<hbm>>)
    } else {
    }
    return
  }
}

module attributes {stable_mosaic.version = 14 : i64} {
  func.func @_tc_body_first(%arg0: i32, %arg1: memref<1024x512xi32, #tpu.memory_space<vmem>>, %arg2: memref<1024x256xf32, #tpu.memory_space<vmem>>, %arg3: memref<1024x2xi32, #tpu.memory_space<vmem>>, %arg4: memref<1024x1xi32, #tpu.memory_space<vmem>>, %arg5: memref<256x1024xf32, #tpu.memory_space<vmem>>, %arg6: memref<2x1024xf32, #tpu.memory_space<vmem>>, %arg7: memref<1024x1024xf32, #tpu.memory_space<vmem>>) attributes {dimension_semantics = [#tpu.dimension_semantics<arbitrary>], iteration_bounds = array<i64: 8>, scalar_prefetch = 0 : i64, scratch_operands = 0 : i64, tpu.core_type = #tpu.core_type<tc>, window_params = [{transform_indices = @transform_0, window_bounds = array<i64: 1024, 512>}, {transform_indices = @transform_1, window_bounds = array<i64: 1024, 256>}, {transform_indices = @transform_2, window_bounds = array<i64: 1024, 2>}, {transform_indices = @transform_3, window_bounds = array<i64: 1024, 1>}, {pipeline_mode = #tpu.pipeline_mode<synchronous>, transform_indices = @transform_4, window_bounds = array<i64: 256, 1024>}, {pipeline_mode = #tpu.pipeline_mode<synchronous>, transform_indices = @transform_5, window_bounds = array<i64: 2, 1024>}, {transform_indices = @transform_6, window_bounds = array<i64: 1024, 1024>}]} {
    %get3A = arith.constant 0 : index
    %get3A_0 = arith.constant 0 : index
    %get3A_1 = vector.load %arg2[%get3A, %get3A_0] : memref<1024x256xf32, #tpu.memory_space<vmem>>, vector<1024x256xf32>
    %get3A_2 = arith.constant 0 : index
    %get3A_3 = arith.constant 0 : index
    %get3A_4 = vector.load %arg5[%get3A_2, %get3A_3] : memref<256x1024xf32, #tpu.memory_space<vmem>>, vector<256x1024xf32>
    %dot_general3A = arith.constant dense<0.000000e+00> : vector<1024x1024xf32>
    %dot_general3A_5 = tpu.matmul %get3A_1, %get3A_4, %dot_general3A {dimension_numbers = #tpu.dot_dimension_numbers<[1], [0], [0], [1], [0, 0, 1, 1], [], []>, transpose_lhs_hint = false} : vector<1024x256xf32>, vector<256x1024xf32>, vector<1024x1024xf32> -> vector<1024x1024xf32>
    %get3A_6 = arith.constant 0 : index
    %get3A_7 = arith.constant 0 : index
    %get3A_8 = vector.load %arg3[%get3A_6, %get3A_7] : memref<1024x2xi32, #tpu.memory_space<vmem>>, vector<1024x2xi32>
    %slice3A = vector.extract_strided_slice %get3A_8 {offsets = [0, 0], sizes = [1024, 1], strides = [1, 1]} : vector<1024x2xi32> to vector<1024x1xi32>
    %slice3A_9 = vector.extract_strided_slice %get3A_8 {offsets = [0, 1], sizes = [1024, 1], strides = [1, 1]} : vector<1024x2xi32> to vector<1024x1xi32>
    %eq3A = arith.cmpi eq, %slice3A, %slice3A_9 : vector<1024x1xi32>
    %get3A_10 = arith.constant 1 : index
    %get3A_11 = arith.constant 0 : index
    %get3A_12 = vector.load %arg6[%get3A_10, %get3A_11] : memref<2x1024xf32, #tpu.memory_space<vmem>>, vector<1x1024xf32>
    %get3A_13 = arith.constant 0 : index
    %get3A_14 = arith.constant 0 : index
    %get3A_15 = vector.load %arg6[%get3A_13, %get3A_14] : memref<2x1024xf32, #tpu.memory_space<vmem>>, vector<1x1024xf32>
    %broadcast_in_dim3A = vector.shape_cast %eq3A : vector<1024x1xi1> to vector<1024x1xi1>
    %broadcast_in_dim3A_16 = vector.broadcast %broadcast_in_dim3A : vector<1024x1xi1> to vector<1024x1024xi1>
    %broadcast_in_dim3A_17 = vector.shape_cast %get3A_12 : vector<1x1024xf32> to vector<1x1024xf32>
    %broadcast_in_dim3A_18 = vector.broadcast %broadcast_in_dim3A_17 : vector<1x1024xf32> to vector<1024x1024xf32>
    %broadcast_in_dim3A_19 = vector.shape_cast %get3A_15 : vector<1x1024xf32> to vector<1x1024xf32>
    %broadcast_in_dim3A_20 = vector.broadcast %broadcast_in_dim3A_19 : vector<1x1024xf32> to vector<1024x1024xf32>
    %select_n3A = arith.select %broadcast_in_dim3A_16, %broadcast_in_dim3A_18, %broadcast_in_dim3A_20 : vector<1024x1024xi1>, vector<1024x1024xf32>
    %add3A = arith.addf %dot_general3A_5, %select_n3A : vector<1024x1024xf32>
    %get3A_21 = arith.constant 0 : index
    %get3A_22 = arith.constant 0 : index
    %get3A_23 = vector.load %arg1[%get3A_21, %get3A_22] : memref<1024x512xi32, #tpu.memory_space<vmem>>, vector<1024x512xi32>
    %shift_left3A = arith.constant 16 : i32
    %shift_left3A_24 = vector.broadcast %shift_left3A : i32 to vector<1024x512xi32>
    %shift_left3A_25 = arith.shli %get3A_23, %shift_left3A_24 : vector<1024x512xi32>
    %bitcast_convert_type3A = tpu.bitcast %shift_left3A_25 : vector<1024x512xi32> -> vector<1024x512xf32>
    %and3A = arith.constant -65536 : i32
    %and3A_26 = vector.broadcast %and3A : i32 to vector<1024x512xi32>
    %and3A_27 = arith.andi %get3A_23, %and3A_26 : vector<1024x512xi32>
    %bitcast_convert_type3A_28 = tpu.bitcast %and3A_27 : vector<1024x512xi32> -> vector<1024x512xf32>
    %get3A_29 = arith.constant 0 : index
    %get3A_30 = arith.constant 0 : index
    %get3A_31 = vector.load %arg4[%get3A_29, %get3A_30] : memref<1024x1xi32, #tpu.memory_space<vmem>>, vector<1024x1xi32>
    %eq3A_32 = arith.constant 0 : i32
    %eq3A_33 = vector.broadcast %eq3A_32 : i32 to vector<1024x1xi32>
    %eq3A_34 = arith.cmpi eq, %get3A_31, %eq3A_33 : vector<1024x1xi32>
    %slice3A_35 = vector.extract_strided_slice %add3A {offsets = [0, 0], sizes = [1024, 512], strides = [1, 1]} : vector<1024x1024xf32> to vector<1024x512xf32>
    %add3A_36 = arith.addf %bitcast_convert_type3A, %slice3A_35 : vector<1024x512xf32>
    %jit3A = arith.constant 0.000000e+00 : f32
    %broadcast_in_dim3A_37 = vector.shape_cast %eq3A_34 : vector<1024x1xi1> to vector<1024x1xi1>
    %broadcast_in_dim3A_38 = vector.broadcast %broadcast_in_dim3A_37 : vector<1024x1xi1> to vector<1024x512xi1>
    %broadcast_in_dim3A_39 = vector.broadcast %jit3A : f32 to vector<1024x512xf32>
    %select_n3A_40 = arith.select %broadcast_in_dim3A_38, %add3A_36, %broadcast_in_dim3A_39 : vector<1024x512xi1>, vector<1024x512xf32>
    %swap3A = arith.constant 0 : index
    %swap3A_41 = arith.constant 0 : index
    %swap3A_42 = vector.load %arg7[%swap3A, %swap3A_41] : memref<1024x1024xf32, #tpu.memory_space<vmem>>, vector<1024x512xf32>
    tpu.vector_store %arg7[%swap3A, %swap3A_41], %select_n3A_40 {strides = array<i32>} : memref<1024x1024xf32, #tpu.memory_space<vmem>>, vector<1024x512xf32>,
    %slice3A_43 = vector.extract_strided_slice %add3A {offsets = [0, 512], sizes = [1024, 512], strides = [1, 1]} : vector<1024x1024xf32> to vector<1024x512xf32>
    %add3A_44 = arith.addf %bitcast_convert_type3A_28, %slice3A_43 : vector<1024x512xf32>
    %jit3A_45 = arith.constant 0.000000e+00 : f32
    %broadcast_in_dim3A_46 = vector.shape_cast %eq3A_34 : vector<1024x1xi1> to vector<1024x1xi1>
    %broadcast_in_dim3A_47 = vector.broadcast %broadcast_in_dim3A_46 : vector<1024x1xi1> to vector<1024x512xi1>
    %broadcast_in_dim3A_48 = vector.broadcast %jit3A_45 : f32 to vector<1024x512xf32>
    %select_n3A_49 = arith.select %broadcast_in_dim3A_47, %add3A_44, %broadcast_in_dim3A_48 : vector<1024x512xi1>, vector<1024x512xf32>
    %swap3A_50 = arith.constant 0 : index
    %swap3A_51 = arith.constant 512 : index
    %swap3A_52 = vector.load %arg7[%swap3A_50, %swap3A_51] : memref<1024x1024xf32, #tpu.memory_space<vmem>>, vector<1024x512xf32>
    tpu.vector_store %arg7[%swap3A_50, %swap3A_51], %select_n3A_49 {strides = array<i32>} : memref<1024x1024xf32, #tpu.memory_space<vmem>>, vector<1024x512xf32>,
    return
  }
  func.func @transform_0(%arg0: i32) -> (i32, i32) {
    %c0_i32 = arith.constant 0 : i32
    %c0_i32_0 = arith.constant 0 : i32
    return %arg0, %c0_i32 : i32, i32
  }
  func.func @transform_1(%arg0: i32) -> (i32, i32) {
    %add3A = arith.constant 0 : i32
    %add3A_0 = arith.addi %arg0, %add3A : i32
    %c0_i32 = arith.constant 0 : i32
    %c0_i32_1 = arith.constant 0 : i32
    return %add3A_0, %c0_i32 : i32, i32
  }
  func.func @transform_2(%arg0: i32) -> (i32, i32) {
    %add3A = arith.constant 0 : i32
    %add3A_0 = arith.addi %arg0, %add3A : i32
    %c0_i32 = arith.constant 0 : i32
    %c0_i32_1 = arith.constant 0 : i32
    return %add3A_0, %c0_i32 : i32, i32
  }
  func.func @transform_3(%arg0: i32) -> (i32, i32) {
    %add3A = arith.constant 0 : i32
    %add3A_0 = arith.addi %arg0, %add3A : i32
    %c0_i32 = arith.constant 0 : i32
    %c0_i32_1 = arith.constant 0 : i32
    return %add3A_0, %c0_i32 : i32, i32
  }
  func.func @transform_4(%arg0: i32) -> (i32, i32) {
    %c0_i32 = arith.constant 0 : i32
    %c0_i32_0 = arith.constant 0 : i32
    %c0_i32_1 = arith.constant 0 : i32
    return %c0_i32, %c0_i32_0 : i32, i32
  }
  func.func @transform_5(%arg0: i32) -> (i32, i32) {
    %c0_i32 = arith.constant 0 : i32
    %c0_i32_0 = arith.constant 0 : i32
    %c0_i32_1 = arith.constant 0 : i32
    return %c0_i32, %c0_i32_0 : i32, i32
  }
  func.func @transform_6(%arg0: i32) -> (i32, i32) {
    %add3A = arith.constant 0 : i32
    %add3A_0 = arith.addi %arg0, %add3A : i32
    %c0_i32 = arith.constant 0 : i32
    %c0_i32_1 = arith.constant 0 : i32
    return %add3A_0, %c0_i32 : i32, i32
  }
}

module attributes {stable_mosaic.version = 14 : i64} {
  func.func @_tc_body_acc(%arg0: i32, %arg1: memref<32768x1024xf32, #tpu.memory_space<any>>, %arg2: memref<1024x512xi32, #tpu.memory_space<vmem>>, %arg3: memref<1024x256xf32, #tpu.memory_space<vmem>>, %arg4: memref<1024x2xi32, #tpu.memory_space<vmem>>, %arg5: memref<1024x1xi32, #tpu.memory_space<vmem>>, %arg6: memref<256x1024xf32, #tpu.memory_space<vmem>>, %arg7: memref<2x1024xf32, #tpu.memory_space<vmem>>, %arg8: memref<1024x1024xf32, #tpu.memory_space<vmem>>) attributes {dimension_semantics = [#tpu.dimension_semantics<arbitrary>], iteration_bounds = array<i64: 8>, scalar_prefetch = 0 : i64, scratch_operands = 0 : i64, tpu.core_type = #tpu.core_type<tc>, window_params = [{}, {transform_indices = @transform_1, window_bounds = array<i64: 1024, 512>}, {transform_indices = @transform_2, window_bounds = array<i64: 1024, 256>}, {transform_indices = @transform_3, window_bounds = array<i64: 1024, 2>}, {transform_indices = @transform_4, window_bounds = array<i64: 1024, 1>}, {pipeline_mode = #tpu.pipeline_mode<synchronous>, transform_indices = @transform_5, window_bounds = array<i64: 256, 1024>}, {pipeline_mode = #tpu.pipeline_mode<synchronous>, transform_indices = @transform_6, window_bounds = array<i64: 2, 1024>}, {transform_indices = @transform_7, window_bounds = array<i64: 1024, 1024>}]} {
    %get3A = arith.constant 0 : index
    %get3A_0 = arith.constant 0 : index
    %get3A_1 = vector.load %arg3[%get3A, %get3A_0] : memref<1024x256xf32, #tpu.memory_space<vmem>>, vector<1024x256xf32>
    %get3A_2 = arith.constant 0 : index
    %get3A_3 = arith.constant 0 : index
    %get3A_4 = vector.load %arg6[%get3A_2, %get3A_3] : memref<256x1024xf32, #tpu.memory_space<vmem>>, vector<256x1024xf32>
    %dot_general3A = arith.constant dense<0.000000e+00> : vector<1024x1024xf32>
    %dot_general3A_5 = tpu.matmul %get3A_1, %get3A_4, %dot_general3A {dimension_numbers = #tpu.dot_dimension_numbers<[1], [0], [0], [1], [0, 0, 1, 1], [], []>, transpose_lhs_hint = false} : vector<1024x256xf32>, vector<256x1024xf32>, vector<1024x1024xf32> -> vector<1024x1024xf32>
    %get3A_6 = arith.constant 0 : index
    %get3A_7 = arith.constant 0 : index
    %get3A_8 = vector.load %arg4[%get3A_6, %get3A_7] : memref<1024x2xi32, #tpu.memory_space<vmem>>, vector<1024x2xi32>
    %slice3A = vector.extract_strided_slice %get3A_8 {offsets = [0, 0], sizes = [1024, 1], strides = [1, 1]} : vector<1024x2xi32> to vector<1024x1xi32>
    %slice3A_9 = vector.extract_strided_slice %get3A_8 {offsets = [0, 1], sizes = [1024, 1], strides = [1, 1]} : vector<1024x2xi32> to vector<1024x1xi32>
    %eq3A = arith.cmpi eq, %slice3A, %slice3A_9 : vector<1024x1xi32>
    %get3A_10 = arith.constant 1 : index
    %get3A_11 = arith.constant 0 : index
    %get3A_12 = vector.load %arg7[%get3A_10, %get3A_11] : memref<2x1024xf32, #tpu.memory_space<vmem>>, vector<1x1024xf32>
    %get3A_13 = arith.constant 0 : index
    %get3A_14 = arith.constant 0 : index
    %get3A_15 = vector.load %arg7[%get3A_13, %get3A_14] : memref<2x1024xf32, #tpu.memory_space<vmem>>, vector<1x1024xf32>
    %broadcast_in_dim3A = vector.shape_cast %eq3A : vector<1024x1xi1> to vector<1024x1xi1>
    %broadcast_in_dim3A_16 = vector.broadcast %broadcast_in_dim3A : vector<1024x1xi1> to vector<1024x1024xi1>
    %broadcast_in_dim3A_17 = vector.shape_cast %get3A_12 : vector<1x1024xf32> to vector<1x1024xf32>
    %broadcast_in_dim3A_18 = vector.broadcast %broadcast_in_dim3A_17 : vector<1x1024xf32> to vector<1024x1024xf32>
    %broadcast_in_dim3A_19 = vector.shape_cast %get3A_15 : vector<1x1024xf32> to vector<1x1024xf32>
    %broadcast_in_dim3A_20 = vector.broadcast %broadcast_in_dim3A_19 : vector<1x1024xf32> to vector<1024x1024xf32>
    %select_n3A = arith.select %broadcast_in_dim3A_16, %broadcast_in_dim3A_18, %broadcast_in_dim3A_20 : vector<1024x1024xi1>, vector<1024x1024xf32>
    %add3A = arith.addf %dot_general3A_5, %select_n3A : vector<1024x1024xf32>
    %get3A_21 = arith.constant 0 : index
    %get3A_22 = arith.constant 0 : index
    %get3A_23 = vector.load %arg2[%get3A_21, %get3A_22] : memref<1024x512xi32, #tpu.memory_space<vmem>>, vector<1024x512xi32>
    %shift_left3A = arith.constant 16 : i32
    %shift_left3A_24 = vector.broadcast %shift_left3A : i32 to vector<1024x512xi32>
    %shift_left3A_25 = arith.shli %get3A_23, %shift_left3A_24 : vector<1024x512xi32>
    %bitcast_convert_type3A = tpu.bitcast %shift_left3A_25 : vector<1024x512xi32> -> vector<1024x512xf32>
    %and3A = arith.constant -65536 : i32
    %and3A_26 = vector.broadcast %and3A : i32 to vector<1024x512xi32>
    %and3A_27 = arith.andi %get3A_23, %and3A_26 : vector<1024x512xi32>
    %bitcast_convert_type3A_28 = tpu.bitcast %and3A_27 : vector<1024x512xi32> -> vector<1024x512xf32>
    %get3A_29 = arith.constant 0 : index
    %get3A_30 = arith.constant 0 : index
    %get3A_31 = vector.load %arg5[%get3A_29, %get3A_30] : memref<1024x1xi32, #tpu.memory_space<vmem>>, vector<1024x1xi32>
    %eq3A_32 = arith.constant 0 : i32
    %eq3A_33 = vector.broadcast %eq3A_32 : i32 to vector<1024x1xi32>
    %eq3A_34 = arith.cmpi eq, %get3A_31, %eq3A_33 : vector<1024x1xi32>
    %slice3A_35 = vector.extract_strided_slice %add3A {offsets = [0, 0], sizes = [1024, 512], strides = [1, 1]} : vector<1024x1024xf32> to vector<1024x512xf32>
    %add3A_36 = arith.addf %bitcast_convert_type3A, %slice3A_35 : vector<1024x512xf32>
    %jit3A = arith.constant 0.000000e+00 : f32
    %broadcast_in_dim3A_37 = vector.shape_cast %eq3A_34 : vector<1024x1xi1> to vector<1024x1xi1>
    %broadcast_in_dim3A_38 = vector.broadcast %broadcast_in_dim3A_37 : vector<1024x1xi1> to vector<1024x512xi1>
    %broadcast_in_dim3A_39 = vector.broadcast %jit3A : f32 to vector<1024x512xf32>
    %select_n3A_40 = arith.select %broadcast_in_dim3A_38, %add3A_36, %broadcast_in_dim3A_39 : vector<1024x512xi1>, vector<1024x512xf32>
    %swap3A = arith.constant 0 : index
    %swap3A_41 = arith.constant 0 : index
    %swap3A_42 = vector.load %arg8[%swap3A, %swap3A_41] : memref<1024x1024xf32, #tpu.memory_space<vmem>>, vector<1024x512xf32>
    tpu.vector_store %arg8[%swap3A, %swap3A_41], %select_n3A_40 {strides = array<i32>} : memref<1024x1024xf32, #tpu.memory_space<vmem>>, vector<1024x512xf32>,
    %slice3A_43 = vector.extract_strided_slice %add3A {offsets = [0, 512], sizes = [1024, 512], strides = [1, 1]} : vector<1024x1024xf32> to vector<1024x512xf32>
    %add3A_44 = arith.addf %bitcast_convert_type3A_28, %slice3A_43 : vector<1024x512xf32>
    %jit3A_45 = arith.constant 0.000000e+00 : f32
    %broadcast_in_dim3A_46 = vector.shape_cast %eq3A_34 : vector<1024x1xi1> to vector<1024x1xi1>
    %broadcast_in_dim3A_47 = vector.broadcast %broadcast_in_dim3A_46 : vector<1024x1xi1> to vector<1024x512xi1>
    %broadcast_in_dim3A_48 = vector.broadcast %jit3A_45 : f32 to vector<1024x512xf32>
    %select_n3A_49 = arith.select %broadcast_in_dim3A_47, %add3A_44, %broadcast_in_dim3A_48 : vector<1024x512xi1>, vector<1024x512xf32>
    %swap3A_50 = arith.constant 0 : index
    %swap3A_51 = arith.constant 512 : index
    %swap3A_52 = vector.load %arg8[%swap3A_50, %swap3A_51] : memref<1024x1024xf32, #tpu.memory_space<vmem>>, vector<1024x512xf32>
    tpu.vector_store %arg8[%swap3A_50, %swap3A_51], %select_n3A_49 {strides = array<i32>} : memref<1024x1024xf32, #tpu.memory_space<vmem>>, vector<1024x512xf32>,
    return
  }
  func.func @transform_1(%arg0: i32) -> (i32, i32) {
    %c0_i32 = arith.constant 0 : i32
    %c0_i32_0 = arith.constant 0 : i32
    return %arg0, %c0_i32 : i32, i32
  }
  func.func @transform_2(%arg0: i32) -> (i32, i32) {
    %add3A = arith.constant 8 : i32
    %add3A_0 = arith.addi %arg0, %add3A : i32
    %c0_i32 = arith.constant 0 : i32
    %c0_i32_1 = arith.constant 0 : i32
    return %add3A_0, %c0_i32 : i32, i32
  }
  func.func @transform_3(%arg0: i32) -> (i32, i32) {
    %add3A = arith.constant 8 : i32
    %add3A_0 = arith.addi %arg0, %add3A : i32
    %c0_i32 = arith.constant 0 : i32
    %c0_i32_1 = arith.constant 0 : i32
    return %add3A_0, %c0_i32 : i32, i32
  }
  func.func @transform_4(%arg0: i32) -> (i32, i32) {
    %add3A = arith.constant 8 : i32
    %add3A_0 = arith.addi %arg0, %add3A : i32
    %c0_i32 = arith.constant 0 : i32
    %c0_i32_1 = arith.constant 0 : i32
    return %add3A_0, %c0_i32 : i32, i32
  }
  func.func @transform_5(%arg0: i32) -> (i32, i32) {
    %c0_i32 = arith.constant 0 : i32
    %c0_i32_0 = arith.constant 0 : i32
    %c0_i32_1 = arith.constant 0 : i32
    return %c0_i32, %c0_i32_0 : i32, i32
  }
  func.func @transform_6(%arg0: i32) -> (i32, i32) {
    %c0_i32 = arith.constant 0 : i32
    %c0_i32_0 = arith.constant 0 : i32
    %c0_i32_1 = arith.constant 0 : i32
    return %c0_i32, %c0_i32_0 : i32, i32
  }
  func.func @transform_7(%arg0: i32) -> (i32, i32) {
    %add3A = arith.constant 8 : i32
    %add3A_0 = arith.addi %arg0, %add3A : i32
    %c0_i32 = arith.constant 0 : i32
    %c0_i32_1 = arith.constant 0 : i32
    return %add3A_0, %c0_i32 : i32, i32
  }
}

module attributes {stable_mosaic.version = 14 : i64} {
  func.func @_tc_body_acc(%arg0: i32, %arg1: memref<32768x1024xf32, #tpu.memory_space<any>>, %arg2: memref<1024x512xi32, #tpu.memory_space<vmem>>, %arg3: memref<1024x256xf32, #tpu.memory_space<vmem>>, %arg4: memref<1024x2xi32, #tpu.memory_space<vmem>>, %arg5: memref<1024x1xi32, #tpu.memory_space<vmem>>, %arg6: memref<256x1024xf32, #tpu.memory_space<vmem>>, %arg7: memref<2x1024xf32, #tpu.memory_space<vmem>>, %arg8: memref<1024x1024xf32, #tpu.memory_space<vmem>>) attributes {dimension_semantics = [#tpu.dimension_semantics<arbitrary>], iteration_bounds = array<i64: 8>, scalar_prefetch = 0 : i64, scratch_operands = 0 : i64, tpu.core_type = #tpu.core_type<tc>, window_params = [{}, {transform_indices = @transform_1, window_bounds = array<i64: 1024, 512>}, {transform_indices = @transform_2, window_bounds = array<i64: 1024, 256>}, {transform_indices = @transform_3, window_bounds = array<i64: 1024, 2>}, {transform_indices = @transform_4, window_bounds = array<i64: 1024, 1>}, {pipeline_mode = #tpu.pipeline_mode<synchronous>, transform_indices = @transform_5, window_bounds = array<i64: 256, 1024>}, {pipeline_mode = #tpu.pipeline_mode<synchronous>, transform_indices = @transform_6, window_bounds = array<i64: 2, 1024>}, {transform_indices = @transform_7, window_bounds = array<i64: 1024, 1024>}]} {
    %get3A = arith.constant 0 : index
    %get3A_0 = arith.constant 0 : index
    %get3A_1 = vector.load %arg3[%get3A, %get3A_0] : memref<1024x256xf32, #tpu.memory_space<vmem>>, vector<1024x256xf32>
    %get3A_2 = arith.constant 0 : index
    %get3A_3 = arith.constant 0 : index
    %get3A_4 = vector.load %arg6[%get3A_2, %get3A_3] : memref<256x1024xf32, #tpu.memory_space<vmem>>, vector<256x1024xf32>
    %dot_general3A = arith.constant dense<0.000000e+00> : vector<1024x1024xf32>
    %dot_general3A_5 = tpu.matmul %get3A_1, %get3A_4, %dot_general3A {dimension_numbers = #tpu.dot_dimension_numbers<[1], [0], [0], [1], [0, 0, 1, 1], [], []>, transpose_lhs_hint = false} : vector<1024x256xf32>, vector<256x1024xf32>, vector<1024x1024xf32> -> vector<1024x1024xf32>
    %get3A_6 = arith.constant 0 : index
    %get3A_7 = arith.constant 0 : index
    %get3A_8 = vector.load %arg4[%get3A_6, %get3A_7] : memref<1024x2xi32, #tpu.memory_space<vmem>>, vector<1024x2xi32>
    %slice3A = vector.extract_strided_slice %get3A_8 {offsets = [0, 0], sizes = [1024, 1], strides = [1, 1]} : vector<1024x2xi32> to vector<1024x1xi32>
    %slice3A_9 = vector.extract_strided_slice %get3A_8 {offsets = [0, 1], sizes = [1024, 1], strides = [1, 1]} : vector<1024x2xi32> to vector<1024x1xi32>
    %eq3A = arith.cmpi eq, %slice3A, %slice3A_9 : vector<1024x1xi32>
    %get3A_10 = arith.constant 1 : index
    %get3A_11 = arith.constant 0 : index
    %get3A_12 = vector.load %arg7[%get3A_10, %get3A_11] : memref<2x1024xf32, #tpu.memory_space<vmem>>, vector<1x1024xf32>
    %get3A_13 = arith.constant 0 : index
    %get3A_14 = arith.constant 0 : index
    %get3A_15 = vector.load %arg7[%get3A_13, %get3A_14] : memref<2x1024xf32, #tpu.memory_space<vmem>>, vector<1x1024xf32>
    %broadcast_in_dim3A = vector.shape_cast %eq3A : vector<1024x1xi1> to vector<1024x1xi1>
    %broadcast_in_dim3A_16 = vector.broadcast %broadcast_in_dim3A : vector<1024x1xi1> to vector<1024x1024xi1>
    %broadcast_in_dim3A_17 = vector.shape_cast %get3A_12 : vector<1x1024xf32> to vector<1x1024xf32>
    %broadcast_in_dim3A_18 = vector.broadcast %broadcast_in_dim3A_17 : vector<1x1024xf32> to vector<1024x1024xf32>
    %broadcast_in_dim3A_19 = vector.shape_cast %get3A_15 : vector<1x1024xf32> to vector<1x1024xf32>
    %broadcast_in_dim3A_20 = vector.broadcast %broadcast_in_dim3A_19 : vector<1x1024xf32> to vector<1024x1024xf32>
    %select_n3A = arith.select %broadcast_in_dim3A_16, %broadcast_in_dim3A_18, %broadcast_in_dim3A_20 : vector<1024x1024xi1>, vector<1024x1024xf32>
    %add3A = arith.addf %dot_general3A_5, %select_n3A : vector<1024x1024xf32>
    %get3A_21 = arith.constant 0 : index
    %get3A_22 = arith.constant 0 : index
    %get3A_23 = vector.load %arg2[%get3A_21, %get3A_22] : memref<1024x512xi32, #tpu.memory_space<vmem>>, vector<1024x512xi32>
    %shift_left3A = arith.constant 16 : i32
    %shift_left3A_24 = vector.broadcast %shift_left3A : i32 to vector<1024x512xi32>
    %shift_left3A_25 = arith.shli %get3A_23, %shift_left3A_24 : vector<1024x512xi32>
    %bitcast_convert_type3A = tpu.bitcast %shift_left3A_25 : vector<1024x512xi32> -> vector<1024x512xf32>
    %and3A = arith.constant -65536 : i32
    %and3A_26 = vector.broadcast %and3A : i32 to vector<1024x512xi32>
    %and3A_27 = arith.andi %get3A_23, %and3A_26 : vector<1024x512xi32>
    %bitcast_convert_type3A_28 = tpu.bitcast %and3A_27 : vector<1024x512xi32> -> vector<1024x512xf32>
    %get3A_29 = arith.constant 0 : index
    %get3A_30 = arith.constant 0 : index
    %get3A_31 = vector.load %arg5[%get3A_29, %get3A_30] : memref<1024x1xi32, #tpu.memory_space<vmem>>, vector<1024x1xi32>
    %eq3A_32 = arith.constant 0 : i32
    %eq3A_33 = vector.broadcast %eq3A_32 : i32 to vector<1024x1xi32>
    %eq3A_34 = arith.cmpi eq, %get3A_31, %eq3A_33 : vector<1024x1xi32>
    %slice3A_35 = vector.extract_strided_slice %add3A {offsets = [0, 0], sizes = [1024, 512], strides = [1, 1]} : vector<1024x1024xf32> to vector<1024x512xf32>
    %add3A_36 = arith.addf %bitcast_convert_type3A, %slice3A_35 : vector<1024x512xf32>
    %jit3A = arith.constant 0.000000e+00 : f32
    %broadcast_in_dim3A_37 = vector.shape_cast %eq3A_34 : vector<1024x1xi1> to vector<1024x1xi1>
    %broadcast_in_dim3A_38 = vector.broadcast %broadcast_in_dim3A_37 : vector<1024x1xi1> to vector<1024x512xi1>
    %broadcast_in_dim3A_39 = vector.broadcast %jit3A : f32 to vector<1024x512xf32>
    %select_n3A_40 = arith.select %broadcast_in_dim3A_38, %add3A_36, %broadcast_in_dim3A_39 : vector<1024x512xi1>, vector<1024x512xf32>
    %swap3A = arith.constant 0 : index
    %swap3A_41 = arith.constant 0 : index
    %swap3A_42 = vector.load %arg8[%swap3A, %swap3A_41] : memref<1024x1024xf32, #tpu.memory_space<vmem>>, vector<1024x512xf32>
    tpu.vector_store %arg8[%swap3A, %swap3A_41], %select_n3A_40 {strides = array<i32>} : memref<1024x1024xf32, #tpu.memory_space<vmem>>, vector<1024x512xf32>,
    %slice3A_43 = vector.extract_strided_slice %add3A {offsets = [0, 512], sizes = [1024, 512], strides = [1, 1]} : vector<1024x1024xf32> to vector<1024x512xf32>
    %add3A_44 = arith.addf %bitcast_convert_type3A_28, %slice3A_43 : vector<1024x512xf32>
    %jit3A_45 = arith.constant 0.000000e+00 : f32
    %broadcast_in_dim3A_46 = vector.shape_cast %eq3A_34 : vector<1024x1xi1> to vector<1024x1xi1>
    %broadcast_in_dim3A_47 = vector.broadcast %broadcast_in_dim3A_46 : vector<1024x1xi1> to vector<1024x512xi1>
    %broadcast_in_dim3A_48 = vector.broadcast %jit3A_45 : f32 to vector<1024x512xf32>
    %select_n3A_49 = arith.select %broadcast_in_dim3A_47, %add3A_44, %broadcast_in_dim3A_48 : vector<1024x512xi1>, vector<1024x512xf32>
    %swap3A_50 = arith.constant 0 : index
    %swap3A_51 = arith.constant 512 : index
    %swap3A_52 = vector.load %arg8[%swap3A_50, %swap3A_51] : memref<1024x1024xf32, #tpu.memory_space<vmem>>, vector<1024x512xf32>
    tpu.vector_store %arg8[%swap3A_50, %swap3A_51], %select_n3A_49 {strides = array<i32>} : memref<1024x1024xf32, #tpu.memory_space<vmem>>, vector<1024x512xf32>,
    return
  }
  func.func @transform_1(%arg0: i32) -> (i32, i32) {
    %c0_i32 = arith.constant 0 : i32
    %c0_i32_0 = arith.constant 0 : i32
    return %arg0, %c0_i32 : i32, i32
  }
  func.func @transform_2(%arg0: i32) -> (i32, i32) {
    %add3A = arith.constant 16 : i32
    %add3A_0 = arith.addi %arg0, %add3A : i32
    %c0_i32 = arith.constant 0 : i32
    %c0_i32_1 = arith.constant 0 : i32
    return %add3A_0, %c0_i32 : i32, i32
  }
  func.func @transform_3(%arg0: i32) -> (i32, i32) {
    %add3A = arith.constant 16 : i32
    %add3A_0 = arith.addi %arg0, %add3A : i32
    %c0_i32 = arith.constant 0 : i32
    %c0_i32_1 = arith.constant 0 : i32
    return %add3A_0, %c0_i32 : i32, i32
  }
  func.func @transform_4(%arg0: i32) -> (i32, i32) {
    %add3A = arith.constant 16 : i32
    %add3A_0 = arith.addi %arg0, %add3A : i32
    %c0_i32 = arith.constant 0 : i32
    %c0_i32_1 = arith.constant 0 : i32
    return %add3A_0, %c0_i32 : i32, i32
  }
  func.func @transform_5(%arg0: i32) -> (i32, i32) {
    %c0_i32 = arith.constant 0 : i32
    %c0_i32_0 = arith.constant 0 : i32
    %c0_i32_1 = arith.constant 0 : i32
    return %c0_i32, %c0_i32_0 : i32, i32
  }
  func.func @transform_6(%arg0: i32) -> (i32, i32) {
    %c0_i32 = arith.constant 0 : i32
    %c0_i32_0 = arith.constant 0 : i32
    %c0_i32_1 = arith.constant 0 : i32
    return %c0_i32, %c0_i32_0 : i32, i32
  }
  func.func @transform_7(%arg0: i32) -> (i32, i32) {
    %add3A = arith.constant 16 : i32
    %add3A_0 = arith.addi %arg0, %add3A : i32
    %c0_i32 = arith.constant 0 : i32
    %c0_i32_1 = arith.constant 0 : i32
    return %add3A_0, %c0_i32 : i32, i32
  }
}

module attributes {stable_mosaic.version = 14 : i64} {
  func.func @_tc_body_acc(%arg0: i32, %arg1: memref<32768x1024xf32, #tpu.memory_space<any>>, %arg2: memref<1024x512xi32, #tpu.memory_space<vmem>>, %arg3: memref<1024x256xf32, #tpu.memory_space<vmem>>, %arg4: memref<1024x2xi32, #tpu.memory_space<vmem>>, %arg5: memref<1024x1xi32, #tpu.memory_space<vmem>>, %arg6: memref<256x1024xf32, #tpu.memory_space<vmem>>, %arg7: memref<2x1024xf32, #tpu.memory_space<vmem>>, %arg8: memref<1024x1024xf32, #tpu.memory_space<vmem>>) attributes {dimension_semantics = [#tpu.dimension_semantics<arbitrary>], iteration_bounds = array<i64: 8>, scalar_prefetch = 0 : i64, scratch_operands = 0 : i64, tpu.core_type = #tpu.core_type<tc>, window_params = [{}, {transform_indices = @transform_1, window_bounds = array<i64: 1024, 512>}, {transform_indices = @transform_2, window_bounds = array<i64: 1024, 256>}, {transform_indices = @transform_3, window_bounds = array<i64: 1024, 2>}, {transform_indices = @transform_4, window_bounds = array<i64: 1024, 1>}, {pipeline_mode = #tpu.pipeline_mode<synchronous>, transform_indices = @transform_5, window_bounds = array<i64: 256, 1024>}, {pipeline_mode = #tpu.pipeline_mode<synchronous>, transform_indices = @transform_6, window_bounds = array<i64: 2, 1024>}, {transform_indices = @transform_7, window_bounds = array<i64: 1024, 1024>}]} {
    %get3A = arith.constant 0 : index
    %get3A_0 = arith.constant 0 : index
    %get3A_1 = vector.load %arg3[%get3A, %get3A_0] : memref<1024x256xf32, #tpu.memory_space<vmem>>, vector<1024x256xf32>
    %get3A_2 = arith.constant 0 : index
    %get3A_3 = arith.constant 0 : index
    %get3A_4 = vector.load %arg6[%get3A_2, %get3A_3] : memref<256x1024xf32, #tpu.memory_space<vmem>>, vector<256x1024xf32>
    %dot_general3A = arith.constant dense<0.000000e+00> : vector<1024x1024xf32>
    %dot_general3A_5 = tpu.matmul %get3A_1, %get3A_4, %dot_general3A {dimension_numbers = #tpu.dot_dimension_numbers<[1], [0], [0], [1], [0, 0, 1, 1], [], []>, transpose_lhs_hint = false} : vector<1024x256xf32>, vector<256x1024xf32>, vector<1024x1024xf32> -> vector<1024x1024xf32>
    %get3A_6 = arith.constant 0 : index
    %get3A_7 = arith.constant 0 : index
    %get3A_8 = vector.load %arg4[%get3A_6, %get3A_7] : memref<1024x2xi32, #tpu.memory_space<vmem>>, vector<1024x2xi32>
    %slice3A = vector.extract_strided_slice %get3A_8 {offsets = [0, 0], sizes = [1024, 1], strides = [1, 1]} : vector<1024x2xi32> to vector<1024x1xi32>
    %slice3A_9 = vector.extract_strided_slice %get3A_8 {offsets = [0, 1], sizes = [1024, 1], strides = [1, 1]} : vector<1024x2xi32> to vector<1024x1xi32>
    %eq3A = arith.cmpi eq, %slice3A, %slice3A_9 : vector<1024x1xi32>
    %get3A_10 = arith.constant 1 : index
    %get3A_11 = arith.constant 0 : index
    %get3A_12 = vector.load %arg7[%get3A_10, %get3A_11] : memref<2x1024xf32, #tpu.memory_space<vmem>>, vector<1x1024xf32>
    %get3A_13 = arith.constant 0 : index
    %get3A_14 = arith.constant 0 : index
    %get3A_15 = vector.load %arg7[%get3A_13, %get3A_14] : memref<2x1024xf32, #tpu.memory_space<vmem>>, vector<1x1024xf32>
    %broadcast_in_dim3A = vector.shape_cast %eq3A : vector<1024x1xi1> to vector<1024x1xi1>
    %broadcast_in_dim3A_16 = vector.broadcast %broadcast_in_dim3A : vector<1024x1xi1> to vector<1024x1024xi1>
    %broadcast_in_dim3A_17 = vector.shape_cast %get3A_12 : vector<1x1024xf32> to vector<1x1024xf32>
    %broadcast_in_dim3A_18 = vector.broadcast %broadcast_in_dim3A_17 : vector<1x1024xf32> to vector<1024x1024xf32>
    %broadcast_in_dim3A_19 = vector.shape_cast %get3A_15 : vector<1x1024xf32> to vector<1x1024xf32>
    %broadcast_in_dim3A_20 = vector.broadcast %broadcast_in_dim3A_19 : vector<1x1024xf32> to vector<1024x1024xf32>
    %select_n3A = arith.select %broadcast_in_dim3A_16, %broadcast_in_dim3A_18, %broadcast_in_dim3A_20 : vector<1024x1024xi1>, vector<1024x1024xf32>
    %add3A = arith.addf %dot_general3A_5, %select_n3A : vector<1024x1024xf32>
    %get3A_21 = arith.constant 0 : index
    %get3A_22 = arith.constant 0 : index
    %get3A_23 = vector.load %arg2[%get3A_21, %get3A_22] : memref<1024x512xi32, #tpu.memory_space<vmem>>, vector<1024x512xi32>
    %shift_left3A = arith.constant 16 : i32
    %shift_left3A_24 = vector.broadcast %shift_left3A : i32 to vector<1024x512xi32>
    %shift_left3A_25 = arith.shli %get3A_23, %shift_left3A_24 : vector<1024x512xi32>
    %bitcast_convert_type3A = tpu.bitcast %shift_left3A_25 : vector<1024x512xi32> -> vector<1024x512xf32>
    %and3A = arith.constant -65536 : i32
    %and3A_26 = vector.broadcast %and3A : i32 to vector<1024x512xi32>
    %and3A_27 = arith.andi %get3A_23, %and3A_26 : vector<1024x512xi32>
    %bitcast_convert_type3A_28 = tpu.bitcast %and3A_27 : vector<1024x512xi32> -> vector<1024x512xf32>
    %get3A_29 = arith.constant 0 : index
    %get3A_30 = arith.constant 0 : index
    %get3A_31 = vector.load %arg5[%get3A_29, %get3A_30] : memref<1024x1xi32, #tpu.memory_space<vmem>>, vector<1024x1xi32>
    %eq3A_32 = arith.constant 0 : i32
    %eq3A_33 = vector.broadcast %eq3A_32 : i32 to vector<1024x1xi32>
    %eq3A_34 = arith.cmpi eq, %get3A_31, %eq3A_33 : vector<1024x1xi32>
    %slice3A_35 = vector.extract_strided_slice %add3A {offsets = [0, 0], sizes = [1024, 512], strides = [1, 1]} : vector<1024x1024xf32> to vector<1024x512xf32>
    %add3A_36 = arith.addf %bitcast_convert_type3A, %slice3A_35 : vector<1024x512xf32>
    %jit3A = arith.constant 0.000000e+00 : f32
    %broadcast_in_dim3A_37 = vector.shape_cast %eq3A_34 : vector<1024x1xi1> to vector<1024x1xi1>
    %broadcast_in_dim3A_38 = vector.broadcast %broadcast_in_dim3A_37 : vector<1024x1xi1> to vector<1024x512xi1>
    %broadcast_in_dim3A_39 = vector.broadcast %jit3A : f32 to vector<1024x512xf32>
    %select_n3A_40 = arith.select %broadcast_in_dim3A_38, %add3A_36, %broadcast_in_dim3A_39 : vector<1024x512xi1>, vector<1024x512xf32>
    %swap3A = arith.constant 0 : index
    %swap3A_41 = arith.constant 0 : index
    %swap3A_42 = vector.load %arg8[%swap3A, %swap3A_41] : memref<1024x1024xf32, #tpu.memory_space<vmem>>, vector<1024x512xf32>
    tpu.vector_store %arg8[%swap3A, %swap3A_41], %select_n3A_40 {strides = array<i32>} : memref<1024x1024xf32, #tpu.memory_space<vmem>>, vector<1024x512xf32>,
    %slice3A_43 = vector.extract_strided_slice %add3A {offsets = [0, 512], sizes = [1024, 512], strides = [1, 1]} : vector<1024x1024xf32> to vector<1024x512xf32>
    %add3A_44 = arith.addf %bitcast_convert_type3A_28, %slice3A_43 : vector<1024x512xf32>
    %jit3A_45 = arith.constant 0.000000e+00 : f32
    %broadcast_in_dim3A_46 = vector.shape_cast %eq3A_34 : vector<1024x1xi1> to vector<1024x1xi1>
    %broadcast_in_dim3A_47 = vector.broadcast %broadcast_in_dim3A_46 : vector<1024x1xi1> to vector<1024x512xi1>
    %broadcast_in_dim3A_48 = vector.broadcast %jit3A_45 : f32 to vector<1024x512xf32>
    %select_n3A_49 = arith.select %broadcast_in_dim3A_47, %add3A_44, %broadcast_in_dim3A_48 : vector<1024x512xi1>, vector<1024x512xf32>
    %swap3A_50 = arith.constant 0 : index
    %swap3A_51 = arith.constant 512 : index
    %swap3A_52 = vector.load %arg8[%swap3A_50, %swap3A_51] : memref<1024x1024xf32, #tpu.memory_space<vmem>>, vector<1024x512xf32>
    tpu.vector_store %arg8[%swap3A_50, %swap3A_51], %select_n3A_49 {strides = array<i32>} : memref<1024x1024xf32, #tpu.memory_space<vmem>>, vector<1024x512xf32>,
    return
  }
  func.func @transform_1(%arg0: i32) -> (i32, i32) {
    %c0_i32 = arith.constant 0 : i32
    %c0_i32_0 = arith.constant 0 : i32
    return %arg0, %c0_i32 : i32, i32
  }
  func.func @transform_2(%arg0: i32) -> (i32, i32) {
    %add3A = arith.constant 24 : i32
    %add3A_0 = arith.addi %arg0, %add3A : i32
    %c0_i32 = arith.constant 0 : i32
    %c0_i32_1 = arith.constant 0 : i32
    return %add3A_0, %c0_i32 : i32, i32
  }
  func.func @transform_3(%arg0: i32) -> (i32, i32) {
    %add3A = arith.constant 24 : i32
    %add3A_0 = arith.addi %arg0, %add3A : i32
    %c0_i32 = arith.constant 0 : i32
    %c0_i32_1 = arith.constant 0 : i32
    return %add3A_0, %c0_i32 : i32, i32
  }
  func.func @transform_4(%arg0: i32) -> (i32, i32) {
    %add3A = arith.constant 24 : i32
    %add3A_0 = arith.addi %arg0, %add3A : i32
    %c0_i32 = arith.constant 0 : i32
    %c0_i32_1 = arith.constant 0 : i32
    return %add3A_0, %c0_i32 : i32, i32
  }
  func.func @transform_5(%arg0: i32) -> (i32, i32) {
    %c0_i32 = arith.constant 0 : i32
    %c0_i32_0 = arith.constant 0 : i32
    %c0_i32_1 = arith.constant 0 : i32
    return %c0_i32, %c0_i32_0 : i32, i32
  }
  func.func @transform_6(%arg0: i32) -> (i32, i32) {
    %c0_i32 = arith.constant 0 : i32
    %c0_i32_0 = arith.constant 0 : i32
    %c0_i32_1 = arith.constant 0 : i32
    return %c0_i32, %c0_i32_0 : i32, i32
  }
  func.func @transform_7(%arg0: i32) -> (i32, i32) {
    %add3A = arith.constant 24 : i32
    %add3A_0 = arith.addi %arg0, %add3A : i32
    %c0_i32 = arith.constant 0 : i32
    %c0_i32_1 = arith.constant 0 : i32
    return %add3A_0, %c0_i32 : i32, i32
  }
}

</mosaic_0001>

<sc_bundles>
// kernel: kernel.10.cloned.1.call-start
scs
__scs_entry_jumppad:
0x0: {  	(pc) =	sbr.rel $0x88, $3  }
0x1: {  	(tag) =	ssettag $0x0;
	lr =	simm.s32 $0x1  }
0x2: {  	[smem:$0x3F99] =	sst lr;
	_ =	strace $0xD0000000  }
0x3: {  	_ = 	snop  }
0x4: {  	_ = 	snop  }
0x5: {  	_ = 	snop  }
0x6: {  	_ = 	snop  }
0x7: {  	_ = 	snop  }
__scs_overlays_trampoline_lowered:
0x8: {  	[smem:$0x3FA8] =	sst s0  }
0x9: {  	[smem:$0x3FA9] =	sst s1  }
0xa: {  	[smem:$0x3FAA] =	sst s2  }
0xb: {  	[smem:$0x3FAB] =	sst s3  }
0xc: {  	[smem:$0x3FAC] =	sst s4  }
0xd: {  	[smem:$0x3FAD] =	sst s5  }
0xe: {  	[smem:$0x3FAE] =	sst s6  }
0xf: {  	[smem:$0x3FAF] =	sst s7  }
0x10: {  	[smem:$0x3FB0] =	sst s8  }
0x11: {  	[smem:$0x3FB1] =	sst s9;
	s0 =	simm.s32 @!p0 $0x0  }
0x12: {  	s1 =	sld [smem:$0x3F97];
	s0 =	simm.s32 @p0 $0x1  }
0x13: {  	[smem:$0x3FB2] =	sst s0;
	s0 =	simm.s32 @!p1 $0x0  }
0x14: {  	s2 =	sld [smem:$0x3F96];
	s0 =	simm.s32 @p1 $0x1  }
0x15: {  	[smem:$0x3FB3] =	sst s0;
	s0 =	simm.s32 @!p2 $0x0  }
0x16: {  	s3 =	sld [smem:$0x3FDB];
	s0 =	simm.s32 @p2 $0x1  }
0x17: {  	s4 =	simm.s32 $0x1BF5;
	[smem:$0x3FB5] =	sst s0  }
0x18: {  	s0 =	sld [smem:$0x3F98];
	_ =	swait.ge [sflag:s4], $0x0  }
0x19: {  	s7 =	sld [smem:$0x3F99]  }
0x1a: {  	s8 =	sadd.s32 $0xFFFFE003, lr  }
0x1b: {  	s9 =	sadd.s32 $0xFFFFFEF7, lr;
	s5 =	simm.s32 $0xFFFFFFFF;
	p2 =	slt.u32 s8, $0xFFFFF086  }
0x1c: {  	p1 =	slt.u32 s9, $0xF7A;
	s5 =	simm.s32 @!p2 $0x0  }
0x1d: {  	s5 =	simm.s32 @p1 $0x1;
	p0 =	seq.s32 s7, s2  }
0x1e: {  	s7 =	smul.u32 @!p0 $0xF7A, s2;
	p2 =	seq.s32 @!p0 s5, $0x0  }
0x1f: {  	s9 =	smul.u32 $0xF7A, s1;
	s8 =	simm.s32 @!p0 $0x1BF5;
	p2 =	por !p2, p0  }
0x20: {  	[sflag:s8] =	ssyncset.s32 @!p0 $0xFFFFF086;
	s6 =	sadd.s32 @!p0 s3, s7;
	s7 =	simm.s32 @!p0 $0x108  }
0x21: {  	s3 =	sadd.s32 s3, s9;
	s6 =	sadd.s32 @!p0 $0x88, s6;
	s7 =	simm.s32 @p2 $0x1082  }
0x22: {  	[simem:s7], [sflag:s8] =	dma.local @!p0 [hbm:s6], $0xF7A  }
0x23: {  	s9 =	sor.u32 $0xD0000000, s2;
	s6 =	simm.s32 $0x108;
	_ =	swait.ge @!p0 [sflag:s8], $0x0  }
0x24: {  	s3 =	sadd.s32 $0x88, s3;
	s6 =	simm.s32 @!p1 $0x1082;
	[sflag:s4] =	ssyncset.s32 $0xFFFFF086  }
0x25: {  	[simem:s6], [sflag:s4] =	dma.local [hbm:s3], $0xF7A  }
0x26: {  	[smem:$0x3F99] =	sst s1;
	(tag) =	ssettag s2;
	_ =	strace s9  }
0x27: {  	s1 =	sld [smem:$0x3FA9]  }
0x28: {  	s2 =	sld [smem:$0x3FAA]  }
0x29: {  	s4 =	sld [smem:$0x3FAC]  }
0x2a: {  	p0 =	seq.s32 s5, $0x0;
	s5 =	sld [smem:$0x3FAD]  }
0x2b: {  	s6 =	sld [smem:$0x3FAE]  }
0x2c: {  	s7 =	sld [smem:$0x3FAF]  }
0x2d: {  	s3 =	simm.s32 $0x108;
	s8 =	sld [smem:$0x3FB0]  }
0x2e: {  	s3 =	simm.s32 @!p0 $0x1082;
	s9 =	sld [smem:$0x3FB1]  }
0x2f: {  	lr =	sadd.s32 s0, s3;
	s0 =	sld [smem:$0x3FA8]  }
0x30: {  	s3 =	sld [smem:$0x3FAB]  }
0x31: {  	[smem:$0x3FB4] =	sst s10  }
0x32: {  	s10 =	sld [smem:$0x3FB2];
	_ =	sdelay $0x3  }
0x33: {  	p0 =	seq.s32 s10, $0x1;
	s10 =	sld [smem:$0x3FB4];
	_ =	sdelay $0x3  }
0x34: {  	[smem:$0x3FB4] =	sst s10  }
0x35: {  	s10 =	sld [smem:$0x3FB3];
	_ =	sdelay $0x3  }
0x36: {  	p1 =	seq.s32 s10, $0x1;
	s10 =	sld [smem:$0x3FB4];
	_ =	sdelay $0x3  }
0x37: {  	[smem:$0x3FB4] =	sst s10  }
0x38: {  	s10 =	sld [smem:$0x3FB5]  }
0x39: {  	_ = 	snop;
	(pc) =	sbr.ind lr, $3  }
0x3a: {  	_ = 	snop  }
0x3b: {  	_ = 	snop  }
0x3c: {  	p2 =	seq.s32 s10, $0x1;
	s10 =	sld [smem:$0x3FB4]  }
0x3d: {  	_ =	shalt  }
0x3e: {  	_ =	shalt  }
0x3f: {  	_ =	shalt  }
0x40: {  	_ =	shalt  }
0x41: {  	_ =	shalt  }
0x42: {  	_ =	shalt  }
0x43: {  	_ =	shalt  }
0x44: {  	_ =	shalt  }
0x45: {  	_ =	shalt  }
0x46: {  	_ =	shalt  }
0x47: {  	_ =	shalt  }
0x48: {  	_ =	shalt  }
0x49: {  	_ =	shalt  }
0x4a: {  	_ =	shalt  }
0x4b: {  	_ =	shalt  }
0x4c: {  	_ =	shalt  }
0x4d: {  	_ =	shalt  }
0x4e: {  	_ =	shalt  }
0x4f: {  	_ =	shalt  }
0x50: {  	_ =	shalt  }
0x51: {  	_ =	shalt  }
0x52: {  	_ =	shalt  }
0x53: {  	_ =	shalt  }
0x54: {  	_ =	shalt  }
0x55: {  	_ =	shalt  }
0x56: {  	_ =	shalt  }
0x57: {  	_ =	shalt  }
0x58: {  	_ =	shalt  }
0x59: {  	_ =	shalt  }
0x5a: {  	_ =	shalt  }
0x5b: {  	_ =	shalt  }
0x5c: {  	_ =	shalt  }
0x5d: {  	_ =	shalt  }
0x5e: {  	_ =	shalt  }
0x5f: {  	_ =	shalt  }
0x60: {  	_ =	shalt  }
0x61: {  	_ =	shalt  }
0x62: {  	_ =	shalt  }
0x63: {  	_ =	shalt  }
0x64: {  	_ =	shalt  }
0x65: {  	_ =	shalt  }
0x66: {  	_ =	shalt  }
0x67: {  	_ =	shalt  }
0x68: {  	_ =	shalt  }
0x69: {  	_ =	shalt  }
0x6a: {  	_ =	shalt  }
0x6b: {  	_ =	shalt  }
0x6c: {  	_ =	shalt  }
0x6d: {  	_ =	shalt  }
0x6e: {  	_ =	shalt  }
0x6f: {  	_ =	shalt  }
0x70: {  	_ =	shalt  }
0x71: {  	_ =	shalt  }
0x72: {  	_ =	shalt  }
0x73: {  	_ =	shalt  }
0x74: {  	_ =	shalt  }
0x75: {  	_ =	shalt  }
0x76: {  	_ =	shalt  }
0x77: {  	_ =	shalt  }
0x78: {  	_ =	shalt  }
0x79: {  	_ =	shalt  }
0x7a: {  	_ =	shalt  }
0x7b: {  	_ =	shalt  }
0x7c: {  	_ =	shalt  }
0x7d: {  	_ =	shalt  }
0x7e: {  	_ =	shalt  }
0x7f: {  	_ =	shalt  }
0x80: {  	_ =	shalt  }
0x81: {  	_ =	shalt  }
0x82: {  	_ =	shalt  }
0x83: {  	_ =	shalt  }
0x84: {  	_ =	shalt  }
0x85: {  	_ =	shalt  }
0x86: {  	_ =	shalt  }
0x87: {  	_ =	shalt  }
.Lfunc_end0:
.L_simem_size_0:
called_computation_lowered:
.L_overlay_start_0:
0x88: {  	s2 =	sld [smem:$0x3FD9]  }
0x89: {  	s3 =	sld [smem:$0x3FFE];
	_ =	sdelay $0x1  }
0x8a: {  	s1 =	srdreg.scid  }
0x8b: {  	s0 =	sand.u32 $0x1, s1  }
0x8c: {  	s18 =	sshll.u32 s0, $0xA;
	s2 =	sadd.s32 s3, s2  }
0x8d: {  	s2 =	sadd.s32 s2, s18  }
0x8e: {  	[smem:$0x3FC0] =	sst s2  }
0x8f: {  	_ = 	snop  }
0x90: {  	s2 =	sld [smem:$0x3FC9]  }
0x91: {  	s19 =	sld [smem:$0x3FC8]  }
0x92: {  	s4 =	sld [smem:$0x3FC4]  }
0x93: {  	s5 =	sld [smem:$0x3FD0];
	(tm) =	ssettm $0x1  }
0x94: {  	s6 =	sld [smem:$0x3FFB];
	_ =	sdelay $0x3  }
0x95: {  	_ =	strace s6  }
0x96: {  	s6 =	sld [smem:$0x3FFC];
	_ =	sdelay $0x3  }
0x97: {  	_ =	strace s6  }
0x98: {  	s6 =	sld [smem:$0x3FFD];
	_ =	sdelay $0x3  }
0x99: {  	_ =	strace s6  }
0x9a: {  	_ =	strace $0x8FFFFFFF  }
0x9b: {  	s20 =	sld [smem:$0x3FDB];
	_ =	sdelay $0x1  }
0x9c: {  	s7 =	simm.s32 $_scs_section_size  }
0x9d: {  	s8 =	simm.s32 $_size__tile_overlayer_lowered;
	s9 =	simm.s32 $_tile_overlayer_lowered  }
0x9e: {  	s23 =	simm.s32 $0x1BFF;
	s22 =	sshll.u32 s9, $0x1;
	s6 =	sadd.s32 s7, s20  }
0x9f: {  	s10 =	simm.s32 $0x0;
	s21 =	sshll.u32 s8, $0x1;
	s8 =	sadd.s32 s22, s6  }
0xa0: {  	[timem:s10], [sflag:s23] =	dma.local [hbm:s8], s21  }
0xa1: {  	_ =	swait.ge [sflag:s23], s21  }
0xa2: {  	s7 =	ssub.s32 $0x0, s21;
	[sflag:s23] =	ssyncset.done $0x0  }
0xa3: {  	[sflag:s23] =	ssyncadd.s32 s7;
	_ =	sdelay $0x1  }
0xa4: {  	s24 =	simm.s32 $0x1B8B  }
0xa5: {  	_ =	swait.ge [sflag:s24], $0x1  }
0xa6: {  	[sflag:s24] =	ssyncset.done $0x0  }
0xa7: {  	s25 =	simm.s32 $0x1B8E;
	[sflag:s24] =	ssyncadd.s32 $0xFFFFFFFF  }
0xa8: {  	s26 =	simm.s32 $execute0_lowered;
	[smem:$0x3FD2] =	sst s25  }
0xa9: {  	s7 =	sshll.u32 s26, $0x1;
	_ =	strace $0x80000046;
	[dreg:$0x1] =	wrdreg $0xFFFFFFFF  }
0xaa: {  	s28 =	simm.s32 $_size_execute0_lowered;
	s6 =	sadd.s32 s6, s7;
	[dreg:$0x0] =	wrdreg $0x0  }
0xab: {  	s7 =	sshll.u32 s28, $0x1;
	[dreg:$0x2] =	wrdreg s6  }
0xac: {  	[dreg:$0x3] =	wrdreg s7  }
0xad: {  	[dreg:$0x4] =	wrdreg $0xC0  }
0xae: {  	_ =	task [dreg:s10], $0x5FFFF  }
0xaf: {  	[dreg:$0x1] =	wrdreg $0xFFFFFFFF  }
0xb0: {  	[dreg:$0x0] =	wrdreg $0x60  }
0xb1: {  	[dreg:$0x2] =	wrdreg s19  }
0xb2: {  	[dreg:$0x3] =	wrdreg s2  }
0xb3: {  	[dreg:$0x4] =	wrdreg s4  }
0xb4: {  	[dreg:$0x5] =	wrdreg s5  }
0xb5: {  	[dreg:$0x6] =	wrdreg $0x9  }
0xb6: {  	_ =	task.clear_ibuf [dreg:s10], $0x7FFFF;
	_ =	strace $0x90000046  }
0xb7: {  	s29 =	simm.s32 $0x9;
	_ =	strace $0x80000048  }
0xb8: {  	_ =	swait.ge [sflag:s29], $0x1  }
0xb9: {  	[sflag:s29] =	ssyncadd.s32 $0xFFFFFFFF  }
0xba: {  	_ =	strace $0x90000048  }
0xbb: {  	_ =	sfence  }
0xbc: {  	s30 =	sld [smem:$0x0];
	_ =	sdelay $0x2  }
0xbd: {  	s31 =	sshll.u32 s1, $0xD;
	s1 =	sshrl.u32 s1, $0x2  }
0xbe: {  	s3 =	sand.u32 $0x4000, s31;
	s1 =	sadd.s32 s1, s30  }
0xbf: {  	s0 =	sor.u32 s3, s0;
	s1 =	sshll.u32 s1, $0x11  }
0xc0: {  	s0 =	sor.u32 s1, s0  }
0xc1: {  	s0 =	sadd.s32 $0x8F2B, s0  }
0xc2: {  	[sflag:s0] =	ssyncadd.remote.s32 $0x1  }
0xc3: {  	_ =	sfence.sel $0xFFFF  }
0xc4: {  	[dreg:$0x0] =	wrdreg $0xFFFFFFFF;
	(pc) =	sbr.abs _section_cstart, $3  }
0xc5: {  	[dreg:$0x1] =	wrdreg $0xFFFFFFFF  }
0xc6: {  	_ =	task.clear_ibuf [dreg:s10], $0x2FFFF;
	_ =	strace $0x9FFFFFFF  }
0xc7: {  	(tm) =	ssettm $0x7FFFFFFF  }
tec
execute0_lowered:
.L_overlay_start_1:
0x0: {  	(tag) =	ssettag $0x1  }
0x1: {  	s5 =	rddreg [dreg:$0x0]  }
0x2: {  	s7 =	rddreg [dreg:$0x1];
	s0 =	srdreg.scid  }
0x3: {  	s2 =	stileid.u32;
	s10 =	rddreg [dreg:$0x3]  }
0x4: {  	s6 =	simm.s32 $0x0;
	s19 =	simm.s32 $0x1;
	s21 =	simm.s32 $0x2  }
0x5: {  	s22 =	simm.s32 $0x4;
	s23 =	simm.s32 $0xA200;
	s0 =	sand.u32 $0x1, s0  }
0x6: {  	s1 =	sshll.u32 s2, $0x1;
	s2 =	sshrl.u32 s2, $0x2;
	[smem:$0x7FF] =	sst s6  }
0x7: {  	s1 =	sor.u32 s0, s1;
	s4 =	smul.u32 $0x600, s2;
	s0 =	ssub.s32 $0x2, s0  }
0x8: {  	_ =	strace $0x80000047;
	s3 =	sand.u32 $0x7, s1;
	s9 =	sshrl.u32 s0, $0x1  }
0x9: {  	s2 =	sshll.u32 s2, $0x9;
	s8 =	sshll.u32 s3, $0x8;
	s0 =	ssub.s32 s0, s9  }
0xa: {  	s9 =	sshll.u32 s1, $0x8;
	s4 =	sadd.s32 s8, s4;
	s2 =	sadd.s32 s2, s8  }
0xb: {  	s0 =	smax.u32 s0, $0x1;
	s11 =	sadd.s32 $0xFFFFFE00, s4;
	[dreg:$0xa] =	wrdreg s2  }
0xc: {  	s2 =	sshll.u32 s2, $0x7;
	[dreg:$0xf] =	wrdreg s0;
	s4 =	sshll.u32 s11, $0x7  }
.Ltmp0:
0xd: {  	[dreg:$0x9] =	wrdreg s11;
	s2 =	sadd.s32 s5, s2;
	(pc) =	sbr.rel .LBB2_1-.Ltmp0, $4  }
0xe: {  	s29 =	sshll.u32 s11, $0xA;
	s4 =	sadd.s32 s7, s4;
	[dreg:$0xc] =	wrdreg s2  }
0xf: {  	s1 =	sshll.u32 s1, $0xE;
	s30 =	sor.u32 $0x8000, s29;
	[dreg:$0xb] =	wrdreg s4  }
0x10: {  	p0 =	sgt.u32 s3, $0x1;
	s31 =	sadd.s32 $0x1000, s2;
	[dreg:$0xd] =	wrdreg s30  }
0x11: {  	s12 =	sadd.s32 s10, s1;
	s1 =	simm.s32 $0x0;
	[dreg:$0xe] =	wrdreg s31  }
.LBB2_30:
0x12: {  	s0 =	simm.s32 $0x3  }
0x13: {  	_ =	swait.ge [sflag:s0], $0x2000  }
0x14: {  	[sflag:s0] =	ssyncset.done $0x0  }
0x15: {  	[sflag:s0] =	ssyncadd.s32 $0xFFFFE000  }
0x16: {  	_ =	swait.ge [sflag:s22], $0x2000  }
0x17: {  	s1 =	rddreg [dreg:$0x10]  }
0x18: {  	s31 =	rddreg [dreg:$0xf];
	s1 =	sadd.s32 $0x1, s1  }
0x19: {  	p1 =	sne.s32 s1, s31  }
.Ltmp1:
0x1a: {  	_ = 	snop;
	(pc) =	sbr.rel @!p1 .LBB2_31-.Ltmp1, $3  }
0x1b: {  	_ =	sdelay $0x1  }
0x1c: {  	[sflag:s22] =	ssyncset.done $0x0  }
0x1d: {  	[sflag:s22] =	ssyncadd.s32 $0xFFFFE000  }
.LBB2_1:
0x1e: {  	[dreg:$0x10] =	wrdreg s1  }
.Ltmp2:
0x1f: {  	s0 =	rddreg [dreg:$0x2];
	s31 =	simm.s32 $0x5;
	(pc) =	sbr.rel @p0 .LBB2_16-.Ltmp2, $4  }
0x20: {  	[tilespmem:s6], [sflag:$0x5] =	stream.linear.gather [hbm4b:s0+s6], $0x200, $0x38;
	[tilespmem:$0xC200] =	vst v63  }
0x21: {  	_ =	swait.ge [sflag:s31], $0x200  }
0x22: {  	[sflag:s31] =	ssyncset.done $0x0  }
0x23: {  	s26 =	simm.s32 $0x0;
	[sflag:s31] =	ssyncadd.s32 $0xFFFFFE00  }
0x24: {  	s0 =	rddreg [dreg:$0xc];
	s1 =	simm.s32 $0x200  }
0x25: {  	[tilespmem:s1], [sflag:$0x1] =	stream.linear.gather [hbm4b:s0+s26], $0x4000, $0x38;
	[tilespmem:$0xC200] =	vst v63  }
.LBB2_3:
0x26: {  	s0 =	sshll.u32 s26, $0x5  }
0x27: {  	s25 =	rddreg [dreg:$0xa];
	s28 =	sor.u32 $0x10, s0  }
0x28: {  	s0 =	sadd.s32 s25, s28  }
0x29: {  	s1 =	rddreg [dreg:$0x0];
	s0 =	sshll.u32 s0, $0x7  }
0x2a: {  	s31 =	simm.s32 $0x4200;
	s0 =	sadd.s32 s1, s0  }
0x2b: {  	[tilespmem:s31], [sflag:$0x2] =	stream.linear.gather [hbm4b:s0+s6], $0x4000, $0x38;
	[tilespmem:$0xC200] =	vst v63  }
0x2c: {  	_ =	swait.ge [sflag:s19], $0x4000  }
0x2d: {  	p1 =	seq.s32 s26, $0x0;
	[sflag:s19] =	ssyncset.done $0x0  }
0x2e: {  	s0 =	simm.s32 @!p1 $0x3;
	[sflag:s19] =	ssyncadd.s32 $0xFFFFC000  }
0x2f: {  	_ =	swait.ge @!p1 [sflag:s0], $0x2000  }
0x30: {  	[sflag:s0] =	ssyncset.done @!p1 $0x0  }
0x31: {  	s29 =	sshll.u32 s26, $0xC;
	s30 =	simm.s32 $0x0;
	[sflag:s0] =	ssyncadd.s32 @!p1 $0xFFFFE000  }
.LBB2_4:
0x32: {  	s0 =	sshll.u32 s30, $0x7  }
0x33: {  	s1 =	sshll.u32 s30, $0x9;
	s14 =	sshll.u32 s30, $0xA;
	s15 =	simm.s32 $0x0  }
0x34: {  	s16 =	simm.s32 $0x0;
	s17 =	simm.s32 $0x1100;
	s18 =	simm.s32 $0x1080  }
0x35: {  	s2 =	simm.s32 $0x220;
	s4 =	simm.s32 $0x210;
	s25 =	simm.s32 $0x1180  }
0x36: {  	s5 =	simm.s32 $0x230;
	s13 =	sand.u32 $0x3FFFF000, s1;
	s1 =	sand.u32 $0x3FFFE000, s14  }
0x37: {  	s31 =	sand.u32 $0x380, s0;
	s11 =	sand.u32 $0xC00, s15;
	s3 =	sor.u32 $0x200, s1  }
0x38: {  	s24 =	sand.u32 $0x40, s16;
	s0 =	sor.u32 s31, s13;
	v0 =	vmov s31;
	s10 =	sadd.s32 s11, s3  }
0x39: {  	s15 =	sor.u32 $0x10, s24;
	s0 =	sadd.s32 $0x8200, s0;
	s20 =	sadd.s32 s31, s10  }
0x3a: {  	s1 =	sand.u32 $0x1C00, s18;
	[dreg:$0x7] =	wrdreg s0;
	s13 =	sadd.s32 s15, s20  }
0x3b: {  	s4 =	sand.u32 $0x50, s4;
	s1 =	sadd.s32 s1, s3;
	s8 =	sadd.s32 s24, s20;
	v3 =	vld [tilespmem:s13+$0x0]  }
0x3c: {  	s2 =	sand.u32 $0x60, s2;
	s1 =	sadd.s32 s4, s1;
	s0 =	sand.u32 $0x1C00, s17;
	v5 =	vld [tilespmem:s8+$0x0]  }
0x3d: {  	s7 =	sand.u32 $0x70, s5;
	s0 =	sadd.s32 s0, s3;
	s13 =	sadd.s32 s24, s10;
	v1 =	vld.idx.msk [tilespmem:v0+s1+$0x0 ss:$0x1], $0xffff  }
0x3e: {  	s0 =	sadd.s32 s2, s0;
	s1 =	sand.u32 $0x1C00, s25;
	v6 =	vld.idx.msk [tilespmem:v0+s13+$0x1000 ss:$0x1], $0xffff;
	s13 =	sor.u32 $0x20, s24  }
0x3f: {  	s17 =	simm.s32 $0x200;
	v2 =	vld.idx.msk [tilespmem:v0+s0+$0x0 ss:$0x1], $0xffff;
	s1 =	sadd.s32 s1, s3;
	s16 =	sadd.s32 s13, s20  }
0x40: {  	s0 =	sadd.s32 s7, s1;
	v9 =	vld [tilespmem:s16+$0x0];
	s16 =	sand.u32 $0xC00, s17;
	s17 =	simm.s32 $0x1280  }
0x41: {  	s1 =	sor.u32 $0x30, s24;
	s7 =	simm.s32 $0x250;
	s17 =	sand.u32 $0x1C00, s17  }
0x42: {  	v4 =	vld.idx.msk [tilespmem:v0+s0+$0x0 ss:$0x1], $0xffff;
	s14 =	sadd.s32 s1, s20;
	s7 =	sand.u32 $0x50, s7;
	s17 =	sadd.s32 s17, s3  }
0x43: {  	v7 =	vld [tilespmem:s14+$0x0];
	s7 =	sadd.s32 s7, s17  }
0x44: {  	v14 =	vld.idx.msk [tilespmem:v0+s7+$0x0 ss:$0x1], $0xffff  }
0x45: {  	v11 =	vld.idx.msk [tilespmem:v3+s6+$0x0], $0xffff  }
0x46: {  	s25 =	simm.s32 $0x260;
	v5 =	vld.idx.msk [tilespmem:v5+s6+$0x0], $0xffff  }
0x47: {  	s0 =	simm.s32 $0x40;
	s5 =	sadd.s32 s16, s3;
	s14 =	simm.s32 $0x1300;
	v8 =	vld.idx.msk [tilespmem:v1+s6+$0x0], $0xffff  }
0x48: {  	s4 =	sand.u32 $0x40, s0;
	s8 =	sadd.s32 s31, s5;
	s14 =	sand.u32 $0x1C00, s14;
	v10 =	vld.idx.msk [tilespmem:v2+s6+$0x0], $0xffff  }
0x49: {  	s25 =	sand.u32 $0x60, s25;
	s17 =	sadd.s32 s4, s8;
	s18 =	sadd.s32 s14, s3;
	v6 =	vld.idx.msk [tilespmem:v6+s6+$0x0], $0xffff  }
0x4a: {  	s7 =	sadd.s32 s25, s18;
	v1 =	vld [tilespmem:s17+$0x0]  }
0x4b: {  	s20 =	simm.s32 $0x1380;
	v2 =	vld.idx.msk [tilespmem:v0+s7+$0x0 ss:$0x1], $0xffff  }
0x4c: {  	s10 =	sor.u32 $0x10, s4;
	s14 =	sand.u32 $0x1C00, s20;
	s18 =	simm.s32 $0x270;
	v12 =	vld.idx.msk [tilespmem:v4+s6+$0x0], $0xffff  }
0x4d: {  	s20 =	sadd.s32 s10, s8;
	s14 =	sadd.s32 s14, s3;
	s17 =	sand.u32 $0x70, s18;
	v13 =	vld.idx.msk [tilespmem:v7+s6+$0x0], $0xffff  }
0x4e: {  	v3 =	vld [tilespmem:s20+$0x0];
	s7 =	sadd.s32 s17, s14  }
0x4f: {  	s2 =	rddreg [dreg:$0x7];
	v4 =	vld.idx.msk [tilespmem:v0+s7+$0x0 ss:$0x1], $0xffff  }
0x50: {  	s2 =	sadd.s32 s11, s2;
	s5 =	sadd.s32 s4, s5;
	s11 =	sor.u32 $0x30, s4;
	v7 =	vshrl.u32 v11, $0x10;
	v11 =	vand.u32 $0xFFFF0000, v8;
	v8 =	vld.idx.msk [tilespmem:v9+s6+$0x0], $0xffff  }
0x51: {  	s20 =	sadd.s32 s11, s8;
	s18 =	sadd.s32 s15, s2;
	v5 =	vshrl.u32 v5, $0x10;
	v6 =	vand.u32 $0xFFFF0000, v6;
	v9 =	vor.u32 v7, v11;
	v7 =	vld.idx.msk [tilespmem:v0+s5+$0x1000 ss:$0x1], $0xffff  }
0x52: {  	s24 =	sadd.s32 s24, s2;
	s15 =	sor.u32 $0x20, s4;
	v5 =	vor.u32 v5, v6;
	[tilespmem:s18+$0x0] =	vst v9;
	v9 =	vld [tilespmem:s20+$0x0];
	v11 =	vand.u32 $0xFFFF0000, v12;
	v6 =	vshrl.u32 v13, $0x10  }
0x53: {  	s1 =	sadd.s32 s1, s2;
	s25 =	sadd.s32 s15, s8;
	[tilespmem:s24+$0x0] =	vst v5;
	v5 =	vor.u32 v6, v11;
	v6 =	vld.idx.msk [tilespmem:v14+s6+$0x0], $0xffff  }
0x54: {  	s13 =	sadd.s32 s13, s2;
	s2 =	rddreg [dreg:$0x7];
	v10 =	vand.u32 $0xFFFF0000, v10;
	s24 =	simm.s32 $0x400;
	[tilespmem:s1+$0x0] =	vst v5;
	v5 =	vld [tilespmem:s25+$0x0]  }
.LBB2_5:
0x55: {  	s25 =	sand.u32 $0xC00, s24;
	s5 =	sadd.s32 $0x1100, s24;
	s7 =	smov.u32 s0;
	v11 =	vld.idx.msk [tilespmem:v2+s6+$0x0], $0xffff  }
0x56: {  	s0 =	sadd.s32 $0x40, s0;
	s8 =	sadd.s32 $0x1080, s24;
	s2 =	sadd.s32 s16, s2;
	v2 =	vshrl.u32 v8, $0x10;
	v8 =	vld.idx.msk [tilespmem:v1+s6+$0x0], $0xffff  }
0x57: {  	s1 =	sand.u32 $0x40, s0;
	s18 =	sadd.s32 $0x260, s7;
	s16 =	sadd.s32 s25, s3;
	v12 =	vld.idx.msk [tilespmem:v3+s6+$0x0], $0xffff  }
0x58: {  	s20 =	sadd.s32 $0x250, s7;
	s8 =	sand.u32 $0x1C00, s8;
	s5 =	sand.u32 $0x1C00, s5;
	v3 =	vld.idx.msk [tilespmem:v4+s6+$0x0], $0xffff;
	v2 =	vor.u32 v2, v10  }
0x59: {  	s7 =	sadd.s32 $0x270, s7;
	s8 =	sadd.s32 s8, s3;
	[tilespmem:s13+$0x0] =	vst v2;
	s13 =	sand.u32 $0x50, s20;
	v7 =	vld.idx.msk [tilespmem:v7+s6+$0x0], $0xffff  }
0x5a: {  	s18 =	sand.u32 $0x60, s18;
	s5 =	sadd.s32 s5, s3;
	v9 =	vld.idx.msk [tilespmem:v9+s6+$0x0], $0xffff;
	s8 =	sadd.s32 s13, s8  }
0x5b: {  	s5 =	sadd.s32 s18, s5;
	s20 =	sadd.s32 s31, s16;
	v13 =	vld.idx.msk [tilespmem:v0+s8+$0x0 ss:$0x1], $0xffff;
	s8 =	sadd.s32 $0x1180, s24  }
0x5c: {  	s14 =	sor.u32 $0x10, s1;
	s13 =	sadd.s32 s1, s20;
	v2 =	vld.idx.msk [tilespmem:v0+s5+$0x0 ss:$0x1], $0xffff;
	s8 =	sand.u32 $0x1C00, s8  }
0x5d: {  	s7 =	sand.u32 $0x70, s7;
	v1 =	vld [tilespmem:s13+$0x0];
	s13 =	sadd.s32 s14, s20;
	s18 =	sadd.s32 s8, s3  }
0x5e: {  	v10 =	vand.u32 $0xFFFF0000, v3;
	v3 =	vld [tilespmem:s13+$0x0];
	s5 =	sadd.s32 s7, s18  }
0x5f: {  	s4 =	sadd.s32 s4, s2;
	p2 =	slt.u32 s0, $0x1C0;
	s17 =	sor.u32 $0x20, s1;
	v8 =	vshrl.u32 v8, $0x10;
	v7 =	vand.u32 $0xFFFF0000, v7;
	v4 =	vld.idx.msk [tilespmem:v0+s5+$0x0 ss:$0x1], $0xffff  }
.Ltmp3:
0x60: {  	v6 =	vand.u32 $0xFFFF0000, v6;
	s8 =	sadd.s32 s1, s16;
	v12 =	vshrl.u32 v12, $0x10;
	s5 =	sor.u32 $0x30, s1;
	v63 =	vor.u32 v8, v7;
	v8 =	vld.idx.msk [tilespmem:v5+s6+$0x0], $0xffff;
	(pc) =	sbr.rel @p2 .LBB2_5-.Ltmp3, $4  }
0x61: {  	s16 =	sadd.s32 s10, s2;
	s18 =	sadd.s32 s17, s20;
	v6 =	vor.u32 v12, v6;
	v5 =	vshrl.u32 v9, $0x10;
	v7 =	vld.idx.msk [tilespmem:v0+s8+$0x1000 ss:$0x1], $0xffff;
	s20 =	sadd.s32 s5, s20  }
0x62: {  	s24 =	sadd.s32 $0x200, s24;
	s13 =	sadd.s32 s15, s2;
	s2 =	sadd.s32 s11, s2;
	[tilespmem:s16+$0x0] =	vst v6;
	v5 =	vor.u32 v5, v10;
	v9 =	vld [tilespmem:s20+$0x0]  }
0x63: {  	s10 =	smov.u32 s14;
	s15 =	smov.u32 s17;
	s16 =	smov.u32 s25;
	[tilespmem:s2+$0x0] =	vst v5;
	v5 =	vld [tilespmem:s18+$0x0]  }
0x64: {  	[tilespmem:s4+$0x0] =	vst v63;
	v10 =	vand.u32 $0xFFFF0000, v11;
	s4 =	smov.u32 s1;
	s11 =	smov.u32 s5;
	s2 =	rddreg [dreg:$0x7];
	v6 =	vld.idx.msk [tilespmem:v13+s6+$0x0], $0xffff  }
0x65: {  	_ =	sdelay $0x3  }
0x66: {  	v0 =	vld.idx.msk [tilespmem:v2+s6+$0x0], $0xffff  }
0x67: {  	v57 =	vld.idx.msk [tilespmem:v3+s6+$0x0], $0xffff  }
0x68: {  	v58 =	vld.idx.msk [tilespmem:v4+s6+$0x0], $0xffff  }
0x69: {  	v1 =	vld.idx.msk [tilespmem:v1+s6+$0x0], $0xffff  }
0x6a: {  	v59 =	vld.idx.msk [tilespmem:v7+s6+$0x0], $0xffff  }
0x6b: {  	v60 =	vld.idx.msk [tilespmem:v9+s6+$0x0], $0xffff  }
0x6c: {  	v5 =	vld.idx.msk [tilespmem:v5+s6+$0x0], $0xffff  }
0x6d: {  	v8 =	vshrl.u32 v8, $0x10;
	s30 =	sadd.s32 $0x1, s30  }
0x6e: {  	s0 =	sadd.s32 s16, s2;
	v8 =	vor.u32 v8, v10;
	p2 =	sne.s32 s30, $0x10;
	v6 =	vand.u32 $0xFFFF0000, v6;
	v2 =	vshrl.u32 v57, $0x10  }
.Ltmp4:
0x6f: {  	s1 =	sadd.s32 s10, s0;
	[tilespmem:s13+$0x0] =	vst v8;
	v1 =	vshrl.u32 v1, $0x10;
	v4 =	vand.u32 $0xFFFF0000, v59;
	v2 =	vor.u32 v2, v6;
	(pc) =	sbr.rel @p2 .LBB2_4-.Ltmp4, $4  }
0x70: {  	s2 =	sadd.s32 s4, s0;
	v3 =	vand.u32 $0xFFFF0000, v58;
	v1 =	vor.u32 v1, v4;
	[tilespmem:s1+$0x0] =	vst v2;
	v61 =	vshrl.u32 v60, $0x10  }
0x71: {  	s31 =	sadd.s32 s11, s0;
	v0 =	vand.u32 $0xFFFF0000, v0;
	[tilespmem:s2+$0x0] =	vst v1;
	v62 =	vor.u32 v61, v3;
	v63 =	vshrl.u32 v5, $0x10  }
0x72: {  	s0 =	sadd.s32 s15, s0;
	[tilespmem:s31+$0x0] =	vst v62;
	v0 =	vor.u32 v63, v0  }
0x73: {  	[tilespmem:s0+$0x0] =	vst v0  }
0x74: {  	p2 =	sne.s32 s26, $0x7  }
.Ltmp5:
0x75: {  	_ = 	snop;
	(pc) =	sbr.rel @p2 .LBB2_9-.Ltmp5, $4  }
0x76: {  	_ = 	snop  }
0x77: {  	s0 =	sshll.u32 s26, $0xB  }
0x78: {  	s1 =	simm.s32 $0x8200;
	s0 =	sadd.s32 s0, s12  }
0x79: {  	[hbm4b:s0+s6] =	stream.linear.scatter [tilespmem:s1], [sflag:$0x3], $0x2000, $0x38;
	[tilespmem:$0xC200] =	vst v63  }
.Ltmp6:
0x7a: {  	(pc) =	sbr.rel .LBB2_10-.Ltmp6, $4  }
0x7b: {  	_ = 	snop  }
0x7c: {  	_ =	swait.ge [sflag:s21], $0x4000  }
0x7d: {  	[sflag:s21] =	ssyncset.done $0x0  }
0x7e: {  	[sflag:s21] =	ssyncadd.s32 $0xFFFFC000  }
.LBB2_9:
0x7f: {  	s0 =	rddreg [dreg:$0xe]  }
.Ltmp7:
0x80: {  	s1 =	simm.s32 $0x200;
	s0 =	sadd.s32 s29, s0;
	(pc) =	sbr.rel @p1 .LBB2_11-.Ltmp7, $4  }
0x81: {  	[tilespmem:s1], [sflag:$0x1] =	stream.linear.gather [hbm4b:s0+s6], $0x4000, $0x38;
	[tilespmem:$0xC200] =	vst v63  }
0x82: {  	_ =	swait.ge [sflag:s21], $0x4000  }
0x83: {  	[sflag:s21] =	ssyncset.done $0x0  }
0x84: {  	[sflag:s21] =	ssyncadd.s32 $0xFFFFC000  }
.LBB2_10:
0x85: {  	_ =	swait.ge [sflag:s22], $0x2000  }
0x86: {  	[sflag:s22] =	ssyncset.done $0x0  }
0x87: {  	[sflag:s22] =	ssyncadd.s32 $0xFFFFE000  }
.LBB2_11:
0x88: {  	s29 =	simm.s32 $0x0;
	s30 =	simm.s32 $0x0  }
.LBB2_12:
0x89: {  	s0 =	sshll.u32 s30, $0x7;
	s1 =	sshll.u32 s30, $0x9  }
0x8a: {  	s16 =	sshll.u32 s30, $0xA;
	s17 =	simm.s32 $0x0;
	s11 =	sand.u32 $0xC00, s29  }
0x8b: {  	s18 =	simm.s32 $0x1100;
	s20 =	simm.s32 $0x1080;
	s2 =	simm.s32 $0x220  }
0x8c: {  	s4 =	simm.s32 $0x210;
	s8 =	simm.s32 $0x1180;
	s10 =	simm.s32 $0x230  }
0x8d: {  	s31 =	sand.u32 $0x380, s0;
	s15 =	sand.u32 $0x3FFFF000, s1;
	s1 =	sand.u32 $0x3FFFE000, s16  }
0x8e: {  	s24 =	sand.u32 $0x40, s17;
	s0 =	sor.u32 s31, s15;
	s3 =	sadd.s32 $0x4200, s1;
	v0 =	vmov s31  }
0x8f: {  	s4 =	sand.u32 $0x50, s4;
	s0 =	sadd.s32 $0xA200, s0;
	s5 =	sadd.s32 s11, s3  }
0x90: {  	[dreg:$0x8] =	wrdreg s0;
	s0 =	sand.u32 $0x1C00, s20;
	s25 =	sadd.s32 s31, s5  }
0x91: {  	s2 =	sand.u32 $0x60, s2;
	s0 =	sadd.s32 s0, s3;
	s14 =	sadd.s32 s24, s25  }
0x92: {  	s13 =	sand.u32 $0x70, s10;
	s1 =	sand.u32 $0x1C00, s18;
	s0 =	sadd.s32 s4, s0;
	v5 =	vld [tilespmem:s14+$0x0]  }
0x93: {  	s7 =	sadd.s32 s1, s3;
	s1 =	sand.u32 $0x1C00, s8;
	s16 =	sadd.s32 s24, s5;
	v1 =	vld.idx.msk [tilespmem:v0+s0+$0x0 ss:$0x1], $0xffff  }
0x94: {  	s15 =	sor.u32 $0x10, s24;
	s1 =	sadd.s32 s1, s3;
	s0 =	sadd.s32 s2, s7;
	v6 =	vld.idx.msk [tilespmem:v0+s16+$0x1000 ss:$0x1], $0xffff  }
0x95: {  	s7 =	sadd.s32 s15, s25;
	v2 =	vld.idx.msk [tilespmem:v0+s0+$0x0 ss:$0x1], $0xffff;
	s0 =	sadd.s32 s13, s1;
	s13 =	sor.u32 $0x20, s24  }
0x96: {  	v3 =	vld [tilespmem:s7+$0x0];
	s1 =	sor.u32 $0x30, s24;
	s18 =	sadd.s32 s13, s25  }
0x97: {  	s17 =	sadd.s32 s1, s25;
	v9 =	vld [tilespmem:s18+$0x0];
	s18 =	simm.s32 $0x1280  }
0x98: {  	v7 =	vld [tilespmem:s17+$0x0];
	s17 =	simm.s32 $0x250;
	s7 =	sand.u32 $0x1C00, s18  }
0x99: {  	s20 =	simm.s32 $0x200;
	v4 =	vld.idx.msk [tilespmem:v0+s0+$0x0 ss:$0x1], $0xffff;
	s17 =	sand.u32 $0x50, s17;
	s7 =	sadd.s32 s7, s3  }
0x9a: {  	s16 =	sand.u32 $0xC00, s20;
	s7 =	sadd.s32 s17, s7;
	v5 =	vld.idx.msk [tilespmem:v5+s6+$0x0], $0xffff  }
0x9b: {  	s14 =	sadd.s32 s16, s3;
	s0 =	simm.s32 $0x40;
	v14 =	vld.idx.msk [tilespmem:v0+s7+$0x0 ss:$0x1], $0xffff  }
0x9c: {  	s4 =	sand.u32 $0x40, s0;
	s18 =	sadd.s32 s31, s14;
	v8 =	vld.idx.msk [tilespmem:v1+s6+$0x0], $0xffff  }
0x9d: {  	s25 =	simm.s32 $0x1300;
	s20 =	sadd.s32 s4, s18;
	v6 =	vld.idx.msk [tilespmem:v6+s6+$0x0], $0xffff  }
0x9e: {  	s8 =	simm.s32 $0x260;
	s5 =	sand.u32 $0x1C00, s25;
	v1 =	vld [tilespmem:s20+$0x0]  }
0x9f: {  	s8 =	sand.u32 $0x60, s8;
	s5 =	sadd.s32 s5, s3;
	v10 =	vld.idx.msk [tilespmem:v2+s6+$0x0], $0xffff  }
0xa0: {  	s5 =	sadd.s32 s8, s5;
	v11 =	vld.idx.msk [tilespmem:v3+s6+$0x0], $0xffff  }
0xa1: {  	s25 =	simm.s32 $0x1380;
	v2 =	vld.idx.msk [tilespmem:v0+s5+$0x0 ss:$0x1], $0xffff  }
0xa2: {  	s10 =	sor.u32 $0x10, s4;
	s7 =	sand.u32 $0x1C00, s25;
	s20 =	simm.s32 $0x270;
	v12 =	vld.idx.msk [tilespmem:v4+s6+$0x0], $0xffff  }
0xa3: {  	s25 =	sadd.s32 s10, s18;
	s7 =	sadd.s32 s7, s3;
	s8 =	sand.u32 $0x70, s20;
	v13 =	vld.idx.msk [tilespmem:v7+s6+$0x0], $0xffff  }
0xa4: {  	v3 =	vld [tilespmem:s25+$0x0];
	s5 =	sadd.s32 s8, s7  }
0xa5: {  	s2 =	rddreg [dreg:$0x8];
	v4 =	vld.idx.msk [tilespmem:v0+s5+$0x0 ss:$0x1], $0xffff  }
0xa6: {  	s2 =	sadd.s32 s11, s2;
	s14 =	sadd.s32 s4, s14;
	s11 =	sor.u32 $0x30, s4;
	v7 =	vshrl.u32 v11, $0x10;
	v11 =	vand.u32 $0xFFFF0000, v8;
	v8 =	vld.idx.msk [tilespmem:v9+s6+$0x0], $0xffff  }
0xa7: {  	s17 =	sadd.s32 s15, s2;
	s20 =	sadd.s32 s11, s18;
	v5 =	vshrl.u32 v5, $0x10;
	v6 =	vand.u32 $0xFFFF0000, v6;
	v9 =	vor.u32 v7, v11;
	v7 =	vld.idx.msk [tilespmem:v0+s14+$0x1000 ss:$0x1], $0xffff  }
0xa8: {  	s24 =	sadd.s32 s24, s2;
	s15 =	sor.u32 $0x20, s4;
	v5 =	vor.u32 v5, v6;
	v11 =	vand.u32 $0xFFFF0000, v12;
	[tilespmem:s17+$0x0] =	vst v9;
	v6 =	vshrl.u32 v13, $0x10;
	v9 =	vld [tilespmem:s20+$0x0]  }
0xa9: {  	s1 =	sadd.s32 s1, s2;
	s25 =	sadd.s32 s15, s18;
	[tilespmem:s24+$0x0] =	vst v5;
	v5 =	vor.u32 v6, v11;
	v6 =	vld.idx.msk [tilespmem:v14+s6+$0x0], $0xffff  }
0xaa: {  	s13 =	sadd.s32 s13, s2;
	s2 =	rddreg [dreg:$0x8];
	v10 =	vand.u32 $0xFFFF0000, v10;
	s24 =	simm.s32 $0x400;
	[tilespmem:s1+$0x0] =	vst v5;
	v5 =	vld [tilespmem:s25+$0x0]  }
.LBB2_13:
0xab: {  	s25 =	sand.u32 $0xC00, s24;
	s5 =	sadd.s32 $0x1100, s24;
	s7 =	smov.u32 s0;
	v11 =	vld.idx.msk [tilespmem:v2+s6+$0x0], $0xffff  }
0xac: {  	s0 =	sadd.s32 $0x40, s0;
	s8 =	sadd.s32 $0x1080, s24;
	s2 =	sadd.s32 s16, s2;
	v2 =	vshrl.u32 v8, $0x10;
	v8 =	vld.idx.msk [tilespmem:v1+s6+$0x0], $0xffff  }
0xad: {  	s1 =	sand.u32 $0x40, s0;
	s18 =	sadd.s32 $0x260, s7;
	s16 =	sadd.s32 s25, s3;
	v12 =	vld.idx.msk [tilespmem:v3+s6+$0x0], $0xffff  }
0xae: {  	s20 =	sadd.s32 $0x250, s7;
	s8 =	sand.u32 $0x1C00, s8;
	s5 =	sand.u32 $0x1C00, s5;
	v3 =	vld.idx.msk [tilespmem:v4+s6+$0x0], $0xffff;
	v2 =	vor.u32 v2, v10  }
0xaf: {  	s7 =	sadd.s32 $0x270, s7;
	s8 =	sadd.s32 s8, s3;
	[tilespmem:s13+$0x0] =	vst v2;
	s13 =	sand.u32 $0x50, s20;
	v7 =	vld.idx.msk [tilespmem:v7+s6+$0x0], $0xffff  }
0xb0: {  	s18 =	sand.u32 $0x60, s18;
	s5 =	sadd.s32 s5, s3;
	v9 =	vld.idx.msk [tilespmem:v9+s6+$0x0], $0xffff;
	s8 =	sadd.s32 s13, s8  }
0xb1: {  	s5 =	sadd.s32 s18, s5;
	s20 =	sadd.s32 s31, s16;
	v13 =	vld.idx.msk [tilespmem:v0+s8+$0x0 ss:$0x1], $0xffff;
	s8 =	sadd.s32 $0x1180, s24  }
0xb2: {  	s14 =	sor.u32 $0x10, s1;
	s13 =	sadd.s32 s1, s20;
	v2 =	vld.idx.msk [tilespmem:v0+s5+$0x0 ss:$0x1], $0xffff;
	s8 =	sand.u32 $0x1C00, s8  }
0xb3: {  	s7 =	sand.u32 $0x70, s7;
	v1 =	vld [tilespmem:s13+$0x0];
	s13 =	sadd.s32 s14, s20;
	s18 =	sadd.s32 s8, s3  }
0xb4: {  	v10 =	vand.u32 $0xFFFF0000, v3;
	v3 =	vld [tilespmem:s13+$0x0];
	s5 =	sadd.s32 s7, s18  }
0xb5: {  	s4 =	sadd.s32 s4, s2;
	p1 =	slt.u32 s0, $0x1C0;
	s17 =	sor.u32 $0x20, s1;
	v8 =	vshrl.u32 v8, $0x10;
	v7 =	vand.u32 $0xFFFF0000, v7;
	v4 =	vld.idx.msk [tilespmem:v0+s5+$0x0 ss:$0x1], $0xffff  }
.Ltmp8:
0xb6: {  	v6 =	vand.u32 $0xFFFF0000, v6;
	s8 =	sadd.s32 s1, s16;
	v12 =	vshrl.u32 v12, $0x10;
	s5 =	sor.u32 $0x30, s1;
	v63 =	vor.u32 v8, v7;
	v8 =	vld.idx.msk [tilespmem:v5+s6+$0x0], $0xffff;
	(pc) =	sbr.rel @p1 .LBB2_13-.Ltmp8, $4  }
0xb7: {  	s16 =	sadd.s32 s10, s2;
	s18 =	sadd.s32 s17, s20;
	v6 =	vor.u32 v12, v6;
	v5 =	vshrl.u32 v9, $0x10;
	v7 =	vld.idx.msk [tilespmem:v0+s8+$0x1000 ss:$0x1], $0xffff;
	s20 =	sadd.s32 s5, s20  }
0xb8: {  	s24 =	sadd.s32 $0x200, s24;
	s13 =	sadd.s32 s15, s2;
	s2 =	sadd.s32 s11, s2;
	[tilespmem:s16+$0x0] =	vst v6;
	v5 =	vor.u32 v5, v10;
	v9 =	vld [tilespmem:s20+$0x0]  }
0xb9: {  	s10 =	smov.u32 s14;
	s15 =	smov.u32 s17;
	s16 =	smov.u32 s25;
	[tilespmem:s2+$0x0] =	vst v5;
	v5 =	vld [tilespmem:s18+$0x0]  }
0xba: {  	[tilespmem:s4+$0x0] =	vst v63;
	v10 =	vand.u32 $0xFFFF0000, v11;
	s4 =	smov.u32 s1;
	s11 =	smov.u32 s5;
	s2 =	rddreg [dreg:$0x8];
	v6 =	vld.idx.msk [tilespmem:v13+s6+$0x0], $0xffff  }
0xbb: {  	_ =	sdelay $0x3  }
0xbc: {  	v0 =	vld.idx.msk [tilespmem:v2+s6+$0x0], $0xffff  }
0xbd: {  	v57 =	vld.idx.msk [tilespmem:v3+s6+$0x0], $0xffff  }
0xbe: {  	v58 =	vld.idx.msk [tilespmem:v4+s6+$0x0], $0xffff  }
0xbf: {  	v1 =	vld.idx.msk [tilespmem:v1+s6+$0x0], $0xffff  }
0xc0: {  	v59 =	vld.idx.msk [tilespmem:v7+s6+$0x0], $0xffff  }
0xc1: {  	v60 =	vld.idx.msk [tilespmem:v9+s6+$0x0], $0xffff  }
0xc2: {  	v5 =	vld.idx.msk [tilespmem:v5+s6+$0x0], $0xffff  }
0xc3: {  	v8 =	vshrl.u32 v8, $0x10;
	s30 =	sadd.s32 $0x1, s30  }
0xc4: {  	s0 =	sadd.s32 s16, s2;
	v8 =	vor.u32 v8, v10;
	p1 =	sne.s32 s30, $0x10;
	v6 =	vand.u32 $0xFFFF0000, v6;
	v2 =	vshrl.u32 v57, $0x10  }
.Ltmp9:
0xc5: {  	s1 =	sadd.s32 s10, s0;
	[tilespmem:s13+$0x0] =	vst v8;
	v1 =	vshrl.u32 v1, $0x10;
	v4 =	vand.u32 $0xFFFF0000, v59;
	v2 =	vor.u32 v2, v6;
	(pc) =	sbr.rel @p1 .LBB2_12-.Ltmp9, $4  }
0xc6: {  	s2 =	sadd.s32 s4, s0;
	v3 =	vand.u32 $0xFFFF0000, v58;
	v1 =	vor.u32 v1, v4;
	[tilespmem:s1+$0x0] =	vst v2;
	v61 =	vshrl.u32 v60, $0x10  }
0xc7: {  	s31 =	sadd.s32 s11, s0;
	v0 =	vand.u32 $0xFFFF0000, v0;
	[tilespmem:s2+$0x0] =	vst v1;
	v62 =	vor.u32 v61, v3;
	v63 =	vshrl.u32 v5, $0x10  }
0xc8: {  	s0 =	sadd.s32 s15, s0;
	[tilespmem:s31+$0x0] =	vst v62;
	v0 =	vor.u32 v63, v0  }
0xc9: {  	[tilespmem:s0+$0x0] =	vst v0  }
0xca: {  	s26 =	sadd.s32 $0x1, s26  }
0xcb: {  	p1 =	seq.s32 s26, $0x8  }
.Ltmp10:
0xcc: {  	_ = 	snop;
	(pc) =	sbr.rel @!p1 .LBB2_3-.Ltmp10, $4  }
.Ltmp11:
0xcd: {  	s0 =	sadd.s32 s9, s28;
	(pc) =	sbr.rel @p1 .LBB2_30-.Ltmp11, $4  }
0xce: {  	s1 =	rddreg [dreg:$0x3];
	s0 =	sshll.u32 s0, $0x6  }
0xcf: {  	s0 =	sadd.s32 s1, s0  }
0xd0: {  	[hbm4b:s0+s6] =	stream.linear.scatter [tilespmem:s23], [sflag:$0x4], $0x2000, $0x38;
	[tilespmem:$0xC200] =	vst v63  }
0xd1: {  	_ = 	snop  }
.LBB2_16:
0xd2: {  	s0 =	rddreg [dreg:$0xb];
	s1 =	simm.s32 $0x200  }
0xd3: {  	[tilespmem:s1], [sflag:$0x1] =	stream.linear.gather [hbm4b:s0+s26], $0x4000, $0x38;
	[tilespmem:$0xC200] =	vst v63  }
.LBB2_17:
0xd4: {  	s0 =	sshll.u32 s26, $0x5  }
0xd5: {  	s25 =	rddreg [dreg:$0x9];
	s28 =	sor.u32 $0x10, s0  }
0xd6: {  	s0 =	sadd.s32 s25, s28  }
0xd7: {  	s1 =	rddreg [dreg:$0x1];
	s0 =	sshll.u32 s0, $0x7  }
0xd8: {  	s31 =	simm.s32 $0x4200;
	s0 =	sadd.s32 s1, s0  }
0xd9: {  	[tilespmem:s31], [sflag:$0x2] =	stream.linear.gather [hbm4b:s0+s6], $0x4000, $0x38;
	[tilespmem:$0xC200] =	vst v63  }
0xda: {  	_ =	swait.ge [sflag:s19], $0x4000  }
0xdb: {  	p1 =	seq.s32 s26, $0x0;
	[sflag:s19] =	ssyncset.done $0x0  }
0xdc: {  	s0 =	simm.s32 @!p1 $0x3;
	[sflag:s19] =	ssyncadd.s32 $0xFFFFC000  }
0xdd: {  	_ =	swait.ge @!p1 [sflag:s0], $0x2000  }
0xde: {  	[sflag:s0] =	ssyncset.done @!p1 $0x0  }
0xdf: {  	s29 =	sshll.u32 s26, $0xF;
	s30 =	simm.s32 $0x0;
	[sflag:s0] =	ssyncadd.s32 @!p1 $0xFFFFE000  }
.LBB2_18:
0xe0: {  	s0 =	sshll.u32 s30, $0x7  }
0xe1: {  	s1 =	sshll.u32 s30, $0x9;
	s15 =	sshll.u32 s30, $0xA;
	s16 =	simm.s32 $0x0  }
0xe2: {  	s17 =	simm.s32 $0x0;
	s18 =	simm.s32 $0x1100;
	s20 =	simm.s32 $0x1080  }
0xe3: {  	s2 =	simm.s32 $0x220;
	s4 =	simm.s32 $0x210;
	s8 =	simm.s32 $0x1180  }
0xe4: {  	s31 =	sand.u32 $0x380, s0;
	s14 =	sand.u32 $0x3FFFF000, s1;
	s1 =	sand.u32 $0x3FFFE000, s15  }
0xe5: {  	s11 =	sand.u32 $0xC00, s16;
	s24 =	sand.u32 $0x40, s17;
	s3 =	sor.u32 $0x200, s1  }
0xe6: {  	s4 =	sand.u32 $0x50, s4;
	s0 =	sor.u32 s31, s14;
	v0 =	vmov s31;
	s5 =	sadd.s32 s11, s3  }
0xe7: {  	s15 =	sor.u32 $0x10, s24;
	s0 =	sadd.s32 $0x8200, s0;
	s25 =	sadd.s32 s31, s5  }
0xe8: {  	s1 =	sand.u32 $0x1C00, s20;
	[dreg:$0x5] =	wrdreg s0;
	s7 =	sadd.s32 s15, s25  }
0xe9: {  	s1 =	sadd.s32 s1, s3;
	s0 =	sand.u32 $0x1C00, s18;
	s14 =	sadd.s32 s24, s25;
	v3 =	vld [tilespmem:s7+$0x0]  }
0xea: {  	s2 =	sand.u32 $0x60, s2;
	s1 =	sadd.s32 s4, s1;
	s0 =	sadd.s32 s0, s3;
	v5 =	vld [tilespmem:s14+$0x0]  }
0xeb: {  	s10 =	simm.s32 $0x230;
	s0 =	sadd.s32 s2, s0;
	v1 =	vld.idx.msk [tilespmem:v0+s1+$0x0 ss:$0x1], $0xffff;
	s1 =	sand.u32 $0x1C00, s8  }
0xec: {  	s13 =	sand.u32 $0x70, s10;
	s16 =	sadd.s32 s24, s5;
	v2 =	vld.idx.msk [tilespmem:v0+s0+$0x0 ss:$0x1], $0xffff;
	s1 =	sadd.s32 s1, s3  }
0xed: {  	v6 =	vld.idx.msk [tilespmem:v0+s16+$0x1000 ss:$0x1], $0xffff;
	s0 =	sadd.s32 s13, s1;
	s1 =	sor.u32 $0x30, s24  }
0xee: {  	s13 =	sor.u32 $0x20, s24;
	v4 =	vld.idx.msk [tilespmem:v0+s0+$0x0 ss:$0x1], $0xffff;
	s17 =	sadd.s32 s1, s25  }
0xef: {  	s18 =	sadd.s32 s13, s25;
	v7 =	vld [tilespmem:s17+$0x0]  }
0xf0: {  	s20 =	simm.s32 $0x200;
	v9 =	vld [tilespmem:s18+$0x0]  }
0xf1: {  	s16 =	sand.u32 $0xC00, s20;
	s8 =	simm.s32 $0x260;
	v11 =	vld.idx.msk [tilespmem:v3+s6+$0x0], $0xffff  }
0xf2: {  	s14 =	sadd.s32 s16, s3;
	s0 =	simm.s32 $0x40;
	s18 =	simm.s32 $0x1280;
	v5 =	vld.idx.msk [tilespmem:v5+s6+$0x0], $0xffff  }
0xf3: {  	s25 =	simm.s32 $0x1300;
	s17 =	simm.s32 $0x250;
	s7 =	sand.u32 $0x1C00, s18;
	v8 =	vld.idx.msk [tilespmem:v1+s6+$0x0], $0xffff  }
0xf4: {  	s4 =	sand.u32 $0x40, s0;
	s17 =	sand.u32 $0x50, s17;
	s7 =	sadd.s32 s7, s3;
	v10 =	vld.idx.msk [tilespmem:v2+s6+$0x0], $0xffff  }
0xf5: {  	s5 =	sand.u32 $0x1C00, s25;
	s18 =	sadd.s32 s31, s14;
	s7 =	sadd.s32 s17, s7;
	v6 =	vld.idx.msk [tilespmem:v6+s6+$0x0], $0xffff  }
0xf6: {  	s8 =	sand.u32 $0x60, s8;
	s5 =	sadd.s32 s5, s3;
	s20 =	sadd.s32 s4, s18;
	v14 =	vld.idx.msk [tilespmem:v0+s7+$0x0 ss:$0x1], $0xffff  }
0xf7: {  	s5 =	sadd.s32 s8, s5;
	v1 =	vld [tilespmem:s20+$0x0]  }
0xf8: {  	s25 =	simm.s32 $0x1380;
	v2 =	vld.idx.msk [tilespmem:v0+s5+$0x0 ss:$0x1], $0xffff  }
0xf9: {  	s10 =	sor.u32 $0x10, s4;
	s20 =	simm.s32 $0x270;
	s7 =	sand.u32 $0x1C00, s25;
	v12 =	vld.idx.msk [tilespmem:v4+s6+$0x0], $0xffff  }
0xfa: {  	s25 =	sadd.s32 s10, s18;
	s8 =	sand.u32 $0x70, s20;
	s7 =	sadd.s32 s7, s3;
	v13 =	vld.idx.msk [tilespmem:v7+s6+$0x0], $0xffff  }
0xfb: {  	v3 =	vld [tilespmem:s25+$0x0];
	s5 =	sadd.s32 s8, s7  }
0xfc: {  	s2 =	rddreg [dreg:$0x5];
	v4 =	vld.idx.msk [tilespmem:v0+s5+$0x0 ss:$0x1], $0xffff  }
0xfd: {  	s2 =	sadd.s32 s11, s2;
	s14 =	sadd.s32 s4, s14;
	s11 =	sor.u32 $0x30, s4;
	v7 =	vshrl.u32 v11, $0x10;
	v11 =	vand.u32 $0xFFFF0000, v8;
	v8 =	vld.idx.msk [tilespmem:v9+s6+$0x0], $0xffff  }
0xfe: {  	s17 =	sadd.s32 s15, s2;
	s20 =	sadd.s32 s11, s18;
	v5 =	vshrl.u32 v5, $0x10;
	v6 =	vand.u32 $0xFFFF0000, v6;
	v9 =	vor.u32 v7, v11;
	v7 =	vld.idx.msk [tilespmem:v0+s14+$0x1000 ss:$0x1], $0xffff  }
0xff: {  	s24 =	sadd.s32 s24, s2;
	s15 =	sor.u32 $0x20, s4;
	v5 =	vor.u32 v5, v6;
	[tilespmem:s17+$0x0] =	vst v9;
	v9 =	vld [tilespmem:s20+$0x0];
	v11 =	vand.u32 $0xFFFF0000, v12;
	v6 =	vshrl.u32 v13, $0x10  }
0x100: {  	s1 =	sadd.s32 s1, s2;
	s25 =	sadd.s32 s15, s18;
	[tilespmem:s24+$0x0] =	vst v5;
	v5 =	vor.u32 v6, v11;
	v6 =	vld.idx.msk [tilespmem:v14+s6+$0x0], $0xffff  }
0x101: {  	s13 =	sadd.s32 s13, s2;
	s2 =	rddreg [dreg:$0x5];
	v10 =	vand.u32 $0xFFFF0000, v10;
	s24 =	simm.s32 $0x400;
	[tilespmem:s1+$0x0] =	vst v5;
	v5 =	vld [tilespmem:s25+$0x0]  }
.LBB2_19:
0x102: {  	s25 =	sand.u32 $0xC00, s24;
	s5 =	sadd.s32 $0x1100, s24;
	s7 =	smov.u32 s0;
	v11 =	vld.idx.msk [tilespmem:v2+s6+$0x0], $0xffff  }
0x103: {  	s0 =	sadd.s32 $0x40, s0;
	s8 =	sadd.s32 $0x1080, s24;
	s2 =	sadd.s32 s16, s2;
	v2 =	vshrl.u32 v8, $0x10;
	v8 =	vld.idx.msk [tilespmem:v1+s6+$0x0], $0xffff  }
0x104: {  	s1 =	sand.u32 $0x40, s0;
	s18 =	sadd.s32 $0x260, s7;
	s16 =	sadd.s32 s25, s3;
	v12 =	vld.idx.msk [tilespmem:v3+s6+$0x0], $0xffff  }
0x105: {  	s20 =	sadd.s32 $0x250, s7;
	s8 =	sand.u32 $0x1C00, s8;
	s5 =	sand.u32 $0x1C00, s5;
	v3 =	vld.idx.msk [tilespmem:v4+s6+$0x0], $0xffff;
	v2 =	vor.u32 v2, v10  }
0x106: {  	s7 =	sadd.s32 $0x270, s7;
	s8 =	sadd.s32 s8, s3;
	[tilespmem:s13+$0x0] =	vst v2;
	s13 =	sand.u32 $0x50, s20;
	v7 =	vld.idx.msk [tilespmem:v7+s6+$0x0], $0xffff  }
0x107: {  	s18 =	sand.u32 $0x60, s18;
	s5 =	sadd.s32 s5, s3;
	v9 =	vld.idx.msk [tilespmem:v9+s6+$0x0], $0xffff;
	s8 =	sadd.s32 s13, s8  }
0x108: {  	s5 =	sadd.s32 s18, s5;
	s20 =	sadd.s32 s31, s16;
	v13 =	vld.idx.msk [tilespmem:v0+s8+$0x0 ss:$0x1], $0xffff;
	s8 =	sadd.s32 $0x1180, s24  }
0x109: {  	s14 =	sor.u32 $0x10, s1;
	s13 =	sadd.s32 s1, s20;
	v2 =	vld.idx.msk [tilespmem:v0+s5+$0x0 ss:$0x1], $0xffff;
	s8 =	sand.u32 $0x1C00, s8  }
0x10a: {  	s7 =	sand.u32 $0x70, s7;
	v1 =	vld [tilespmem:s13+$0x0];
	s13 =	sadd.s32 s14, s20;
	s18 =	sadd.s32 s8, s3  }
0x10b: {  	v10 =	vand.u32 $0xFFFF0000, v3;
	v3 =	vld [tilespmem:s13+$0x0];
	s5 =	sadd.s32 s7, s18  }
0x10c: {  	s4 =	sadd.s32 s4, s2;
	p2 =	slt.u32 s0, $0x1C0;
	s17 =	sor.u32 $0x20, s1;
	v8 =	vshrl.u32 v8, $0x10;
	v7 =	vand.u32 $0xFFFF0000, v7;
	v4 =	vld.idx.msk [tilespmem:v0+s5+$0x0 ss:$0x1], $0xffff  }
.Ltmp12:
0x10d: {  	v6 =	vand.u32 $0xFFFF0000, v6;
	s8 =	sadd.s32 s1, s16;
	v12 =	vshrl.u32 v12, $0x10;
	s5 =	sor.u32 $0x30, s1;
	v63 =	vor.u32 v8, v7;
	v8 =	vld.idx.msk [tilespmem:v5+s6+$0x0], $0xffff;
	(pc) =	sbr.rel @p2 .LBB2_19-.Ltmp12, $4  }
0x10e: {  	s16 =	sadd.s32 s10, s2;
	s18 =	sadd.s32 s17, s20;
	v6 =	vor.u32 v12, v6;
	v5 =	vshrl.u32 v9, $0x10;
	v7 =	vld.idx.msk [tilespmem:v0+s8+$0x1000 ss:$0x1], $0xffff;
	s20 =	sadd.s32 s5, s20  }
0x10f: {  	s24 =	sadd.s32 $0x200, s24;
	s13 =	sadd.s32 s15, s2;
	s2 =	sadd.s32 s11, s2;
	[tilespmem:s16+$0x0] =	vst v6;
	v5 =	vor.u32 v5, v10;
	v9 =	vld [tilespmem:s20+$0x0]  }
0x110: {  	s10 =	smov.u32 s14;
	s15 =	smov.u32 s17;
	s16 =	smov.u32 s25;
	[tilespmem:s2+$0x0] =	vst v5;
	v5 =	vld [tilespmem:s18+$0x0]  }
0x111: {  	[tilespmem:s4+$0x0] =	vst v63;
	v10 =	vand.u32 $0xFFFF0000, v11;
	s4 =	smov.u32 s1;
	s11 =	smov.u32 s5;
	s2 =	rddreg [dreg:$0x5];
	v6 =	vld.idx.msk [tilespmem:v13+s6+$0x0], $0xffff  }
0x112: {  	_ =	sdelay $0x3  }
0x113: {  	v0 =	vld.idx.msk [tilespmem:v2+s6+$0x0], $0xffff  }
0x114: {  	v57 =	vld.idx.msk [tilespmem:v3+s6+$0x0], $0xffff  }
0x115: {  	v58 =	vld.idx.msk [tilespmem:v4+s6+$0x0], $0xffff  }
0x116: {  	v1 =	vld.idx.msk [tilespmem:v1+s6+$0x0], $0xffff  }
0x117: {  	v59 =	vld.idx.msk [tilespmem:v7+s6+$0x0], $0xffff  }
0x118: {  	v60 =	vld.idx.msk [tilespmem:v9+s6+$0x0], $0xffff  }
0x119: {  	v5 =	vld.idx.msk [tilespmem:v5+s6+$0x0], $0xffff  }
0x11a: {  	v8 =	vshrl.u32 v8, $0x10;
	s30 =	sadd.s32 $0x1, s30  }
0x11b: {  	s0 =	sadd.s32 s16, s2;
	v8 =	vor.u32 v8, v10;
	p2 =	sne.s32 s30, $0x10;
	v6 =	vand.u32 $0xFFFF0000, v6;
	v2 =	vshrl.u32 v57, $0x10  }
.Ltmp13:
0x11c: {  	s1 =	sadd.s32 s10, s0;
	[tilespmem:s13+$0x0] =	vst v8;
	v1 =	vshrl.u32 v1, $0x10;
	v4 =	vand.u32 $0xFFFF0000, v59;
	v2 =	vor.u32 v2, v6;
	(pc) =	sbr.rel @p2 .LBB2_18-.Ltmp13, $4  }
0x11d: {  	s2 =	sadd.s32 s4, s0;
	v3 =	vand.u32 $0xFFFF0000, v58;
	v1 =	vor.u32 v1, v4;
	[tilespmem:s1+$0x0] =	vst v2;
	v61 =	vshrl.u32 v60, $0x10  }
0x11e: {  	s31 =	sadd.s32 s11, s0;
	v0 =	vand.u32 $0xFFFF0000, v0;
	[tilespmem:s2+$0x0] =	vst v1;
	v62 =	vor.u32 v61, v3;
	v63 =	vshrl.u32 v5, $0x10  }
0x11f: {  	s0 =	sadd.s32 s15, s0;
	[tilespmem:s31+$0x0] =	vst v62;
	v0 =	vor.u32 v63, v0  }
0x120: {  	[tilespmem:s0+$0x0] =	vst v0  }
0x121: {  	p2 =	sne.s32 s26, $0x7  }
.Ltmp14:
0x122: {  	_ = 	snop;
	(pc) =	sbr.rel @p2 .LBB2_23-.Ltmp14, $4  }
0x123: {  	_ = 	snop  }
0x124: {  	s0 =	sshll.u32 s26, $0xB  }
0x125: {  	s1 =	simm.s32 $0x8200;
	s0 =	sadd.s32 s0, s12  }
0x126: {  	[hbm4b:s0+s6] =	stream.linear.scatter [tilespmem:s1], [sflag:$0x3], $0x2000, $0x38;
	[tilespmem:$0xC200] =	vst v63  }
.Ltmp15:
0x127: {  	(pc) =	sbr.rel .LBB2_24-.Ltmp15, $4  }
0x128: {  	_ = 	snop  }
0x129: {  	_ =	swait.ge [sflag:s21], $0x4000  }
0x12a: {  	[sflag:s21] =	ssyncset.done $0x0  }
0x12b: {  	[sflag:s21] =	ssyncadd.s32 $0xFFFFC000  }
.LBB2_23:
0x12c: {  	s0 =	rddreg [dreg:$0xd]  }
0x12d: {  	s0 =	sadd.s32 s29, s0  }
0x12e: {  	s1 =	rddreg [dreg:$0x1];
	s0 =	sshrl.u32 s0, $0x3  }
.Ltmp16:
0x12f: {  	s31 =	simm.s32 $0x200;
	s0 =	sadd.s32 s1, s0;
	(pc) =	sbr.rel @p1 .LBB2_25-.Ltmp16, $4  }
0x130: {  	[tilespmem:s31], [sflag:$0x1] =	stream.linear.gather [hbm4b:s0+s6], $0x4000, $0x38;
	[tilespmem:$0xC200] =	vst v63  }
0x131: {  	_ =	swait.ge [sflag:s21], $0x4000  }
0x132: {  	[sflag:s21] =	ssyncset.done $0x0  }
0x133: {  	[sflag:s21] =	ssyncadd.s32 $0xFFFFC000  }
.LBB2_24:
0x134: {  	_ =	swait.ge [sflag:s22], $0x2000  }
0x135: {  	[sflag:s22] =	ssyncset.done $0x0  }
0x136: {  	[sflag:s22] =	ssyncadd.s32 $0xFFFFE000  }
.LBB2_25:
0x137: {  	s29 =	simm.s32 $0x0;
	s30 =	simm.s32 $0x0  }
.LBB2_26:
0x138: {  	s0 =	sshll.u32 s30, $0x7;
	s1 =	sshll.u32 s30, $0x9  }
0x139: {  	s16 =	sshll.u32 s30, $0xA;
	s17 =	simm.s32 $0x0;
	s11 =	sand.u32 $0xC00, s29  }
0x13a: {  	s18 =	simm.s32 $0x1100;
	s20 =	simm.s32 $0x1080;
	s2 =	simm.s32 $0x220  }
0x13b: {  	s4 =	simm.s32 $0x210;
	s8 =	simm.s32 $0x1180;
	s10 =	simm.s32 $0x230  }
0x13c: {  	s31 =	sand.u32 $0x380, s0;
	s15 =	sand.u32 $0x3FFFF000, s1;
	s1 =	sand.u32 $0x3FFFE000, s16  }
0x13d: {  	s24 =	sand.u32 $0x40, s17;
	s0 =	sor.u32 s31, s15;
	s3 =	sadd.s32 $0x4200, s1;
	v0 =	vmov s31  }
0x13e: {  	s4 =	sand.u32 $0x50, s4;
	s0 =	sadd.s32 $0xA200, s0;
	s5 =	sadd.s32 s11, s3  }
0x13f: {  	[dreg:$0x6] =	wrdreg s0;
	s0 =	sand.u32 $0x1C00, s20;
	s25 =	sadd.s32 s31, s5  }
0x140: {  	s2 =	sand.u32 $0x60, s2;
	s0 =	sadd.s32 s0, s3;
	s14 =	sadd.s32 s24, s25  }
0x141: {  	s13 =	sand.u32 $0x70, s10;
	s1 =	sand.u32 $0x1C00, s18;
	s0 =	sadd.s32 s4, s0;
	v5 =	vld [tilespmem:s14+$0x0]  }
0x142: {  	s7 =	sadd.s32 s1, s3;
	s1 =	sand.u32 $0x1C00, s8;
	s16 =	sadd.s32 s24, s5;
	v1 =	vld.idx.msk [tilespmem:v0+s0+$0x0 ss:$0x1], $0xffff  }
0x143: {  	s15 =	sor.u32 $0x10, s24;
	s1 =	sadd.s32 s1, s3;
	s0 =	sadd.s32 s2, s7;
	v6 =	vld.idx.msk [tilespmem:v0+s16+$0x1000 ss:$0x1], $0xffff  }
0x144: {  	s7 =	sadd.s32 s15, s25;
	v2 =	vld.idx.msk [tilespmem:v0+s0+$0x0 ss:$0x1], $0xffff;
	s0 =	sadd.s32 s13, s1;
	s13 =	sor.u32 $0x20, s24  }
0x145: {  	v3 =	vld [tilespmem:s7+$0x0];
	s1 =	sor.u32 $0x30, s24;
	s18 =	sadd.s32 s13, s25  }
0x146: {  	s17 =	sadd.s32 s1, s25;
	v9 =	vld [tilespmem:s18+$0x0];
	s18 =	simm.s32 $0x1280  }
0x147: {  	v7 =	vld [tilespmem:s17+$0x0];
	s17 =	simm.s32 $0x250;
	s7 =	sand.u32 $0x1C00, s18  }
0x148: {  	s20 =	simm.s32 $0x200;
	v4 =	vld.idx.msk [tilespmem:v0+s0+$0x0 ss:$0x1], $0xffff;
	s17 =	sand.u32 $0x50, s17;
	s7 =	sadd.s32 s7, s3  }
0x149: {  	s16 =	sand.u32 $0xC00, s20;
	s7 =	sadd.s32 s17, s7;
	v5 =	vld.idx.msk [tilespmem:v5+s6+$0x0], $0xffff  }
0x14a: {  	s14 =	sadd.s32 s16, s3;
	s0 =	simm.s32 $0x40;
	v14 =	vld.idx.msk [tilespmem:v0+s7+$0x0 ss:$0x1], $0xffff  }
0x14b: {  	s4 =	sand.u32 $0x40, s0;
	s18 =	sadd.s32 s31, s14;
	v8 =	vld.idx.msk [tilespmem:v1+s6+$0x0], $0xffff  }
0x14c: {  	s25 =	simm.s32 $0x1300;
	s20 =	sadd.s32 s4, s18;
	v6 =	vld.idx.msk [tilespmem:v6+s6+$0x0], $0xffff  }
0x14d: {  	s8 =	simm.s32 $0x260;
	s5 =	sand.u32 $0x1C00, s25;
	v1 =	vld [tilespmem:s20+$0x0]  }
0x14e: {  	s8 =	sand.u32 $0x60, s8;
	s5 =	sadd.s32 s5, s3;
	v10 =	vld.idx.msk [tilespmem:v2+s6+$0x0], $0xffff  }
0x14f: {  	s5 =	sadd.s32 s8, s5;
	v11 =	vld.idx.msk [tilespmem:v3+s6+$0x0], $0xffff  }
0x150: {  	s25 =	simm.s32 $0x1380;
	v2 =	vld.idx.msk [tilespmem:v0+s5+$0x0 ss:$0x1], $0xffff  }
0x151: {  	s10 =	sor.u32 $0x10, s4;
	s7 =	sand.u32 $0x1C00, s25;
	s20 =	simm.s32 $0x270;
	v12 =	vld.idx.msk [tilespmem:v4+s6+$0x0], $0xffff  }
0x152: {  	s25 =	sadd.s32 s10, s18;
	s7 =	sadd.s32 s7, s3;
	s8 =	sand.u32 $0x70, s20;
	v13 =	vld.idx.msk [tilespmem:v7+s6+$0x0], $0xffff  }
0x153: {  	v3 =	vld [tilespmem:s25+$0x0];
	s5 =	sadd.s32 s8, s7  }
0x154: {  	s2 =	rddreg [dreg:$0x6];
	v4 =	vld.idx.msk [tilespmem:v0+s5+$0x0 ss:$0x1], $0xffff  }
0x155: {  	s2 =	sadd.s32 s11, s2;
	s14 =	sadd.s32 s4, s14;
	s11 =	sor.u32 $0x30, s4;
	v7 =	vshrl.u32 v11, $0x10;
	v11 =	vand.u32 $0xFFFF0000, v8;
	v8 =	vld.idx.msk [tilespmem:v9+s6+$0x0], $0xffff  }
0x156: {  	s17 =	sadd.s32 s15, s2;
	s20 =	sadd.s32 s11, s18;
	v5 =	vshrl.u32 v5, $0x10;
	v6 =	vand.u32 $0xFFFF0000, v6;
	v9 =	vor.u32 v7, v11;
	v7 =	vld.idx.msk [tilespmem:v0+s14+$0x1000 ss:$0x1], $0xffff  }
0x157: {  	s24 =	sadd.s32 s24, s2;
	s15 =	sor.u32 $0x20, s4;
	v5 =	vor.u32 v5, v6;
	v11 =	vand.u32 $0xFFFF0000, v12;
	[tilespmem:s17+$0x0] =	vst v9;
	v6 =	vshrl.u32 v13, $0x10;
	v9 =	vld [tilespmem:s20+$0x0]  }
0x158: {  	s1 =	sadd.s32 s1, s2;
	s25 =	sadd.s32 s15, s18;
	[tilespmem:s24+$0x0] =	vst v5;
	v5 =	vor.u32 v6, v11;
	v6 =	vld.idx.msk [tilespmem:v14+s6+$0x0], $0xffff  }
0x159: {  	s13 =	sadd.s32 s13, s2;
	s2 =	rddreg [dreg:$0x6];
	v10 =	vand.u32 $0xFFFF0000, v10;
	s24 =	simm.s32 $0x400;
	[tilespmem:s1+$0x0] =	vst v5;
	v5 =	vld [tilespmem:s25+$0x0]  }
.LBB2_27:
0x15a: {  	s25 =	sand.u32 $0xC00, s24;
	s5 =	sadd.s32 $0x1100, s24;
	s7 =	smov.u32 s0;
	v11 =	vld.idx.msk [tilespmem:v2+s6+$0x0], $0xffff  }
0x15b: {  	s0 =	sadd.s32 $0x40, s0;
	s8 =	sadd.s32 $0x1080, s24;
	s2 =	sadd.s32 s16, s2;
	v2 =	vshrl.u32 v8, $0x10;
	v8 =	vld.idx.msk [tilespmem:v1+s6+$0x0], $0xffff  }
0x15c: {  	s1 =	sand.u32 $0x40, s0;
	s18 =	sadd.s32 $0x260, s7;
	s16 =	sadd.s32 s25, s3;
	v12 =	vld.idx.msk [tilespmem:v3+s6+$0x0], $0xffff  }
0x15d: {  	s20 =	sadd.s32 $0x250, s7;
	s8 =	sand.u32 $0x1C00, s8;
	s5 =	sand.u32 $0x1C00, s5;
	v3 =	vld.idx.msk [tilespmem:v4+s6+$0x0], $0xffff;
	v2 =	vor.u32 v2, v10  }
0x15e: {  	s7 =	sadd.s32 $0x270, s7;
	s8 =	sadd.s32 s8, s3;
	[tilespmem:s13+$0x0] =	vst v2;
	s13 =	sand.u32 $0x50, s20;
	v7 =	vld.idx.msk [tilespmem:v7+s6+$0x0], $0xffff  }
0x15f: {  	s18 =	sand.u32 $0x60, s18;
	s5 =	sadd.s32 s5, s3;
	v9 =	vld.idx.msk [tilespmem:v9+s6+$0x0], $0xffff;
	s8 =	sadd.s32 s13, s8  }
0x160: {  	s5 =	sadd.s32 s18, s5;
	s20 =	sadd.s32 s31, s16;
	v13 =	vld.idx.msk [tilespmem:v0+s8+$0x0 ss:$0x1], $0xffff;
	s8 =	sadd.s32 $0x1180, s24  }
0x161: {  	s14 =	sor.u32 $0x10, s1;
	s13 =	sadd.s32 s1, s20;
	v2 =	vld.idx.msk [tilespmem:v0+s5+$0x0 ss:$0x1], $0xffff;
	s8 =	sand.u32 $0x1C00, s8  }
0x162: {  	s7 =	sand.u32 $0x70, s7;
	v1 =	vld [tilespmem:s13+$0x0];
	s13 =	sadd.s32 s14, s20;
	s18 =	sadd.s32 s8, s3  }
0x163: {  	v10 =	vand.u32 $0xFFFF0000, v3;
	v3 =	vld [tilespmem:s13+$0x0];
	s5 =	sadd.s32 s7, s18  }
0x164: {  	s4 =	sadd.s32 s4, s2;
	p1 =	slt.u32 s0, $0x1C0;
	s17 =	sor.u32 $0x20, s1;
	v8 =	vshrl.u32 v8, $0x10;
	v7 =	vand.u32 $0xFFFF0000, v7;
	v4 =	vld.idx.msk [tilespmem:v0+s5+$0x0 ss:$0x1], $0xffff  }
.Ltmp17:
0x165: {  	v6 =	vand.u32 $0xFFFF0000, v6;
	s8 =	sadd.s32 s1, s16;
	v12 =	vshrl.u32 v12, $0x10;
	s5 =	sor.u32 $0x30, s1;
	v63 =	vor.u32 v8, v7;
	v8 =	vld.idx.msk [tilespmem:v5+s6+$0x0], $0xffff;
	(pc) =	sbr.rel @p1 .LBB2_27-.Ltmp17, $4  }
0x166: {  	s16 =	sadd.s32 s10, s2;
	s18 =	sadd.s32 s17, s20;
	v6 =	vor.u32 v12, v6;
	v5 =	vshrl.u32 v9, $0x10;
	v7 =	vld.idx.msk [tilespmem:v0+s8+$0x1000 ss:$0x1], $0xffff;
	s20 =	sadd.s32 s5, s20  }
0x167: {  	s24 =	sadd.s32 $0x200, s24;
	s13 =	sadd.s32 s15, s2;
	s2 =	sadd.s32 s11, s2;
	[tilespmem:s16+$0x0] =	vst v6;
	v5 =	vor.u32 v5, v10;
	v9 =	vld [tilespmem:s20+$0x0]  }
0x168: {  	s10 =	smov.u32 s14;
	s15 =	smov.u32 s17;
	s16 =	smov.u32 s25;
	[tilespmem:s2+$0x0] =	vst v5;
	v5 =	vld [tilespmem:s18+$0x0]  }
0x169: {  	[tilespmem:s4+$0x0] =	vst v63;
	v10 =	vand.u32 $0xFFFF0000, v11;
	s4 =	smov.u32 s1;
	s11 =	smov.u32 s5;
	s2 =	rddreg [dreg:$0x6];
	v6 =	vld.idx.msk [tilespmem:v13+s6+$0x0], $0xffff  }
0x16a: {  	_ =	sdelay $0x3  }
0x16b: {  	v0 =	vld.idx.msk [tilespmem:v2+s6+$0x0], $0xffff  }
0x16c: {  	v57 =	vld.idx.msk [tilespmem:v3+s6+$0x0], $0xffff  }
0x16d: {  	v58 =	vld.idx.msk [tilespmem:v4+s6+$0x0], $0xffff  }
0x16e: {  	v1 =	vld.idx.msk [tilespmem:v1+s6+$0x0], $0xffff  }
0x16f: {  	v59 =	vld.idx.msk [tilespmem:v7+s6+$0x0], $0xffff  }
0x170: {  	v60 =	vld.idx.msk [tilespmem:v9+s6+$0x0], $0xffff  }
0x171: {  	v5 =	vld.idx.msk [tilespmem:v5+s6+$0x0], $0xffff  }
0x172: {  	v8 =	vshrl.u32 v8, $0x10;
	s30 =	sadd.s32 $0x1, s30  }
0x173: {  	s0 =	sadd.s32 s16, s2;
	v8 =	vor.u32 v8, v10;
	p1 =	sne.s32 s30, $0x10;
	v6 =	vand.u32 $0xFFFF0000, v6;
	v2 =	vshrl.u32 v57, $0x10  }
.Ltmp18:
0x174: {  	s1 =	sadd.s32 s10, s0;
	[tilespmem:s13+$0x0] =	vst v8;
	v1 =	vshrl.u32 v1, $0x10;
	v4 =	vand.u32 $0xFFFF0000, v59;
	v2 =	vor.u32 v2, v6;
	(pc) =	sbr.rel @p1 .LBB2_26-.Ltmp18, $4  }
0x175: {  	s2 =	sadd.s32 s4, s0;
	v3 =	vand.u32 $0xFFFF0000, v58;
	v1 =	vor.u32 v1, v4;
	[tilespmem:s1+$0x0] =	vst v2;
	v61 =	vshrl.u32 v60, $0x10  }
0x176: {  	s31 =	sadd.s32 s11, s0;
	v0 =	vand.u32 $0xFFFF0000, v0;
	[tilespmem:s2+$0x0] =	vst v1;
	v62 =	vor.u32 v61, v3;
	v63 =	vshrl.u32 v5, $0x10  }
0x177: {  	s0 =	sadd.s32 s15, s0;
	[tilespmem:s31+$0x0] =	vst v62;
	v0 =	vor.u32 v63, v0  }
0x178: {  	[tilespmem:s0+$0x0] =	vst v0  }
0x179: {  	s26 =	sadd.s32 $0x1, s26  }
0x17a: {  	p1 =	sne.s32 s26, $0x8  }
.Ltmp19:
0x17b: {  	_ = 	snop;
	(pc) =	sbr.rel @p1 .LBB2_17-.Ltmp19, $4  }
.Ltmp20:
0x17c: {  	s0 =	sadd.s32 s9, s28;
	(pc) =	sbr.rel @!p1 .LBB2_30-.Ltmp20, $4  }
0x17d: {  	s1 =	rddreg [dreg:$0x3];
	s0 =	sshll.u32 s0, $0x6  }
0x17e: {  	s0 =	sadd.s32 s1, s0  }
0x17f: {  	[hbm4b:s0+s6] =	stream.linear.scatter [tilespmem:s23], [sflag:$0x4], $0x2000, $0x38;
	[tilespmem:$0xC200] =	vst v63  }
0x180: {  	_ = 	snop  }
.LBB2_31:
0x181: {  	_ =	sfence.sel $0x180000  }
0x182: {  	[bflag:$0x0] =	sbarrier.arrive $0xFFFF  }
0x183: {  	_ =	strace $0x90000047  }
0x184: {  	s0 =	stileid.u32;
	[bflag:$0x2] =	sbarrier.arrive $0xFFFF  }
0x185: {  	p0 =	sne.s32 s0, $0x0;
	s0 =	rddreg [dreg:$0x4]  }
0x186: {  	s0 =	sadd.s32 @!p0 $0x100000, s0  }
0x187: {  	[sflag:s0] =	ssyncadd.tile.s32 @!p0 $0x1;
	_ =	shalt  }
.Lfunc_end2:
_tile_overlayer_lowered:
.L_overlay_start_2:
0x188: {  	(tag) =	ssettag $0x2  }
0x189: {  	s0 =	rddreg [dreg:$0x0];
	s2 =	stileid.u32  }
0x18a: {  	s1 =	rddreg [dreg:$0x1];
	p0 =	sne.s32 s2, $0x0  }
0x18b: {  	s3 =	rddreg [dreg:$0x2];
	[bflag:$0x3] =	sbarrier.arrive $0xFFFF;
	s2 =	simm.s32 @!p0 $0x1C05  }
0x18c: {  	[timem:s3], [sflag:s2] =	dma.local @!p0 [hbm:s0], s1  }
0x18d: {  	s0 =	simm.s32 @!p0 $0x5  }
0x18e: {  	_ =	swait.ge @!p0 [sflag:s0], s1  }
0x18f: {  	s1 =	ssub.s32 @!p0 $0x0, s1;
	[sflag:s0] =	ssyncset.done @!p0 $0x0  }
0x190: {  	[sflag:s0] =	ssyncadd.s32 @!p0 s1  }
0x191: {  	[bflag:$0x3] =	sbarrier.arrive $0xFFFF  }
0x192: {  	_ =	shalt  }

// kernel: kernel.13.cloned.1.call-start
scs
__scs_entry_jumppad:
0x0: {  	(pc) =	sbr.rel $0x88, $3  }
0x1: {  	(tag) =	ssettag $0x0;
	lr =	simm.s32 $0x1  }
0x2: {  	[smem:$0x3F99] =	sst lr;
	_ =	strace $0xD0000000  }
0x3: {  	_ = 	snop  }
0x4: {  	_ = 	snop  }
0x5: {  	_ = 	snop  }
0x6: {  	_ = 	snop  }
0x7: {  	_ = 	snop  }
__scs_overlays_trampoline_lowered:
0x8: {  	[smem:$0x3FA8] =	sst s0  }
0x9: {  	[smem:$0x3FA9] =	sst s1  }
0xa: {  	[smem:$0x3FAA] =	sst s2  }
0xb: {  	[smem:$0x3FAB] =	sst s3  }
0xc: {  	[smem:$0x3FAC] =	sst s4  }
0xd: {  	[smem:$0x3FAD] =	sst s5  }
0xe: {  	[smem:$0x3FAE] =	sst s6  }
0xf: {  	[smem:$0x3FAF] =	sst s7  }
0x10: {  	[smem:$0x3FB0] =	sst s8  }
0x11: {  	[smem:$0x3FB1] =	sst s9;
	s0 =	simm.s32 @!p0 $0x0  }
0x12: {  	s1 =	sld [smem:$0x3F97];
	s0 =	simm.s32 @p0 $0x1  }
0x13: {  	[smem:$0x3FB2] =	sst s0;
	s0 =	simm.s32 @!p1 $0x0  }
0x14: {  	s2 =	sld [smem:$0x3F96];
	s0 =	simm.s32 @p1 $0x1  }
0x15: {  	[smem:$0x3FB3] =	sst s0;
	s0 =	simm.s32 @!p2 $0x0  }
0x16: {  	s3 =	sld [smem:$0x3FDB];
	s0 =	simm.s32 @p2 $0x1  }
0x17: {  	s4 =	simm.s32 $0x1BF5;
	[smem:$0x3FB5] =	sst s0  }
0x18: {  	s0 =	sld [smem:$0x3F98];
	_ =	swait.ge [sflag:s4], $0x0  }
0x19: {  	s7 =	sld [smem:$0x3F99]  }
0x1a: {  	s8 =	sadd.s32 $0xFFFFE003, lr  }
0x1b: {  	s9 =	sadd.s32 $0xFFFFFEF7, lr;
	s5 =	simm.s32 $0xFFFFFFFF;
	p2 =	slt.u32 s8, $0xFFFFF086  }
0x1c: {  	p1 =	slt.u32 s9, $0xF7A;
	s5 =	simm.s32 @!p2 $0x0  }
0x1d: {  	s5 =	simm.s32 @p1 $0x1;
	p0 =	seq.s32 s7, s2  }
0x1e: {  	s7 =	smul.u32 @!p0 $0xF7A, s2;
	p2 =	seq.s32 @!p0 s5, $0x0  }
0x1f: {  	s9 =	smul.u32 $0xF7A, s1;
	s8 =	simm.s32 @!p0 $0x1BF5;
	p2 =	por !p2, p0  }
0x20: {  	[sflag:s8] =	ssyncset.s32 @!p0 $0xFFFFF086;
	s6 =	sadd.s32 @!p0 s3, s7;
	s7 =	simm.s32 @!p0 $0x108  }
0x21: {  	s3 =	sadd.s32 s3, s9;
	s6 =	sadd.s32 @!p0 $0x88, s6;
	s7 =	simm.s32 @p2 $0x1082  }
0x22: {  	[simem:s7], [sflag:s8] =	dma.local @!p0 [hbm:s6], $0xF7A  }
0x23: {  	s9 =	sor.u32 $0xD0000000, s2;
	s6 =	simm.s32 $0x108;
	_ =	swait.ge @!p0 [sflag:s8], $0x0  }
0x24: {  	s3 =	sadd.s32 $0x88, s3;
	s6 =	simm.s32 @!p1 $0x1082;
	[sflag:s4] =	ssyncset.s32 $0xFFFFF086  }
0x25: {  	[simem:s6], [sflag:s4] =	dma.local [hbm:s3], $0xF7A  }
0x26: {  	[smem:$0x3F99] =	sst s1;
	(tag) =	ssettag s2;
	_ =	strace s9  }
0x27: {  	s1 =	sld [smem:$0x3FA9]  }
0x28: {  	s2 =	sld [smem:$0x3FAA]  }
0x29: {  	s4 =	sld [smem:$0x3FAC]  }
0x2a: {  	p0 =	seq.s32 s5, $0x0;
	s5 =	sld [smem:$0x3FAD]  }
0x2b: {  	s6 =	sld [smem:$0x3FAE]  }
0x2c: {  	s7 =	sld [smem:$0x3FAF]  }
0x2d: {  	s3 =	simm.s32 $0x108;
	s8 =	sld [smem:$0x3FB0]  }
0x2e: {  	s3 =	simm.s32 @!p0 $0x1082;
	s9 =	sld [smem:$0x3FB1]  }
0x2f: {  	lr =	sadd.s32 s0, s3;
	s0 =	sld [smem:$0x3FA8]  }
0x30: {  	s3 =	sld [smem:$0x3FAB]  }
0x31: {  	[smem:$0x3FB4] =	sst s10  }
0x32: {  	s10 =	sld [smem:$0x3FB2];
	_ =	sdelay $0x3  }
0x33: {  	p0 =	seq.s32 s10, $0x1;
	s10 =	sld [smem:$0x3FB4];
	_ =	sdelay $0x3  }
0x34: {  	[smem:$0x3FB4] =	sst s10  }
0x35: {  	s10 =	sld [smem:$0x3FB3];
	_ =	sdelay $0x3  }
0x36: {  	p1 =	seq.s32 s10, $0x1;
	s10 =	sld [smem:$0x3FB4];
	_ =	sdelay $0x3  }
0x37: {  	[smem:$0x3FB4] =	sst s10  }
0x38: {  	s10 =	sld [smem:$0x3FB5]  }
0x39: {  	_ = 	snop;
	(pc) =	sbr.ind lr, $3  }
0x3a: {  	_ = 	snop  }
0x3b: {  	_ = 	snop  }
0x3c: {  	p2 =	seq.s32 s10, $0x1;
	s10 =	sld [smem:$0x3FB4]  }
0x3d: {  	_ =	shalt  }
0x3e: {  	_ =	shalt  }
0x3f: {  	_ =	shalt  }
0x40: {  	_ =	shalt  }
0x41: {  	_ =	shalt  }
0x42: {  	_ =	shalt  }
0x43: {  	_ =	shalt  }
0x44: {  	_ =	shalt  }
0x45: {  	_ =	shalt  }
0x46: {  	_ =	shalt  }
0x47: {  	_ =	shalt  }
0x48: {  	_ =	shalt  }
0x49: {  	_ =	shalt  }
0x4a: {  	_ =	shalt  }
0x4b: {  	_ =	shalt  }
0x4c: {  	_ =	shalt  }
0x4d: {  	_ =	shalt  }
0x4e: {  	_ =	shalt  }
0x4f: {  	_ =	shalt  }
0x50: {  	_ =	shalt  }
0x51: {  	_ =	shalt  }
0x52: {  	_ =	shalt  }
0x53: {  	_ =	shalt  }
0x54: {  	_ =	shalt  }
0x55: {  	_ =	shalt  }
0x56: {  	_ =	shalt  }
0x57: {  	_ =	shalt  }
0x58: {  	_ =	shalt  }
0x59: {  	_ =	shalt  }
0x5a: {  	_ =	shalt  }
0x5b: {  	_ =	shalt  }
0x5c: {  	_ =	shalt  }
0x5d: {  	_ =	shalt  }
0x5e: {  	_ =	shalt  }
0x5f: {  	_ =	shalt  }
0x60: {  	_ =	shalt  }
0x61: {  	_ =	shalt  }
0x62: {  	_ =	shalt  }
0x63: {  	_ =	shalt  }
0x64: {  	_ =	shalt  }
0x65: {  	_ =	shalt  }
0x66: {  	_ =	shalt  }
0x67: {  	_ =	shalt  }
0x68: {  	_ =	shalt  }
0x69: {  	_ =	shalt  }
0x6a: {  	_ =	shalt  }
0x6b: {  	_ =	shalt  }
0x6c: {  	_ =	shalt  }
0x6d: {  	_ =	shalt  }
0x6e: {  	_ =	shalt  }
0x6f: {  	_ =	shalt  }
0x70: {  	_ =	shalt  }
0x71: {  	_ =	shalt  }
0x72: {  	_ =	shalt  }
0x73: {  	_ =	shalt  }
0x74: {  	_ =	shalt  }
0x75: {  	_ =	shalt  }
0x76: {  	_ =	shalt  }
0x77: {  	_ =	shalt  }
0x78: {  	_ =	shalt  }
0x79: {  	_ =	shalt  }
0x7a: {  	_ =	shalt  }
0x7b: {  	_ =	shalt  }
0x7c: {  	_ =	shalt  }
0x7d: {  	_ =	shalt  }
0x7e: {  	_ =	shalt  }
0x7f: {  	_ =	shalt  }
0x80: {  	_ =	shalt  }
0x81: {  	_ =	shalt  }
0x82: {  	_ =	shalt  }
0x83: {  	_ =	shalt  }
0x84: {  	_ =	shalt  }
0x85: {  	_ =	shalt  }
0x86: {  	_ =	shalt  }
0x87: {  	_ =	shalt  }
.Lfunc_end0:
.L_simem_size_0:
called_computation.1_lowered:
.L_overlay_start_0:
0x88: {  	s2 =	sld [smem:$0x3FD9]  }
0x89: {  	s3 =	sld [smem:$0x3FFE];
	_ =	sdelay $0x1  }
0x8a: {  	s1 =	srdreg.scid  }
0x8b: {  	s0 =	sand.u32 $0x1, s1  }
0x8c: {  	s17 =	sshll.u32 s0, $0xA;
	s2 =	sadd.s32 s3, s2  }
0x8d: {  	s2 =	sadd.s32 s2, s17  }
0x8e: {  	[smem:$0x3FC0] =	sst s2  }
0x8f: {  	_ = 	snop  }
0x90: {  	s18 =	sld [smem:$0x3FC9]  }
0x91: {  	s5 =	sld [smem:$0x3FC8]  }
0x92: {  	s4 =	sld [smem:$0x3FC4];
	(tm) =	ssettm $0x1  }
0x93: {  	s19 =	sld [smem:$0x3FFB];
	_ =	sdelay $0x3  }
0x94: {  	_ =	strace s19  }
0x95: {  	s2 =	sld [smem:$0x3FFC];
	_ =	sdelay $0x3  }
0x96: {  	_ =	strace s2  }
0x97: {  	s2 =	sld [smem:$0x3FFD];
	_ =	sdelay $0x3  }
0x98: {  	_ =	strace s2  }
0x99: {  	_ =	strace $0x8FFFFFFF  }
0x9a: {  	s20 =	sld [smem:$0x3FDB];
	_ =	sdelay $0x1  }
0x9b: {  	s6 =	simm.s32 $_scs_section_size  }
0x9c: {  	s7 =	simm.s32 $_size__tile_overlayer_lowered;
	s8 =	simm.s32 $_tile_overlayer_lowered  }
0x9d: {  	s9 =	simm.s32 $0x1BFF;
	s21 =	sshll.u32 s8, $0x1;
	s6 =	sadd.s32 s6, s20  }
0x9e: {  	s22 =	simm.s32 $0x0;
	s7 =	sshll.u32 s7, $0x1;
	s8 =	sadd.s32 s21, s6  }
0x9f: {  	[timem:s22], [sflag:s9] =	dma.local [hbm:s8], s7  }
0xa0: {  	_ =	swait.ge [sflag:s9], s7  }
0xa1: {  	s7 =	ssub.s32 $0x0, s7;
	[sflag:s9] =	ssyncset.done $0x0  }
0xa2: {  	[sflag:s9] =	ssyncadd.s32 s7;
	_ =	sdelay $0x1  }
0xa3: {  	s23 =	simm.s32 $0x1B8B  }
0xa4: {  	_ =	swait.ge [sflag:s23], $0x1  }
0xa5: {  	[sflag:s23] =	ssyncset.done $0x0  }
0xa6: {  	[sflag:s23] =	ssyncadd.s32 $0xFFFFFFFF  }
0xa7: {  	s7 =	sld [smem:$0x0]  }
0xa8: {  	s8 =	sand.u32 $0xFFFFFFFE, s1  }
0xa9: {  	p0 =	sne.s32 s1, s8  }
0xaa: {  	s8 =	sshll.u32 @p0 s8, $0xE  }
0xab: {  	s8 =	sadd.s32 @p0 $0x11B8D, s8;
	s9 =	sshll.u32 @p0 s7, $0x11  }
0xac: {  	s8 =	sor.u32 @p0 s9, s8  }
0xad: {  	[sflag:s8] =	ssyncadd.remote.s32 @p0 $0x1;
	_ =	sdelay $0x1  }
0xae: {  	s8 =	simm.s32 @p0 $0x1B8D  }
0xaf: {  	_ =	swait.eq @p0 [sflag:s8], $0x1  }
0xb0: {  	[sflag:s8] =	ssyncadd.s32 @p0 $0xFFFFFFFF  }
0xb1: {  	s9 =	sshll.u32 @!p0 s1, $0xE  }
0xb2: {  	s9 =	sor.u32 @!p0 $0x4000, s9;
	s8 =	simm.s32 @!p0 $0x1B8D  }
0xb3: {  	s7 =	sshll.u32 @!p0 s7, $0x11;
	s9 =	sadd.s32 @!p0 $0x11B8D, s9;
	_ =	swait.eq @!p0 [sflag:s8], $0x1  }
0xb4: {  	s7 =	sor.u32 @!p0 s7, s9;
	[sflag:s8] =	ssyncadd.s32 @!p0 $0xFFFFFFFF  }
0xb5: {  	s25 =	simm.s32 $0x1B8E;
	s24 =	sld [smem:$0x3FFE];
	[sflag:s7] =	ssyncadd.remote.s32 @!p0 $0x1  }
0xb6: {  	s26 =	simm.s32 $execute0_lowered;
	[smem:$0x3FD2] =	sst s25  }
0xb7: {  	s8 =	sshll.u32 s26, $0x1;
	_ =	strace $0x80000049;
	[dreg:$0x1] =	wrdreg $0xFFFFFFFF  }
0xb8: {  	s28 =	simm.s32 $_size_execute0_lowered;
	s6 =	sadd.s32 s6, s8;
	[dreg:$0x0] =	wrdreg $0x0  }
0xb9: {  	s8 =	sshll.u32 s28, $0x1;
	[dreg:$0x2] =	wrdreg s6  }
0xba: {  	[dreg:$0x3] =	wrdreg s8  }
0xbb: {  	[dreg:$0x4] =	wrdreg $0xC0  }
0xbc: {  	_ =	task [dreg:s22], $0x5FFFF  }
0xbd: {  	[dreg:$0x1] =	wrdreg $0xFFFFFFFF  }
0xbe: {  	[dreg:$0x0] =	wrdreg $0x60  }
0xbf: {  	[dreg:$0x2] =	wrdreg s5  }
0xc0: {  	[dreg:$0x3] =	wrdreg s18  }
0xc1: {  	[dreg:$0x4] =	wrdreg s4  }
0xc2: {  	[dreg:$0x5] =	wrdreg s24  }
0xc3: {  	[dreg:$0x6] =	wrdreg $0xA  }
0xc4: {  	_ =	task.clear_ibuf [dreg:s22], $0x7FFFF;
	_ =	strace $0x90000049  }
0xc5: {  	s29 =	simm.s32 $0xA;
	_ =	strace $0x8000004B  }
0xc6: {  	_ =	swait.ge [sflag:s29], $0x1  }
0xc7: {  	[sflag:s29] =	ssyncadd.s32 $0xFFFFFFFF  }
0xc8: {  	_ =	strace $0x9000004B  }
0xc9: {  	_ =	sfence  }
0xca: {  	s30 =	sld [smem:$0x0];
	_ =	sdelay $0x2  }
0xcb: {  	s31 =	sshll.u32 s1, $0xD;
	s1 =	sshrl.u32 s1, $0x2  }
0xcc: {  	s4 =	sand.u32 $0x4000, s31;
	s1 =	sadd.s32 s1, s30  }
0xcd: {  	s0 =	sor.u32 s4, s0;
	s1 =	sshll.u32 s1, $0x11  }
0xce: {  	s0 =	sor.u32 s1, s0  }
0xcf: {  	s0 =	sadd.s32 $0x8F2B, s0  }
0xd0: {  	[sflag:s0] =	ssyncadd.remote.s32 $0x1  }
0xd1: {  	_ =	sfence.sel $0xFFFF  }
0xd2: {  	[dreg:$0x0] =	wrdreg $0xFFFFFFFF;
	(pc) =	sbr.abs _section_cstart, $3  }
0xd3: {  	[dreg:$0x1] =	wrdreg $0xFFFFFFFF  }
0xd4: {  	_ =	task.clear_ibuf [dreg:s22], $0x2FFFF;
	_ =	strace $0x9FFFFFFF  }
0xd5: {  	(tm) =	ssettm $0x7FFFFFFF  }
tec
execute0_lowered:
.L_overlay_start_1:
0x0: {  	(tag) =	ssettag $0x1  }
0x1: {  	s10 =	rddreg [dreg:$0x0]  }
0x2: {  	s11 =	rddreg [dreg:$0x1]  }
0x3: {  	s0 =	rddreg [dreg:$0x3]  }
0x4: {  	s1 =	srdreg.scid;
	s3 =	stileid.u32;
	s5 =	simm.s32 $0x0  }
0x5: {  	s19 =	simm.s32 $0x1;
	s21 =	simm.s32 $0x2;
	s22 =	simm.s32 $0x4  }
0x6: {  	s1 =	sand.u32 $0x1, s1;
	s2 =	sshll.u32 s3, $0x1;
	s3 =	sshrl.u32 s3, $0x2  }
0x7: {  	[smem:$0x7FF] =	sst s5;
	s6 =	sadd.s32 $0x2000, s0;
	s2 =	sor.u32 s1, s2  }
0x8: {  	s3 =	sor.u32 $0x4, s3;
	_ =	strace $0x8000004A;
	s25 =	ssub.s32 $0x2, s1  }
0x9: {  	s4 =	sand.u32 $0x7, s2;
	s7 =	smul.u32 $0x600, s3;
	s9 =	sshrl.u32 s25, $0x1  }
0xa: {  	s28 =	sshll.u32 s3, $0x9;
	s8 =	sshll.u32 s4, $0x8;
	s0 =	ssub.s32 s25, s9  }
0xb: {  	s9 =	sshll.u32 s2, $0x8;
	s26 =	sadd.s32 s8, s7;
	s1 =	sadd.s32 s28, s8  }
0xc: {  	s0 =	smax.u32 s0, $0x1;
	s7 =	sadd.s32 $0xFFFFFE00, s26;
	[dreg:$0xa] =	wrdreg s1  }
0xd: {  	s1 =	sshll.u32 s1, $0x7;
	[dreg:$0xf] =	wrdreg s0;
	s29 =	sshll.u32 s7, $0x7  }
.Ltmp0:
0xe: {  	[dreg:$0x9] =	wrdreg s7;
	s1 =	sadd.s32 s10, s1;
	(pc) =	sbr.rel .LBB2_1-.Ltmp0, $4  }
0xf: {  	s30 =	sshll.u32 s7, $0xA;
	s3 =	sadd.s32 s11, s29;
	[dreg:$0xc] =	wrdreg s1  }
0x10: {  	s2 =	sshll.u32 s2, $0xE;
	s31 =	sor.u32 $0x8000, s30;
	[dreg:$0xb] =	wrdreg s3  }
0x11: {  	p0 =	sgt.u32 s4, $0x1;
	s1 =	sadd.s32 $0x1000, s1;
	[dreg:$0xd] =	wrdreg s31  }
0x12: {  	s12 =	sadd.s32 s6, s2;
	[dreg:$0xe] =	wrdreg s1;
	s1 =	simm.s32 $0x0  }
.LBB2_30:
0x13: {  	s0 =	simm.s32 $0x3  }
0x14: {  	_ =	swait.ge [sflag:s0], $0x2000  }
0x15: {  	[sflag:s0] =	ssyncset.done $0x0  }
0x16: {  	[sflag:s0] =	ssyncadd.s32 $0xFFFFE000  }
0x17: {  	_ =	swait.ge [sflag:s22], $0x2000  }
0x18: {  	s1 =	rddreg [dreg:$0x10]  }
0x19: {  	s31 =	rddreg [dreg:$0xf];
	s1 =	sadd.s32 $0x1, s1  }
0x1a: {  	p1 =	sne.s32 s1, s31  }
.Ltmp1:
0x1b: {  	_ = 	snop;
	(pc) =	sbr.rel @!p1 .LBB2_31-.Ltmp1, $3  }
0x1c: {  	_ =	sdelay $0x1  }
0x1d: {  	[sflag:s22] =	ssyncset.done $0x0  }
0x1e: {  	[sflag:s22] =	ssyncadd.s32 $0xFFFFE000  }
.LBB2_1:
0x1f: {  	[dreg:$0x10] =	wrdreg s1  }
.Ltmp2:
0x20: {  	s0 =	rddreg [dreg:$0x2];
	s31 =	simm.s32 $0x5;
	(pc) =	sbr.rel @p0 .LBB2_16-.Ltmp2, $4  }
0x21: {  	[tilespmem:s5], [sflag:$0x5] =	stream.linear.gather [hbm4b:s0+s5], $0x200, $0x38;
	[tilespmem:$0xC200] =	vst v63  }
0x22: {  	_ =	swait.ge [sflag:s31], $0x200  }
0x23: {  	[sflag:s31] =	ssyncset.done $0x0  }
0x24: {  	s26 =	simm.s32 $0x0;
	[sflag:s31] =	ssyncadd.s32 $0xFFFFFE00  }
0x25: {  	s0 =	rddreg [dreg:$0xc];
	s1 =	simm.s32 $0x200  }
0x26: {  	[tilespmem:s1], [sflag:$0x1] =	stream.linear.gather [hbm4b:s0+s26], $0x4000, $0x38;
	[tilespmem:$0xC200] =	vst v63  }
.LBB2_3:
0x27: {  	s0 =	sshll.u32 s26, $0x5  }
0x28: {  	s25 =	rddreg [dreg:$0xa];
	s28 =	sor.u32 $0x10, s0  }
0x29: {  	s0 =	sadd.s32 s25, s28  }
0x2a: {  	s1 =	rddreg [dreg:$0x0];
	s0 =	sshll.u32 s0, $0x7  }
0x2b: {  	s31 =	simm.s32 $0x4200;
	s0 =	sadd.s32 s1, s0  }
0x2c: {  	[tilespmem:s31], [sflag:$0x2] =	stream.linear.gather [hbm4b:s0+s5], $0x4000, $0x38;
	[tilespmem:$0xC200] =	vst v63  }
0x2d: {  	_ =	swait.ge [sflag:s19], $0x4000  }
0x2e: {  	p1 =	seq.s32 s26, $0x0;
	[sflag:s19] =	ssyncset.done $0x0  }
0x2f: {  	s0 =	simm.s32 @!p1 $0x3;
	[sflag:s19] =	ssyncadd.s32 $0xFFFFC000  }
0x30: {  	_ =	swait.ge @!p1 [sflag:s0], $0x2000  }
0x31: {  	[sflag:s0] =	ssyncset.done @!p1 $0x0  }
0x32: {  	s29 =	sshll.u32 s26, $0xC;
	s30 =	simm.s32 $0x0;
	[sflag:s0] =	ssyncadd.s32 @!p1 $0xFFFFE000  }
.LBB2_4:
0x33: {  	s0 =	sshll.u32 s30, $0x7;
	s1 =	sshll.u32 s30, $0x9  }
0x34: {  	s15 =	sshll.u32 s30, $0xA;
	s16 =	simm.s32 $0x0;
	s17 =	simm.s32 $0x0  }
0x35: {  	s18 =	simm.s32 $0x1100;
	s20 =	simm.s32 $0x1080;
	s3 =	simm.s32 $0x220  }
0x36: {  	s4 =	simm.s32 $0x210;
	s31 =	sand.u32 $0x380, s0;
	s14 =	sand.u32 $0x3FFFF000, s1  }
0x37: {  	s1 =	sand.u32 $0x3FFFE000, s15;
	s11 =	sand.u32 $0xC00, s16;
	s0 =	sor.u32 s31, s14;
	v0 =	vmov s31  }
0x38: {  	s24 =	sand.u32 $0x40, s17;
	s4 =	sand.u32 $0x50, s4;
	s2 =	sadd.s32 $0x8200, s0  }
0x39: {  	s0 =	sor.u32 $0x200, s1;
	[dreg:$0x7] =	wrdreg s2;
	s2 =	sand.u32 $0x1C00, s20  }
0x3a: {  	s3 =	sand.u32 $0x60, s3;
	s1 =	sand.u32 $0x1C00, s18;
	s2 =	sadd.s32 s2, s0  }
0x3b: {  	s10 =	sadd.s32 s11, s0;
	s1 =	sadd.s32 s1, s0;
	s2 =	sadd.s32 s4, s2  }
0x3c: {  	s15 =	sor.u32 $0x10, s24;
	s23 =	sadd.s32 s31, s10;
	s1 =	sadd.s32 s3, s1;
	v1 =	vld.idx.msk [tilespmem:v0+s2+$0x0 ss:$0x1], $0xffff  }
0x3d: {  	s13 =	sadd.s32 s15, s23;
	v2 =	vld.idx.msk [tilespmem:v0+s1+$0x0 ss:$0x1], $0xffff  }
0x3e: {  	s25 =	simm.s32 $0x1180;
	s7 =	simm.s32 $0x230;
	v3 =	vld [tilespmem:s13+$0x0];
	s13 =	sadd.s32 s24, s23  }
0x3f: {  	s14 =	sadd.s32 s24, s10;
	s2 =	sand.u32 $0x1C00, s25;
	v5 =	vld [tilespmem:s13+$0x0];
	s13 =	sor.u32 $0x20, s24  }
0x40: {  	s8 =	sand.u32 $0x70, s7;
	v6 =	vld.idx.msk [tilespmem:v0+s14+$0x1000 ss:$0x1], $0xffff;
	s2 =	sadd.s32 s2, s0;
	s17 =	sadd.s32 s13, s23  }
0x41: {  	s1 =	sadd.s32 s8, s2;
	v9 =	vld [tilespmem:s17+$0x0];
	s17 =	simm.s32 $0x1280  }
0x42: {  	s8 =	simm.s32 $0x250;
	v4 =	vld.idx.msk [tilespmem:v0+s1+$0x0 ss:$0x1], $0xffff;
	s1 =	sor.u32 $0x30, s24;
	s17 =	sand.u32 $0x1C00, s17  }
0x43: {  	s8 =	sand.u32 $0x50, s8;
	s16 =	sadd.s32 s1, s23;
	s17 =	sadd.s32 s17, s0  }
0x44: {  	v7 =	vld [tilespmem:s16+$0x0];
	s8 =	sadd.s32 s8, s17  }
0x45: {  	v14 =	vld.idx.msk [tilespmem:v0+s8+$0x0 ss:$0x1], $0xffff  }
0x46: {  	s14 =	simm.s32 $0x1300;
	v8 =	vld.idx.msk [tilespmem:v1+s5+$0x0], $0xffff  }
0x47: {  	s18 =	simm.s32 $0x200;
	s25 =	simm.s32 $0x260;
	s14 =	sand.u32 $0x1C00, s14;
	v10 =	vld.idx.msk [tilespmem:v2+s5+$0x0], $0xffff  }
0x48: {  	s25 =	sand.u32 $0x60, s25;
	s20 =	sadd.s32 s14, s0;
	s16 =	sand.u32 $0xC00, s18;
	v11 =	vld.idx.msk [tilespmem:v3+s5+$0x0], $0xffff  }
0x49: {  	s3 =	simm.s32 $0x40;
	s7 =	sadd.s32 s16, s0;
	s8 =	sadd.s32 s25, s20;
	v6 =	vld.idx.msk [tilespmem:v6+s5+$0x0], $0xffff  }
0x4a: {  	s4 =	sand.u32 $0x40, s3;
	s18 =	sadd.s32 s31, s7;
	v2 =	vld.idx.msk [tilespmem:v0+s8+$0x0 ss:$0x1], $0xffff  }
0x4b: {  	s17 =	sadd.s32 s4, s18;
	v5 =	vld.idx.msk [tilespmem:v5+s5+$0x0], $0xffff  }
0x4c: {  	s23 =	simm.s32 $0x1380;
	v1 =	vld [tilespmem:s17+$0x0]  }
0x4d: {  	s10 =	sor.u32 $0x10, s4;
	s14 =	sand.u32 $0x1C00, s23;
	s20 =	simm.s32 $0x270;
	v12 =	vld.idx.msk [tilespmem:v4+s5+$0x0], $0xffff  }
0x4e: {  	s14 =	sadd.s32 s14, s0;
	s23 =	sadd.s32 s10, s18;
	s17 =	sand.u32 $0x70, s20;
	v13 =	vld.idx.msk [tilespmem:v7+s5+$0x0], $0xffff  }
0x4f: {  	v3 =	vld [tilespmem:s23+$0x0];
	s8 =	sadd.s32 s17, s14  }
0x50: {  	s2 =	rddreg [dreg:$0x7];
	v4 =	vld.idx.msk [tilespmem:v0+s8+$0x0 ss:$0x1], $0xffff  }
0x51: {  	s2 =	sadd.s32 s11, s2;
	s11 =	sor.u32 $0x30, s4;
	s7 =	sadd.s32 s4, s7;
	v7 =	vshrl.u32 v11, $0x10;
	v11 =	vand.u32 $0xFFFF0000, v8;
	v8 =	vld.idx.msk [tilespmem:v9+s5+$0x0], $0xffff  }
0x52: {  	s20 =	sadd.s32 s15, s2;
	s23 =	sadd.s32 s11, s18;
	v6 =	vand.u32 $0xFFFF0000, v6;
	v5 =	vshrl.u32 v5, $0x10;
	v9 =	vor.u32 v7, v11;
	v7 =	vld.idx.msk [tilespmem:v0+s7+$0x1000 ss:$0x1], $0xffff  }
0x53: {  	s24 =	sadd.s32 s24, s2;
	s15 =	sor.u32 $0x20, s4;
	v5 =	vor.u32 v5, v6;
	[tilespmem:s20+$0x0] =	vst v9;
	v9 =	vld [tilespmem:s23+$0x0];
	v11 =	vand.u32 $0xFFFF0000, v12;
	v6 =	vshrl.u32 v13, $0x10  }
0x54: {  	s1 =	sadd.s32 s1, s2;
	s25 =	sadd.s32 s15, s18;
	[tilespmem:s24+$0x0] =	vst v5;
	v5 =	vor.u32 v6, v11;
	v6 =	vld.idx.msk [tilespmem:v14+s5+$0x0], $0xffff  }
0x55: {  	s13 =	sadd.s32 s13, s2;
	s2 =	rddreg [dreg:$0x7];
	v10 =	vand.u32 $0xFFFF0000, v10;
	s24 =	simm.s32 $0x400;
	[tilespmem:s1+$0x0] =	vst v5;
	v5 =	vld [tilespmem:s25+$0x0]  }
.LBB2_5:
0x56: {  	s25 =	sand.u32 $0xC00, s24;
	s7 =	sadd.s32 $0x1100, s24;
	s8 =	smov.u32 s3;
	v11 =	vld.idx.msk [tilespmem:v2+s5+$0x0], $0xffff  }
0x57: {  	s3 =	sadd.s32 $0x40, s3;
	s18 =	sadd.s32 $0x1080, s24;
	s2 =	sadd.s32 s16, s2;
	v2 =	vshrl.u32 v8, $0x10;
	v8 =	vld.idx.msk [tilespmem:v1+s5+$0x0], $0xffff  }
0x58: {  	s1 =	sand.u32 $0x40, s3;
	s20 =	sadd.s32 $0x260, s8;
	s16 =	sadd.s32 s25, s0;
	v12 =	vld.idx.msk [tilespmem:v3+s5+$0x0], $0xffff  }
0x59: {  	s23 =	sadd.s32 $0x250, s8;
	s18 =	sand.u32 $0x1C00, s18;
	s7 =	sand.u32 $0x1C00, s7;
	v2 =	vor.u32 v2, v10;
	v3 =	vld.idx.msk [tilespmem:v4+s5+$0x0], $0xffff  }
0x5a: {  	s8 =	sadd.s32 $0x270, s8;
	s18 =	sadd.s32 s18, s0;
	[tilespmem:s13+$0x0] =	vst v2;
	s13 =	sand.u32 $0x50, s23;
	v7 =	vld.idx.msk [tilespmem:v7+s5+$0x0], $0xffff  }
0x5b: {  	s20 =	sand.u32 $0x60, s20;
	s7 =	sadd.s32 s7, s0;
	v9 =	vld.idx.msk [tilespmem:v9+s5+$0x0], $0xffff;
	s13 =	sadd.s32 s13, s18  }
0x5c: {  	s7 =	sadd.s32 s20, s7;
	s23 =	sadd.s32 s31, s16;
	v13 =	vld.idx.msk [tilespmem:v0+s13+$0x0 ss:$0x1], $0xffff;
	s13 =	sadd.s32 $0x1180, s24  }
0x5d: {  	s14 =	sor.u32 $0x10, s1;
	s18 =	sadd.s32 s1, s23;
	v2 =	vld.idx.msk [tilespmem:v0+s7+$0x0 ss:$0x1], $0xffff;
	s13 =	sand.u32 $0x1C00, s13  }
0x5e: {  	s8 =	sand.u32 $0x70, s8;
	v1 =	vld [tilespmem:s18+$0x0];
	s18 =	sadd.s32 s14, s23;
	s20 =	sadd.s32 s13, s0  }
0x5f: {  	v10 =	vand.u32 $0xFFFF0000, v3;
	v3 =	vld [tilespmem:s18+$0x0];
	s7 =	sadd.s32 s8, s20  }
0x60: {  	s10 =	sadd.s32 s10, s2;
	p2 =	slt.u32 s3, $0x1C0;
	s17 =	sor.u32 $0x20, s1;
	v8 =	vshrl.u32 v8, $0x10;
	v7 =	vand.u32 $0xFFFF0000, v7;
	v4 =	vld.idx.msk [tilespmem:v0+s7+$0x0 ss:$0x1], $0xffff  }
.Ltmp3:
0x61: {  	s16 =	sadd.s32 s1, s16;
	v6 =	vand.u32 $0xFFFF0000, v6;
	v12 =	vshrl.u32 v12, $0x10;
	s20 =	sor.u32 $0x30, s1;
	v63 =	vor.u32 v8, v7;
	v8 =	vld.idx.msk [tilespmem:v5+s5+$0x0], $0xffff;
	(pc) =	sbr.rel @p2 .LBB2_5-.Ltmp3, $4  }
0x62: {  	s4 =	sadd.s32 s4, s2;
	s18 =	sadd.s32 s17, s23;
	v6 =	vor.u32 v12, v6;
	v5 =	vshrl.u32 v9, $0x10;
	v7 =	vld.idx.msk [tilespmem:v0+s16+$0x1000 ss:$0x1], $0xffff;
	s23 =	sadd.s32 s20, s23  }
0x63: {  	s24 =	sadd.s32 $0x200, s24;
	s13 =	sadd.s32 s15, s2;
	s2 =	sadd.s32 s11, s2;
	[tilespmem:s10+$0x0] =	vst v6;
	v5 =	vor.u32 v5, v10;
	v9 =	vld [tilespmem:s23+$0x0]  }
0x64: {  	s15 =	smov.u32 s17;
	s16 =	smov.u32 s25;
	s10 =	smov.u32 s14;
	[tilespmem:s2+$0x0] =	vst v5;
	v5 =	vld [tilespmem:s18+$0x0]  }
0x65: {  	s11 =	smov.u32 s20;
	[tilespmem:s4+$0x0] =	vst v63;
	v10 =	vand.u32 $0xFFFF0000, v11;
	s4 =	smov.u32 s1;
	s2 =	rddreg [dreg:$0x7];
	v6 =	vld.idx.msk [tilespmem:v13+s5+$0x0], $0xffff  }
0x66: {  	_ =	sdelay $0x3  }
0x67: {  	v0 =	vld.idx.msk [tilespmem:v2+s5+$0x0], $0xffff  }
0x68: {  	v57 =	vld.idx.msk [tilespmem:v3+s5+$0x0], $0xffff  }
0x69: {  	v58 =	vld.idx.msk [tilespmem:v4+s5+$0x0], $0xffff  }
0x6a: {  	v1 =	vld.idx.msk [tilespmem:v1+s5+$0x0], $0xffff  }
0x6b: {  	v59 =	vld.idx.msk [tilespmem:v7+s5+$0x0], $0xffff  }
0x6c: {  	v60 =	vld.idx.msk [tilespmem:v9+s5+$0x0], $0xffff  }
0x6d: {  	v5 =	vld.idx.msk [tilespmem:v5+s5+$0x0], $0xffff  }
0x6e: {  	v8 =	vshrl.u32 v8, $0x10;
	s30 =	sadd.s32 $0x1, s30  }
0x6f: {  	s0 =	sadd.s32 s16, s2;
	v8 =	vor.u32 v8, v10;
	p2 =	sne.s32 s30, $0x10;
	v6 =	vand.u32 $0xFFFF0000, v6;
	v2 =	vshrl.u32 v57, $0x10  }
.Ltmp4:
0x70: {  	s1 =	sadd.s32 s10, s0;
	[tilespmem:s13+$0x0] =	vst v8;
	v1 =	vshrl.u32 v1, $0x10;
	v4 =	vand.u32 $0xFFFF0000, v59;
	v2 =	vor.u32 v2, v6;
	(pc) =	sbr.rel @p2 .LBB2_4-.Ltmp4, $4  }
0x71: {  	s2 =	sadd.s32 s4, s0;
	v3 =	vand.u32 $0xFFFF0000, v58;
	v1 =	vor.u32 v1, v4;
	[tilespmem:s1+$0x0] =	vst v2;
	v61 =	vshrl.u32 v60, $0x10  }
0x72: {  	s31 =	sadd.s32 s11, s0;
	v0 =	vand.u32 $0xFFFF0000, v0;
	[tilespmem:s2+$0x0] =	vst v1;
	v62 =	vor.u32 v61, v3;
	v63 =	vshrl.u32 v5, $0x10  }
0x73: {  	s0 =	sadd.s32 s15, s0;
	[tilespmem:s31+$0x0] =	vst v62;
	v0 =	vor.u32 v63, v0  }
0x74: {  	[tilespmem:s0+$0x0] =	vst v0  }
0x75: {  	p2 =	sne.s32 s26, $0x7  }
.Ltmp5:
0x76: {  	_ = 	snop;
	(pc) =	sbr.rel @p2 .LBB2_9-.Ltmp5, $4  }
0x77: {  	_ = 	snop  }
0x78: {  	s0 =	sshll.u32 s26, $0xB  }
0x79: {  	s1 =	simm.s32 $0x8200;
	s0 =	sadd.s32 s0, s12  }
0x7a: {  	[hbm4b:s0+s5] =	stream.linear.scatter [tilespmem:s1], [sflag:$0x3], $0x2000, $0x38;
	[tilespmem:$0xC200] =	vst v63  }
.Ltmp6:
0x7b: {  	(pc) =	sbr.rel .LBB2_10-.Ltmp6, $4  }
0x7c: {  	_ = 	snop  }
0x7d: {  	_ =	swait.ge [sflag:s21], $0x4000  }
0x7e: {  	[sflag:s21] =	ssyncset.done $0x0  }
0x7f: {  	[sflag:s21] =	ssyncadd.s32 $0xFFFFC000  }
.LBB2_9:
0x80: {  	s0 =	rddreg [dreg:$0xe]  }
.Ltmp7:
0x81: {  	s1 =	simm.s32 $0x200;
	s0 =	sadd.s32 s29, s0;
	(pc) =	sbr.rel @p1 .LBB2_11-.Ltmp7, $4  }
0x82: {  	[tilespmem:s1], [sflag:$0x1] =	stream.linear.gather [hbm4b:s0+s5], $0x4000, $0x38;
	[tilespmem:$0xC200] =	vst v63  }
0x83: {  	_ =	swait.ge [sflag:s21], $0x4000  }
0x84: {  	[sflag:s21] =	ssyncset.done $0x0  }
0x85: {  	[sflag:s21] =	ssyncadd.s32 $0xFFFFC000  }
.LBB2_10:
0x86: {  	_ =	swait.ge [sflag:s22], $0x2000  }
0x87: {  	[sflag:s22] =	ssyncset.done $0x0  }
0x88: {  	[sflag:s22] =	ssyncadd.s32 $0xFFFFE000  }
.LBB2_11:
0x89: {  	s29 =	simm.s32 $0x0;
	s30 =	simm.s32 $0x0  }
.LBB2_12:
0x8a: {  	s0 =	sshll.u32 s30, $0x7  }
0x8b: {  	s1 =	sshll.u32 s30, $0x9;
	s17 =	sshll.u32 s30, $0xA;
	s18 =	simm.s32 $0x0  }
0x8c: {  	s11 =	sand.u32 $0xC00, s29;
	s20 =	simm.s32 $0x1100;
	s23 =	simm.s32 $0x1080  }
0x8d: {  	s3 =	simm.s32 $0x220;
	s4 =	simm.s32 $0x210;
	s31 =	sand.u32 $0x380, s0  }
0x8e: {  	s10 =	simm.s32 $0x1180;
	s13 =	simm.s32 $0x230;
	s16 =	sand.u32 $0x3FFFF000, s1;
	v0 =	vmov s31  }
0x8f: {  	s1 =	sand.u32 $0x3FFFE000, s17;
	s24 =	sand.u32 $0x40, s18;
	s0 =	sor.u32 s31, s16  }
0x90: {  	s2 =	sadd.s32 $0xA200, s0;
	s0 =	sadd.s32 $0x4200, s1;
	s1 =	sand.u32 $0x1C00, s23  }
0x91: {  	s4 =	sand.u32 $0x50, s4;
	s7 =	sadd.s32 s11, s0;
	s1 =	sadd.s32 s1, s0  }
0x92: {  	[dreg:$0x8] =	wrdreg s2;
	s1 =	sadd.s32 s4, s1;
	s25 =	sadd.s32 s31, s7  }
0x93: {  	s3 =	sand.u32 $0x60, s3;
	s14 =	sand.u32 $0x70, s13;
	s16 =	sadd.s32 s24, s25;
	v1 =	vld.idx.msk [tilespmem:v0+s1+$0x0 ss:$0x1], $0xffff  }
0x94: {  	s13 =	sor.u32 $0x20, s24;
	s2 =	sand.u32 $0x1C00, s20;
	s17 =	sadd.s32 s24, s7;
	v5 =	vld [tilespmem:s16+$0x0]  }
0x95: {  	s8 =	sadd.s32 s2, s0;
	s2 =	sand.u32 $0x1C00, s10;
	s20 =	sadd.s32 s13, s25;
	v6 =	vld.idx.msk [tilespmem:v0+s17+$0x1000 ss:$0x1], $0xffff  }
0x96: {  	s2 =	sadd.s32 s2, s0;
	s1 =	sadd.s32 s3, s8;
	v9 =	vld [tilespmem:s20+$0x0]  }
0x97: {  	s15 =	sor.u32 $0x10, s24;
	v2 =	vld.idx.msk [tilespmem:v0+s1+$0x0 ss:$0x1], $0xffff;
	s1 =	sadd.s32 s14, s2  }
0x98: {  	s8 =	sadd.s32 s15, s25;
	v4 =	vld.idx.msk [tilespmem:v0+s1+$0x0 ss:$0x1], $0xffff;
	s1 =	sor.u32 $0x30, s24  }
0x99: {  	s20 =	simm.s32 $0x1280;
	v3 =	vld [tilespmem:s8+$0x0];
	s18 =	sadd.s32 s1, s25  }
0x9a: {  	s8 =	sand.u32 $0x1C00, s20;
	v7 =	vld [tilespmem:s18+$0x0];
	s18 =	simm.s32 $0x250  }
0x9b: {  	s8 =	sadd.s32 s8, s0;
	s18 =	sand.u32 $0x50, s18  }
0x9c: {  	s23 =	simm.s32 $0x200;
	s8 =	sadd.s32 s18, s8  }
0x9d: {  	s16 =	sand.u32 $0xC00, s23;
	v14 =	vld.idx.msk [tilespmem:v0+s8+$0x0 ss:$0x1], $0xffff  }
0x9e: {  	s3 =	simm.s32 $0x40;
	s17 =	sadd.s32 s16, s0;
	v8 =	vld.idx.msk [tilespmem:v1+s5+$0x0], $0xffff  }
0x9f: {  	s4 =	sand.u32 $0x40, s3;
	s20 =	sadd.s32 s31, s17;
	v5 =	vld.idx.msk [tilespmem:v5+s5+$0x0], $0xffff  }
0xa0: {  	s25 =	simm.s32 $0x1300;
	s23 =	sadd.s32 s4, s20;
	v6 =	vld.idx.msk [tilespmem:v6+s5+$0x0], $0xffff  }
0xa1: {  	s14 =	simm.s32 $0x260;
	s7 =	sand.u32 $0x1C00, s25;
	v1 =	vld [tilespmem:s23+$0x0]  }
0xa2: {  	s14 =	sand.u32 $0x60, s14;
	s7 =	sadd.s32 s7, s0;
	v10 =	vld.idx.msk [tilespmem:v2+s5+$0x0], $0xffff  }
0xa3: {  	s7 =	sadd.s32 s14, s7;
	v11 =	vld.idx.msk [tilespmem:v3+s5+$0x0], $0xffff  }
0xa4: {  	s25 =	simm.s32 $0x1380;
	v2 =	vld.idx.msk [tilespmem:v0+s7+$0x0 ss:$0x1], $0xffff  }
0xa5: {  	s10 =	sor.u32 $0x10, s4;
	s8 =	sand.u32 $0x1C00, s25;
	s23 =	simm.s32 $0x270;
	v12 =	vld.idx.msk [tilespmem:v4+s5+$0x0], $0xffff  }
0xa6: {  	s25 =	sadd.s32 s10, s20;
	s8 =	sadd.s32 s8, s0;
	s14 =	sand.u32 $0x70, s23;
	v13 =	vld.idx.msk [tilespmem:v7+s5+$0x0], $0xffff  }
0xa7: {  	v3 =	vld [tilespmem:s25+$0x0];
	s7 =	sadd.s32 s14, s8  }
0xa8: {  	s2 =	rddreg [dreg:$0x8];
	v4 =	vld.idx.msk [tilespmem:v0+s7+$0x0 ss:$0x1], $0xffff  }
0xa9: {  	s2 =	sadd.s32 s11, s2;
	s17 =	sadd.s32 s4, s17;
	s11 =	sor.u32 $0x30, s4;
	v7 =	vshrl.u32 v11, $0x10;
	v11 =	vand.u32 $0xFFFF0000, v8;
	v8 =	vld.idx.msk [tilespmem:v9+s5+$0x0], $0xffff  }
0xaa: {  	s18 =	sadd.s32 s15, s2;
	s23 =	sadd.s32 s11, s20;
	v5 =	vshrl.u32 v5, $0x10;
	v6 =	vand.u32 $0xFFFF0000, v6;
	v9 =	vor.u32 v7, v11;
	v7 =	vld.idx.msk [tilespmem:v0+s17+$0x1000 ss:$0x1], $0xffff  }
0xab: {  	s24 =	sadd.s32 s24, s2;
	s15 =	sor.u32 $0x20, s4;
	v5 =	vor.u32 v5, v6;
	v11 =	vand.u32 $0xFFFF0000, v12;
	[tilespmem:s18+$0x0] =	vst v9;
	v9 =	vld [tilespmem:s23+$0x0];
	v6 =	vshrl.u32 v13, $0x10  }
0xac: {  	s1 =	sadd.s32 s1, s2;
	s25 =	sadd.s32 s15, s20;
	[tilespmem:s24+$0x0] =	vst v5;
	v5 =	vor.u32 v6, v11;
	v6 =	vld.idx.msk [tilespmem:v14+s5+$0x0], $0xffff  }
0xad: {  	s13 =	sadd.s32 s13, s2;
	s2 =	rddreg [dreg:$0x8];
	v10 =	vand.u32 $0xFFFF0000, v10;
	s24 =	simm.s32 $0x400;
	[tilespmem:s1+$0x0] =	vst v5;
	v5 =	vld [tilespmem:s25+$0x0]  }
.LBB2_13:
0xae: {  	s25 =	sand.u32 $0xC00, s24;
	s7 =	sadd.s32 $0x1100, s24;
	s8 =	smov.u32 s3;
	v11 =	vld.idx.msk [tilespmem:v2+s5+$0x0], $0xffff  }
0xaf: {  	s3 =	sadd.s32 $0x40, s3;
	s18 =	sadd.s32 $0x1080, s24;
	s2 =	sadd.s32 s16, s2;
	v2 =	vshrl.u32 v8, $0x10;
	v8 =	vld.idx.msk [tilespmem:v1+s5+$0x0], $0xffff  }
0xb0: {  	s1 =	sand.u32 $0x40, s3;
	s20 =	sadd.s32 $0x260, s8;
	s16 =	sadd.s32 s25, s0;
	v12 =	vld.idx.msk [tilespmem:v3+s5+$0x0], $0xffff  }
0xb1: {  	s23 =	sadd.s32 $0x250, s8;
	s18 =	sand.u32 $0x1C00, s18;
	s7 =	sand.u32 $0x1C00, s7;
	v2 =	vor.u32 v2, v10;
	v3 =	vld.idx.msk [tilespmem:v4+s5+$0x0], $0xffff  }
0xb2: {  	s8 =	sadd.s32 $0x270, s8;
	s18 =	sadd.s32 s18, s0;
	[tilespmem:s13+$0x0] =	vst v2;
	s13 =	sand.u32 $0x50, s23;
	v7 =	vld.idx.msk [tilespmem:v7+s5+$0x0], $0xffff  }
0xb3: {  	s20 =	sand.u32 $0x60, s20;
	s7 =	sadd.s32 s7, s0;
	v9 =	vld.idx.msk [tilespmem:v9+s5+$0x0], $0xffff;
	s13 =	sadd.s32 s13, s18  }
0xb4: {  	s7 =	sadd.s32 s20, s7;
	s23 =	sadd.s32 s31, s16;
	v13 =	vld.idx.msk [tilespmem:v0+s13+$0x0 ss:$0x1], $0xffff;
	s13 =	sadd.s32 $0x1180, s24  }
0xb5: {  	s14 =	sor.u32 $0x10, s1;
	s18 =	sadd.s32 s1, s23;
	v2 =	vld.idx.msk [tilespmem:v0+s7+$0x0 ss:$0x1], $0xffff;
	s13 =	sand.u32 $0x1C00, s13  }
0xb6: {  	s8 =	sand.u32 $0x70, s8;
	v1 =	vld [tilespmem:s18+$0x0];
	s18 =	sadd.s32 s14, s23;
	s20 =	sadd.s32 s13, s0  }
0xb7: {  	v10 =	vand.u32 $0xFFFF0000, v3;
	v3 =	vld [tilespmem:s18+$0x0];
	s7 =	sadd.s32 s8, s20  }
0xb8: {  	s10 =	sadd.s32 s10, s2;
	p1 =	slt.u32 s3, $0x1C0;
	s17 =	sor.u32 $0x20, s1;
	v8 =	vshrl.u32 v8, $0x10;
	v7 =	vand.u32 $0xFFFF0000, v7;
	v4 =	vld.idx.msk [tilespmem:v0+s7+$0x0 ss:$0x1], $0xffff  }
.Ltmp8:
0xb9: {  	s16 =	sadd.s32 s1, s16;
	v6 =	vand.u32 $0xFFFF0000, v6;
	v12 =	vshrl.u32 v12, $0x10;
	s20 =	sor.u32 $0x30, s1;
	v63 =	vor.u32 v8, v7;
	v8 =	vld.idx.msk [tilespmem:v5+s5+$0x0], $0xffff;
	(pc) =	sbr.rel @p1 .LBB2_13-.Ltmp8, $4  }
0xba: {  	s4 =	sadd.s32 s4, s2;
	s18 =	sadd.s32 s17, s23;
	v6 =	vor.u32 v12, v6;
	v5 =	vshrl.u32 v9, $0x10;
	v7 =	vld.idx.msk [tilespmem:v0+s16+$0x1000 ss:$0x1], $0xffff;
	s23 =	sadd.s32 s20, s23  }
0xbb: {  	s24 =	sadd.s32 $0x200, s24;
	s13 =	sadd.s32 s15, s2;
	s2 =	sadd.s32 s11, s2;
	[tilespmem:s10+$0x0] =	vst v6;
	v5 =	vor.u32 v5, v10;
	v9 =	vld [tilespmem:s23+$0x0]  }
0xbc: {  	s15 =	smov.u32 s17;
	s16 =	smov.u32 s25;
	s10 =	smov.u32 s14;
	[tilespmem:s2+$0x0] =	vst v5;
	v5 =	vld [tilespmem:s18+$0x0]  }
0xbd: {  	s11 =	smov.u32 s20;
	[tilespmem:s4+$0x0] =	vst v63;
	v10 =	vand.u32 $0xFFFF0000, v11;
	s4 =	smov.u32 s1;
	s2 =	rddreg [dreg:$0x8];
	v6 =	vld.idx.msk [tilespmem:v13+s5+$0x0], $0xffff  }
0xbe: {  	_ =	sdelay $0x3  }
0xbf: {  	v0 =	vld.idx.msk [tilespmem:v2+s5+$0x0], $0xffff  }
0xc0: {  	v57 =	vld.idx.msk [tilespmem:v3+s5+$0x0], $0xffff  }
0xc1: {  	v58 =	vld.idx.msk [tilespmem:v4+s5+$0x0], $0xffff  }
0xc2: {  	v1 =	vld.idx.msk [tilespmem:v1+s5+$0x0], $0xffff  }
0xc3: {  	v59 =	vld.idx.msk [tilespmem:v7+s5+$0x0], $0xffff  }
0xc4: {  	v60 =	vld.idx.msk [tilespmem:v9+s5+$0x0], $0xffff  }
0xc5: {  	v5 =	vld.idx.msk [tilespmem:v5+s5+$0x0], $0xffff  }
0xc6: {  	v8 =	vshrl.u32 v8, $0x10;
	s30 =	sadd.s32 $0x1, s30  }
0xc7: {  	s0 =	sadd.s32 s16, s2;
	v8 =	vor.u32 v8, v10;
	p1 =	sne.s32 s30, $0x10;
	v6 =	vand.u32 $0xFFFF0000, v6;
	v2 =	vshrl.u32 v57, $0x10  }
.Ltmp9:
0xc8: {  	s1 =	sadd.s32 s10, s0;
	[tilespmem:s13+$0x0] =	vst v8;
	v1 =	vshrl.u32 v1, $0x10;
	v4 =	vand.u32 $0xFFFF0000, v59;
	v2 =	vor.u32 v2, v6;
	(pc) =	sbr.rel @p1 .LBB2_12-.Ltmp9, $4  }
0xc9: {  	s2 =	sadd.s32 s4, s0;
	v3 =	vand.u32 $0xFFFF0000, v58;
	v1 =	vor.u32 v1, v4;
	[tilespmem:s1+$0x0] =	vst v2;
	v61 =	vshrl.u32 v60, $0x10  }
0xca: {  	s31 =	sadd.s32 s11, s0;
	v0 =	vand.u32 $0xFFFF0000, v0;
	[tilespmem:s2+$0x0] =	vst v1;
	v62 =	vor.u32 v61, v3;
	v63 =	vshrl.u32 v5, $0x10  }
0xcb: {  	s0 =	sadd.s32 s15, s0;
	[tilespmem:s31+$0x0] =	vst v62;
	v0 =	vor.u32 v63, v0  }
0xcc: {  	[tilespmem:s0+$0x0] =	vst v0  }
0xcd: {  	s26 =	sadd.s32 $0x1, s26  }
0xce: {  	p1 =	seq.s32 s26, $0x8  }
.Ltmp10:
0xcf: {  	_ = 	snop;
	(pc) =	sbr.rel @!p1 .LBB2_3-.Ltmp10, $4  }
.Ltmp11:
0xd0: {  	s0 =	sadd.s32 s9, s28;
	(pc) =	sbr.rel @p1 .LBB2_30-.Ltmp11, $4  }
0xd1: {  	s0 =	sshll.u32 s0, $0x6  }
0xd2: {  	s1 =	simm.s32 $0xA200;
	s0 =	sadd.s32 s6, s0  }
0xd3: {  	[hbm4b:s0+s5] =	stream.linear.scatter [tilespmem:s1], [sflag:$0x4], $0x2000, $0x38;
	[tilespmem:$0xC200] =	vst v63  }
0xd4: {  	_ = 	snop  }
.LBB2_16:
0xd5: {  	s0 =	rddreg [dreg:$0xb];
	s1 =	simm.s32 $0x200  }
0xd6: {  	[tilespmem:s1], [sflag:$0x1] =	stream.linear.gather [hbm4b:s0+s26], $0x4000, $0x38;
	[tilespmem:$0xC200] =	vst v63  }
.LBB2_17:
0xd7: {  	s0 =	sshll.u32 s26, $0x5  }
0xd8: {  	s25 =	rddreg [dreg:$0x9];
	s28 =	sor.u32 $0x10, s0  }
0xd9: {  	s0 =	sadd.s32 s25, s28  }
0xda: {  	s1 =	rddreg [dreg:$0x1];
	s0 =	sshll.u32 s0, $0x7  }
0xdb: {  	s31 =	simm.s32 $0x4200;
	s0 =	sadd.s32 s1, s0  }
0xdc: {  	[tilespmem:s31], [sflag:$0x2] =	stream.linear.gather [hbm4b:s0+s5], $0x4000, $0x38;
	[tilespmem:$0xC200] =	vst v63  }
0xdd: {  	_ =	swait.ge [sflag:s19], $0x4000  }
0xde: {  	p1 =	seq.s32 s26, $0x0;
	[sflag:s19] =	ssyncset.done $0x0  }
0xdf: {  	s0 =	simm.s32 @!p1 $0x3;
	[sflag:s19] =	ssyncadd.s32 $0xFFFFC000  }
0xe0: {  	_ =	swait.ge @!p1 [sflag:s0], $0x2000  }
0xe1: {  	[sflag:s0] =	ssyncset.done @!p1 $0x0  }
0xe2: {  	s29 =	sshll.u32 s26, $0xF;
	s30 =	simm.s32 $0x0;
	[sflag:s0] =	ssyncadd.s32 @!p1 $0xFFFFE000  }
.LBB2_18:
0xe3: {  	s0 =	sshll.u32 s30, $0x7;
	s1 =	sshll.u32 s30, $0x9  }
0xe4: {  	s16 =	sshll.u32 s30, $0xA;
	s17 =	simm.s32 $0x0;
	s18 =	simm.s32 $0x0  }
0xe5: {  	s20 =	simm.s32 $0x1100;
	s23 =	simm.s32 $0x1080;
	s3 =	simm.s32 $0x220  }
0xe6: {  	s4 =	simm.s32 $0x210;
	s31 =	sand.u32 $0x380, s0;
	s15 =	sand.u32 $0x3FFFF000, s1  }
0xe7: {  	s1 =	sand.u32 $0x3FFFE000, s16;
	s11 =	sand.u32 $0xC00, s17;
	s0 =	sor.u32 s31, s15;
	v0 =	vmov s31  }
0xe8: {  	s24 =	sand.u32 $0x40, s18;
	s4 =	sand.u32 $0x50, s4;
	s2 =	sadd.s32 $0x8200, s0  }
0xe9: {  	s0 =	sor.u32 $0x200, s1;
	[dreg:$0x5] =	wrdreg s2;
	s2 =	sand.u32 $0x1C00, s23  }
0xea: {  	s3 =	sand.u32 $0x60, s3;
	s1 =	sand.u32 $0x1C00, s20;
	s2 =	sadd.s32 s2, s0  }
0xeb: {  	s7 =	sadd.s32 s11, s0;
	s1 =	sadd.s32 s1, s0;
	s2 =	sadd.s32 s4, s2  }
0xec: {  	s15 =	sor.u32 $0x10, s24;
	s25 =	sadd.s32 s31, s7;
	s1 =	sadd.s32 s3, s1;
	v1 =	vld.idx.msk [tilespmem:v0+s2+$0x0 ss:$0x1], $0xffff  }
0xed: {  	s10 =	simm.s32 $0x1180;
	s8 =	sadd.s32 s15, s25;
	v2 =	vld.idx.msk [tilespmem:v0+s1+$0x0 ss:$0x1], $0xffff  }
0xee: {  	s13 =	simm.s32 $0x230;
	s16 =	sadd.s32 s24, s25;
	s2 =	sand.u32 $0x1C00, s10;
	v3 =	vld [tilespmem:s8+$0x0]  }
0xef: {  	s14 =	sand.u32 $0x70, s13;
	s17 =	sadd.s32 s24, s7;
	v5 =	vld [tilespmem:s16+$0x0];
	s2 =	sadd.s32 s2, s0  }
0xf0: {  	s13 =	sor.u32 $0x20, s24;
	v6 =	vld.idx.msk [tilespmem:v0+s17+$0x1000 ss:$0x1], $0xffff;
	s1 =	sadd.s32 s14, s2  }
0xf1: {  	s20 =	sadd.s32 s13, s25;
	v4 =	vld.idx.msk [tilespmem:v0+s1+$0x0 ss:$0x1], $0xffff;
	s1 =	sor.u32 $0x30, s24  }
0xf2: {  	v9 =	vld [tilespmem:s20+$0x0];
	s18 =	sadd.s32 s1, s25  }
0xf3: {  	s23 =	simm.s32 $0x200;
	v7 =	vld [tilespmem:s18+$0x0]  }
0xf4: {  	s3 =	simm.s32 $0x40;
	s16 =	sand.u32 $0xC00, s23;
	v8 =	vld.idx.msk [tilespmem:v1+s5+$0x0], $0xffff  }
0xf5: {  	s4 =	sand.u32 $0x40, s3;
	s20 =	simm.s32 $0x1280;
	s17 =	sadd.s32 s16, s0;
	v10 =	vld.idx.msk [tilespmem:v2+s5+$0x0], $0xffff  }
0xf6: {  	s8 =	sand.u32 $0x1C00, s20;
	s14 =	simm.s32 $0x260;
	s18 =	simm.s32 $0x250;
	v11 =	vld.idx.msk [tilespmem:v3+s5+$0x0], $0xffff  }
0xf7: {  	s8 =	sadd.s32 s8, s0;
	s25 =	simm.s32 $0x1300;
	s18 =	sand.u32 $0x50, s18;
	v5 =	vld.idx.msk [tilespmem:v5+s5+$0x0], $0xffff  }
0xf8: {  	s20 =	sadd.s32 s31, s17;
	s7 =	sand.u32 $0x1C00, s25;
	s8 =	sadd.s32 s18, s8;
	v6 =	vld.idx.msk [tilespmem:v6+s5+$0x0], $0xffff  }
0xf9: {  	s14 =	sand.u32 $0x60, s14;
	s23 =	sadd.s32 s4, s20;
	s7 =	sadd.s32 s7, s0;
	v14 =	vld.idx.msk [tilespmem:v0+s8+$0x0 ss:$0x1], $0xffff  }
0xfa: {  	s7 =	sadd.s32 s14, s7;
	v1 =	vld [tilespmem:s23+$0x0]  }
0xfb: {  	s25 =	simm.s32 $0x1380;
	v2 =	vld.idx.msk [tilespmem:v0+s7+$0x0 ss:$0x1], $0xffff  }
0xfc: {  	s10 =	sor.u32 $0x10, s4;
	s23 =	simm.s32 $0x270;
	s8 =	sand.u32 $0x1C00, s25;
	v12 =	vld.idx.msk [tilespmem:v4+s5+$0x0], $0xffff  }
0xfd: {  	s25 =	sadd.s32 s10, s20;
	s14 =	sand.u32 $0x70, s23;
	s8 =	sadd.s32 s8, s0;
	v13 =	vld.idx.msk [tilespmem:v7+s5+$0x0], $0xffff  }
0xfe: {  	v3 =	vld [tilespmem:s25+$0x0];
	s7 =	sadd.s32 s14, s8  }
0xff: {  	s2 =	rddreg [dreg:$0x5];
	v4 =	vld.idx.msk [tilespmem:v0+s7+$0x0 ss:$0x1], $0xffff  }
0x100: {  	s17 =	sadd.s32 s4, s17;
	s2 =	sadd.s32 s11, s2;
	s11 =	sor.u32 $0x30, s4;
	v7 =	vshrl.u32 v11, $0x10;
	v11 =	vand.u32 $0xFFFF0000, v8;
	v8 =	vld.idx.msk [tilespmem:v9+s5+$0x0], $0xffff  }
0x101: {  	s18 =	sadd.s32 s15, s2;
	s23 =	sadd.s32 s11, s20;
	v5 =	vshrl.u32 v5, $0x10;
	v6 =	vand.u32 $0xFFFF0000, v6;
	v9 =	vor.u32 v7, v11;
	v7 =	vld.idx.msk [tilespmem:v0+s17+$0x1000 ss:$0x1], $0xffff  }
0x102: {  	s24 =	sadd.s32 s24, s2;
	s15 =	sor.u32 $0x20, s4;
	v5 =	vor.u32 v5, v6;
	[tilespmem:s18+$0x0] =	vst v9;
	v9 =	vld [tilespmem:s23+$0x0];
	v11 =	vand.u32 $0xFFFF0000, v12;
	v6 =	vshrl.u32 v13, $0x10  }
0x103: {  	s1 =	sadd.s32 s1, s2;
	s25 =	sadd.s32 s15, s20;
	[tilespmem:s24+$0x0] =	vst v5;
	v5 =	vor.u32 v6, v11;
	v6 =	vld.idx.msk [tilespmem:v14+s5+$0x0], $0xffff  }
0x104: {  	s13 =	sadd.s32 s13, s2;
	s2 =	rddreg [dreg:$0x5];
	v10 =	vand.u32 $0xFFFF0000, v10;
	s24 =	simm.s32 $0x400;
	[tilespmem:s1+$0x0] =	vst v5;
	v5 =	vld [tilespmem:s25+$0x0]  }
.LBB2_19:
0x105: {  	s25 =	sand.u32 $0xC00, s24;
	s7 =	sadd.s32 $0x1100, s24;
	s8 =	smov.u32 s3;
	v11 =	vld.idx.msk [tilespmem:v2+s5+$0x0], $0xffff  }
0x106: {  	s3 =	sadd.s32 $0x40, s3;
	s18 =	sadd.s32 $0x1080, s24;
	s2 =	sadd.s32 s16, s2;
	v2 =	vshrl.u32 v8, $0x10;
	v8 =	vld.idx.msk [tilespmem:v1+s5+$0x0], $0xffff  }
0x107: {  	s1 =	sand.u32 $0x40, s3;
	s20 =	sadd.s32 $0x260, s8;
	s16 =	sadd.s32 s25, s0;
	v12 =	vld.idx.msk [tilespmem:v3+s5+$0x0], $0xffff  }
0x108: {  	s23 =	sadd.s32 $0x250, s8;
	s18 =	sand.u32 $0x1C00, s18;
	s7 =	sand.u32 $0x1C00, s7;
	v2 =	vor.u32 v2, v10;
	v3 =	vld.idx.msk [tilespmem:v4+s5+$0x0], $0xffff  }
0x109: {  	s8 =	sadd.s32 $0x270, s8;
	s18 =	sadd.s32 s18, s0;
	[tilespmem:s13+$0x0] =	vst v2;
	s13 =	sand.u32 $0x50, s23;
	v7 =	vld.idx.msk [tilespmem:v7+s5+$0x0], $0xffff  }
0x10a: {  	s20 =	sand.u32 $0x60, s20;
	s7 =	sadd.s32 s7, s0;
	v9 =	vld.idx.msk [tilespmem:v9+s5+$0x0], $0xffff;
	s13 =	sadd.s32 s13, s18  }
0x10b: {  	s7 =	sadd.s32 s20, s7;
	s23 =	sadd.s32 s31, s16;
	v13 =	vld.idx.msk [tilespmem:v0+s13+$0x0 ss:$0x1], $0xffff;
	s13 =	sadd.s32 $0x1180, s24  }
0x10c: {  	s14 =	sor.u32 $0x10, s1;
	s18 =	sadd.s32 s1, s23;
	v2 =	vld.idx.msk [tilespmem:v0+s7+$0x0 ss:$0x1], $0xffff;
	s13 =	sand.u32 $0x1C00, s13  }
0x10d: {  	s8 =	sand.u32 $0x70, s8;
	v1 =	vld [tilespmem:s18+$0x0];
	s18 =	sadd.s32 s14, s23;
	s20 =	sadd.s32 s13, s0  }
0x10e: {  	v10 =	vand.u32 $0xFFFF0000, v3;
	v3 =	vld [tilespmem:s18+$0x0];
	s7 =	sadd.s32 s8, s20  }
0x10f: {  	s10 =	sadd.s32 s10, s2;
	p2 =	slt.u32 s3, $0x1C0;
	s17 =	sor.u32 $0x20, s1;
	v8 =	vshrl.u32 v8, $0x10;
	v7 =	vand.u32 $0xFFFF0000, v7;
	v4 =	vld.idx.msk [tilespmem:v0+s7+$0x0 ss:$0x1], $0xffff  }
.Ltmp12:
0x110: {  	s16 =	sadd.s32 s1, s16;
	v6 =	vand.u32 $0xFFFF0000, v6;
	v12 =	vshrl.u32 v12, $0x10;
	s20 =	sor.u32 $0x30, s1;
	v63 =	vor.u32 v8, v7;
	v8 =	vld.idx.msk [tilespmem:v5+s5+$0x0], $0xffff;
	(pc) =	sbr.rel @p2 .LBB2_19-.Ltmp12, $4  }
0x111: {  	s4 =	sadd.s32 s4, s2;
	s18 =	sadd.s32 s17, s23;
	v6 =	vor.u32 v12, v6;
	v5 =	vshrl.u32 v9, $0x10;
	v7 =	vld.idx.msk [tilespmem:v0+s16+$0x1000 ss:$0x1], $0xffff;
	s23 =	sadd.s32 s20, s23  }
0x112: {  	s24 =	sadd.s32 $0x200, s24;
	s13 =	sadd.s32 s15, s2;
	s2 =	sadd.s32 s11, s2;
	[tilespmem:s10+$0x0] =	vst v6;
	v5 =	vor.u32 v5, v10;
	v9 =	vld [tilespmem:s23+$0x0]  }
0x113: {  	s15 =	smov.u32 s17;
	s16 =	smov.u32 s25;
	s10 =	smov.u32 s14;
	[tilespmem:s2+$0x0] =	vst v5;
	v5 =	vld [tilespmem:s18+$0x0]  }
0x114: {  	s11 =	smov.u32 s20;
	[tilespmem:s4+$0x0] =	vst v63;
	v10 =	vand.u32 $0xFFFF0000, v11;
	s4 =	smov.u32 s1;
	s2 =	rddreg [dreg:$0x5];
	v6 =	vld.idx.msk [tilespmem:v13+s5+$0x0], $0xffff  }
0x115: {  	_ =	sdelay $0x3  }
0x116: {  	v0 =	vld.idx.msk [tilespmem:v2+s5+$0x0], $0xffff  }
0x117: {  	v57 =	vld.idx.msk [tilespmem:v3+s5+$0x0], $0xffff  }
0x118: {  	v58 =	vld.idx.msk [tilespmem:v4+s5+$0x0], $0xffff  }
0x119: {  	v1 =	vld.idx.msk [tilespmem:v1+s5+$0x0], $0xffff  }
0x11a: {  	v59 =	vld.idx.msk [tilespmem:v7+s5+$0x0], $0xffff  }
0x11b: {  	v60 =	vld.idx.msk [tilespmem:v9+s5+$0x0], $0xffff  }
0x11c: {  	v5 =	vld.idx.msk [tilespmem:v5+s5+$0x0], $0xffff  }
0x11d: {  	v8 =	vshrl.u32 v8, $0x10;
	s30 =	sadd.s32 $0x1, s30  }
0x11e: {  	s0 =	sadd.s32 s16, s2;
	v8 =	vor.u32 v8, v10;
	p2 =	sne.s32 s30, $0x10;
	v6 =	vand.u32 $0xFFFF0000, v6;
	v2 =	vshrl.u32 v57, $0x10  }
.Ltmp13:
0x11f: {  	s1 =	sadd.s32 s10, s0;
	[tilespmem:s13+$0x0] =	vst v8;
	v1 =	vshrl.u32 v1, $0x10;
	v4 =	vand.u32 $0xFFFF0000, v59;
	v2 =	vor.u32 v2, v6;
	(pc) =	sbr.rel @p2 .LBB2_18-.Ltmp13, $4  }
0x120: {  	s2 =	sadd.s32 s4, s0;
	v3 =	vand.u32 $0xFFFF0000, v58;
	v1 =	vor.u32 v1, v4;
	[tilespmem:s1+$0x0] =	vst v2;
	v61 =	vshrl.u32 v60, $0x10  }
0x121: {  	s31 =	sadd.s32 s11, s0;
	v0 =	vand.u32 $0xFFFF0000, v0;
	[tilespmem:s2+$0x0] =	vst v1;
	v62 =	vor.u32 v61, v3;
	v63 =	vshrl.u32 v5, $0x10  }
0x122: {  	s0 =	sadd.s32 s15, s0;
	[tilespmem:s31+$0x0] =	vst v62;
	v0 =	vor.u32 v63, v0  }
0x123: {  	[tilespmem:s0+$0x0] =	vst v0  }
0x124: {  	p2 =	sne.s32 s26, $0x7  }
.Ltmp14:
0x125: {  	_ = 	snop;
	(pc) =	sbr.rel @p2 .LBB2_23-.Ltmp14, $4  }
0x126: {  	_ = 	snop  }
0x127: {  	s0 =	sshll.u32 s26, $0xB  }
0x128: {  	s1 =	simm.s32 $0x8200;
	s0 =	sadd.s32 s0, s12  }
0x129: {  	[hbm4b:s0+s5] =	stream.linear.scatter [tilespmem:s1], [sflag:$0x3], $0x2000, $0x38;
	[tilespmem:$0xC200] =	vst v63  }
.Ltmp15:
0x12a: {  	(pc) =	sbr.rel .LBB2_24-.Ltmp15, $4  }
0x12b: {  	_ = 	snop  }
0x12c: {  	_ =	swait.ge [sflag:s21], $0x4000  }
0x12d: {  	[sflag:s21] =	ssyncset.done $0x0  }
0x12e: {  	[sflag:s21] =	ssyncadd.s32 $0xFFFFC000  }
.LBB2_23:
0x12f: {  	s0 =	rddreg [dreg:$0xd]  }
0x130: {  	s0 =	sadd.s32 s29, s0  }
0x131: {  	s1 =	rddreg [dreg:$0x1];
	s0 =	sshrl.u32 s0, $0x3  }
.Ltmp16:
0x132: {  	s31 =	simm.s32 $0x200;
	s0 =	sadd.s32 s1, s0;
	(pc) =	sbr.rel @p1 .LBB2_25-.Ltmp16, $4  }
0x133: {  	[tilespmem:s31], [sflag:$0x1] =	stream.linear.gather [hbm4b:s0+s5], $0x4000, $0x38;
	[tilespmem:$0xC200] =	vst v63  }
0x134: {  	_ =	swait.ge [sflag:s21], $0x4000  }
0x135: {  	[sflag:s21] =	ssyncset.done $0x0  }
0x136: {  	[sflag:s21] =	ssyncadd.s32 $0xFFFFC000  }
.LBB2_24:
0x137: {  	_ =	swait.ge [sflag:s22], $0x2000  }
0x138: {  	[sflag:s22] =	ssyncset.done $0x0  }
0x139: {  	[sflag:s22] =	ssyncadd.s32 $0xFFFFE000  }
.LBB2_25:
0x13a: {  	s29 =	simm.s32 $0x0;
	s30 =	simm.s32 $0x0  }
.LBB2_26:
0x13b: {  	s0 =	sshll.u32 s30, $0x7  }
0x13c: {  	s1 =	sshll.u32 s30, $0x9;
	s17 =	sshll.u32 s30, $0xA;
	s18 =	simm.s32 $0x0  }
0x13d: {  	s11 =	sand.u32 $0xC00, s29;
	s20 =	simm.s32 $0x1100;
	s23 =	simm.s32 $0x1080  }
0x13e: {  	s3 =	simm.s32 $0x220;
	s4 =	simm.s32 $0x210;
	s31 =	sand.u32 $0x380, s0  }
0x13f: {  	s10 =	simm.s32 $0x1180;
	s13 =	simm.s32 $0x230;
	s16 =	sand.u32 $0x3FFFF000, s1;
	v0 =	vmov s31  }
0x140: {  	s1 =	sand.u32 $0x3FFFE000, s17;
	s24 =	sand.u32 $0x40, s18;
	s0 =	sor.u32 s31, s16  }
0x141: {  	s2 =	sadd.s32 $0xA200, s0;
	s0 =	sadd.s32 $0x4200, s1;
	s1 =	sand.u32 $0x1C00, s23  }
0x142: {  	s4 =	sand.u32 $0x50, s4;
	s7 =	sadd.s32 s11, s0;
	s1 =	sadd.s32 s1, s0  }
0x143: {  	[dreg:$0x6] =	wrdreg s2;
	s1 =	sadd.s32 s4, s1;
	s25 =	sadd.s32 s31, s7  }
0x144: {  	s3 =	sand.u32 $0x60, s3;
	s14 =	sand.u32 $0x70, s13;
	s16 =	sadd.s32 s24, s25;
	v1 =	vld.idx.msk [tilespmem:v0+s1+$0x0 ss:$0x1], $0xffff  }
0x145: {  	s13 =	sor.u32 $0x20, s24;
	s2 =	sand.u32 $0x1C00, s20;
	s17 =	sadd.s32 s24, s7;
	v5 =	vld [tilespmem:s16+$0x0]  }
0x146: {  	s8 =	sadd.s32 s2, s0;
	s2 =	sand.u32 $0x1C00, s10;
	s20 =	sadd.s32 s13, s25;
	v6 =	vld.idx.msk [tilespmem:v0+s17+$0x1000 ss:$0x1], $0xffff  }
0x147: {  	s2 =	sadd.s32 s2, s0;
	s1 =	sadd.s32 s3, s8;
	v9 =	vld [tilespmem:s20+$0x0]  }
0x148: {  	s15 =	sor.u32 $0x10, s24;
	v2 =	vld.idx.msk [tilespmem:v0+s1+$0x0 ss:$0x1], $0xffff;
	s1 =	sadd.s32 s14, s2  }
0x149: {  	s8 =	sadd.s32 s15, s25;
	v4 =	vld.idx.msk [tilespmem:v0+s1+$0x0 ss:$0x1], $0xffff;
	s1 =	sor.u32 $0x30, s24  }
0x14a: {  	s20 =	simm.s32 $0x1280;
	v3 =	vld [tilespmem:s8+$0x0];
	s18 =	sadd.s32 s1, s25  }
0x14b: {  	s8 =	sand.u32 $0x1C00, s20;
	v7 =	vld [tilespmem:s18+$0x0];
	s18 =	simm.s32 $0x250  }
0x14c: {  	s8 =	sadd.s32 s8, s0;
	s18 =	sand.u32 $0x50, s18  }
0x14d: {  	s23 =	simm.s32 $0x200;
	s8 =	sadd.s32 s18, s8  }
0x14e: {  	s16 =	sand.u32 $0xC00, s23;
	v14 =	vld.idx.msk [tilespmem:v0+s8+$0x0 ss:$0x1], $0xffff  }
0x14f: {  	s3 =	simm.s32 $0x40;
	s17 =	sadd.s32 s16, s0;
	v8 =	vld.idx.msk [tilespmem:v1+s5+$0x0], $0xffff  }
0x150: {  	s4 =	sand.u32 $0x40, s3;
	s20 =	sadd.s32 s31, s17;
	v5 =	vld.idx.msk [tilespmem:v5+s5+$0x0], $0xffff  }
0x151: {  	s25 =	simm.s32 $0x1300;
	s23 =	sadd.s32 s4, s20;
	v6 =	vld.idx.msk [tilespmem:v6+s5+$0x0], $0xffff  }
0x152: {  	s14 =	simm.s32 $0x260;
	s7 =	sand.u32 $0x1C00, s25;
	v1 =	vld [tilespmem:s23+$0x0]  }
0x153: {  	s14 =	sand.u32 $0x60, s14;
	s7 =	sadd.s32 s7, s0;
	v10 =	vld.idx.msk [tilespmem:v2+s5+$0x0], $0xffff  }
0x154: {  	s7 =	sadd.s32 s14, s7;
	v11 =	vld.idx.msk [tilespmem:v3+s5+$0x0], $0xffff  }
0x155: {  	s25 =	simm.s32 $0x1380;
	v2 =	vld.idx.msk [tilespmem:v0+s7+$0x0 ss:$0x1], $0xffff  }
0x156: {  	s10 =	sor.u32 $0x10, s4;
	s8 =	sand.u32 $0x1C00, s25;
	s23 =	simm.s32 $0x270;
	v12 =	vld.idx.msk [tilespmem:v4+s5+$0x0], $0xffff  }
0x157: {  	s25 =	sadd.s32 s10, s20;
	s8 =	sadd.s32 s8, s0;
	s14 =	sand.u32 $0x70, s23;
	v13 =	vld.idx.msk [tilespmem:v7+s5+$0x0], $0xffff  }
0x158: {  	v3 =	vld [tilespmem:s25+$0x0];
	s7 =	sadd.s32 s14, s8  }
0x159: {  	s2 =	rddreg [dreg:$0x6];
	v4 =	vld.idx.msk [tilespmem:v0+s7+$0x0 ss:$0x1], $0xffff  }
0x15a: {  	s2 =	sadd.s32 s11, s2;
	s17 =	sadd.s32 s4, s17;
	s11 =	sor.u32 $0x30, s4;
	v7 =	vshrl.u32 v11, $0x10;
	v11 =	vand.u32 $0xFFFF0000, v8;
	v8 =	vld.idx.msk [tilespmem:v9+s5+$0x0], $0xffff  }
0x15b: {  	s18 =	sadd.s32 s15, s2;
	s23 =	sadd.s32 s11, s20;
	v5 =	vshrl.u32 v5, $0x10;
	v6 =	vand.u32 $0xFFFF0000, v6;
	v9 =	vor.u32 v7, v11;
	v7 =	vld.idx.msk [tilespmem:v0+s17+$0x1000 ss:$0x1], $0xffff  }
0x15c: {  	s24 =	sadd.s32 s24, s2;
	s15 =	sor.u32 $0x20, s4;
	v5 =	vor.u32 v5, v6;
	v11 =	vand.u32 $0xFFFF0000, v12;
	[tilespmem:s18+$0x0] =	vst v9;
	v9 =	vld [tilespmem:s23+$0x0];
	v6 =	vshrl.u32 v13, $0x10  }
0x15d: {  	s1 =	sadd.s32 s1, s2;
	s25 =	sadd.s32 s15, s20;
	[tilespmem:s24+$0x0] =	vst v5;
	v5 =	vor.u32 v6, v11;
	v6 =	vld.idx.msk [tilespmem:v14+s5+$0x0], $0xffff  }
0x15e: {  	s13 =	sadd.s32 s13, s2;
	s2 =	rddreg [dreg:$0x6];
	v10 =	vand.u32 $0xFFFF0000, v10;
	s24 =	simm.s32 $0x400;
	[tilespmem:s1+$0x0] =	vst v5;
	v5 =	vld [tilespmem:s25+$0x0]  }
.LBB2_27:
0x15f: {  	s25 =	sand.u32 $0xC00, s24;
	s7 =	sadd.s32 $0x1100, s24;
	s8 =	smov.u32 s3;
	v11 =	vld.idx.msk [tilespmem:v2+s5+$0x0], $0xffff  }
0x160: {  	s3 =	sadd.s32 $0x40, s3;
	s18 =	sadd.s32 $0x1080, s24;
	s2 =	sadd.s32 s16, s2;
	v2 =	vshrl.u32 v8, $0x10;
	v8 =	vld.idx.msk [tilespmem:v1+s5+$0x0], $0xffff  }
0x161: {  	s1 =	sand.u32 $0x40, s3;
	s20 =	sadd.s32 $0x260, s8;
	s16 =	sadd.s32 s25, s0;
	v12 =	vld.idx.msk [tilespmem:v3+s5+$0x0], $0xffff  }
0x162: {  	s23 =	sadd.s32 $0x250, s8;
	s18 =	sand.u32 $0x1C00, s18;
	s7 =	sand.u32 $0x1C00, s7;
	v2 =	vor.u32 v2, v10;
	v3 =	vld.idx.msk [tilespmem:v4+s5+$0x0], $0xffff  }
0x163: {  	s8 =	sadd.s32 $0x270, s8;
	s18 =	sadd.s32 s18, s0;
	[tilespmem:s13+$0x0] =	vst v2;
	s13 =	sand.u32 $0x50, s23;
	v7 =	vld.idx.msk [tilespmem:v7+s5+$0x0], $0xffff  }
0x164: {  	s20 =	sand.u32 $0x60, s20;
	s7 =	sadd.s32 s7, s0;
	v9 =	vld.idx.msk [tilespmem:v9+s5+$0x0], $0xffff;
	s13 =	sadd.s32 s13, s18  }
0x165: {  	s7 =	sadd.s32 s20, s7;
	s23 =	sadd.s32 s31, s16;
	v13 =	vld.idx.msk [tilespmem:v0+s13+$0x0 ss:$0x1], $0xffff;
	s13 =	sadd.s32 $0x1180, s24  }
0x166: {  	s14 =	sor.u32 $0x10, s1;
	s18 =	sadd.s32 s1, s23;
	v2 =	vld.idx.msk [tilespmem:v0+s7+$0x0 ss:$0x1], $0xffff;
	s13 =	sand.u32 $0x1C00, s13  }
0x167: {  	s8 =	sand.u32 $0x70, s8;
	v1 =	vld [tilespmem:s18+$0x0];
	s18 =	sadd.s32 s14, s23;
	s20 =	sadd.s32 s13, s0  }
0x168: {  	v10 =	vand.u32 $0xFFFF0000, v3;
	v3 =	vld [tilespmem:s18+$0x0];
	s7 =	sadd.s32 s8, s20  }
0x169: {  	s10 =	sadd.s32 s10, s2;
	p1 =	slt.u32 s3, $0x1C0;
	s17 =	sor.u32 $0x20, s1;
	v8 =	vshrl.u32 v8, $0x10;
	v7 =	vand.u32 $0xFFFF0000, v7;
	v4 =	vld.idx.msk [tilespmem:v0+s7+$0x0 ss:$0x1], $0xffff  }
.Ltmp17:
0x16a: {  	s16 =	sadd.s32 s1, s16;
	v6 =	vand.u32 $0xFFFF0000, v6;
	v12 =	vshrl.u32 v12, $0x10;
	s20 =	sor.u32 $0x30, s1;
	v63 =	vor.u32 v8, v7;
	v8 =	vld.idx.msk [tilespmem:v5+s5+$0x0], $0xffff;
	(pc) =	sbr.rel @p1 .LBB2_27-.Ltmp17, $4  }
0x16b: {  	s4 =	sadd.s32 s4, s2;
	s18 =	sadd.s32 s17, s23;
	v6 =	vor.u32 v12, v6;
	v5 =	vshrl.u32 v9, $0x10;
	v7 =	vld.idx.msk [tilespmem:v0+s16+$0x1000 ss:$0x1], $0xffff;
	s23 =	sadd.s32 s20, s23  }
0x16c: {  	s24 =	sadd.s32 $0x200, s24;
	s13 =	sadd.s32 s15, s2;
	s2 =	sadd.s32 s11, s2;
	[tilespmem:s10+$0x0] =	vst v6;
	v5 =	vor.u32 v5, v10;
	v9 =	vld [tilespmem:s23+$0x0]  }
0x16d: {  	s15 =	smov.u32 s17;
	s16 =	smov.u32 s25;
	s10 =	smov.u32 s14;
	[tilespmem:s2+$0x0] =	vst v5;
	v5 =	vld [tilespmem:s18+$0x0]  }
0x16e: {  	s11 =	smov.u32 s20;
	[tilespmem:s4+$0x0] =	vst v63;
	v10 =	vand.u32 $0xFFFF0000, v11;
	s4 =	smov.u32 s1;
	s2 =	rddreg [dreg:$0x6];
	v6 =	vld.idx.msk [tilespmem:v13+s5+$0x0], $0xffff  }
0x16f: {  	_ =	sdelay $0x3  }
0x170: {  	v0 =	vld.idx.msk [tilespmem:v2+s5+$0x0], $0xffff  }
0x171: {  	v57 =	vld.idx.msk [tilespmem:v3+s5+$0x0], $0xffff  }
0x172: {  	v58 =	vld.idx.msk [tilespmem:v4+s5+$0x0], $0xffff  }
0x173: {  	v1 =	vld.idx.msk [tilespmem:v1+s5+$0x0], $0xffff  }
0x174: {  	v59 =	vld.idx.msk [tilespmem:v7+s5+$0x0], $0xffff  }
0x175: {  	v60 =	vld.idx.msk [tilespmem:v9+s5+$0x0], $0xffff  }
0x176: {  	v5 =	vld.idx.msk [tilespmem:v5+s5+$0x0], $0xffff  }
0x177: {  	v8 =	vshrl.u32 v8, $0x10;
	s30 =	sadd.s32 $0x1, s30  }
0x178: {  	s0 =	sadd.s32 s16, s2;
	v8 =	vor.u32 v8, v10;
	p1 =	sne.s32 s30, $0x10;
	v6 =	vand.u32 $0xFFFF0000, v6;
	v2 =	vshrl.u32 v57, $0x10  }
.Ltmp18:
0x179: {  	s1 =	sadd.s32 s10, s0;
	[tilespmem:s13+$0x0] =	vst v8;
	v1 =	vshrl.u32 v1, $0x10;
	v4 =	vand.u32 $0xFFFF0000, v59;
	v2 =	vor.u32 v2, v6;
	(pc) =	sbr.rel @p1 .LBB2_26-.Ltmp18, $4  }
0x17a: {  	s2 =	sadd.s32 s4, s0;
	v3 =	vand.u32 $0xFFFF0000, v58;
	v1 =	vor.u32 v1, v4;
	[tilespmem:s1+$0x0] =	vst v2;
	v61 =	vshrl.u32 v60, $0x10  }
0x17b: {  	s31 =	sadd.s32 s11, s0;
	v0 =	vand.u32 $0xFFFF0000, v0;
	[tilespmem:s2+$0x0] =	vst v1;
	v62 =	vor.u32 v61, v3;
	v63 =	vshrl.u32 v5, $0x10  }
0x17c: {  	s0 =	sadd.s32 s15, s0;
	[tilespmem:s31+$0x0] =	vst v62;
	v0 =	vor.u32 v63, v0  }
0x17d: {  	[tilespmem:s0+$0x0] =	vst v0  }
0x17e: {  	s26 =	sadd.s32 $0x1, s26  }
0x17f: {  	p1 =	sne.s32 s26, $0x8  }
.Ltmp19:
0x180: {  	_ = 	snop;
	(pc) =	sbr.rel @p1 .LBB2_17-.Ltmp19, $4  }
.Ltmp20:
0x181: {  	s0 =	sadd.s32 s9, s28;
	(pc) =	sbr.rel @!p1 .LBB2_30-.Ltmp20, $4  }
0x182: {  	s0 =	sshll.u32 s0, $0x6  }
0x183: {  	s1 =	simm.s32 $0xA200;
	s0 =	sadd.s32 s6, s0  }
0x184: {  	[hbm4b:s0+s5] =	stream.linear.scatter [tilespmem:s1], [sflag:$0x4], $0x2000, $0x38;
	[tilespmem:$0xC200] =	vst v63  }
0x185: {  	_ = 	snop  }
.LBB2_31:
0x186: {  	_ =	sfence.sel $0x180000  }
0x187: {  	[bflag:$0x0] =	sbarrier.arrive $0xFFFF  }
0x188: {  	_ =	strace $0x9000004A  }
0x189: {  	s0 =	stileid.u32;
	[bflag:$0x2] =	sbarrier.arrive $0xFFFF  }
0x18a: {  	p0 =	sne.s32 s0, $0x0;
	s0 =	rddreg [dreg:$0x4]  }
0x18b: {  	s0 =	sadd.s32 @!p0 $0x100000, s0  }
0x18c: {  	[sflag:s0] =	ssyncadd.tile.s32 @!p0 $0x1;
	_ =	shalt  }
.Lfunc_end2:
_tile_overlayer_lowered:
.L_overlay_start_2:
0x18d: {  	(tag) =	ssettag $0x2  }
0x18e: {  	s0 =	rddreg [dreg:$0x0];
	s2 =	stileid.u32  }
0x18f: {  	s1 =	rddreg [dreg:$0x1];
	p0 =	sne.s32 s2, $0x0  }
0x190: {  	s3 =	rddreg [dreg:$0x2];
	[bflag:$0x3] =	sbarrier.arrive $0xFFFF;
	s2 =	simm.s32 @!p0 $0x1C05  }
0x191: {  	[timem:s3], [sflag:s2] =	dma.local @!p0 [hbm:s0], s1  }
0x192: {  	s0 =	simm.s32 @!p0 $0x5  }
0x193: {  	_ =	swait.ge @!p0 [sflag:s0], s1  }
0x194: {  	s1 =	ssub.s32 @!p0 $0x0, s1;
	[sflag:s0] =	ssyncset.done @!p0 $0x0  }
0x195: {  	[sflag:s0] =	ssyncadd.s32 @!p0 s1  }
0x196: {  	[bflag:$0x3] =	sbarrier.arrive $0xFFFF  }
0x197: {  	_ =	shalt  }

// kernel: kernel.16.cloned.1.call-start
scs
__scs_entry_jumppad:
0x0: {  	(pc) =	sbr.rel $0x88, $3  }
0x1: {  	(tag) =	ssettag $0x0;
	lr =	simm.s32 $0x1  }
0x2: {  	[smem:$0x3F99] =	sst lr;
	_ =	strace $0xD0000000  }
0x3: {  	_ = 	snop  }
0x4: {  	_ = 	snop  }
0x5: {  	_ = 	snop  }
0x6: {  	_ = 	snop  }
0x7: {  	_ = 	snop  }
__scs_overlays_trampoline_lowered:
0x8: {  	[smem:$0x3FA8] =	sst s0  }
0x9: {  	[smem:$0x3FA9] =	sst s1  }
0xa: {  	[smem:$0x3FAA] =	sst s2  }
0xb: {  	[smem:$0x3FAB] =	sst s3  }
0xc: {  	[smem:$0x3FAC] =	sst s4  }
0xd: {  	[smem:$0x3FAD] =	sst s5  }
0xe: {  	[smem:$0x3FAE] =	sst s6  }
0xf: {  	[smem:$0x3FAF] =	sst s7  }
0x10: {  	[smem:$0x3FB0] =	sst s8  }
0x11: {  	[smem:$0x3FB1] =	sst s9;
	s0 =	simm.s32 @!p0 $0x0  }
0x12: {  	s1 =	sld [smem:$0x3F97];
	s0 =	simm.s32 @p0 $0x1  }
0x13: {  	[smem:$0x3FB2] =	sst s0;
	s0 =	simm.s32 @!p1 $0x0  }
0x14: {  	s2 =	sld [smem:$0x3F96];
	s0 =	simm.s32 @p1 $0x1  }
0x15: {  	[smem:$0x3FB3] =	sst s0;
	s0 =	simm.s32 @!p2 $0x0  }
0x16: {  	s3 =	sld [smem:$0x3FDB];
	s0 =	simm.s32 @p2 $0x1  }
0x17: {  	s4 =	simm.s32 $0x1BF5;
	[smem:$0x3FB5] =	sst s0  }
0x18: {  	s0 =	sld [smem:$0x3F98];
	_ =	swait.ge [sflag:s4], $0x0  }
0x19: {  	s7 =	sld [smem:$0x3F99]  }
0x1a: {  	s8 =	sadd.s32 $0xFFFFE003, lr  }
0x1b: {  	s9 =	sadd.s32 $0xFFFFFEF7, lr;
	s5 =	simm.s32 $0xFFFFFFFF;
	p2 =	slt.u32 s8, $0xFFFFF086  }
0x1c: {  	p1 =	slt.u32 s9, $0xF7A;
	s5 =	simm.s32 @!p2 $0x0  }
0x1d: {  	s5 =	simm.s32 @p1 $0x1;
	p0 =	seq.s32 s7, s2  }
0x1e: {  	s7 =	smul.u32 @!p0 $0xF7A, s2;
	p2 =	seq.s32 @!p0 s5, $0x0  }
0x1f: {  	s9 =	smul.u32 $0xF7A, s1;
	s8 =	simm.s32 @!p0 $0x1BF5;
	p2 =	por !p2, p0  }
0x20: {  	[sflag:s8] =	ssyncset.s32 @!p0 $0xFFFFF086;
	s6 =	sadd.s32 @!p0 s3, s7;
	s7 =	simm.s32 @!p0 $0x108  }
0x21: {  	s3 =	sadd.s32 s3, s9;
	s6 =	sadd.s32 @!p0 $0x88, s6;
	s7 =	simm.s32 @p2 $0x1082  }
0x22: {  	[simem:s7], [sflag:s8] =	dma.local @!p0 [hbm:s6], $0xF7A  }
0x23: {  	s9 =	sor.u32 $0xD0000000, s2;
	s6 =	simm.s32 $0x108;
	_ =	swait.ge @!p0 [sflag:s8], $0x0  }
0x24: {  	s3 =	sadd.s32 $0x88, s3;
	s6 =	simm.s32 @!p1 $0x1082;
	[sflag:s4] =	ssyncset.s32 $0xFFFFF086  }
0x25: {  	[simem:s6], [sflag:s4] =	dma.local [hbm:s3], $0xF7A  }
0x26: {  	[smem:$0x3F99] =	sst s1;
	(tag) =	ssettag s2;
	_ =	strace s9  }
0x27: {  	s1 =	sld [smem:$0x3FA9]  }
0x28: {  	s2 =	sld [smem:$0x3FAA]  }
0x29: {  	s4 =	sld [smem:$0x3FAC]  }
0x2a: {  	p0 =	seq.s32 s5, $0x0;
	s5 =	sld [smem:$0x3FAD]  }
0x2b: {  	s6 =	sld [smem:$0x3FAE]  }
0x2c: {  	s7 =	sld [smem:$0x3FAF]  }
0x2d: {  	s3 =	simm.s32 $0x108;
	s8 =	sld [smem:$0x3FB0]  }
0x2e: {  	s3 =	simm.s32 @!p0 $0x1082;
	s9 =	sld [smem:$0x3FB1]  }
0x2f: {  	lr =	sadd.s32 s0, s3;
	s0 =	sld [smem:$0x3FA8]  }
0x30: {  	s3 =	sld [smem:$0x3FAB]  }
0x31: {  	[smem:$0x3FB4] =	sst s10  }
0x32: {  	s10 =	sld [smem:$0x3FB2];
	_ =	sdelay $0x3  }
0x33: {  	p0 =	seq.s32 s10, $0x1;
	s10 =	sld [smem:$0x3FB4];
	_ =	sdelay $0x3  }
0x34: {  	[smem:$0x3FB4] =	sst s10  }
0x35: {  	s10 =	sld [smem:$0x3FB3];
	_ =	sdelay $0x3  }
0x36: {  	p1 =	seq.s32 s10, $0x1;
	s10 =	sld [smem:$0x3FB4];
	_ =	sdelay $0x3  }
0x37: {  	[smem:$0x3FB4] =	sst s10  }
0x38: {  	s10 =	sld [smem:$0x3FB5]  }
0x39: {  	_ = 	snop;
	(pc) =	sbr.ind lr, $3  }
0x3a: {  	_ = 	snop  }
0x3b: {  	_ = 	snop  }
0x3c: {  	p2 =	seq.s32 s10, $0x1;
	s10 =	sld [smem:$0x3FB4]  }
0x3d: {  	_ =	shalt  }
0x3e: {  	_ =	shalt  }
0x3f: {  	_ =	shalt  }
0x40: {  	_ =	shalt  }
0x41: {  	_ =	shalt  }
0x42: {  	_ =	shalt  }
0x43: {  	_ =	shalt  }
0x44: {  	_ =	shalt  }
0x45: {  	_ =	shalt  }
0x46: {  	_ =	shalt  }
0x47: {  	_ =	shalt  }
0x48: {  	_ =	shalt  }
0x49: {  	_ =	shalt  }
0x4a: {  	_ =	shalt  }
0x4b: {  	_ =	shalt  }
0x4c: {  	_ =	shalt  }
0x4d: {  	_ =	shalt  }
0x4e: {  	_ =	shalt  }
0x4f: {  	_ =	shalt  }
0x50: {  	_ =	shalt  }
0x51: {  	_ =	shalt  }
0x52: {  	_ =	shalt  }
0x53: {  	_ =	shalt  }
0x54: {  	_ =	shalt  }
0x55: {  	_ =	shalt  }
0x56: {  	_ =	shalt  }
0x57: {  	_ =	shalt  }
0x58: {  	_ =	shalt  }
0x59: {  	_ =	shalt  }
0x5a: {  	_ =	shalt  }
0x5b: {  	_ =	shalt  }
0x5c: {  	_ =	shalt  }
0x5d: {  	_ =	shalt  }
0x5e: {  	_ =	shalt  }
0x5f: {  	_ =	shalt  }
0x60: {  	_ =	shalt  }
0x61: {  	_ =	shalt  }
0x62: {  	_ =	shalt  }
0x63: {  	_ =	shalt  }
0x64: {  	_ =	shalt  }
0x65: {  	_ =	shalt  }
0x66: {  	_ =	shalt  }
0x67: {  	_ =	shalt  }
0x68: {  	_ =	shalt  }
0x69: {  	_ =	shalt  }
0x6a: {  	_ =	shalt  }
0x6b: {  	_ =	shalt  }
0x6c: {  	_ =	shalt  }
0x6d: {  	_ =	shalt  }
0x6e: {  	_ =	shalt  }
0x6f: {  	_ =	shalt  }
0x70: {  	_ =	shalt  }
0x71: {  	_ =	shalt  }
0x72: {  	_ =	shalt  }
0x73: {  	_ =	shalt  }
0x74: {  	_ =	shalt  }
0x75: {  	_ =	shalt  }
0x76: {  	_ =	shalt  }
0x77: {  	_ =	shalt  }
0x78: {  	_ =	shalt  }
0x79: {  	_ =	shalt  }
0x7a: {  	_ =	shalt  }
0x7b: {  	_ =	shalt  }
0x7c: {  	_ =	shalt  }
0x7d: {  	_ =	shalt  }
0x7e: {  	_ =	shalt  }
0x7f: {  	_ =	shalt  }
0x80: {  	_ =	shalt  }
0x81: {  	_ =	shalt  }
0x82: {  	_ =	shalt  }
0x83: {  	_ =	shalt  }
0x84: {  	_ =	shalt  }
0x85: {  	_ =	shalt  }
0x86: {  	_ =	shalt  }
0x87: {  	_ =	shalt  }
.Lfunc_end0:
.L_simem_size_0:
called_computation.2_lowered:
.L_overlay_start_0:
0x88: {  	s2 =	sld [smem:$0x3FD9]  }
0x89: {  	s3 =	sld [smem:$0x3FFE];
	_ =	sdelay $0x1  }
0x8a: {  	s1 =	srdreg.scid  }
0x8b: {  	s0 =	sand.u32 $0x1, s1  }
0x8c: {  	s17 =	sshll.u32 s0, $0xA;
	s2 =	sadd.s32 s3, s2  }
0x8d: {  	s2 =	sadd.s32 s2, s17  }
0x8e: {  	[smem:$0x3FC0] =	sst s2  }
0x8f: {  	_ = 	snop  }
0x90: {  	s18 =	sld [smem:$0x3FC9]  }
0x91: {  	s5 =	sld [smem:$0x3FC8]  }
0x92: {  	s4 =	sld [smem:$0x3FC4];
	(tm) =	ssettm $0x1  }
0x93: {  	s19 =	sld [smem:$0x3FFB];
	_ =	sdelay $0x3  }
0x94: {  	_ =	strace s19  }
0x95: {  	s2 =	sld [smem:$0x3FFC];
	_ =	sdelay $0x3  }
0x96: {  	_ =	strace s2  }
0x97: {  	s2 =	sld [smem:$0x3FFD];
	_ =	sdelay $0x3  }
0x98: {  	_ =	strace s2  }
0x99: {  	_ =	strace $0x8FFFFFFF  }
0x9a: {  	s20 =	sld [smem:$0x3FDB];
	_ =	sdelay $0x1  }
0x9b: {  	s6 =	simm.s32 $_scs_section_size  }
0x9c: {  	s7 =	simm.s32 $_size__tile_overlayer_lowered;
	s8 =	simm.s32 $_tile_overlayer_lowered  }
0x9d: {  	s9 =	simm.s32 $0x1BFF;
	s21 =	sshll.u32 s8, $0x1;
	s6 =	sadd.s32 s6, s20  }
0x9e: {  	s22 =	simm.s32 $0x0;
	s7 =	sshll.u32 s7, $0x1;
	s8 =	sadd.s32 s21, s6  }
0x9f: {  	[timem:s22], [sflag:s9] =	dma.local [hbm:s8], s7  }
0xa0: {  	_ =	swait.ge [sflag:s9], s7  }
0xa1: {  	s7 =	ssub.s32 $0x0, s7;
	[sflag:s9] =	ssyncset.done $0x0  }
0xa2: {  	[sflag:s9] =	ssyncadd.s32 s7;
	_ =	sdelay $0x1  }
0xa3: {  	s23 =	simm.s32 $0x1B8B  }
0xa4: {  	_ =	swait.ge [sflag:s23], $0x1  }
0xa5: {  	[sflag:s23] =	ssyncset.done $0x0  }
0xa6: {  	[sflag:s23] =	ssyncadd.s32 $0xFFFFFFFF  }
0xa7: {  	s7 =	sld [smem:$0x0]  }
0xa8: {  	s8 =	sand.u32 $0xFFFFFFFE, s1  }
0xa9: {  	p0 =	sne.s32 s1, s8  }
0xaa: {  	s8 =	sshll.u32 @p0 s8, $0xE  }
0xab: {  	s8 =	sadd.s32 @p0 $0x11B8D, s8;
	s9 =	sshll.u32 @p0 s7, $0x11  }
0xac: {  	s8 =	sor.u32 @p0 s9, s8  }
0xad: {  	[sflag:s8] =	ssyncadd.remote.s32 @p0 $0x1;
	_ =	sdelay $0x1  }
0xae: {  	s8 =	simm.s32 @p0 $0x1B8D  }
0xaf: {  	_ =	swait.eq @p0 [sflag:s8], $0x1  }
0xb0: {  	[sflag:s8] =	ssyncadd.s32 @p0 $0xFFFFFFFF  }
0xb1: {  	s9 =	sshll.u32 @!p0 s1, $0xE  }
0xb2: {  	s9 =	sor.u32 @!p0 $0x4000, s9;
	s8 =	simm.s32 @!p0 $0x1B8D  }
0xb3: {  	s7 =	sshll.u32 @!p0 s7, $0x11;
	s9 =	sadd.s32 @!p0 $0x11B8D, s9;
	_ =	swait.eq @!p0 [sflag:s8], $0x1  }
0xb4: {  	s7 =	sor.u32 @!p0 s7, s9;
	[sflag:s8] =	ssyncadd.s32 @!p0 $0xFFFFFFFF  }
0xb5: {  	s25 =	simm.s32 $0x1B8E;
	s24 =	sld [smem:$0x3FFE];
	[sflag:s7] =	ssyncadd.remote.s32 @!p0 $0x1  }
0xb6: {  	s26 =	simm.s32 $execute0_lowered;
	[smem:$0x3FD2] =	sst s25  }
0xb7: {  	s8 =	sshll.u32 s26, $0x1;
	_ =	strace $0x8000004C;
	[dreg:$0x1] =	wrdreg $0xFFFFFFFF  }
0xb8: {  	s28 =	simm.s32 $_size_execute0_lowered;
	s6 =	sadd.s32 s6, s8;
	[dreg:$0x0] =	wrdreg $0x0  }
0xb9: {  	s8 =	sshll.u32 s28, $0x1;
	[dreg:$0x2] =	wrdreg s6  }
0xba: {  	[dreg:$0x3] =	wrdreg s8  }
0xbb: {  	[dreg:$0x4] =	wrdreg $0xC0  }
0xbc: {  	_ =	task [dreg:s22], $0x5FFFF  }
0xbd: {  	[dreg:$0x1] =	wrdreg $0xFFFFFFFF  }
0xbe: {  	[dreg:$0x0] =	wrdreg $0x60  }
0xbf: {  	[dreg:$0x2] =	wrdreg s5  }
0xc0: {  	[dreg:$0x3] =	wrdreg s18  }
0xc1: {  	[dreg:$0x4] =	wrdreg s4  }
0xc2: {  	[dreg:$0x5] =	wrdreg s24  }
0xc3: {  	[dreg:$0x6] =	wrdreg $0xB  }
0xc4: {  	_ =	task.clear_ibuf [dreg:s22], $0x7FFFF;
	_ =	strace $0x9000004C  }
0xc5: {  	s29 =	simm.s32 $0xB;
	_ =	strace $0x8000004E  }
0xc6: {  	_ =	swait.ge [sflag:s29], $0x1  }
0xc7: {  	[sflag:s29] =	ssyncadd.s32 $0xFFFFFFFF  }
0xc8: {  	_ =	strace $0x9000004E  }
0xc9: {  	_ =	sfence  }
0xca: {  	s30 =	sld [smem:$0x0];
	_ =	sdelay $0x2  }
0xcb: {  	s31 =	sshll.u32 s1, $0xD;
	s1 =	sshrl.u32 s1, $0x2  }
0xcc: {  	s4 =	sand.u32 $0x4000, s31;
	s1 =	sadd.s32 s1, s30  }
0xcd: {  	s0 =	sor.u32 s4, s0;
	s1 =	sshll.u32 s1, $0x11  }
0xce: {  	s0 =	sor.u32 s1, s0  }
0xcf: {  	s0 =	sadd.s32 $0x8F2B, s0  }
0xd0: {  	[sflag:s0] =	ssyncadd.remote.s32 $0x1  }
0xd1: {  	_ =	sfence.sel $0xFFFF  }
0xd2: {  	[dreg:$0x0] =	wrdreg $0xFFFFFFFF;
	(pc) =	sbr.abs _section_cstart, $3  }
0xd3: {  	[dreg:$0x1] =	wrdreg $0xFFFFFFFF  }
0xd4: {  	_ =	task.clear_ibuf [dreg:s22], $0x2FFFF;
	_ =	strace $0x9FFFFFFF  }
0xd5: {  	(tm) =	ssettm $0x7FFFFFFF  }
tec
execute0_lowered:
.L_overlay_start_1:
0x0: {  	(tag) =	ssettag $0x1  }
0x1: {  	s10 =	rddreg [dreg:$0x0]  }
0x2: {  	s11 =	rddreg [dreg:$0x1]  }
0x3: {  	s0 =	rddreg [dreg:$0x3]  }
0x4: {  	s1 =	srdreg.scid;
	s3 =	stileid.u32;
	s5 =	simm.s32 $0x0  }
0x5: {  	s19 =	simm.s32 $0x1;
	s21 =	simm.s32 $0x2;
	s22 =	simm.s32 $0x4  }
0x6: {  	s1 =	sand.u32 $0x1, s1;
	s2 =	sshll.u32 s3, $0x1;
	s3 =	sshrl.u32 s3, $0x2  }
0x7: {  	[smem:$0x7FF] =	sst s5;
	s6 =	sadd.s32 $0x82000, s0;
	s2 =	sor.u32 s1, s2  }
0x8: {  	s3 =	sor.u32 $0x8, s3;
	_ =	strace $0x8000004D;
	s25 =	ssub.s32 $0x2, s1  }
0x9: {  	s4 =	sand.u32 $0x7, s2;
	s7 =	smul.u32 $0x600, s3;
	s9 =	sshrl.u32 s25, $0x1  }
0xa: {  	s28 =	sshll.u32 s3, $0x9;
	s8 =	sshll.u32 s4, $0x8;
	s0 =	ssub.s32 s25, s9  }
0xb: {  	s9 =	sshll.u32 s2, $0x8;
	s26 =	sadd.s32 s8, s7;
	s1 =	sadd.s32 s28, s8  }
0xc: {  	s0 =	smax.u32 s0, $0x1;
	s7 =	sadd.s32 $0xFFFFFE00, s26;
	[dreg:$0xa] =	wrdreg s1  }
0xd: {  	s1 =	sshll.u32 s1, $0x7;
	[dreg:$0xf] =	wrdreg s0;
	s29 =	sshll.u32 s7, $0x7  }
.Ltmp0:
0xe: {  	[dreg:$0x9] =	wrdreg s7;
	s1 =	sadd.s32 s10, s1;
	(pc) =	sbr.rel .LBB2_1-.Ltmp0, $4  }
0xf: {  	s30 =	sshll.u32 s7, $0xA;
	s3 =	sadd.s32 s11, s29;
	[dreg:$0xc] =	wrdreg s1  }
0x10: {  	s2 =	sshll.u32 s2, $0xE;
	s31 =	sor.u32 $0x8000, s30;
	[dreg:$0xb] =	wrdreg s3  }
0x11: {  	p0 =	sgt.u32 s4, $0x1;
	s1 =	sadd.s32 $0x1000, s1;
	[dreg:$0xd] =	wrdreg s31  }
0x12: {  	s12 =	sadd.s32 s6, s2;
	[dreg:$0xe] =	wrdreg s1;
	s1 =	simm.s32 $0x0  }
.LBB2_30:
0x13: {  	s0 =	simm.s32 $0x3  }
0x14: {  	_ =	swait.ge [sflag:s0], $0x2000  }
0x15: {  	[sflag:s0] =	ssyncset.done $0x0  }
0x16: {  	[sflag:s0] =	ssyncadd.s32 $0xFFFFE000  }
0x17: {  	_ =	swait.ge [sflag:s22], $0x2000  }
0x18: {  	s1 =	rddreg [dreg:$0x10]  }
0x19: {  	s31 =	rddreg [dreg:$0xf];
	s1 =	sadd.s32 $0x1, s1  }
0x1a: {  	p1 =	sne.s32 s1, s31  }
.Ltmp1:
0x1b: {  	_ = 	snop;
	(pc) =	sbr.rel @!p1 .LBB2_31-.Ltmp1, $3  }
0x1c: {  	_ =	sdelay $0x1  }
0x1d: {  	[sflag:s22] =	ssyncset.done $0x0  }
0x1e: {  	[sflag:s22] =	ssyncadd.s32 $0xFFFFE000  }
.LBB2_1:
0x1f: {  	[dreg:$0x10] =	wrdreg s1  }
.Ltmp2:
0x20: {  	s0 =	rddreg [dreg:$0x2];
	s31 =	simm.s32 $0x5;
	(pc) =	sbr.rel @p0 .LBB2_16-.Ltmp2, $4  }
0x21: {  	[tilespmem:s5], [sflag:$0x5] =	stream.linear.gather [hbm4b:s0+s5], $0x200, $0x38;
	[tilespmem:$0xC200] =	vst v63  }
0x22: {  	_ =	swait.ge [sflag:s31], $0x200  }
0x23: {  	[sflag:s31] =	ssyncset.done $0x0  }
0x24: {  	s26 =	simm.s32 $0x0;
	[sflag:s31] =	ssyncadd.s32 $0xFFFFFE00  }
0x25: {  	s0 =	rddreg [dreg:$0xc];
	s1 =	simm.s32 $0x200  }
0x26: {  	[tilespmem:s1], [sflag:$0x1] =	stream.linear.gather [hbm4b:s0+s26], $0x4000, $0x38;
	[tilespmem:$0xC200] =	vst v63  }
.LBB2_3:
0x27: {  	s0 =	sshll.u32 s26, $0x5  }
0x28: {  	s25 =	rddreg [dreg:$0xa];
	s28 =	sor.u32 $0x10, s0  }
0x29: {  	s0 =	sadd.s32 s25, s28  }
0x2a: {  	s1 =	rddreg [dreg:$0x0];
	s0 =	sshll.u32 s0, $0x7  }
0x2b: {  	s31 =	simm.s32 $0x4200;
	s0 =	sadd.s32 s1, s0  }
0x2c: {  	[tilespmem:s31], [sflag:$0x2] =	stream.linear.gather [hbm4b:s0+s5], $0x4000, $0x38;
	[tilespmem:$0xC200] =	vst v63  }
0x2d: {  	_ =	swait.ge [sflag:s19], $0x4000  }
0x2e: {  	p1 =	seq.s32 s26, $0x0;
	[sflag:s19] =	ssyncset.done $0x0  }
0x2f: {  	s0 =	simm.s32 @!p1 $0x3;
	[sflag:s19] =	ssyncadd.s32 $0xFFFFC000  }
0x30: {  	_ =	swait.ge @!p1 [sflag:s0], $0x2000  }
0x31: {  	[sflag:s0] =	ssyncset.done @!p1 $0x0  }
0x32: {  	s29 =	sshll.u32 s26, $0xC;
	s30 =	simm.s32 $0x0;
	[sflag:s0] =	ssyncadd.s32 @!p1 $0xFFFFE000  }
.LBB2_4:
0x33: {  	s0 =	sshll.u32 s30, $0x7;
	s1 =	sshll.u32 s30, $0x9  }
0x34: {  	s15 =	sshll.u32 s30, $0xA;
	s16 =	simm.s32 $0x0;
	s17 =	simm.s32 $0x0  }
0x35: {  	s18 =	simm.s32 $0x1100;
	s20 =	simm.s32 $0x1080;
	s3 =	simm.s32 $0x220  }
0x36: {  	s4 =	simm.s32 $0x210;
	s31 =	sand.u32 $0x380, s0;
	s14 =	sand.u32 $0x3FFFF000, s1  }
0x37: {  	s1 =	sand.u32 $0x3FFFE000, s15;
	s11 =	sand.u32 $0xC00, s16;
	s0 =	sor.u32 s31, s14;
	v0 =	vmov s31  }
0x38: {  	s24 =	sand.u32 $0x40, s17;
	s4 =	sand.u32 $0x50, s4;
	s2 =	sadd.s32 $0x8200, s0  }
0x39: {  	s0 =	sor.u32 $0x200, s1;
	[dreg:$0x7] =	wrdreg s2;
	s2 =	sand.u32 $0x1C00, s20  }
0x3a: {  	s3 =	sand.u32 $0x60, s3;
	s1 =	sand.u32 $0x1C00, s18;
	s2 =	sadd.s32 s2, s0  }
0x3b: {  	s10 =	sadd.s32 s11, s0;
	s1 =	sadd.s32 s1, s0;
	s2 =	sadd.s32 s4, s2  }
0x3c: {  	s15 =	sor.u32 $0x10, s24;
	s23 =	sadd.s32 s31, s10;
	s1 =	sadd.s32 s3, s1;
	v1 =	vld.idx.msk [tilespmem:v0+s2+$0x0 ss:$0x1], $0xffff  }
0x3d: {  	s13 =	sadd.s32 s15, s23;
	v2 =	vld.idx.msk [tilespmem:v0+s1+$0x0 ss:$0x1], $0xffff  }
0x3e: {  	s25 =	simm.s32 $0x1180;
	s7 =	simm.s32 $0x230;
	v3 =	vld [tilespmem:s13+$0x0];
	s13 =	sadd.s32 s24, s23  }
0x3f: {  	s14 =	sadd.s32 s24, s10;
	s2 =	sand.u32 $0x1C00, s25;
	v5 =	vld [tilespmem:s13+$0x0];
	s13 =	sor.u32 $0x20, s24  }
0x40: {  	s8 =	sand.u32 $0x70, s7;
	v6 =	vld.idx.msk [tilespmem:v0+s14+$0x1000 ss:$0x1], $0xffff;
	s2 =	sadd.s32 s2, s0;
	s17 =	sadd.s32 s13, s23  }
0x41: {  	s1 =	sadd.s32 s8, s2;
	v9 =	vld [tilespmem:s17+$0x0];
	s17 =	simm.s32 $0x1280  }
0x42: {  	s8 =	simm.s32 $0x250;
	v4 =	vld.idx.msk [tilespmem:v0+s1+$0x0 ss:$0x1], $0xffff;
	s1 =	sor.u32 $0x30, s24;
	s17 =	sand.u32 $0x1C00, s17  }
0x43: {  	s8 =	sand.u32 $0x50, s8;
	s16 =	sadd.s32 s1, s23;
	s17 =	sadd.s32 s17, s0  }
0x44: {  	v7 =	vld [tilespmem:s16+$0x0];
	s8 =	sadd.s32 s8, s17  }
0x45: {  	v14 =	vld.idx.msk [tilespmem:v0+s8+$0x0 ss:$0x1], $0xffff  }
0x46: {  	s14 =	simm.s32 $0x1300;
	v8 =	vld.idx.msk [tilespmem:v1+s5+$0x0], $0xffff  }
0x47: {  	s18 =	simm.s32 $0x200;
	s25 =	simm.s32 $0x260;
	s14 =	sand.u32 $0x1C00, s14;
	v10 =	vld.idx.msk [tilespmem:v2+s5+$0x0], $0xffff  }
0x48: {  	s25 =	sand.u32 $0x60, s25;
	s20 =	sadd.s32 s14, s0;
	s16 =	sand.u32 $0xC00, s18;
	v11 =	vld.idx.msk [tilespmem:v3+s5+$0x0], $0xffff  }
0x49: {  	s3 =	simm.s32 $0x40;
	s7 =	sadd.s32 s16, s0;
	s8 =	sadd.s32 s25, s20;
	v6 =	vld.idx.msk [tilespmem:v6+s5+$0x0], $0xffff  }
0x4a: {  	s4 =	sand.u32 $0x40, s3;
	s18 =	sadd.s32 s31, s7;
	v2 =	vld.idx.msk [tilespmem:v0+s8+$0x0 ss:$0x1], $0xffff  }
0x4b: {  	s17 =	sadd.s32 s4, s18;
	v5 =	vld.idx.msk [tilespmem:v5+s5+$0x0], $0xffff  }
0x4c: {  	s23 =	simm.s32 $0x1380;
	v1 =	vld [tilespmem:s17+$0x0]  }
0x4d: {  	s10 =	sor.u32 $0x10, s4;
	s14 =	sand.u32 $0x1C00, s23;
	s20 =	simm.s32 $0x270;
	v12 =	vld.idx.msk [tilespmem:v4+s5+$0x0], $0xffff  }
0x4e: {  	s14 =	sadd.s32 s14, s0;
	s23 =	sadd.s32 s10, s18;
	s17 =	sand.u32 $0x70, s20;
	v13 =	vld.idx.msk [tilespmem:v7+s5+$0x0], $0xffff  }
0x4f: {  	v3 =	vld [tilespmem:s23+$0x0];
	s8 =	sadd.s32 s17, s14  }
0x50: {  	s2 =	rddreg [dreg:$0x7];
	v4 =	vld.idx.msk [tilespmem:v0+s8+$0x0 ss:$0x1], $0xffff  }
0x51: {  	s2 =	sadd.s32 s11, s2;
	s11 =	sor.u32 $0x30, s4;
	s7 =	sadd.s32 s4, s7;
	v7 =	vshrl.u32 v11, $0x10;
	v11 =	vand.u32 $0xFFFF0000, v8;
	v8 =	vld.idx.msk [tilespmem:v9+s5+$0x0], $0xffff  }
0x52: {  	s20 =	sadd.s32 s15, s2;
	s23 =	sadd.s32 s11, s18;
	v6 =	vand.u32 $0xFFFF0000, v6;
	v5 =	vshrl.u32 v5, $0x10;
	v9 =	vor.u32 v7, v11;
	v7 =	vld.idx.msk [tilespmem:v0+s7+$0x1000 ss:$0x1], $0xffff  }
0x53: {  	s24 =	sadd.s32 s24, s2;
	s15 =	sor.u32 $0x20, s4;
	v5 =	vor.u32 v5, v6;
	[tilespmem:s20+$0x0] =	vst v9;
	v9 =	vld [tilespmem:s23+$0x0];
	v11 =	vand.u32 $0xFFFF0000, v12;
	v6 =	vshrl.u32 v13, $0x10  }
0x54: {  	s1 =	sadd.s32 s1, s2;
	s25 =	sadd.s32 s15, s18;
	[tilespmem:s24+$0x0] =	vst v5;
	v5 =	vor.u32 v6, v11;
	v6 =	vld.idx.msk [tilespmem:v14+s5+$0x0], $0xffff  }
0x55: {  	s13 =	sadd.s32 s13, s2;
	s2 =	rddreg [dreg:$0x7];
	v10 =	vand.u32 $0xFFFF0000, v10;
	s24 =	simm.s32 $0x400;
	[tilespmem:s1+$0x0] =	vst v5;
	v5 =	vld [tilespmem:s25+$0x0]  }
.LBB2_5:
0x56: {  	s25 =	sand.u32 $0xC00, s24;
	s7 =	sadd.s32 $0x1100, s24;
	s8 =	smov.u32 s3;
	v11 =	vld.idx.msk [tilespmem:v2+s5+$0x0], $0xffff  }
0x57: {  	s3 =	sadd.s32 $0x40, s3;
	s18 =	sadd.s32 $0x1080, s24;
	s2 =	sadd.s32 s16, s2;
	v2 =	vshrl.u32 v8, $0x10;
	v8 =	vld.idx.msk [tilespmem:v1+s5+$0x0], $0xffff  }
0x58: {  	s1 =	sand.u32 $0x40, s3;
	s20 =	sadd.s32 $0x260, s8;
	s16 =	sadd.s32 s25, s0;
	v12 =	vld.idx.msk [tilespmem:v3+s5+$0x0], $0xffff  }
0x59: {  	s23 =	sadd.s32 $0x250, s8;
	s18 =	sand.u32 $0x1C00, s18;
	s7 =	sand.u32 $0x1C00, s7;
	v2 =	vor.u32 v2, v10;
	v3 =	vld.idx.msk [tilespmem:v4+s5+$0x0], $0xffff  }
0x5a: {  	s8 =	sadd.s32 $0x270, s8;
	s18 =	sadd.s32 s18, s0;
	[tilespmem:s13+$0x0] =	vst v2;
	s13 =	sand.u32 $0x50, s23;
	v7 =	vld.idx.msk [tilespmem:v7+s5+$0x0], $0xffff  }
0x5b: {  	s20 =	sand.u32 $0x60, s20;
	s7 =	sadd.s32 s7, s0;
	v9 =	vld.idx.msk [tilespmem:v9+s5+$0x0], $0xffff;
	s13 =	sadd.s32 s13, s18  }
0x5c: {  	s7 =	sadd.s32 s20, s7;
	s23 =	sadd.s32 s31, s16;
	v13 =	vld.idx.msk [tilespmem:v0+s13+$0x0 ss:$0x1], $0xffff;
	s13 =	sadd.s32 $0x1180, s24  }
0x5d: {  	s14 =	sor.u32 $0x10, s1;
	s18 =	sadd.s32 s1, s23;
	v2 =	vld.idx.msk [tilespmem:v0+s7+$0x0 ss:$0x1], $0xffff;
	s13 =	sand.u32 $0x1C00, s13  }
0x5e: {  	s8 =	sand.u32 $0x70, s8;
	v1 =	vld [tilespmem:s18+$0x0];
	s18 =	sadd.s32 s14, s23;
	s20 =	sadd.s32 s13, s0  }
0x5f: {  	v10 =	vand.u32 $0xFFFF0000, v3;
	v3 =	vld [tilespmem:s18+$0x0];
	s7 =	sadd.s32 s8, s20  }
0x60: {  	s10 =	sadd.s32 s10, s2;
	p2 =	slt.u32 s3, $0x1C0;
	s17 =	sor.u32 $0x20, s1;
	v8 =	vshrl.u32 v8, $0x10;
	v7 =	vand.u32 $0xFFFF0000, v7;
	v4 =	vld.idx.msk [tilespmem:v0+s7+$0x0 ss:$0x1], $0xffff  }
.Ltmp3:
0x61: {  	s16 =	sadd.s32 s1, s16;
	v6 =	vand.u32 $0xFFFF0000, v6;
	v12 =	vshrl.u32 v12, $0x10;
	s20 =	sor.u32 $0x30, s1;
	v63 =	vor.u32 v8, v7;
	v8 =	vld.idx.msk [tilespmem:v5+s5+$0x0], $0xffff;
	(pc) =	sbr.rel @p2 .LBB2_5-.Ltmp3, $4  }
0x62: {  	s4 =	sadd.s32 s4, s2;
	s18 =	sadd.s32 s17, s23;
	v6 =	vor.u32 v12, v6;
	v5 =	vshrl.u32 v9, $0x10;
	v7 =	vld.idx.msk [tilespmem:v0+s16+$0x1000 ss:$0x1], $0xffff;
	s23 =	sadd.s32 s20, s23  }
0x63: {  	s24 =	sadd.s32 $0x200, s24;
	s13 =	sadd.s32 s15, s2;
	s2 =	sadd.s32 s11, s2;
	[tilespmem:s10+$0x0] =	vst v6;
	v5 =	vor.u32 v5, v10;
	v9 =	vld [tilespmem:s23+$0x0]  }
0x64: {  	s15 =	smov.u32 s17;
	s16 =	smov.u32 s25;
	s10 =	smov.u32 s14;
	[tilespmem:s2+$0x0] =	vst v5;
	v5 =	vld [tilespmem:s18+$0x0]  }
0x65: {  	s11 =	smov.u32 s20;
	[tilespmem:s4+$0x0] =	vst v63;
	v10 =	vand.u32 $0xFFFF0000, v11;
	s4 =	smov.u32 s1;
	s2 =	rddreg [dreg:$0x7];
	v6 =	vld.idx.msk [tilespmem:v13+s5+$0x0], $0xffff  }
0x66: {  	_ =	sdelay $0x3  }
0x67: {  	v0 =	vld.idx.msk [tilespmem:v2+s5+$0x0], $0xffff  }
0x68: {  	v57 =	vld.idx.msk [tilespmem:v3+s5+$0x0], $0xffff  }
0x69: {  	v58 =	vld.idx.msk [tilespmem:v4+s5+$0x0], $0xffff  }
0x6a: {  	v1 =	vld.idx.msk [tilespmem:v1+s5+$0x0], $0xffff  }
0x6b: {  	v59 =	vld.idx.msk [tilespmem:v7+s5+$0x0], $0xffff  }
0x6c: {  	v60 =	vld.idx.msk [tilespmem:v9+s5+$0x0], $0xffff  }
0x6d: {  	v5 =	vld.idx.msk [tilespmem:v5+s5+$0x0], $0xffff  }
0x6e: {  	v8 =	vshrl.u32 v8, $0x10;
	s30 =	sadd.s32 $0x1, s30  }
0x6f: {  	s0 =	sadd.s32 s16, s2;
	v8 =	vor.u32 v8, v10;
	p2 =	sne.s32 s30, $0x10;
	v6 =	vand.u32 $0xFFFF0000, v6;
	v2 =	vshrl.u32 v57, $0x10  }
.Ltmp4:
0x70: {  	s1 =	sadd.s32 s10, s0;
	[tilespmem:s13+$0x0] =	vst v8;
	v1 =	vshrl.u32 v1, $0x10;
	v4 =	vand.u32 $0xFFFF0000, v59;
	v2 =	vor.u32 v2, v6;
	(pc) =	sbr.rel @p2 .LBB2_4-.Ltmp4, $4  }
0x71: {  	s2 =	sadd.s32 s4, s0;
	v3 =	vand.u32 $0xFFFF0000, v58;
	v1 =	vor.u32 v1, v4;
	[tilespmem:s1+$0x0] =	vst v2;
	v61 =	vshrl.u32 v60, $0x10  }
0x72: {  	s31 =	sadd.s32 s11, s0;
	v0 =	vand.u32 $0xFFFF0000, v0;
	[tilespmem:s2+$0x0] =	vst v1;
	v62 =	vor.u32 v61, v3;
	v63 =	vshrl.u32 v5, $0x10  }
0x73: {  	s0 =	sadd.s32 s15, s0;
	[tilespmem:s31+$0x0] =	vst v62;
	v0 =	vor.u32 v63, v0  }
0x74: {  	[tilespmem:s0+$0x0] =	vst v0  }
0x75: {  	p2 =	sne.s32 s26, $0x7  }
.Ltmp5:
0x76: {  	_ = 	snop;
	(pc) =	sbr.rel @p2 .LBB2_9-.Ltmp5, $4  }
0x77: {  	_ = 	snop  }
0x78: {  	s0 =	sshll.u32 s26, $0xB  }
0x79: {  	s1 =	simm.s32 $0x8200;
	s0 =	sadd.s32 s0, s12  }
0x7a: {  	[hbm4b:s0+s5] =	stream.linear.scatter [tilespmem:s1], [sflag:$0x3], $0x2000, $0x38;
	[tilespmem:$0xC200] =	vst v63  }
.Ltmp6:
0x7b: {  	(pc) =	sbr.rel .LBB2_10-.Ltmp6, $4  }
0x7c: {  	_ = 	snop  }
0x7d: {  	_ =	swait.ge [sflag:s21], $0x4000  }
0x7e: {  	[sflag:s21] =	ssyncset.done $0x0  }
0x7f: {  	[sflag:s21] =	ssyncadd.s32 $0xFFFFC000  }
.LBB2_9:
0x80: {  	s0 =	rddreg [dreg:$0xe]  }
.Ltmp7:
0x81: {  	s1 =	simm.s32 $0x200;
	s0 =	sadd.s32 s29, s0;
	(pc) =	sbr.rel @p1 .LBB2_11-.Ltmp7, $4  }
0x82: {  	[tilespmem:s1], [sflag:$0x1] =	stream.linear.gather [hbm4b:s0+s5], $0x4000, $0x38;
	[tilespmem:$0xC200] =	vst v63  }
0x83: {  	_ =	swait.ge [sflag:s21], $0x4000  }
0x84: {  	[sflag:s21] =	ssyncset.done $0x0  }
0x85: {  	[sflag:s21] =	ssyncadd.s32 $0xFFFFC000  }
.LBB2_10:
0x86: {  	_ =	swait.ge [sflag:s22], $0x2000  }
0x87: {  	[sflag:s22] =	ssyncset.done $0x0  }
0x88: {  	[sflag:s22] =	ssyncadd.s32 $0xFFFFE000  }
.LBB2_11:
0x89: {  	s29 =	simm.s32 $0x0;
	s30 =	simm.s32 $0x0  }
.LBB2_12:
0x8a: {  	s0 =	sshll.u32 s30, $0x7  }
0x8b: {  	s1 =	sshll.u32 s30, $0x9;
	s17 =	sshll.u32 s30, $0xA;
	s18 =	simm.s32 $0x0  }
0x8c: {  	s11 =	sand.u32 $0xC00, s29;
	s20 =	simm.s32 $0x1100;
	s23 =	simm.s32 $0x1080  }
0x8d: {  	s3 =	simm.s32 $0x220;
	s4 =	simm.s32 $0x210;
	s31 =	sand.u32 $0x380, s0  }
0x8e: {  	s10 =	simm.s32 $0x1180;
	s13 =	simm.s32 $0x230;
	s16 =	sand.u32 $0x3FFFF000, s1;
	v0 =	vmov s31  }
0x8f: {  	s1 =	sand.u32 $0x3FFFE000, s17;
	s24 =	sand.u32 $0x40, s18;
	s0 =	sor.u32 s31, s16  }
0x90: {  	s2 =	sadd.s32 $0xA200, s0;
	s0 =	sadd.s32 $0x4200, s1;
	s1 =	sand.u32 $0x1C00, s23  }
0x91: {  	s4 =	sand.u32 $0x50, s4;
	s7 =	sadd.s32 s11, s0;
	s1 =	sadd.s32 s1, s0  }
0x92: {  	[dreg:$0x8] =	wrdreg s2;
	s1 =	sadd.s32 s4, s1;
	s25 =	sadd.s32 s31, s7  }
0x93: {  	s3 =	sand.u32 $0x60, s3;
	s14 =	sand.u32 $0x70, s13;
	s16 =	sadd.s32 s24, s25;
	v1 =	vld.idx.msk [tilespmem:v0+s1+$0x0 ss:$0x1], $0xffff  }
0x94: {  	s13 =	sor.u32 $0x20, s24;
	s2 =	sand.u32 $0x1C00, s20;
	s17 =	sadd.s32 s24, s7;
	v5 =	vld [tilespmem:s16+$0x0]  }
0x95: {  	s8 =	sadd.s32 s2, s0;
	s2 =	sand.u32 $0x1C00, s10;
	s20 =	sadd.s32 s13, s25;
	v6 =	vld.idx.msk [tilespmem:v0+s17+$0x1000 ss:$0x1], $0xffff  }
0x96: {  	s2 =	sadd.s32 s2, s0;
	s1 =	sadd.s32 s3, s8;
	v9 =	vld [tilespmem:s20+$0x0]  }
0x97: {  	s15 =	sor.u32 $0x10, s24;
	v2 =	vld.idx.msk [tilespmem:v0+s1+$0x0 ss:$0x1], $0xffff;
	s1 =	sadd.s32 s14, s2  }
0x98: {  	s8 =	sadd.s32 s15, s25;
	v4 =	vld.idx.msk [tilespmem:v0+s1+$0x0 ss:$0x1], $0xffff;
	s1 =	sor.u32 $0x30, s24  }
0x99: {  	s20 =	simm.s32 $0x1280;
	v3 =	vld [tilespmem:s8+$0x0];
	s18 =	sadd.s32 s1, s25  }
0x9a: {  	s8 =	sand.u32 $0x1C00, s20;
	v7 =	vld [tilespmem:s18+$0x0];
	s18 =	simm.s32 $0x250  }
0x9b: {  	s8 =	sadd.s32 s8, s0;
	s18 =	sand.u32 $0x50, s18  }
0x9c: {  	s23 =	simm.s32 $0x200;
	s8 =	sadd.s32 s18, s8  }
0x9d: {  	s16 =	sand.u32 $0xC00, s23;
	v14 =	vld.idx.msk [tilespmem:v0+s8+$0x0 ss:$0x1], $0xffff  }
0x9e: {  	s3 =	simm.s32 $0x40;
	s17 =	sadd.s32 s16, s0;
	v8 =	vld.idx.msk [tilespmem:v1+s5+$0x0], $0xffff  }
0x9f: {  	s4 =	sand.u32 $0x40, s3;
	s20 =	sadd.s32 s31, s17;
	v5 =	vld.idx.msk [tilespmem:v5+s5+$0x0], $0xffff  }
0xa0: {  	s25 =	simm.s32 $0x1300;
	s23 =	sadd.s32 s4, s20;
	v6 =	vld.idx.msk [tilespmem:v6+s5+$0x0], $0xffff  }
0xa1: {  	s14 =	simm.s32 $0x260;
	s7 =	sand.u32 $0x1C00, s25;
	v1 =	vld [tilespmem:s23+$0x0]  }
0xa2: {  	s14 =	sand.u32 $0x60, s14;
	s7 =	sadd.s32 s7, s0;
	v10 =	vld.idx.msk [tilespmem:v2+s5+$0x0], $0xffff  }
0xa3: {  	s7 =	sadd.s32 s14, s7;
	v11 =	vld.idx.msk [tilespmem:v3+s5+$0x0], $0xffff  }
0xa4: {  	s25 =	simm.s32 $0x1380;
	v2 =	vld.idx.msk [tilespmem:v0+s7+$0x0 ss:$0x1], $0xffff  }
0xa5: {  	s10 =	sor.u32 $0x10, s4;
	s8 =	sand.u32 $0x1C00, s25;
	s23 =	simm.s32 $0x270;
	v12 =	vld.idx.msk [tilespmem:v4+s5+$0x0], $0xffff  }
0xa6: {  	s25 =	sadd.s32 s10, s20;
	s8 =	sadd.s32 s8, s0;
	s14 =	sand.u32 $0x70, s23;
	v13 =	vld.idx.msk [tilespmem:v7+s5+$0x0], $0xffff  }
0xa7: {  	v3 =	vld [tilespmem:s25+$0x0];
	s7 =	sadd.s32 s14, s8  }
0xa8: {  	s2 =	rddreg [dreg:$0x8];
	v4 =	vld.idx.msk [tilespmem:v0+s7+$0x0 ss:$0x1], $0xffff  }
0xa9: {  	s2 =	sadd.s32 s11, s2;
	s17 =	sadd.s32 s4, s17;
	s11 =	sor.u32 $0x30, s4;
	v7 =	vshrl.u32 v11, $0x10;
	v11 =	vand.u32 $0xFFFF0000, v8;
	v8 =	vld.idx.msk [tilespmem:v9+s5+$0x0], $0xffff  }
0xaa: {  	s18 =	sadd.s32 s15, s2;
	s23 =	sadd.s32 s11, s20;
	v5 =	vshrl.u32 v5, $0x10;
	v6 =	vand.u32 $0xFFFF0000, v6;
	v9 =	vor.u32 v7, v11;
	v7 =	vld.idx.msk [tilespmem:v0+s17+$0x1000 ss:$0x1], $0xffff  }
0xab: {  	s24 =	sadd.s32 s24, s2;
	s15 =	sor.u32 $0x20, s4;
	v5 =	vor.u32 v5, v6;
	v11 =	vand.u32 $0xFFFF0000, v12;
	[tilespmem:s18+$0x0] =	vst v9;
	v9 =	vld [tilespmem:s23+$0x0];
	v6 =	vshrl.u32 v13, $0x10  }
0xac: {  	s1 =	sadd.s32 s1, s2;
	s25 =	sadd.s32 s15, s20;
	[tilespmem:s24+$0x0] =	vst v5;
	v5 =	vor.u32 v6, v11;
	v6 =	vld.idx.msk [tilespmem:v14+s5+$0x0], $0xffff  }
0xad: {  	s13 =	sadd.s32 s13, s2;
	s2 =	rddreg [dreg:$0x8];
	v10 =	vand.u32 $0xFFFF0000, v10;
	s24 =	simm.s32 $0x400;
	[tilespmem:s1+$0x0] =	vst v5;
	v5 =	vld [tilespmem:s25+$0x0]  }
.LBB2_13:
0xae: {  	s25 =	sand.u32 $0xC00, s24;
	s7 =	sadd.s32 $0x1100, s24;
	s8 =	smov.u32 s3;
	v11 =	vld.idx.msk [tilespmem:v2+s5+$0x0], $0xffff  }
0xaf: {  	s3 =	sadd.s32 $0x40, s3;
	s18 =	sadd.s32 $0x1080, s24;
	s2 =	sadd.s32 s16, s2;
	v2 =	vshrl.u32 v8, $0x10;
	v8 =	vld.idx.msk [tilespmem:v1+s5+$0x0], $0xffff  }
0xb0: {  	s1 =	sand.u32 $0x40, s3;
	s20 =	sadd.s32 $0x260, s8;
	s16 =	sadd.s32 s25, s0;
	v12 =	vld.idx.msk [tilespmem:v3+s5+$0x0], $0xffff  }
0xb1: {  	s23 =	sadd.s32 $0x250, s8;
	s18 =	sand.u32 $0x1C00, s18;
	s7 =	sand.u32 $0x1C00, s7;
	v2 =	vor.u32 v2, v10;
	v3 =	vld.idx.msk [tilespmem:v4+s5+$0x0], $0xffff  }
0xb2: {  	s8 =	sadd.s32 $0x270, s8;
	s18 =	sadd.s32 s18, s0;
	[tilespmem:s13+$0x0] =	vst v2;
	s13 =	sand.u32 $0x50, s23;
	v7 =	vld.idx.msk [tilespmem:v7+s5+$0x0], $0xffff  }
0xb3: {  	s20 =	sand.u32 $0x60, s20;
	s7 =	sadd.s32 s7, s0;
	v9 =	vld.idx.msk [tilespmem:v9+s5+$0x0], $0xffff;
	s13 =	sadd.s32 s13, s18  }
0xb4: {  	s7 =	sadd.s32 s20, s7;
	s23 =	sadd.s32 s31, s16;
	v13 =	vld.idx.msk [tilespmem:v0+s13+$0x0 ss:$0x1], $0xffff;
	s13 =	sadd.s32 $0x1180, s24  }
0xb5: {  	s14 =	sor.u32 $0x10, s1;
	s18 =	sadd.s32 s1, s23;
	v2 =	vld.idx.msk [tilespmem:v0+s7+$0x0 ss:$0x1], $0xffff;
	s13 =	sand.u32 $0x1C00, s13  }
0xb6: {  	s8 =	sand.u32 $0x70, s8;
	v1 =	vld [tilespmem:s18+$0x0];
	s18 =	sadd.s32 s14, s23;
	s20 =	sadd.s32 s13, s0  }
0xb7: {  	v10 =	vand.u32 $0xFFFF0000, v3;
	v3 =	vld [tilespmem:s18+$0x0];
	s7 =	sadd.s32 s8, s20  }
0xb8: {  	s10 =	sadd.s32 s10, s2;
	p1 =	slt.u32 s3, $0x1C0;
	s17 =	sor.u32 $0x20, s1;
	v8 =	vshrl.u32 v8, $0x10;
	v7 =	vand.u32 $0xFFFF0000, v7;
	v4 =	vld.idx.msk [tilespmem:v0+s7+$0x0 ss:$0x1], $0xffff  }
.Ltmp8:
0xb9: {  	s16 =	sadd.s32 s1, s16;
	v6 =	vand.u32 $0xFFFF0000, v6;
	v12 =	vshrl.u32 v12, $0x10;
	s20 =	sor.u32 $0x30, s1;
	v63 =	vor.u32 v8, v7;
	v8 =	vld.idx.msk [tilespmem:v5+s5+$0x0], $0xffff;
	(pc) =	sbr.rel @p1 .LBB2_13-.Ltmp8, $4  }
0xba: {  	s4 =	sadd.s32 s4, s2;
	s18 =	sadd.s32 s17, s23;
	v6 =	vor.u32 v12, v6;
	v5 =	vshrl.u32 v9, $0x10;
	v7 =	vld.idx.msk [tilespmem:v0+s16+$0x1000 ss:$0x1], $0xffff;
	s23 =	sadd.s32 s20, s23  }
0xbb: {  	s24 =	sadd.s32 $0x200, s24;
	s13 =	sadd.s32 s15, s2;
	s2 =	sadd.s32 s11, s2;
	[tilespmem:s10+$0x0] =	vst v6;
	v5 =	vor.u32 v5, v10;
	v9 =	vld [tilespmem:s23+$0x0]  }
0xbc: {  	s15 =	smov.u32 s17;
	s16 =	smov.u32 s25;
	s10 =	smov.u32 s14;
	[tilespmem:s2+$0x0] =	vst v5;
	v5 =	vld [tilespmem:s18+$0x0]  }
0xbd: {  	s11 =	smov.u32 s20;
	[tilespmem:s4+$0x0] =	vst v63;
	v10 =	vand.u32 $0xFFFF0000, v11;
	s4 =	smov.u32 s1;
	s2 =	rddreg [dreg:$0x8];
	v6 =	vld.idx.msk [tilespmem:v13+s5+$0x0], $0xffff  }
0xbe: {  	_ =	sdelay $0x3  }
0xbf: {  	v0 =	vld.idx.msk [tilespmem:v2+s5+$0x0], $0xffff  }
0xc0: {  	v57 =	vld.idx.msk [tilespmem:v3+s5+$0x0], $0xffff  }
0xc1: {  	v58 =	vld.idx.msk [tilespmem:v4+s5+$0x0], $0xffff  }
0xc2: {  	v1 =	vld.idx.msk [tilespmem:v1+s5+$0x0], $0xffff  }
0xc3: {  	v59 =	vld.idx.msk [tilespmem:v7+s5+$0x0], $0xffff  }
0xc4: {  	v60 =	vld.idx.msk [tilespmem:v9+s5+$0x0], $0xffff  }
0xc5: {  	v5 =	vld.idx.msk [tilespmem:v5+s5+$0x0], $0xffff  }
0xc6: {  	v8 =	vshrl.u32 v8, $0x10;
	s30 =	sadd.s32 $0x1, s30  }
0xc7: {  	s0 =	sadd.s32 s16, s2;
	v8 =	vor.u32 v8, v10;
	p1 =	sne.s32 s30, $0x10;
	v6 =	vand.u32 $0xFFFF0000, v6;
	v2 =	vshrl.u32 v57, $0x10  }
.Ltmp9:
0xc8: {  	s1 =	sadd.s32 s10, s0;
	[tilespmem:s13+$0x0] =	vst v8;
	v1 =	vshrl.u32 v1, $0x10;
	v4 =	vand.u32 $0xFFFF0000, v59;
	v2 =	vor.u32 v2, v6;
	(pc) =	sbr.rel @p1 .LBB2_12-.Ltmp9, $4  }
0xc9: {  	s2 =	sadd.s32 s4, s0;
	v3 =	vand.u32 $0xFFFF0000, v58;
	v1 =	vor.u32 v1, v4;
	[tilespmem:s1+$0x0] =	vst v2;
	v61 =	vshrl.u32 v60, $0x10  }
0xca: {  	s31 =	sadd.s32 s11, s0;
	v0 =	vand.u32 $0xFFFF0000, v0;
	[tilespmem:s2+$0x0] =	vst v1;
	v62 =	vor.u32 v61, v3;
	v63 =	vshrl.u32 v5, $0x10  }
0xcb: {  	s0 =	sadd.s32 s15, s0;
	[tilespmem:s31+$0x0] =	vst v62;
	v0 =	vor.u32 v63, v0  }
0xcc: {  	[tilespmem:s0+$0x0] =	vst v0  }
0xcd: {  	s26 =	sadd.s32 $0x1, s26  }
0xce: {  	p1 =	seq.s32 s26, $0x8  }
.Ltmp10:
0xcf: {  	_ = 	snop;
	(pc) =	sbr.rel @!p1 .LBB2_3-.Ltmp10, $4  }
.Ltmp11:
0xd0: {  	s0 =	sadd.s32 s9, s28;
	(pc) =	sbr.rel @p1 .LBB2_30-.Ltmp11, $4  }
0xd1: {  	s0 =	sshll.u32 s0, $0x6  }
0xd2: {  	s1 =	simm.s32 $0xA200;
	s0 =	sadd.s32 s6, s0  }
0xd3: {  	[hbm4b:s0+s5] =	stream.linear.scatter [tilespmem:s1], [sflag:$0x4], $0x2000, $0x38;
	[tilespmem:$0xC200] =	vst v63  }
0xd4: {  	_ = 	snop  }
.LBB2_16:
0xd5: {  	s0 =	rddreg [dreg:$0xb];
	s1 =	simm.s32 $0x200  }
0xd6: {  	[tilespmem:s1], [sflag:$0x1] =	stream.linear.gather [hbm4b:s0+s26], $0x4000, $0x38;
	[tilespmem:$0xC200] =	vst v63  }
.LBB2_17:
0xd7: {  	s0 =	sshll.u32 s26, $0x5  }
0xd8: {  	s25 =	rddreg [dreg:$0x9];
	s28 =	sor.u32 $0x10, s0  }
0xd9: {  	s0 =	sadd.s32 s25, s28  }
0xda: {  	s1 =	rddreg [dreg:$0x1];
	s0 =	sshll.u32 s0, $0x7  }
0xdb: {  	s31 =	simm.s32 $0x4200;
	s0 =	sadd.s32 s1, s0  }
0xdc: {  	[tilespmem:s31], [sflag:$0x2] =	stream.linear.gather [hbm4b:s0+s5], $0x4000, $0x38;
	[tilespmem:$0xC200] =	vst v63  }
0xdd: {  	_ =	swait.ge [sflag:s19], $0x4000  }
0xde: {  	p1 =	seq.s32 s26, $0x0;
	[sflag:s19] =	ssyncset.done $0x0  }
0xdf: {  	s0 =	simm.s32 @!p1 $0x3;
	[sflag:s19] =	ssyncadd.s32 $0xFFFFC000  }
0xe0: {  	_ =	swait.ge @!p1 [sflag:s0], $0x2000  }
0xe1: {  	[sflag:s0] =	ssyncset.done @!p1 $0x0  }
0xe2: {  	s29 =	sshll.u32 s26, $0xF;
	s30 =	simm.s32 $0x0;
	[sflag:s0] =	ssyncadd.s32 @!p1 $0xFFFFE000  }
.LBB2_18:
0xe3: {  	s0 =	sshll.u32 s30, $0x7;
	s1 =	sshll.u32 s30, $0x9  }
0xe4: {  	s16 =	sshll.u32 s30, $0xA;
	s17 =	simm.s32 $0x0;
	s18 =	simm.s32 $0x0  }
0xe5: {  	s20 =	simm.s32 $0x1100;
	s23 =	simm.s32 $0x1080;
	s3 =	simm.s32 $0x220  }
0xe6: {  	s4 =	simm.s32 $0x210;
	s31 =	sand.u32 $0x380, s0;
	s15 =	sand.u32 $0x3FFFF000, s1  }
0xe7: {  	s1 =	sand.u32 $0x3FFFE000, s16;
	s11 =	sand.u32 $0xC00, s17;
	s0 =	sor.u32 s31, s15;
	v0 =	vmov s31  }
0xe8: {  	s24 =	sand.u32 $0x40, s18;
	s4 =	sand.u32 $0x50, s4;
	s2 =	sadd.s32 $0x8200, s0  }
0xe9: {  	s0 =	sor.u32 $0x200, s1;
	[dreg:$0x5] =	wrdreg s2;
	s2 =	sand.u32 $0x1C00, s23  }
0xea: {  	s3 =	sand.u32 $0x60, s3;
	s1 =	sand.u32 $0x1C00, s20;
	s2 =	sadd.s32 s2, s0  }
0xeb: {  	s7 =	sadd.s32 s11, s0;
	s1 =	sadd.s32 s1, s0;
	s2 =	sadd.s32 s4, s2  }
0xec: {  	s15 =	sor.u32 $0x10, s24;
	s25 =	sadd.s32 s31, s7;
	s1 =	sadd.s32 s3, s1;
	v1 =	vld.idx.msk [tilespmem:v0+s2+$0x0 ss:$0x1], $0xffff  }
0xed: {  	s10 =	simm.s32 $0x1180;
	s8 =	sadd.s32 s15, s25;
	v2 =	vld.idx.msk [tilespmem:v0+s1+$0x0 ss:$0x1], $0xffff  }
0xee: {  	s13 =	simm.s32 $0x230;
	s16 =	sadd.s32 s24, s25;
	s2 =	sand.u32 $0x1C00, s10;
	v3 =	vld [tilespmem:s8+$0x0]  }
0xef: {  	s14 =	sand.u32 $0x70, s13;
	s17 =	sadd.s32 s24, s7;
	v5 =	vld [tilespmem:s16+$0x0];
	s2 =	sadd.s32 s2, s0  }
0xf0: {  	s13 =	sor.u32 $0x20, s24;
	v6 =	vld.idx.msk [tilespmem:v0+s17+$0x1000 ss:$0x1], $0xffff;
	s1 =	sadd.s32 s14, s2  }
0xf1: {  	s20 =	sadd.s32 s13, s25;
	v4 =	vld.idx.msk [tilespmem:v0+s1+$0x0 ss:$0x1], $0xffff;
	s1 =	sor.u32 $0x30, s24  }
0xf2: {  	v9 =	vld [tilespmem:s20+$0x0];
	s18 =	sadd.s32 s1, s25  }
0xf3: {  	s23 =	simm.s32 $0x200;
	v7 =	vld [tilespmem:s18+$0x0]  }
0xf4: {  	s3 =	simm.s32 $0x40;
	s16 =	sand.u32 $0xC00, s23;
	v8 =	vld.idx.msk [tilespmem:v1+s5+$0x0], $0xffff  }
0xf5: {  	s4 =	sand.u32 $0x40, s3;
	s20 =	simm.s32 $0x1280;
	s17 =	sadd.s32 s16, s0;
	v10 =	vld.idx.msk [tilespmem:v2+s5+$0x0], $0xffff  }
0xf6: {  	s8 =	sand.u32 $0x1C00, s20;
	s14 =	simm.s32 $0x260;
	s18 =	simm.s32 $0x250;
	v11 =	vld.idx.msk [tilespmem:v3+s5+$0x0], $0xffff  }
0xf7: {  	s8 =	sadd.s32 s8, s0;
	s25 =	simm.s32 $0x1300;
	s18 =	sand.u32 $0x50, s18;
	v5 =	vld.idx.msk [tilespmem:v5+s5+$0x0], $0xffff  }
0xf8: {  	s20 =	sadd.s32 s31, s17;
	s7 =	sand.u32 $0x1C00, s25;
	s8 =	sadd.s32 s18, s8;
	v6 =	vld.idx.msk [tilespmem:v6+s5+$0x0], $0xffff  }
0xf9: {  	s14 =	sand.u32 $0x60, s14;
	s23 =	sadd.s32 s4, s20;
	s7 =	sadd.s32 s7, s0;
	v14 =	vld.idx.msk [tilespmem:v0+s8+$0x0 ss:$0x1], $0xffff  }
0xfa: {  	s7 =	sadd.s32 s14, s7;
	v1 =	vld [tilespmem:s23+$0x0]  }
0xfb: {  	s25 =	simm.s32 $0x1380;
	v2 =	vld.idx.msk [tilespmem:v0+s7+$0x0 ss:$0x1], $0xffff  }
0xfc: {  	s10 =	sor.u32 $0x10, s4;
	s23 =	simm.s32 $0x270;
	s8 =	sand.u32 $0x1C00, s25;
	v12 =	vld.idx.msk [tilespmem:v4+s5+$0x0], $0xffff  }
0xfd: {  	s25 =	sadd.s32 s10, s20;
	s14 =	sand.u32 $0x70, s23;
	s8 =	sadd.s32 s8, s0;
	v13 =	vld.idx.msk [tilespmem:v7+s5+$0x0], $0xffff  }
0xfe: {  	v3 =	vld [tilespmem:s25+$0x0];
	s7 =	sadd.s32 s14, s8  }
0xff: {  	s2 =	rddreg [dreg:$0x5];
	v4 =	vld.idx.msk [tilespmem:v0+s7+$0x0 ss:$0x1], $0xffff  }
0x100: {  	s17 =	sadd.s32 s4, s17;
	s2 =	sadd.s32 s11, s2;
	s11 =	sor.u32 $0x30, s4;
	v7 =	vshrl.u32 v11, $0x10;
	v11 =	vand.u32 $0xFFFF0000, v8;
	v8 =	vld.idx.msk [tilespmem:v9+s5+$0x0], $0xffff  }
0x101: {  	s18 =	sadd.s32 s15, s2;
	s23 =	sadd.s32 s11, s20;
	v5 =	vshrl.u32 v5, $0x10;
	v6 =	vand.u32 $0xFFFF0000, v6;
	v9 =	vor.u32 v7, v11;
	v7 =	vld.idx.msk [tilespmem:v0+s17+$0x1000 ss:$0x1], $0xffff  }
0x102: {  	s24 =	sadd.s32 s24, s2;
	s15 =	sor.u32 $0x20, s4;
	v5 =	vor.u32 v5, v6;
	[tilespmem:s18+$0x0] =	vst v9;
	v9 =	vld [tilespmem:s23+$0x0];
	v11 =	vand.u32 $0xFFFF0000, v12;
	v6 =	vshrl.u32 v13, $0x10  }
0x103: {  	s1 =	sadd.s32 s1, s2;
	s25 =	sadd.s32 s15, s20;
	[tilespmem:s24+$0x0] =	vst v5;
	v5 =	vor.u32 v6, v11;
	v6 =	vld.idx.msk [tilespmem:v14+s5+$0x0], $0xffff  }
0x104: {  	s13 =	sadd.s32 s13, s2;
	s2 =	rddreg [dreg:$0x5];
	v10 =	vand.u32 $0xFFFF0000, v10;
	s24 =	simm.s32 $0x400;
	[tilespmem:s1+$0x0] =	vst v5;
	v5 =	vld [tilespmem:s25+$0x0]  }
.LBB2_19:
0x105: {  	s25 =	sand.u32 $0xC00, s24;
	s7 =	sadd.s32 $0x1100, s24;
	s8 =	smov.u32 s3;
	v11 =	vld.idx.msk [tilespmem:v2+s5+$0x0], $0xffff  }
0x106: {  	s3 =	sadd.s32 $0x40, s3;
	s18 =	sadd.s32 $0x1080, s24;
	s2 =	sadd.s32 s16, s2;
	v2 =	vshrl.u32 v8, $0x10;
	v8 =	vld.idx.msk [tilespmem:v1+s5+$0x0], $0xffff  }
0x107: {  	s1 =	sand.u32 $0x40, s3;
	s20 =	sadd.s32 $0x260, s8;
	s16 =	sadd.s32 s25, s0;
	v12 =	vld.idx.msk [tilespmem:v3+s5+$0x0], $0xffff  }
0x108: {  	s23 =	sadd.s32 $0x250, s8;
	s18 =	sand.u32 $0x1C00, s18;
	s7 =	sand.u32 $0x1C00, s7;
	v2 =	vor.u32 v2, v10;
	v3 =	vld.idx.msk [tilespmem:v4+s5+$0x0], $0xffff  }
0x109: {  	s8 =	sadd.s32 $0x270, s8;
	s18 =	sadd.s32 s18, s0;
	[tilespmem:s13+$0x0] =	vst v2;
	s13 =	sand.u32 $0x50, s23;
	v7 =	vld.idx.msk [tilespmem:v7+s5+$0x0], $0xffff  }
0x10a: {  	s20 =	sand.u32 $0x60, s20;
	s7 =	sadd.s32 s7, s0;
	v9 =	vld.idx.msk [tilespmem:v9+s5+$0x0], $0xffff;
	s13 =	sadd.s32 s13, s18  }
0x10b: {  	s7 =	sadd.s32 s20, s7;
	s23 =	sadd.s32 s31, s16;
	v13 =	vld.idx.msk [tilespmem:v0+s13+$0x0 ss:$0x1], $0xffff;
	s13 =	sadd.s32 $0x1180, s24  }
0x10c: {  	s14 =	sor.u32 $0x10, s1;
	s18 =	sadd.s32 s1, s23;
	v2 =	vld.idx.msk [tilespmem:v0+s7+$0x0 ss:$0x1], $0xffff;
	s13 =	sand.u32 $0x1C00, s13  }
0x10d: {  	s8 =	sand.u32 $0x70, s8;
	v1 =	vld [tilespmem:s18+$0x0];
	s18 =	sadd.s32 s14, s23;
	s20 =	sadd.s32 s13, s0  }
0x10e: {  	v10 =	vand.u32 $0xFFFF0000, v3;
	v3 =	vld [tilespmem:s18+$0x0];
	s7 =	sadd.s32 s8, s20  }
0x10f: {  	s10 =	sadd.s32 s10, s2;
	p2 =	slt.u32 s3, $0x1C0;
	s17 =	sor.u32 $0x20, s1;
	v8 =	vshrl.u32 v8, $0x10;
	v7 =	vand.u32 $0xFFFF0000, v7;
	v4 =	vld.idx.msk [tilespmem:v0+s7+$0x0 ss:$0x1], $0xffff  }
.Ltmp12:
0x110: {  	s16 =	sadd.s32 s1, s16;
	v6 =	vand.u32 $0xFFFF0000, v6;
	v12 =	vshrl.u32 v12, $0x10;
	s20 =	sor.u32 $0x30, s1;
	v63 =	vor.u32 v8, v7;
	v8 =	vld.idx.msk [tilespmem:v5+s5+$0x0], $0xffff;
	(pc) =	sbr.rel @p2 .LBB2_19-.Ltmp12, $4  }
0x111: {  	s4 =	sadd.s32 s4, s2;
	s18 =	sadd.s32 s17, s23;
	v6 =	vor.u32 v12, v6;
	v5 =	vshrl.u32 v9, $0x10;
	v7 =	vld.idx.msk [tilespmem:v0+s16+$0x1000 ss:$0x1], $0xffff;
	s23 =	sadd.s32 s20, s23  }
0x112: {  	s24 =	sadd.s32 $0x200, s24;
	s13 =	sadd.s32 s15, s2;
	s2 =	sadd.s32 s11, s2;
	[tilespmem:s10+$0x0] =	vst v6;
	v5 =	vor.u32 v5, v10;
	v9 =	vld [tilespmem:s23+$0x0]  }
0x113: {  	s15 =	smov.u32 s17;
	s16 =	smov.u32 s25;
	s10 =	smov.u32 s14;
	[tilespmem:s2+$0x0] =	vst v5;
	v5 =	vld [tilespmem:s18+$0x0]  }
0x114: {  	s11 =	smov.u32 s20;
	[tilespmem:s4+$0x0] =	vst v63;
	v10 =	vand.u32 $0xFFFF0000, v11;
	s4 =	smov.u32 s1;
	s2 =	rddreg [dreg:$0x5];
	v6 =	vld.idx.msk [tilespmem:v13+s5+$0x0], $0xffff  }
0x115: {  	_ =	sdelay $0x3  }
0x116: {  	v0 =	vld.idx.msk [tilespmem:v2+s5+$0x0], $0xffff  }
0x117: {  	v57 =	vld.idx.msk [tilespmem:v3+s5+$0x0], $0xffff  }
0x118: {  	v58 =	vld.idx.msk [tilespmem:v4+s5+$0x0], $0xffff  }
0x119: {  	v1 =	vld.idx.msk [tilespmem:v1+s5+$0x0], $0xffff  }
0x11a: {  	v59 =	vld.idx.msk [tilespmem:v7+s5+$0x0], $0xffff  }
0x11b: {  	v60 =	vld.idx.msk [tilespmem:v9+s5+$0x0], $0xffff  }
0x11c: {  	v5 =	vld.idx.msk [tilespmem:v5+s5+$0x0], $0xffff  }
0x11d: {  	v8 =	vshrl.u32 v8, $0x10;
	s30 =	sadd.s32 $0x1, s30  }
0x11e: {  	s0 =	sadd.s32 s16, s2;
	v8 =	vor.u32 v8, v10;
	p2 =	sne.s32 s30, $0x10;
	v6 =	vand.u32 $0xFFFF0000, v6;
	v2 =	vshrl.u32 v57, $0x10  }
.Ltmp13:
0x11f: {  	s1 =	sadd.s32 s10, s0;
	[tilespmem:s13+$0x0] =	vst v8;
	v1 =	vshrl.u32 v1, $0x10;
	v4 =	vand.u32 $0xFFFF0000, v59;
	v2 =	vor.u32 v2, v6;
	(pc) =	sbr.rel @p2 .LBB2_18-.Ltmp13, $4  }
0x120: {  	s2 =	sadd.s32 s4, s0;
	v3 =	vand.u32 $0xFFFF0000, v58;
	v1 =	vor.u32 v1, v4;
	[tilespmem:s1+$0x0] =	vst v2;
	v61 =	vshrl.u32 v60, $0x10  }
0x121: {  	s31 =	sadd.s32 s11, s0;
	v0 =	vand.u32 $0xFFFF0000, v0;
	[tilespmem:s2+$0x0] =	vst v1;
	v62 =	vor.u32 v61, v3;
	v63 =	vshrl.u32 v5, $0x10  }
0x122: {  	s0 =	sadd.s32 s15, s0;
	[tilespmem:s31+$0x0] =	vst v62;
	v0 =	vor.u32 v63, v0  }
0x123: {  	[tilespmem:s0+$0x0] =	vst v0  }
0x124: {  	p2 =	sne.s32 s26, $0x7  }
.Ltmp14:
0x125: {  	_ = 	snop;
	(pc) =	sbr.rel @p2 .LBB2_23-.Ltmp14, $4  }
0x126: {  	_ = 	snop  }
0x127: {  	s0 =	sshll.u32 s26, $0xB  }
0x128: {  	s1 =	simm.s32 $0x8200;
	s0 =	sadd.s32 s0, s12  }
0x129: {  	[hbm4b:s0+s5] =	stream.linear.scatter [tilespmem:s1], [sflag:$0x3], $0x2000, $0x38;
	[tilespmem:$0xC200] =	vst v63  }
.Ltmp15:
0x12a: {  	(pc) =	sbr.rel .LBB2_24-.Ltmp15, $4  }
0x12b: {  	_ = 	snop  }
0x12c: {  	_ =	swait.ge [sflag:s21], $0x4000  }
0x12d: {  	[sflag:s21] =	ssyncset.done $0x0  }
0x12e: {  	[sflag:s21] =	ssyncadd.s32 $0xFFFFC000  }
.LBB2_23:
0x12f: {  	s0 =	rddreg [dreg:$0xd]  }
0x130: {  	s0 =	sadd.s32 s29, s0  }
0x131: {  	s1 =	rddreg [dreg:$0x1];
	s0 =	sshrl.u32 s0, $0x3  }
.Ltmp16:
0x132: {  	s31 =	simm.s32 $0x200;
	s0 =	sadd.s32 s1, s0;
	(pc) =	sbr.rel @p1 .LBB2_25-.Ltmp16, $4  }
0x133: {  	[tilespmem:s31], [sflag:$0x1] =	stream.linear.gather [hbm4b:s0+s5], $0x4000, $0x38;
	[tilespmem:$0xC200] =	vst v63  }
0x134: {  	_ =	swait.ge [sflag:s21], $0x4000  }
0x135: {  	[sflag:s21] =	ssyncset.done $0x0  }
0x136: {  	[sflag:s21] =	ssyncadd.s32 $0xFFFFC000  }
.LBB2_24:
0x137: {  	_ =	swait.ge [sflag:s22], $0x2000  }
0x138: {  	[sflag:s22] =	ssyncset.done $0x0  }
0x139: {  	[sflag:s22] =	ssyncadd.s32 $0xFFFFE000  }
.LBB2_25:
0x13a: {  	s29 =	simm.s32 $0x0;
	s30 =	simm.s32 $0x0  }
.LBB2_26:
0x13b: {  	s0 =	sshll.u32 s30, $0x7  }
0x13c: {  	s1 =	sshll.u32 s30, $0x9;
	s17 =	sshll.u32 s30, $0xA;
	s18 =	simm.s32 $0x0  }
0x13d: {  	s11 =	sand.u32 $0xC00, s29;
	s20 =	simm.s32 $0x1100;
	s23 =	simm.s32 $0x1080  }
0x13e: {  	s3 =	simm.s32 $0x220;
	s4 =	simm.s32 $0x210;
	s31 =	sand.u32 $0x380, s0  }
0x13f: {  	s10 =	simm.s32 $0x1180;
	s13 =	simm.s32 $0x230;
	s16 =	sand.u32 $0x3FFFF000, s1;
	v0 =	vmov s31  }
0x140: {  	s1 =	sand.u32 $0x3FFFE000, s17;
	s24 =	sand.u32 $0x40, s18;
	s0 =	sor.u32 s31, s16  }
0x141: {  	s2 =	sadd.s32 $0xA200, s0;
	s0 =	sadd.s32 $0x4200, s1;
	s1 =	sand.u32 $0x1C00, s23  }
0x142: {  	s4 =	sand.u32 $0x50, s4;
	s7 =	sadd.s32 s11, s0;
	s1 =	sadd.s32 s1, s0  }
0x143: {  	[dreg:$0x6] =	wrdreg s2;
	s1 =	sadd.s32 s4, s1;
	s25 =	sadd.s32 s31, s7  }
0x144: {  	s3 =	sand.u32 $0x60, s3;
	s14 =	sand.u32 $0x70, s13;
	s16 =	sadd.s32 s24, s25;
	v1 =	vld.idx.msk [tilespmem:v0+s1+$0x0 ss:$0x1], $0xffff  }
0x145: {  	s13 =	sor.u32 $0x20, s24;
	s2 =	sand.u32 $0x1C00, s20;
	s17 =	sadd.s32 s24, s7;
	v5 =	vld [tilespmem:s16+$0x0]  }
0x146: {  	s8 =	sadd.s32 s2, s0;
	s2 =	sand.u32 $0x1C00, s10;
	s20 =	sadd.s32 s13, s25;
	v6 =	vld.idx.msk [tilespmem:v0+s17+$0x1000 ss:$0x1], $0xffff  }
0x147: {  	s2 =	sadd.s32 s2, s0;
	s1 =	sadd.s32 s3, s8;
	v9 =	vld [tilespmem:s20+$0x0]  }
0x148: {  	s15 =	sor.u32 $0x10, s24;
	v2 =	vld.idx.msk [tilespmem:v0+s1+$0x0 ss:$0x1], $0xffff;
	s1 =	sadd.s32 s14, s2  }
0x149: {  	s8 =	sadd.s32 s15, s25;
	v4 =	vld.idx.msk [tilespmem:v0+s1+$0x0 ss:$0x1], $0xffff;
	s1 =	sor.u32 $0x30, s24  }
0x14a: {  	s20 =	simm.s32 $0x1280;
	v3 =	vld [tilespmem:s8+$0x0];
	s18 =	sadd.s32 s1, s25  }
0x14b: {  	s8 =	sand.u32 $0x1C00, s20;
	v7 =	vld [tilespmem:s18+$0x0];
	s18 =	simm.s32 $0x250  }
0x14c: {  	s8 =	sadd.s32 s8, s0;
	s18 =	sand.u32 $0x50, s18  }
0x14d: {  	s23 =	simm.s32 $0x200;
	s8 =	sadd.s32 s18, s8  }
0x14e: {  	s16 =	sand.u32 $0xC00, s23;
	v14 =	vld.idx.msk [tilespmem:v0+s8+$0x0 ss:$0x1], $0xffff  }
0x14f: {  	s3 =	simm.s32 $0x40;
	s17 =	sadd.s32 s16, s0;
	v8 =	vld.idx.msk [tilespmem:v1+s5+$0x0], $0xffff  }
0x150: {  	s4 =	sand.u32 $0x40, s3;
	s20 =	sadd.s32 s31, s17;
	v5 =	vld.idx.msk [tilespmem:v5+s5+$0x0], $0xffff  }
0x151: {  	s25 =	simm.s32 $0x1300;
	s23 =	sadd.s32 s4, s20;
	v6 =	vld.idx.msk [tilespmem:v6+s5+$0x0], $0xffff  }
0x152: {  	s14 =	simm.s32 $0x260;
	s7 =	sand.u32 $0x1C00, s25;
	v1 =	vld [tilespmem:s23+$0x0]  }
0x153: {  	s14 =	sand.u32 $0x60, s14;
	s7 =	sadd.s32 s7, s0;
	v10 =	vld.idx.msk [tilespmem:v2+s5+$0x0], $0xffff  }
0x154: {  	s7 =	sadd.s32 s14, s7;
	v11 =	vld.idx.msk [tilespmem:v3+s5+$0x0], $0xffff  }
0x155: {  	s25 =	simm.s32 $0x1380;
	v2 =	vld.idx.msk [tilespmem:v0+s7+$0x0 ss:$0x1], $0xffff  }
0x156: {  	s10 =	sor.u32 $0x10, s4;
	s8 =	sand.u32 $0x1C00, s25;
	s23 =	simm.s32 $0x270;
	v12 =	vld.idx.msk [tilespmem:v4+s5+$0x0], $0xffff  }
0x157: {  	s25 =	sadd.s32 s10, s20;
	s8 =	sadd.s32 s8, s0;
	s14 =	sand.u32 $0x70, s23;
	v13 =	vld.idx.msk [tilespmem:v7+s5+$0x0], $0xffff  }
0x158: {  	v3 =	vld [tilespmem:s25+$0x0];
	s7 =	sadd.s32 s14, s8  }
0x159: {  	s2 =	rddreg [dreg:$0x6];
	v4 =	vld.idx.msk [tilespmem:v0+s7+$0x0 ss:$0x1], $0xffff  }
0x15a: {  	s2 =	sadd.s32 s11, s2;
	s17 =	sadd.s32 s4, s17;
	s11 =	sor.u32 $0x30, s4;
	v7 =	vshrl.u32 v11, $0x10;
	v11 =	vand.u32 $0xFFFF0000, v8;
	v8 =	vld.idx.msk [tilespmem:v9+s5+$0x0], $0xffff  }
0x15b: {  	s18 =	sadd.s32 s15, s2;
	s23 =	sadd.s32 s11, s20;
	v5 =	vshrl.u32 v5, $0x10;
	v6 =	vand.u32 $0xFFFF0000, v6;
	v9 =	vor.u32 v7, v11;
	v7 =	vld.idx.msk [tilespmem:v0+s17+$0x1000 ss:$0x1], $0xffff  }
0x15c: {  	s24 =	sadd.s32 s24, s2;
	s15 =	sor.u32 $0x20, s4;
	v5 =	vor.u32 v5, v6;
	v11 =	vand.u32 $0xFFFF0000, v12;
	[tilespmem:s18+$0x0] =	vst v9;
	v9 =	vld [tilespmem:s23+$0x0];
	v6 =	vshrl.u32 v13, $0x10  }
0x15d: {  	s1 =	sadd.s32 s1, s2;
	s25 =	sadd.s32 s15, s20;
	[tilespmem:s24+$0x0] =	vst v5;
	v5 =	vor.u32 v6, v11;
	v6 =	vld.idx.msk [tilespmem:v14+s5+$0x0], $0xffff  }
0x15e: {  	s13 =	sadd.s32 s13, s2;
	s2 =	rddreg [dreg:$0x6];
	v10 =	vand.u32 $0xFFFF0000, v10;
	s24 =	simm.s32 $0x400;
	[tilespmem:s1+$0x0] =	vst v5;
	v5 =	vld [tilespmem:s25+$0x0]  }
.LBB2_27:
0x15f: {  	s25 =	sand.u32 $0xC00, s24;
	s7 =	sadd.s32 $0x1100, s24;
	s8 =	smov.u32 s3;
	v11 =	vld.idx.msk [tilespmem:v2+s5+$0x0], $0xffff  }
0x160: {  	s3 =	sadd.s32 $0x40, s3;
	s18 =	sadd.s32 $0x1080, s24;
	s2 =	sadd.s32 s16, s2;
	v2 =	vshrl.u32 v8, $0x10;
	v8 =	vld.idx.msk [tilespmem:v1+s5+$0x0], $0xffff  }
0x161: {  	s1 =	sand.u32 $0x40, s3;
	s20 =	sadd.s32 $0x260, s8;
	s16 =	sadd.s32 s25, s0;
	v12 =	vld.idx.msk [tilespmem:v3+s5+$0x0], $0xffff  }
0x162: {  	s23 =	sadd.s32 $0x250, s8;
	s18 =	sand.u32 $0x1C00, s18;
	s7 =	sand.u32 $0x1C00, s7;
	v2 =	vor.u32 v2, v10;
	v3 =	vld.idx.msk [tilespmem:v4+s5+$0x0], $0xffff  }
0x163: {  	s8 =	sadd.s32 $0x270, s8;
	s18 =	sadd.s32 s18, s0;
	[tilespmem:s13+$0x0] =	vst v2;
	s13 =	sand.u32 $0x50, s23;
	v7 =	vld.idx.msk [tilespmem:v7+s5+$0x0], $0xffff  }
0x164: {  	s20 =	sand.u32 $0x60, s20;
	s7 =	sadd.s32 s7, s0;
	v9 =	vld.idx.msk [tilespmem:v9+s5+$0x0], $0xffff;
	s13 =	sadd.s32 s13, s18  }
0x165: {  	s7 =	sadd.s32 s20, s7;
	s23 =	sadd.s32 s31, s16;
	v13 =	vld.idx.msk [tilespmem:v0+s13+$0x0 ss:$0x1], $0xffff;
	s13 =	sadd.s32 $0x1180, s24  }
0x166: {  	s14 =	sor.u32 $0x10, s1;
	s18 =	sadd.s32 s1, s23;
	v2 =	vld.idx.msk [tilespmem:v0+s7+$0x0 ss:$0x1], $0xffff;
	s13 =	sand.u32 $0x1C00, s13  }
0x167: {  	s8 =	sand.u32 $0x70, s8;
	v1 =	vld [tilespmem:s18+$0x0];
	s18 =	sadd.s32 s14, s23;
	s20 =	sadd.s32 s13, s0  }
0x168: {  	v10 =	vand.u32 $0xFFFF0000, v3;
	v3 =	vld [tilespmem:s18+$0x0];
	s7 =	sadd.s32 s8, s20  }
0x169: {  	s10 =	sadd.s32 s10, s2;
	p1 =	slt.u32 s3, $0x1C0;
	s17 =	sor.u32 $0x20, s1;
	v8 =	vshrl.u32 v8, $0x10;
	v7 =	vand.u32 $0xFFFF0000, v7;
	v4 =	vld.idx.msk [tilespmem:v0+s7+$0x0 ss:$0x1], $0xffff  }
.Ltmp17:
0x16a: {  	s16 =	sadd.s32 s1, s16;
	v6 =	vand.u32 $0xFFFF0000, v6;
	v12 =	vshrl.u32 v12, $0x10;
	s20 =	sor.u32 $0x30, s1;
	v63 =	vor.u32 v8, v7;
	v8 =	vld.idx.msk [tilespmem:v5+s5+$0x0], $0xffff;
	(pc) =	sbr.rel @p1 .LBB2_27-.Ltmp17, $4  }
0x16b: {  	s4 =	sadd.s32 s4, s2;
	s18 =	sadd.s32 s17, s23;
	v6 =	vor.u32 v12, v6;
	v5 =	vshrl.u32 v9, $0x10;
	v7 =	vld.idx.msk [tilespmem:v0+s16+$0x1000 ss:$0x1], $0xffff;
	s23 =	sadd.s32 s20, s23  }
0x16c: {  	s24 =	sadd.s32 $0x200, s24;
	s13 =	sadd.s32 s15, s2;
	s2 =	sadd.s32 s11, s2;
	[tilespmem:s10+$0x0] =	vst v6;
	v5 =	vor.u32 v5, v10;
	v9 =	vld [tilespmem:s23+$0x0]  }
0x16d: {  	s15 =	smov.u32 s17;
	s16 =	smov.u32 s25;
	s10 =	smov.u32 s14;
	[tilespmem:s2+$0x0] =	vst v5;
	v5 =	vld [tilespmem:s18+$0x0]  }
0x16e: {  	s11 =	smov.u32 s20;
	[tilespmem:s4+$0x0] =	vst v63;
	v10 =	vand.u32 $0xFFFF0000, v11;
	s4 =	smov.u32 s1;
	s2 =	rddreg [dreg:$0x6];
	v6 =	vld.idx.msk [tilespmem:v13+s5+$0x0], $0xffff  }
0x16f: {  	_ =	sdelay $0x3  }
0x170: {  	v0 =	vld.idx.msk [tilespmem:v2+s5+$0x0], $0xffff  }
0x171: {  	v57 =	vld.idx.msk [tilespmem:v3+s5+$0x0], $0xffff  }
0x172: {  	v58 =	vld.idx.msk [tilespmem:v4+s5+$0x0], $0xffff  }
0x173: {  	v1 =	vld.idx.msk [tilespmem:v1+s5+$0x0], $0xffff  }
0x174: {  	v59 =	vld.idx.msk [tilespmem:v7+s5+$0x0], $0xffff  }
0x175: {  	v60 =	vld.idx.msk [tilespmem:v9+s5+$0x0], $0xffff  }
0x176: {  	v5 =	vld.idx.msk [tilespmem:v5+s5+$0x0], $0xffff  }
0x177: {  	v8 =	vshrl.u32 v8, $0x10;
	s30 =	sadd.s32 $0x1, s30  }
0x178: {  	s0 =	sadd.s32 s16, s2;
	v8 =	vor.u32 v8, v10;
	p1 =	sne.s32 s30, $0x10;
	v6 =	vand.u32 $0xFFFF0000, v6;
	v2 =	vshrl.u32 v57, $0x10  }
.Ltmp18:
0x179: {  	s1 =	sadd.s32 s10, s0;
	[tilespmem:s13+$0x0] =	vst v8;
	v1 =	vshrl.u32 v1, $0x10;
	v4 =	vand.u32 $0xFFFF0000, v59;
	v2 =	vor.u32 v2, v6;
	(pc) =	sbr.rel @p1 .LBB2_26-.Ltmp18, $4  }
0x17a: {  	s2 =	sadd.s32 s4, s0;
	v3 =	vand.u32 $0xFFFF0000, v58;
	v1 =	vor.u32 v1, v4;
	[tilespmem:s1+$0x0] =	vst v2;
	v61 =	vshrl.u32 v60, $0x10  }
0x17b: {  	s31 =	sadd.s32 s11, s0;
	v0 =	vand.u32 $0xFFFF0000, v0;
	[tilespmem:s2+$0x0] =	vst v1;
	v62 =	vor.u32 v61, v3;
	v63 =	vshrl.u32 v5, $0x10  }
0x17c: {  	s0 =	sadd.s32 s15, s0;
	[tilespmem:s31+$0x0] =	vst v62;
	v0 =	vor.u32 v63, v0  }
0x17d: {  	[tilespmem:s0+$0x0] =	vst v0  }
0x17e: {  	s26 =	sadd.s32 $0x1, s26  }
0x17f: {  	p1 =	sne.s32 s26, $0x8  }
.Ltmp19:
0x180: {  	_ = 	snop;
	(pc) =	sbr.rel @p1 .LBB2_17-.Ltmp19, $4  }
.Ltmp20:
0x181: {  	s0 =	sadd.s32 s9, s28;
	(pc) =	sbr.rel @!p1 .LBB2_30-.Ltmp20, $4  }
0x182: {  	s0 =	sshll.u32 s0, $0x6  }
0x183: {  	s1 =	simm.s32 $0xA200;
	s0 =	sadd.s32 s6, s0  }
0x184: {  	[hbm4b:s0+s5] =	stream.linear.scatter [tilespmem:s1], [sflag:$0x4], $0x2000, $0x38;
	[tilespmem:$0xC200] =	vst v63  }
0x185: {  	_ = 	snop  }
.LBB2_31:
0x186: {  	_ =	sfence.sel $0x180000  }
0x187: {  	[bflag:$0x0] =	sbarrier.arrive $0xFFFF  }
0x188: {  	_ =	strace $0x9000004D  }
0x189: {  	s0 =	stileid.u32;
	[bflag:$0x2] =	sbarrier.arrive $0xFFFF  }
0x18a: {  	p0 =	sne.s32 s0, $0x0;
	s0 =	rddreg [dreg:$0x4]  }
0x18b: {  	s0 =	sadd.s32 @!p0 $0x100000, s0  }
0x18c: {  	[sflag:s0] =	ssyncadd.tile.s32 @!p0 $0x1;
	_ =	shalt  }
.Lfunc_end2:
_tile_overlayer_lowered:
.L_overlay_start_2:
0x18d: {  	(tag) =	ssettag $0x2  }
0x18e: {  	s0 =	rddreg [dreg:$0x0];
	s2 =	stileid.u32  }
0x18f: {  	s1 =	rddreg [dreg:$0x1];
	p0 =	sne.s32 s2, $0x0  }
0x190: {  	s3 =	rddreg [dreg:$0x2];
	[bflag:$0x3] =	sbarrier.arrive $0xFFFF;
	s2 =	simm.s32 @!p0 $0x1C05  }
0x191: {  	[timem:s3], [sflag:s2] =	dma.local @!p0 [hbm:s0], s1  }
0x192: {  	s0 =	simm.s32 @!p0 $0x5  }
0x193: {  	_ =	swait.ge @!p0 [sflag:s0], s1  }
0x194: {  	s1 =	ssub.s32 @!p0 $0x0, s1;
	[sflag:s0] =	ssyncset.done @!p0 $0x0  }
0x195: {  	[sflag:s0] =	ssyncadd.s32 @!p0 s1  }
0x196: {  	[bflag:$0x3] =	sbarrier.arrive $0xFFFF  }
0x197: {  	_ =	shalt  }

// kernel: kernel.19.cloned.1.call-start
scs
__scs_entry_jumppad:
0x0: {  	(pc) =	sbr.rel $0x88, $3  }
0x1: {  	(tag) =	ssettag $0x0;
	lr =	simm.s32 $0x1  }
0x2: {  	[smem:$0x3F99] =	sst lr;
	_ =	strace $0xD0000000  }
0x3: {  	_ = 	snop  }
0x4: {  	_ = 	snop  }
0x5: {  	_ = 	snop  }
0x6: {  	_ = 	snop  }
0x7: {  	_ = 	snop  }
__scs_overlays_trampoline_lowered:
0x8: {  	[smem:$0x3FA8] =	sst s0  }
0x9: {  	[smem:$0x3FA9] =	sst s1  }
0xa: {  	[smem:$0x3FAA] =	sst s2  }
0xb: {  	[smem:$0x3FAB] =	sst s3  }
0xc: {  	[smem:$0x3FAC] =	sst s4  }
0xd: {  	[smem:$0x3FAD] =	sst s5  }
0xe: {  	[smem:$0x3FAE] =	sst s6  }
0xf: {  	[smem:$0x3FAF] =	sst s7  }
0x10: {  	[smem:$0x3FB0] =	sst s8  }
0x11: {  	[smem:$0x3FB1] =	sst s9;
	s0 =	simm.s32 @!p0 $0x0  }
0x12: {  	s1 =	sld [smem:$0x3F97];
	s0 =	simm.s32 @p0 $0x1  }
0x13: {  	[smem:$0x3FB2] =	sst s0;
	s0 =	simm.s32 @!p1 $0x0  }
0x14: {  	s2 =	sld [smem:$0x3F96];
	s0 =	simm.s32 @p1 $0x1  }
0x15: {  	[smem:$0x3FB3] =	sst s0;
	s0 =	simm.s32 @!p2 $0x0  }
0x16: {  	s3 =	sld [smem:$0x3FDB];
	s0 =	simm.s32 @p2 $0x1  }
0x17: {  	s4 =	simm.s32 $0x1BF5;
	[smem:$0x3FB5] =	sst s0  }
0x18: {  	s0 =	sld [smem:$0x3F98];
	_ =	swait.ge [sflag:s4], $0x0  }
0x19: {  	s7 =	sld [smem:$0x3F99]  }
0x1a: {  	s8 =	sadd.s32 $0xFFFFE003, lr  }
0x1b: {  	s9 =	sadd.s32 $0xFFFFFEF7, lr;
	s5 =	simm.s32 $0xFFFFFFFF;
	p2 =	slt.u32 s8, $0xFFFFF086  }
0x1c: {  	p1 =	slt.u32 s9, $0xF7A;
	s5 =	simm.s32 @!p2 $0x0  }
0x1d: {  	s5 =	simm.s32 @p1 $0x1;
	p0 =	seq.s32 s7, s2  }
0x1e: {  	s7 =	smul.u32 @!p0 $0xF7A, s2;
	p2 =	seq.s32 @!p0 s5, $0x0  }
0x1f: {  	s9 =	smul.u32 $0xF7A, s1;
	s8 =	simm.s32 @!p0 $0x1BF5;
	p2 =	por !p2, p0  }
0x20: {  	[sflag:s8] =	ssyncset.s32 @!p0 $0xFFFFF086;
	s6 =	sadd.s32 @!p0 s3, s7;
	s7 =	simm.s32 @!p0 $0x108  }
0x21: {  	s3 =	sadd.s32 s3, s9;
	s6 =	sadd.s32 @!p0 $0x88, s6;
	s7 =	simm.s32 @p2 $0x1082  }
0x22: {  	[simem:s7], [sflag:s8] =	dma.local @!p0 [hbm:s6], $0xF7A  }
0x23: {  	s9 =	sor.u32 $0xD0000000, s2;
	s6 =	simm.s32 $0x108;
	_ =	swait.ge @!p0 [sflag:s8], $0x0  }
0x24: {  	s3 =	sadd.s32 $0x88, s3;
	s6 =	simm.s32 @!p1 $0x1082;
	[sflag:s4] =	ssyncset.s32 $0xFFFFF086  }
0x25: {  	[simem:s6], [sflag:s4] =	dma.local [hbm:s3], $0xF7A  }
0x26: {  	[smem:$0x3F99] =	sst s1;
	(tag) =	ssettag s2;
	_ =	strace s9  }
0x27: {  	s1 =	sld [smem:$0x3FA9]  }
0x28: {  	s2 =	sld [smem:$0x3FAA]  }
0x29: {  	s4 =	sld [smem:$0x3FAC]  }
0x2a: {  	p0 =	seq.s32 s5, $0x0;
	s5 =	sld [smem:$0x3FAD]  }
0x2b: {  	s6 =	sld [smem:$0x3FAE]  }
0x2c: {  	s7 =	sld [smem:$0x3FAF]  }
0x2d: {  	s3 =	simm.s32 $0x108;
	s8 =	sld [smem:$0x3FB0]  }
0x2e: {  	s3 =	simm.s32 @!p0 $0x1082;
	s9 =	sld [smem:$0x3FB1]  }
0x2f: {  	lr =	sadd.s32 s0, s3;
	s0 =	sld [smem:$0x3FA8]  }
0x30: {  	s3 =	sld [smem:$0x3FAB]  }
0x31: {  	[smem:$0x3FB4] =	sst s10  }
0x32: {  	s10 =	sld [smem:$0x3FB2];
	_ =	sdelay $0x3  }
0x33: {  	p0 =	seq.s32 s10, $0x1;
	s10 =	sld [smem:$0x3FB4];
	_ =	sdelay $0x3  }
0x34: {  	[smem:$0x3FB4] =	sst s10  }
0x35: {  	s10 =	sld [smem:$0x3FB3];
	_ =	sdelay $0x3  }
0x36: {  	p1 =	seq.s32 s10, $0x1;
	s10 =	sld [smem:$0x3FB4];
	_ =	sdelay $0x3  }
0x37: {  	[smem:$0x3FB4] =	sst s10  }
0x38: {  	s10 =	sld [smem:$0x3FB5]  }
0x39: {  	_ = 	snop;
	(pc) =	sbr.ind lr, $3  }
0x3a: {  	_ = 	snop  }
0x3b: {  	_ = 	snop  }
0x3c: {  	p2 =	seq.s32 s10, $0x1;
	s10 =	sld [smem:$0x3FB4]  }
0x3d: {  	_ =	shalt  }
0x3e: {  	_ =	shalt  }
0x3f: {  	_ =	shalt  }
0x40: {  	_ =	shalt  }
0x41: {  	_ =	shalt  }
0x42: {  	_ =	shalt  }
0x43: {  	_ =	shalt  }
0x44: {  	_ =	shalt  }
0x45: {  	_ =	shalt  }
0x46: {  	_ =	shalt  }
0x47: {  	_ =	shalt  }
0x48: {  	_ =	shalt  }
0x49: {  	_ =	shalt  }
0x4a: {  	_ =	shalt  }
0x4b: {  	_ =	shalt  }
0x4c: {  	_ =	shalt  }
0x4d: {  	_ =	shalt  }
0x4e: {  	_ =	shalt  }
0x4f: {  	_ =	shalt  }
0x50: {  	_ =	shalt  }
0x51: {  	_ =	shalt  }
0x52: {  	_ =	shalt  }
0x53: {  	_ =	shalt  }
0x54: {  	_ =	shalt  }
0x55: {  	_ =	shalt  }
0x56: {  	_ =	shalt  }
0x57: {  	_ =	shalt  }
0x58: {  	_ =	shalt  }
0x59: {  	_ =	shalt  }
0x5a: {  	_ =	shalt  }
0x5b: {  	_ =	shalt  }
0x5c: {  	_ =	shalt  }
0x5d: {  	_ =	shalt  }
0x5e: {  	_ =	shalt  }
0x5f: {  	_ =	shalt  }
0x60: {  	_ =	shalt  }
0x61: {  	_ =	shalt  }
0x62: {  	_ =	shalt  }
0x63: {  	_ =	shalt  }
0x64: {  	_ =	shalt  }
0x65: {  	_ =	shalt  }
0x66: {  	_ =	shalt  }
0x67: {  	_ =	shalt  }
0x68: {  	_ =	shalt  }
0x69: {  	_ =	shalt  }
0x6a: {  	_ =	shalt  }
0x6b: {  	_ =	shalt  }
0x6c: {  	_ =	shalt  }
0x6d: {  	_ =	shalt  }
0x6e: {  	_ =	shalt  }
0x6f: {  	_ =	shalt  }
0x70: {  	_ =	shalt  }
0x71: {  	_ =	shalt  }
0x72: {  	_ =	shalt  }
0x73: {  	_ =	shalt  }
0x74: {  	_ =	shalt  }
0x75: {  	_ =	shalt  }
0x76: {  	_ =	shalt  }
0x77: {  	_ =	shalt  }
0x78: {  	_ =	shalt  }
0x79: {  	_ =	shalt  }
0x7a: {  	_ =	shalt  }
0x7b: {  	_ =	shalt  }
0x7c: {  	_ =	shalt  }
0x7d: {  	_ =	shalt  }
0x7e: {  	_ =	shalt  }
0x7f: {  	_ =	shalt  }
0x80: {  	_ =	shalt  }
0x81: {  	_ =	shalt  }
0x82: {  	_ =	shalt  }
0x83: {  	_ =	shalt  }
0x84: {  	_ =	shalt  }
0x85: {  	_ =	shalt  }
0x86: {  	_ =	shalt  }
0x87: {  	_ =	shalt  }
.Lfunc_end0:
.L_simem_size_0:
called_computation.3_lowered:
.L_overlay_start_0:
0x88: {  	s2 =	sld [smem:$0x3FD9]  }
0x89: {  	s3 =	sld [smem:$0x3FFE];
	_ =	sdelay $0x1  }
0x8a: {  	s1 =	srdreg.scid  }
0x8b: {  	s0 =	sand.u32 $0x1, s1  }
0x8c: {  	s17 =	sshll.u32 s0, $0xA;
	s2 =	sadd.s32 s3, s2  }
0x8d: {  	s2 =	sadd.s32 s2, s17  }
0x8e: {  	[smem:$0x3FC0] =	sst s2  }
0x8f: {  	_ = 	snop  }
0x90: {  	s18 =	sld [smem:$0x3FC9]  }
0x91: {  	s5 =	sld [smem:$0x3FC8]  }
0x92: {  	s4 =	sld [smem:$0x3FC4];
	(tm) =	ssettm $0x1  }
0x93: {  	s19 =	sld [smem:$0x3FFB];
	_ =	sdelay $0x3  }
0x94: {  	_ =	strace s19  }
0x95: {  	s2 =	sld [smem:$0x3FFC];
	_ =	sdelay $0x3  }
0x96: {  	_ =	strace s2  }
0x97: {  	s2 =	sld [smem:$0x3FFD];
	_ =	sdelay $0x3  }
0x98: {  	_ =	strace s2  }
0x99: {  	_ =	strace $0x8FFFFFFF  }
0x9a: {  	s20 =	sld [smem:$0x3FDB];
	_ =	sdelay $0x1  }
0x9b: {  	s6 =	simm.s32 $_scs_section_size  }
0x9c: {  	s7 =	simm.s32 $_size__tile_overlayer_lowered;
	s8 =	simm.s32 $_tile_overlayer_lowered  }
0x9d: {  	s9 =	simm.s32 $0x1BFF;
	s21 =	sshll.u32 s8, $0x1;
	s6 =	sadd.s32 s6, s20  }
0x9e: {  	s22 =	simm.s32 $0x0;
	s7 =	sshll.u32 s7, $0x1;
	s8 =	sadd.s32 s21, s6  }
0x9f: {  	[timem:s22], [sflag:s9] =	dma.local [hbm:s8], s7  }
0xa0: {  	_ =	swait.ge [sflag:s9], s7  }
0xa1: {  	s7 =	ssub.s32 $0x0, s7;
	[sflag:s9] =	ssyncset.done $0x0  }
0xa2: {  	[sflag:s9] =	ssyncadd.s32 s7;
	_ =	sdelay $0x1  }
0xa3: {  	s23 =	simm.s32 $0x1B8B  }
0xa4: {  	_ =	swait.ge [sflag:s23], $0x1  }
0xa5: {  	[sflag:s23] =	ssyncset.done $0x0  }
0xa6: {  	[sflag:s23] =	ssyncadd.s32 $0xFFFFFFFF  }
0xa7: {  	s7 =	sld [smem:$0x0]  }
0xa8: {  	s8 =	sand.u32 $0xFFFFFFFE, s1  }
0xa9: {  	p0 =	sne.s32 s1, s8  }
0xaa: {  	s8 =	sshll.u32 @p0 s8, $0xE  }
0xab: {  	s8 =	sadd.s32 @p0 $0x11B8D, s8;
	s9 =	sshll.u32 @p0 s7, $0x11  }
0xac: {  	s8 =	sor.u32 @p0 s9, s8  }
0xad: {  	[sflag:s8] =	ssyncadd.remote.s32 @p0 $0x1;
	_ =	sdelay $0x1  }
0xae: {  	s8 =	simm.s32 @p0 $0x1B8D  }
0xaf: {  	_ =	swait.eq @p0 [sflag:s8], $0x1  }
0xb0: {  	[sflag:s8] =	ssyncadd.s32 @p0 $0xFFFFFFFF  }
0xb1: {  	s9 =	sshll.u32 @!p0 s1, $0xE  }
0xb2: {  	s9 =	sor.u32 @!p0 $0x4000, s9;
	s8 =	simm.s32 @!p0 $0x1B8D  }
0xb3: {  	s7 =	sshll.u32 @!p0 s7, $0x11;
	s9 =	sadd.s32 @!p0 $0x11B8D, s9;
	_ =	swait.eq @!p0 [sflag:s8], $0x1  }
0xb4: {  	s7 =	sor.u32 @!p0 s7, s9;
	[sflag:s8] =	ssyncadd.s32 @!p0 $0xFFFFFFFF  }
0xb5: {  	s25 =	simm.s32 $0x1B8E;
	s24 =	sld [smem:$0x3FFE];
	[sflag:s7] =	ssyncadd.remote.s32 @!p0 $0x1  }
0xb6: {  	s26 =	simm.s32 $execute0_lowered;
	[smem:$0x3FD2] =	sst s25  }
0xb7: {  	s8 =	sshll.u32 s26, $0x1;
	_ =	strace $0x8000004F;
	[dreg:$0x1] =	wrdreg $0xFFFFFFFF  }
0xb8: {  	s28 =	simm.s32 $_size_execute0_lowered;
	s6 =	sadd.s32 s6, s8;
	[dreg:$0x0] =	wrdreg $0x0  }
0xb9: {  	s8 =	sshll.u32 s28, $0x1;
	[dreg:$0x2] =	wrdreg s6  }
0xba: {  	[dreg:$0x3] =	wrdreg s8  }
0xbb: {  	[dreg:$0x4] =	wrdreg $0xC0  }
0xbc: {  	_ =	task [dreg:s22], $0x5FFFF  }
0xbd: {  	[dreg:$0x1] =	wrdreg $0xFFFFFFFF  }
0xbe: {  	[dreg:$0x0] =	wrdreg $0x60  }
0xbf: {  	[dreg:$0x2] =	wrdreg s5  }
0xc0: {  	[dreg:$0x3] =	wrdreg s18  }
0xc1: {  	[dreg:$0x4] =	wrdreg s4  }
0xc2: {  	[dreg:$0x5] =	wrdreg s24  }
0xc3: {  	[dreg:$0x6] =	wrdreg $0xC  }
0xc4: {  	_ =	task.clear_ibuf [dreg:s22], $0x7FFFF;
	_ =	strace $0x9000004F  }
0xc5: {  	s29 =	simm.s32 $0xC;
	_ =	strace $0x80000051  }
0xc6: {  	_ =	swait.ge [sflag:s29], $0x1  }
0xc7: {  	[sflag:s29] =	ssyncadd.s32 $0xFFFFFFFF  }
0xc8: {  	_ =	strace $0x90000051  }
0xc9: {  	_ =	sfence  }
0xca: {  	s30 =	sld [smem:$0x0];
	_ =	sdelay $0x2  }
0xcb: {  	s31 =	sshll.u32 s1, $0xD;
	s1 =	sshrl.u32 s1, $0x2  }
0xcc: {  	s4 =	sand.u32 $0x4000, s31;
	s1 =	sadd.s32 s1, s30  }
0xcd: {  	s0 =	sor.u32 s4, s0;
	s1 =	sshll.u32 s1, $0x11  }
0xce: {  	s0 =	sor.u32 s1, s0  }
0xcf: {  	s0 =	sadd.s32 $0x8F2B, s0  }
0xd0: {  	[sflag:s0] =	ssyncadd.remote.s32 $0x1  }
0xd1: {  	_ =	sfence.sel $0xFFFF  }
0xd2: {  	[dreg:$0x0] =	wrdreg $0xFFFFFFFF;
	(pc) =	sbr.abs _section_cstart, $3  }
0xd3: {  	[dreg:$0x1] =	wrdreg $0xFFFFFFFF  }
0xd4: {  	_ =	task.clear_ibuf [dreg:s22], $0x2FFFF;
	_ =	strace $0x9FFFFFFF  }
0xd5: {  	(tm) =	ssettm $0x7FFFFFFF  }
tec
execute0_lowered:
.L_overlay_start_1:
0x0: {  	(tag) =	ssettag $0x1  }
0x1: {  	s10 =	rddreg [dreg:$0x0]  }
0x2: {  	s11 =	rddreg [dreg:$0x1]  }
0x3: {  	s0 =	rddreg [dreg:$0x3]  }
0x4: {  	s1 =	srdreg.scid;
	s3 =	stileid.u32;
	s5 =	simm.s32 $0x0  }
0x5: {  	s19 =	simm.s32 $0x1;
	s21 =	simm.s32 $0x2;
	s22 =	simm.s32 $0x4  }
0x6: {  	s1 =	sand.u32 $0x1, s1;
	s2 =	sshll.u32 s3, $0x1;
	s3 =	sshrl.u32 s3, $0x2  }
0x7: {  	[smem:$0x7FF] =	sst s5;
	s6 =	sadd.s32 $0x102000, s0;
	s2 =	sor.u32 s1, s2  }
0x8: {  	s3 =	sor.u32 $0xC, s3;
	_ =	strace $0x80000050;
	s25 =	ssub.s32 $0x2, s1  }
0x9: {  	s4 =	sand.u32 $0x7, s2;
	s7 =	smul.u32 $0x600, s3;
	s9 =	sshrl.u32 s25, $0x1  }
0xa: {  	s28 =	sshll.u32 s3, $0x9;
	s8 =	sshll.u32 s4, $0x8;
	s0 =	ssub.s32 s25, s9  }
0xb: {  	s9 =	sshll.u32 s2, $0x8;
	s26 =	sadd.s32 s8, s7;
	s1 =	sadd.s32 s28, s8  }
0xc: {  	s0 =	smax.u32 s0, $0x1;
	s7 =	sadd.s32 $0xFFFFFE00, s26;
	[dreg:$0xa] =	wrdreg s1  }
0xd: {  	s1 =	sshll.u32 s1, $0x7;
	[dreg:$0xf] =	wrdreg s0;
	s29 =	sshll.u32 s7, $0x7  }
.Ltmp0:
0xe: {  	[dreg:$0x9] =	wrdreg s7;
	s1 =	sadd.s32 s10, s1;
	(pc) =	sbr.rel .LBB2_1-.Ltmp0, $4  }
0xf: {  	s30 =	sshll.u32 s7, $0xA;
	s3 =	sadd.s32 s11, s29;
	[dreg:$0xc] =	wrdreg s1  }
0x10: {  	s2 =	sshll.u32 s2, $0xE;
	s31 =	sor.u32 $0x8000, s30;
	[dreg:$0xb] =	wrdreg s3  }
0x11: {  	p0 =	sgt.u32 s4, $0x1;
	s1 =	sadd.s32 $0x1000, s1;
	[dreg:$0xd] =	wrdreg s31  }
0x12: {  	s12 =	sadd.s32 s6, s2;
	[dreg:$0xe] =	wrdreg s1;
	s1 =	simm.s32 $0x0  }
.LBB2_30:
0x13: {  	s0 =	simm.s32 $0x3  }
0x14: {  	_ =	swait.ge [sflag:s0], $0x2000  }
0x15: {  	[sflag:s0] =	ssyncset.done $0x0  }
0x16: {  	[sflag:s0] =	ssyncadd.s32 $0xFFFFE000  }
0x17: {  	_ =	swait.ge [sflag:s22], $0x2000  }
0x18: {  	s1 =	rddreg [dreg:$0x10]  }
0x19: {  	s31 =	rddreg [dreg:$0xf];
	s1 =	sadd.s32 $0x1, s1  }
0x1a: {  	p1 =	sne.s32 s1, s31  }
.Ltmp1:
0x1b: {  	_ = 	snop;
	(pc) =	sbr.rel @!p1 .LBB2_31-.Ltmp1, $3  }
0x1c: {  	_ =	sdelay $0x1  }
0x1d: {  	[sflag:s22] =	ssyncset.done $0x0  }
0x1e: {  	[sflag:s22] =	ssyncadd.s32 $0xFFFFE000  }
.LBB2_1:
0x1f: {  	[dreg:$0x10] =	wrdreg s1  }
.Ltmp2:
0x20: {  	s0 =	rddreg [dreg:$0x2];
	s31 =	simm.s32 $0x5;
	(pc) =	sbr.rel @p0 .LBB2_16-.Ltmp2, $4  }
0x21: {  	[tilespmem:s5], [sflag:$0x5] =	stream.linear.gather [hbm4b:s0+s5], $0x200, $0x38;
	[tilespmem:$0xC200] =	vst v63  }
0x22: {  	_ =	swait.ge [sflag:s31], $0x200  }
0x23: {  	[sflag:s31] =	ssyncset.done $0x0  }
0x24: {  	s26 =	simm.s32 $0x0;
	[sflag:s31] =	ssyncadd.s32 $0xFFFFFE00  }
0x25: {  	s0 =	rddreg [dreg:$0xc];
	s1 =	simm.s32 $0x200  }
0x26: {  	[tilespmem:s1], [sflag:$0x1] =	stream.linear.gather [hbm4b:s0+s26], $0x4000, $0x38;
	[tilespmem:$0xC200] =	vst v63  }
.LBB2_3:
0x27: {  	s0 =	sshll.u32 s26, $0x5  }
0x28: {  	s25 =	rddreg [dreg:$0xa];
	s28 =	sor.u32 $0x10, s0  }
0x29: {  	s0 =	sadd.s32 s25, s28  }
0x2a: {  	s1 =	rddreg [dreg:$0x0];
	s0 =	sshll.u32 s0, $0x7  }
0x2b: {  	s31 =	simm.s32 $0x4200;
	s0 =	sadd.s32 s1, s0  }
0x2c: {  	[tilespmem:s31], [sflag:$0x2] =	stream.linear.gather [hbm4b:s0+s5], $0x4000, $0x38;
	[tilespmem:$0xC200] =	vst v63  }
0x2d: {  	_ =	swait.ge [sflag:s19], $0x4000  }
0x2e: {  	p1 =	seq.s32 s26, $0x0;
	[sflag:s19] =	ssyncset.done $0x0  }
0x2f: {  	s0 =	simm.s32 @!p1 $0x3;
	[sflag:s19] =	ssyncadd.s32 $0xFFFFC000  }
0x30: {  	_ =	swait.ge @!p1 [sflag:s0], $0x2000  }
0x31: {  	[sflag:s0] =	ssyncset.done @!p1 $0x0  }
0x32: {  	s29 =	sshll.u32 s26, $0xC;
	s30 =	simm.s32 $0x0;
	[sflag:s0] =	ssyncadd.s32 @!p1 $0xFFFFE000  }
.LBB2_4:
0x33: {  	s0 =	sshll.u32 s30, $0x7;
	s1 =	sshll.u32 s30, $0x9  }
0x34: {  	s15 =	sshll.u32 s30, $0xA;
	s16 =	simm.s32 $0x0;
	s17 =	simm.s32 $0x0  }
0x35: {  	s18 =	simm.s32 $0x1100;
	s20 =	simm.s32 $0x1080;
	s3 =	simm.s32 $0x220  }
0x36: {  	s4 =	simm.s32 $0x210;
	s31 =	sand.u32 $0x380, s0;
	s14 =	sand.u32 $0x3FFFF000, s1  }
0x37: {  	s1 =	sand.u32 $0x3FFFE000, s15;
	s11 =	sand.u32 $0xC00, s16;
	s0 =	sor.u32 s31, s14;
	v0 =	vmov s31  }
0x38: {  	s24 =	sand.u32 $0x40, s17;
	s4 =	sand.u32 $0x50, s4;
	s2 =	sadd.s32 $0x8200, s0  }
0x39: {  	s0 =	sor.u32 $0x200, s1;
	[dreg:$0x7] =	wrdreg s2;
	s2 =	sand.u32 $0x1C00, s20  }
0x3a: {  	s3 =	sand.u32 $0x60, s3;
	s1 =	sand.u32 $0x1C00, s18;
	s2 =	sadd.s32 s2, s0  }
0x3b: {  	s10 =	sadd.s32 s11, s0;
	s1 =	sadd.s32 s1, s0;
	s2 =	sadd.s32 s4, s2  }
0x3c: {  	s15 =	sor.u32 $0x10, s24;
	s23 =	sadd.s32 s31, s10;
	s1 =	sadd.s32 s3, s1;
	v1 =	vld.idx.msk [tilespmem:v0+s2+$0x0 ss:$0x1], $0xffff  }
0x3d: {  	s13 =	sadd.s32 s15, s23;
	v2 =	vld.idx.msk [tilespmem:v0+s1+$0x0 ss:$0x1], $0xffff  }
0x3e: {  	s25 =	simm.s32 $0x1180;
	s7 =	simm.s32 $0x230;
	v3 =	vld [tilespmem:s13+$0x0];
	s13 =	sadd.s32 s24, s23  }
0x3f: {  	s14 =	sadd.s32 s24, s10;
	s2 =	sand.u32 $0x1C00, s25;
	v5 =	vld [tilespmem:s13+$0x0];
	s13 =	sor.u32 $0x20, s24  }
0x40: {  	s8 =	sand.u32 $0x70, s7;
	v6 =	vld.idx.msk [tilespmem:v0+s14+$0x1000 ss:$0x1], $0xffff;
	s2 =	sadd.s32 s2, s0;
	s17 =	sadd.s32 s13, s23  }
0x41: {  	s1 =	sadd.s32 s8, s2;
	v9 =	vld [tilespmem:s17+$0x0];
	s17 =	simm.s32 $0x1280  }
0x42: {  	s8 =	simm.s32 $0x250;
	v4 =	vld.idx.msk [tilespmem:v0+s1+$0x0 ss:$0x1], $0xffff;
	s1 =	sor.u32 $0x30, s24;
	s17 =	sand.u32 $0x1C00, s17  }
0x43: {  	s8 =	sand.u32 $0x50, s8;
	s16 =	sadd.s32 s1, s23;
	s17 =	sadd.s32 s17, s0  }
0x44: {  	v7 =	vld [tilespmem:s16+$0x0];
	s8 =	sadd.s32 s8, s17  }
0x45: {  	v14 =	vld.idx.msk [tilespmem:v0+s8+$0x0 ss:$0x1], $0xffff  }
0x46: {  	s14 =	simm.s32 $0x1300;
	v8 =	vld.idx.msk [tilespmem:v1+s5+$0x0], $0xffff  }
0x47: {  	s18 =	simm.s32 $0x200;
	s25 =	simm.s32 $0x260;
	s14 =	sand.u32 $0x1C00, s14;
	v10 =	vld.idx.msk [tilespmem:v2+s5+$0x0], $0xffff  }
0x48: {  	s25 =	sand.u32 $0x60, s25;
	s20 =	sadd.s32 s14, s0;
	s16 =	sand.u32 $0xC00, s18;
	v11 =	vld.idx.msk [tilespmem:v3+s5+$0x0], $0xffff  }
0x49: {  	s3 =	simm.s32 $0x40;
	s7 =	sadd.s32 s16, s0;
	s8 =	sadd.s32 s25, s20;
	v6 =	vld.idx.msk [tilespmem:v6+s5+$0x0], $0xffff  }
0x4a: {  	s4 =	sand.u32 $0x40, s3;
	s18 =	sadd.s32 s31, s7;
	v2 =	vld.idx.msk [tilespmem:v0+s8+$0x0 ss:$0x1], $0xffff  }
0x4b: {  	s17 =	sadd.s32 s4, s18;
	v5 =	vld.idx.msk [tilespmem:v5+s5+$0x0], $0xffff  }
0x4c: {  	s23 =	simm.s32 $0x1380;
	v1 =	vld [tilespmem:s17+$0x0]  }
0x4d: {  	s10 =	sor.u32 $0x10, s4;
	s14 =	sand.u32 $0x1C00, s23;
	s20 =	simm.s32 $0x270;
	v12 =	vld.idx.msk [tilespmem:v4+s5+$0x0], $0xffff  }
0x4e: {  	s14 =	sadd.s32 s14, s0;
	s23 =	sadd.s32 s10, s18;
	s17 =	sand.u32 $0x70, s20;
	v13 =	vld.idx.msk [tilespmem:v7+s5+$0x0], $0xffff  }
0x4f: {  	v3 =	vld [tilespmem:s23+$0x0];
	s8 =	sadd.s32 s17, s14  }
0x50: {  	s2 =	rddreg [dreg:$0x7];
	v4 =	vld.idx.msk [tilespmem:v0+s8+$0x0 ss:$0x1], $0xffff  }
0x51: {  	s2 =	sadd.s32 s11, s2;
	s11 =	sor.u32 $0x30, s4;
	s7 =	sadd.s32 s4, s7;
	v7 =	vshrl.u32 v11, $0x10;
	v11 =	vand.u32 $0xFFFF0000, v8;
	v8 =	vld.idx.msk [tilespmem:v9+s5+$0x0], $0xffff  }
0x52: {  	s20 =	sadd.s32 s15, s2;
	s23 =	sadd.s32 s11, s18;
	v6 =	vand.u32 $0xFFFF0000, v6;
	v5 =	vshrl.u32 v5, $0x10;
	v9 =	vor.u32 v7, v11;
	v7 =	vld.idx.msk [tilespmem:v0+s7+$0x1000 ss:$0x1], $0xffff  }
0x53: {  	s24 =	sadd.s32 s24, s2;
	s15 =	sor.u32 $0x20, s4;
	v5 =	vor.u32 v5, v6;
	[tilespmem:s20+$0x0] =	vst v9;
	v9 =	vld [tilespmem:s23+$0x0];
	v11 =	vand.u32 $0xFFFF0000, v12;
	v6 =	vshrl.u32 v13, $0x10  }
0x54: {  	s1 =	sadd.s32 s1, s2;
	s25 =	sadd.s32 s15, s18;
	[tilespmem:s24+$0x0] =	vst v5;
	v5 =	vor.u32 v6, v11;
	v6 =	vld.idx.msk [tilespmem:v14+s5+$0x0], $0xffff  }
0x55: {  	s13 =	sadd.s32 s13, s2;
	s2 =	rddreg [dreg:$0x7];
	v10 =	vand.u32 $0xFFFF0000, v10;
	s24 =	simm.s32 $0x400;
	[tilespmem:s1+$0x0] =	vst v5;
	v5 =	vld [tilespmem:s25+$0x0]  }
.LBB2_5:
0x56: {  	s25 =	sand.u32 $0xC00, s24;
	s7 =	sadd.s32 $0x1100, s24;
	s8 =	smov.u32 s3;
	v11 =	vld.idx.msk [tilespmem:v2+s5+$0x0], $0xffff  }
0x57: {  	s3 =	sadd.s32 $0x40, s3;
	s18 =	sadd.s32 $0x1080, s24;
	s2 =	sadd.s32 s16, s2;
	v2 =	vshrl.u32 v8, $0x10;
	v8 =	vld.idx.msk [tilespmem:v1+s5+$0x0], $0xffff  }
0x58: {  	s1 =	sand.u32 $0x40, s3;
	s20 =	sadd.s32 $0x260, s8;
	s16 =	sadd.s32 s25, s0;
	v12 =	vld.idx.msk [tilespmem:v3+s5+$0x0], $0xffff  }
0x59: {  	s23 =	sadd.s32 $0x250, s8;
	s18 =	sand.u32 $0x1C00, s18;
	s7 =	sand.u32 $0x1C00, s7;
	v2 =	vor.u32 v2, v10;
	v3 =	vld.idx.msk [tilespmem:v4+s5+$0x0], $0xffff  }
0x5a: {  	s8 =	sadd.s32 $0x270, s8;
	s18 =	sadd.s32 s18, s0;
	[tilespmem:s13+$0x0] =	vst v2;
	s13 =	sand.u32 $0x50, s23;
	v7 =	vld.idx.msk [tilespmem:v7+s5+$0x0], $0xffff  }
0x5b: {  	s20 =	sand.u32 $0x60, s20;
	s7 =	sadd.s32 s7, s0;
	v9 =	vld.idx.msk [tilespmem:v9+s5+$0x0], $0xffff;
	s13 =	sadd.s32 s13, s18  }
0x5c: {  	s7 =	sadd.s32 s20, s7;
	s23 =	sadd.s32 s31, s16;
	v13 =	vld.idx.msk [tilespmem:v0+s13+$0x0 ss:$0x1], $0xffff;
	s13 =	sadd.s32 $0x1180, s24  }
0x5d: {  	s14 =	sor.u32 $0x10, s1;
	s18 =	sadd.s32 s1, s23;
	v2 =	vld.idx.msk [tilespmem:v0+s7+$0x0 ss:$0x1], $0xffff;
	s13 =	sand.u32 $0x1C00, s13  }
0x5e: {  	s8 =	sand.u32 $0x70, s8;
	v1 =	vld [tilespmem:s18+$0x0];
	s18 =	sadd.s32 s14, s23;
	s20 =	sadd.s32 s13, s0  }
0x5f: {  	v10 =	vand.u32 $0xFFFF0000, v3;
	v3 =	vld [tilespmem:s18+$0x0];
	s7 =	sadd.s32 s8, s20  }
0x60: {  	s10 =	sadd.s32 s10, s2;
	p2 =	slt.u32 s3, $0x1C0;
	s17 =	sor.u32 $0x20, s1;
	v8 =	vshrl.u32 v8, $0x10;
	v7 =	vand.u32 $0xFFFF0000, v7;
	v4 =	vld.idx.msk [tilespmem:v0+s7+$0x0 ss:$0x1], $0xffff  }
.Ltmp3:
0x61: {  	s16 =	sadd.s32 s1, s16;
	v6 =	vand.u32 $0xFFFF0000, v6;
	v12 =	vshrl.u32 v12, $0x10;
	s20 =	sor.u32 $0x30, s1;
	v63 =	vor.u32 v8, v7;
	v8 =	vld.idx.msk [tilespmem:v5+s5+$0x0], $0xffff;
	(pc) =	sbr.rel @p2 .LBB2_5-.Ltmp3, $4  }
0x62: {  	s4 =	sadd.s32 s4, s2;
	s18 =	sadd.s32 s17, s23;
	v6 =	vor.u32 v12, v6;
	v5 =	vshrl.u32 v9, $0x10;
	v7 =	vld.idx.msk [tilespmem:v0+s16+$0x1000 ss:$0x1], $0xffff;
	s23 =	sadd.s32 s20, s23  }
0x63: {  	s24 =	sadd.s32 $0x200, s24;
	s13 =	sadd.s32 s15, s2;
	s2 =	sadd.s32 s11, s2;
	[tilespmem:s10+$0x0] =	vst v6;
	v5 =	vor.u32 v5, v10;
	v9 =	vld [tilespmem:s23+$0x0]  }
0x64: {  	s15 =	smov.u32 s17;
	s16 =	smov.u32 s25;
	s10 =	smov.u32 s14;
	[tilespmem:s2+$0x0] =	vst v5;
	v5 =	vld [tilespmem:s18+$0x0]  }
0x65: {  	s11 =	smov.u32 s20;
	[tilespmem:s4+$0x0] =	vst v63;
	v10 =	vand.u32 $0xFFFF0000, v11;
	s4 =	smov.u32 s1;
	s2 =	rddreg [dreg:$0x7];
	v6 =	vld.idx.msk [tilespmem:v13+s5+$0x0], $0xffff  }
0x66: {  	_ =	sdelay $0x3  }
0x67: {  	v0 =	vld.idx.msk [tilespmem:v2+s5+$0x0], $0xffff  }
0x68: {  	v57 =	vld.idx.msk [tilespmem:v3+s5+$0x0], $0xffff  }
0x69: {  	v58 =	vld.idx.msk [tilespmem:v4+s5+$0x0], $0xffff  }
0x6a: {  	v1 =	vld.idx.msk [tilespmem:v1+s5+$0x0], $0xffff  }
0x6b: {  	v59 =	vld.idx.msk [tilespmem:v7+s5+$0x0], $0xffff  }
0x6c: {  	v60 =	vld.idx.msk [tilespmem:v9+s5+$0x0], $0xffff  }
0x6d: {  	v5 =	vld.idx.msk [tilespmem:v5+s5+$0x0], $0xffff  }
0x6e: {  	v8 =	vshrl.u32 v8, $0x10;
	s30 =	sadd.s32 $0x1, s30  }
0x6f: {  	s0 =	sadd.s32 s16, s2;
	v8 =	vor.u32 v8, v10;
	p2 =	sne.s32 s30, $0x10;
	v6 =	vand.u32 $0xFFFF0000, v6;
	v2 =	vshrl.u32 v57, $0x10  }
.Ltmp4:
0x70: {  	s1 =	sadd.s32 s10, s0;
	[tilespmem:s13+$0x0] =	vst v8;
	v1 =	vshrl.u32 v1, $0x10;
	v4 =	vand.u32 $0xFFFF0000, v59;
	v2 =	vor.u32 v2, v6;
	(pc) =	sbr.rel @p2 .LBB2_4-.Ltmp4, $4  }
0x71: {  	s2 =	sadd.s32 s4, s0;
	v3 =	vand.u32 $0xFFFF0000, v58;
	v1 =	vor.u32 v1, v4;
	[tilespmem:s1+$0x0] =	vst v2;
	v61 =	vshrl.u32 v60, $0x10  }
0x72: {  	s31 =	sadd.s32 s11, s0;
	v0 =	vand.u32 $0xFFFF0000, v0;
	[tilespmem:s2+$0x0] =	vst v1;
	v62 =	vor.u32 v61, v3;
	v63 =	vshrl.u32 v5, $0x10  }
0x73: {  	s0 =	sadd.s32 s15, s0;
	[tilespmem:s31+$0x0] =	vst v62;
	v0 =	vor.u32 v63, v0  }
0x74: {  	[tilespmem:s0+$0x0] =	vst v0  }
0x75: {  	p2 =	sne.s32 s26, $0x7  }
.Ltmp5:
0x76: {  	_ = 	snop;
	(pc) =	sbr.rel @p2 .LBB2_9-.Ltmp5, $4  }
0x77: {  	_ = 	snop  }
0x78: {  	s0 =	sshll.u32 s26, $0xB  }
0x79: {  	s1 =	simm.s32 $0x8200;
	s0 =	sadd.s32 s0, s12  }
0x7a: {  	[hbm4b:s0+s5] =	stream.linear.scatter [tilespmem:s1], [sflag:$0x3], $0x2000, $0x38;
	[tilespmem:$0xC200] =	vst v63  }
.Ltmp6:
0x7b: {  	(pc) =	sbr.rel .LBB2_10-.Ltmp6, $4  }
0x7c: {  	_ = 	snop  }
0x7d: {  	_ =	swait.ge [sflag:s21], $0x4000  }
0x7e: {  	[sflag:s21] =	ssyncset.done $0x0  }
0x7f: {  	[sflag:s21] =	ssyncadd.s32 $0xFFFFC000  }
.LBB2_9:
0x80: {  	s0 =	rddreg [dreg:$0xe]  }
.Ltmp7:
0x81: {  	s1 =	simm.s32 $0x200;
	s0 =	sadd.s32 s29, s0;
	(pc) =	sbr.rel @p1 .LBB2_11-.Ltmp7, $4  }
0x82: {  	[tilespmem:s1], [sflag:$0x1] =	stream.linear.gather [hbm4b:s0+s5], $0x4000, $0x38;
	[tilespmem:$0xC200] =	vst v63  }
0x83: {  	_ =	swait.ge [sflag:s21], $0x4000  }
0x84: {  	[sflag:s21] =	ssyncset.done $0x0  }
0x85: {  	[sflag:s21] =	ssyncadd.s32 $0xFFFFC000  }
.LBB2_10:
0x86: {  	_ =	swait.ge [sflag:s22], $0x2000  }
0x87: {  	[sflag:s22] =	ssyncset.done $0x0  }
0x88: {  	[sflag:s22] =	ssyncadd.s32 $0xFFFFE000  }
.LBB2_11:
0x89: {  	s29 =	simm.s32 $0x0;
	s30 =	simm.s32 $0x0  }
.LBB2_12:
0x8a: {  	s0 =	sshll.u32 s30, $0x7  }
0x8b: {  	s1 =	sshll.u32 s30, $0x9;
	s17 =	sshll.u32 s30, $0xA;
	s18 =	simm.s32 $0x0  }
0x8c: {  	s11 =	sand.u32 $0xC00, s29;
	s20 =	simm.s32 $0x1100;
	s23 =	simm.s32 $0x1080  }
0x8d: {  	s3 =	simm.s32 $0x220;
	s4 =	simm.s32 $0x210;
	s31 =	sand.u32 $0x380, s0  }
0x8e: {  	s10 =	simm.s32 $0x1180;
	s13 =	simm.s32 $0x230;
	s16 =	sand.u32 $0x3FFFF000, s1;
	v0 =	vmov s31  }
0x8f: {  	s1 =	sand.u32 $0x3FFFE000, s17;
	s24 =	sand.u32 $0x40, s18;
	s0 =	sor.u32 s31, s16  }
0x90: {  	s2 =	sadd.s32 $0xA200, s0;
	s0 =	sadd.s32 $0x4200, s1;
	s1 =	sand.u32 $0x1C00, s23  }
0x91: {  	s4 =	sand.u32 $0x50, s4;
	s7 =	sadd.s32 s11, s0;
	s1 =	sadd.s32 s1, s0  }
0x92: {  	[dreg:$0x8] =	wrdreg s2;
	s1 =	sadd.s32 s4, s1;
	s25 =	sadd.s32 s31, s7  }
0x93: {  	s3 =	sand.u32 $0x60, s3;
	s14 =	sand.u32 $0x70, s13;
	s16 =	sadd.s32 s24, s25;
	v1 =	vld.idx.msk [tilespmem:v0+s1+$0x0 ss:$0x1], $0xffff  }
0x94: {  	s13 =	sor.u32 $0x20, s24;
	s2 =	sand.u32 $0x1C00, s20;
	s17 =	sadd.s32 s24, s7;
	v5 =	vld [tilespmem:s16+$0x0]  }
0x95: {  	s8 =	sadd.s32 s2, s0;
	s2 =	sand.u32 $0x1C00, s10;
	s20 =	sadd.s32 s13, s25;
	v6 =	vld.idx.msk [tilespmem:v0+s17+$0x1000 ss:$0x1], $0xffff  }
0x96: {  	s2 =	sadd.s32 s2, s0;
	s1 =	sadd.s32 s3, s8;
	v9 =	vld [tilespmem:s20+$0x0]  }
0x97: {  	s15 =	sor.u32 $0x10, s24;
	v2 =	vld.idx.msk [tilespmem:v0+s1+$0x0 ss:$0x1], $0xffff;
	s1 =	sadd.s32 s14, s2  }
0x98: {  	s8 =	sadd.s32 s15, s25;
	v4 =	vld.idx.msk [tilespmem:v0+s1+$0x0 ss:$0x1], $0xffff;
	s1 =	sor.u32 $0x30, s24  }
0x99: {  	s20 =	simm.s32 $0x1280;
	v3 =	vld [tilespmem:s8+$0x0];
	s18 =	sadd.s32 s1, s25  }
0x9a: {  	s8 =	sand.u32 $0x1C00, s20;
	v7 =	vld [tilespmem:s18+$0x0];
	s18 =	simm.s32 $0x250  }
0x9b: {  	s8 =	sadd.s32 s8, s0;
	s18 =	sand.u32 $0x50, s18  }
0x9c: {  	s23 =	simm.s32 $0x200;
	s8 =	sadd.s32 s18, s8  }
0x9d: {  	s16 =	sand.u32 $0xC00, s23;
	v14 =	vld.idx.msk [tilespmem:v0+s8+$0x0 ss:$0x1], $0xffff  }
0x9e: {  	s3 =	simm.s32 $0x40;
	s17 =	sadd.s32 s16, s0;
	v8 =	vld.idx.msk [tilespmem:v1+s5+$0x0], $0xffff  }
0x9f: {  	s4 =	sand.u32 $0x40, s3;
	s20 =	sadd.s32 s31, s17;
	v5 =	vld.idx.msk [tilespmem:v5+s5+$0x0], $0xffff  }
0xa0: {  	s25 =	simm.s32 $0x1300;
	s23 =	sadd.s32 s4, s20;
	v6 =	vld.idx.msk [tilespmem:v6+s5+$0x0], $0xffff  }
0xa1: {  	s14 =	simm.s32 $0x260;
	s7 =	sand.u32 $0x1C00, s25;
	v1 =	vld [tilespmem:s23+$0x0]  }
0xa2: {  	s14 =	sand.u32 $0x60, s14;
	s7 =	sadd.s32 s7, s0;
	v10 =	vld.idx.msk [tilespmem:v2+s5+$0x0], $0xffff  }
0xa3: {  	s7 =	sadd.s32 s14, s7;
	v11 =	vld.idx.msk [tilespmem:v3+s5+$0x0], $0xffff  }
0xa4: {  	s25 =	simm.s32 $0x1380;
	v2 =	vld.idx.msk [tilespmem:v0+s7+$0x0 ss:$0x1], $0xffff  }
0xa5: {  	s10 =	sor.u32 $0x10, s4;
	s8 =	sand.u32 $0x1C00, s25;
	s23 =	simm.s32 $0x270;
	v12 =	vld.idx.msk [tilespmem:v4+s5+$0x0], $0xffff  }
0xa6: {  	s25 =	sadd.s32 s10, s20;
	s8 =	sadd.s32 s8, s0;
	s14 =	sand.u32 $0x70, s23;
	v13 =	vld.idx.msk [tilespmem:v7+s5+$0x0], $0xffff  }
0xa7: {  	v3 =	vld [tilespmem:s25+$0x0];
	s7 =	sadd.s32 s14, s8  }
0xa8: {  	s2 =	rddreg [dreg:$0x8];
	v4 =	vld.idx.msk [tilespmem:v0+s7+$0x0 ss:$0x1], $0xffff  }
0xa9: {  	s2 =	sadd.s32 s11, s2;
	s17 =	sadd.s32 s4, s17;
	s11 =	sor.u32 $0x30, s4;
	v7 =	vshrl.u32 v11, $0x10;
	v11 =	vand.u32 $0xFFFF0000, v8;
	v8 =	vld.idx.msk [tilespmem:v9+s5+$0x0], $0xffff  }
0xaa: {  	s18 =	sadd.s32 s15, s2;
	s23 =	sadd.s32 s11, s20;
	v5 =	vshrl.u32 v5, $0x10;
	v6 =	vand.u32 $0xFFFF0000, v6;
	v9 =	vor.u32 v7, v11;
	v7 =	vld.idx.msk [tilespmem:v0+s17+$0x1000 ss:$0x1], $0xffff  }
0xab: {  	s24 =	sadd.s32 s24, s2;
	s15 =	sor.u32 $0x20, s4;
	v5 =	vor.u32 v5, v6;
	v11 =	vand.u32 $0xFFFF0000, v12;
	[tilespmem:s18+$0x0] =	vst v9;
	v9 =	vld [tilespmem:s23+$0x0];
	v6 =	vshrl.u32 v13, $0x10  }
0xac: {  	s1 =	sadd.s32 s1, s2;
	s25 =	sadd.s32 s15, s20;
	[tilespmem:s24+$0x0] =	vst v5;
	v5 =	vor.u32 v6, v11;
	v6 =	vld.idx.msk [tilespmem:v14+s5+$0x0], $0xffff  }
0xad: {  	s13 =	sadd.s32 s13, s2;
	s2 =	rddreg [dreg:$0x8];
	v10 =	vand.u32 $0xFFFF0000, v10;
	s24 =	simm.s32 $0x400;
	[tilespmem:s1+$0x0] =	vst v5;
	v5 =	vld [tilespmem:s25+$0x0]  }
.LBB2_13:
0xae: {  	s25 =	sand.u32 $0xC00, s24;
	s7 =	sadd.s32 $0x1100, s24;
	s8 =	smov.u32 s3;
	v11 =	vld.idx.msk [tilespmem:v2+s5+$0x0], $0xffff  }
0xaf: {  	s3 =	sadd.s32 $0x40, s3;
	s18 =	sadd.s32 $0x1080, s24;
	s2 =	sadd.s32 s16, s2;
	v2 =	vshrl.u32 v8, $0x10;
	v8 =	vld.idx.msk [tilespmem:v1+s5+$0x0], $0xffff  }
0xb0: {  	s1 =	sand.u32 $0x40, s3;
	s20 =	sadd.s32 $0x260, s8;
	s16 =	sadd.s32 s25, s0;
	v12 =	vld.idx.msk [tilespmem:v3+s5+$0x0], $0xffff  }
0xb1: {  	s23 =	sadd.s32 $0x250, s8;
	s18 =	sand.u32 $0x1C00, s18;
	s7 =	sand.u32 $0x1C00, s7;
	v2 =	vor.u32 v2, v10;
	v3 =	vld.idx.msk [tilespmem:v4+s5+$0x0], $0xffff  }
0xb2: {  	s8 =	sadd.s32 $0x270, s8;
	s18 =	sadd.s32 s18, s0;
	[tilespmem:s13+$0x0] =	vst v2;
	s13 =	sand.u32 $0x50, s23;
	v7 =	vld.idx.msk [tilespmem:v7+s5+$0x0], $0xffff  }
0xb3: {  	s20 =	sand.u32 $0x60, s20;
	s7 =	sadd.s32 s7, s0;
	v9 =	vld.idx.msk [tilespmem:v9+s5+$0x0], $0xffff;
	s13 =	sadd.s32 s13, s18  }
0xb4: {  	s7 =	sadd.s32 s20, s7;
	s23 =	sadd.s32 s31, s16;
	v13 =	vld.idx.msk [tilespmem:v0+s13+$0x0 ss:$0x1], $0xffff;
	s13 =	sadd.s32 $0x1180, s24  }
0xb5: {  	s14 =	sor.u32 $0x10, s1;
	s18 =	sadd.s32 s1, s23;
	v2 =	vld.idx.msk [tilespmem:v0+s7+$0x0 ss:$0x1], $0xffff;
	s13 =	sand.u32 $0x1C00, s13  }
0xb6: {  	s8 =	sand.u32 $0x70, s8;
	v1 =	vld [tilespmem:s18+$0x0];
	s18 =	sadd.s32 s14, s23;
	s20 =	sadd.s32 s13, s0  }
0xb7: {  	v10 =	vand.u32 $0xFFFF0000, v3;
	v3 =	vld [tilespmem:s18+$0x0];
	s7 =	sadd.s32 s8, s20  }
0xb8: {  	s10 =	sadd.s32 s10, s2;
	p1 =	slt.u32 s3, $0x1C0;
	s17 =	sor.u32 $0x20, s1;
	v8 =	vshrl.u32 v8, $0x10;
	v7 =	vand.u32 $0xFFFF0000, v7;
	v4 =	vld.idx.msk [tilespmem:v0+s7+$0x0 ss:$0x1], $0xffff  }
.Ltmp8:
0xb9: {  	s16 =	sadd.s32 s1, s16;
	v6 =	vand.u32 $0xFFFF0000, v6;
	v12 =	vshrl.u32 v12, $0x10;
	s20 =	sor.u32 $0x30, s1;
	v63 =	vor.u32 v8, v7;
	v8 =	vld.idx.msk [tilespmem:v5+s5+$0x0], $0xffff;
	(pc) =	sbr.rel @p1 .LBB2_13-.Ltmp8, $4  }
0xba: {  	s4 =	sadd.s32 s4, s2;
	s18 =	sadd.s32 s17, s23;
	v6 =	vor.u32 v12, v6;
	v5 =	vshrl.u32 v9, $0x10;
	v7 =	vld.idx.msk [tilespmem:v0+s16+$0x1000 ss:$0x1], $0xffff;
	s23 =	sadd.s32 s20, s23  }
0xbb: {  	s24 =	sadd.s32 $0x200, s24;
	s13 =	sadd.s32 s15, s2;
	s2 =	sadd.s32 s11, s2;
	[tilespmem:s10+$0x0] =	vst v6;
	v5 =	vor.u32 v5, v10;
	v9 =	vld [tilespmem:s23+$0x0]  }
0xbc: {  	s15 =	smov.u32 s17;
	s16 =	smov.u32 s25;
	s10 =	smov.u32 s14;
	[tilespmem:s2+$0x0] =	vst v5;
	v5 =	vld [tilespmem:s18+$0x0]  }
0xbd: {  	s11 =	smov.u32 s20;
	[tilespmem:s4+$0x0] =	vst v63;
	v10 =	vand.u32 $0xFFFF0000, v11;
	s4 =	smov.u32 s1;
	s2 =	rddreg [dreg:$0x8];
	v6 =	vld.idx.msk [tilespmem:v13+s5+$0x0], $0xffff  }
0xbe: {  	_ =	sdelay $0x3  }
0xbf: {  	v0 =	vld.idx.msk [tilespmem:v2+s5+$0x0], $0xffff  }
0xc0: {  	v57 =	vld.idx.msk [tilespmem:v3+s5+$0x0], $0xffff  }
0xc1: {  	v58 =	vld.idx.msk [tilespmem:v4+s5+$0x0], $0xffff  }
0xc2: {  	v1 =	vld.idx.msk [tilespmem:v1+s5+$0x0], $0xffff  }
0xc3: {  	v59 =	vld.idx.msk [tilespmem:v7+s5+$0x0], $0xffff  }
0xc4: {  	v60 =	vld.idx.msk [tilespmem:v9+s5+$0x0], $0xffff  }
0xc5: {  	v5 =	vld.idx.msk [tilespmem:v5+s5+$0x0], $0xffff  }
0xc6: {  	v8 =	vshrl.u32 v8, $0x10;
	s30 =	sadd.s32 $0x1, s30  }
0xc7: {  	s0 =	sadd.s32 s16, s2;
	v8 =	vor.u32 v8, v10;
	p1 =	sne.s32 s30, $0x10;
	v6 =	vand.u32 $0xFFFF0000, v6;
	v2 =	vshrl.u32 v57, $0x10  }
.Ltmp9:
0xc8: {  	s1 =	sadd.s32 s10, s0;
	[tilespmem:s13+$0x0] =	vst v8;
	v1 =	vshrl.u32 v1, $0x10;
	v4 =	vand.u32 $0xFFFF0000, v59;
	v2 =	vor.u32 v2, v6;
	(pc) =	sbr.rel @p1 .LBB2_12-.Ltmp9, $4  }
0xc9: {  	s2 =	sadd.s32 s4, s0;
	v3 =	vand.u32 $0xFFFF0000, v58;
	v1 =	vor.u32 v1, v4;
	[tilespmem:s1+$0x0] =	vst v2;
	v61 =	vshrl.u32 v60, $0x10  }
0xca: {  	s31 =	sadd.s32 s11, s0;
	v0 =	vand.u32 $0xFFFF0000, v0;
	[tilespmem:s2+$0x0] =	vst v1;
	v62 =	vor.u32 v61, v3;
	v63 =	vshrl.u32 v5, $0x10  }
0xcb: {  	s0 =	sadd.s32 s15, s0;
	[tilespmem:s31+$0x0] =	vst v62;
	v0 =	vor.u32 v63, v0  }
0xcc: {  	[tilespmem:s0+$0x0] =	vst v0  }
0xcd: {  	s26 =	sadd.s32 $0x1, s26  }
0xce: {  	p1 =	seq.s32 s26, $0x8  }
.Ltmp10:
0xcf: {  	_ = 	snop;
	(pc) =	sbr.rel @!p1 .LBB2_3-.Ltmp10, $4  }
.Ltmp11:
0xd0: {  	s0 =	sadd.s32 s9, s28;
	(pc) =	sbr.rel @p1 .LBB2_30-.Ltmp11, $4  }
0xd1: {  	s0 =	sshll.u32 s0, $0x6  }
0xd2: {  	s1 =	simm.s32 $0xA200;
	s0 =	sadd.s32 s6, s0  }
0xd3: {  	[hbm4b:s0+s5] =	stream.linear.scatter [tilespmem:s1], [sflag:$0x4], $0x2000, $0x38;
	[tilespmem:$0xC200] =	vst v63  }
0xd4: {  	_ = 	snop  }
.LBB2_16:
0xd5: {  	s0 =	rddreg [dreg:$0xb];
	s1 =	simm.s32 $0x200  }
0xd6: {  	[tilespmem:s1], [sflag:$0x1] =	stream.linear.gather [hbm4b:s0+s26], $0x4000, $0x38;
	[tilespmem:$0xC200] =	vst v63  }
.LBB2_17:
0xd7: {  	s0 =	sshll.u32 s26, $0x5  }
0xd8: {  	s25 =	rddreg [dreg:$0x9];
	s28 =	sor.u32 $0x10, s0  }
0xd9: {  	s0 =	sadd.s32 s25, s28  }
0xda: {  	s1 =	rddreg [dreg:$0x1];
	s0 =	sshll.u32 s0, $0x7  }
0xdb: {  	s31 =	simm.s32 $0x4200;
	s0 =	sadd.s32 s1, s0  }
0xdc: {  	[tilespmem:s31], [sflag:$0x2] =	stream.linear.gather [hbm4b:s0+s5], $0x4000, $0x38;
	[tilespmem:$0xC200] =	vst v63  }
0xdd: {  	_ =	swait.ge [sflag:s19], $0x4000  }
0xde: {  	p1 =	seq.s32 s26, $0x0;
	[sflag:s19] =	ssyncset.done $0x0  }
0xdf: {  	s0 =	simm.s32 @!p1 $0x3;
	[sflag:s19] =	ssyncadd.s32 $0xFFFFC000  }
0xe0: {  	_ =	swait.ge @!p1 [sflag:s0], $0x2000  }
0xe1: {  	[sflag:s0] =	ssyncset.done @!p1 $0x0  }
0xe2: {  	s29 =	sshll.u32 s26, $0xF;
	s30 =	simm.s32 $0x0;
	[sflag:s0] =	ssyncadd.s32 @!p1 $0xFFFFE000  }
.LBB2_18:
0xe3: {  	s0 =	sshll.u32 s30, $0x7;
	s1 =	sshll.u32 s30, $0x9  }
0xe4: {  	s16 =	sshll.u32 s30, $0xA;
	s17 =	simm.s32 $0x0;
	s18 =	simm.s32 $0x0  }
0xe5: {  	s20 =	simm.s32 $0x1100;
	s23 =	simm.s32 $0x1080;
	s3 =	simm.s32 $0x220  }
0xe6: {  	s4 =	simm.s32 $0x210;
	s31 =	sand.u32 $0x380, s0;
	s15 =	sand.u32 $0x3FFFF000, s1  }
0xe7: {  	s1 =	sand.u32 $0x3FFFE000, s16;
	s11 =	sand.u32 $0xC00, s17;
	s0 =	sor.u32 s31, s15;
	v0 =	vmov s31  }
0xe8: {  	s24 =	sand.u32 $0x40, s18;
	s4 =	sand.u32 $0x50, s4;
	s2 =	sadd.s32 $0x8200, s0  }
0xe9: {  	s0 =	sor.u32 $0x200, s1;
	[dreg:$0x5] =	wrdreg s2;
	s2 =	sand.u32 $0x1C00, s23  }
0xea: {  	s3 =	sand.u32 $0x60, s3;
	s1 =	sand.u32 $0x1C00, s20;
	s2 =	sadd.s32 s2, s0  }
0xeb: {  	s7 =	sadd.s32 s11, s0;
	s1 =	sadd.s32 s1, s0;
	s2 =	sadd.s32 s4, s2  }
0xec: {  	s15 =	sor.u32 $0x10, s24;
	s25 =	sadd.s32 s31, s7;
	s1 =	sadd.s32 s3, s1;
	v1 =	vld.idx.msk [tilespmem:v0+s2+$0x0 ss:$0x1], $0xffff  }
0xed: {  	s10 =	simm.s32 $0x1180;
	s8 =	sadd.s32 s15, s25;
	v2 =	vld.idx.msk [tilespmem:v0+s1+$0x0 ss:$0x1], $0xffff  }
0xee: {  	s13 =	simm.s32 $0x230;
	s16 =	sadd.s32 s24, s25;
	s2 =	sand.u32 $0x1C00, s10;
	v3 =	vld [tilespmem:s8+$0x0]  }
0xef: {  	s14 =	sand.u32 $0x70, s13;
	s17 =	sadd.s32 s24, s7;
	v5 =	vld [tilespmem:s16+$0x0];
	s2 =	sadd.s32 s2, s0  }
0xf0: {  	s13 =	sor.u32 $0x20, s24;
	v6 =	vld.idx.msk [tilespmem:v0+s17+$0x1000 ss:$0x1], $0xffff;
	s1 =	sadd.s32 s14, s2  }
0xf1: {  	s20 =	sadd.s32 s13, s25;
	v4 =	vld.idx.msk [tilespmem:v0+s1+$0x0 ss:$0x1], $0xffff;
	s1 =	sor.u32 $0x30, s24  }
0xf2: {  	v9 =	vld [tilespmem:s20+$0x0];
	s18 =	sadd.s32 s1, s25  }
0xf3: {  	s23 =	simm.s32 $0x200;
	v7 =	vld [tilespmem:s18+$0x0]  }
0xf4: {  	s3 =	simm.s32 $0x40;
	s16 =	sand.u32 $0xC00, s23;
	v8 =	vld.idx.msk [tilespmem:v1+s5+$0x0], $0xffff  }
0xf5: {  	s4 =	sand.u32 $0x40, s3;
	s20 =	simm.s32 $0x1280;
	s17 =	sadd.s32 s16, s0;
	v10 =	vld.idx.msk [tilespmem:v2+s5+$0x0], $0xffff  }
0xf6: {  	s8 =	sand.u32 $0x1C00, s20;
	s14 =	simm.s32 $0x260;
	s18 =	simm.s32 $0x250;
	v11 =	vld.idx.msk [tilespmem:v3+s5+$0x0], $0xffff  }
0xf7: {  	s8 =	sadd.s32 s8, s0;
	s25 =	simm.s32 $0x1300;
	s18 =	sand.u32 $0x50, s18;
	v5 =	vld.idx.msk [tilespmem:v5+s5+$0x0], $0xffff  }
0xf8: {  	s20 =	sadd.s32 s31, s17;
	s7 =	sand.u32 $0x1C00, s25;
	s8 =	sadd.s32 s18, s8;
	v6 =	vld.idx.msk [tilespmem:v6+s5+$0x0], $0xffff  }
0xf9: {  	s14 =	sand.u32 $0x60, s14;
	s23 =	sadd.s32 s4, s20;
	s7 =	sadd.s32 s7, s0;
	v14 =	vld.idx.msk [tilespmem:v0+s8+$0x0 ss:$0x1], $0xffff  }
0xfa: {  	s7 =	sadd.s32 s14, s7;
	v1 =	vld [tilespmem:s23+$0x0]  }
0xfb: {  	s25 =	simm.s32 $0x1380;
	v2 =	vld.idx.msk [tilespmem:v0+s7+$0x0 ss:$0x1], $0xffff  }
0xfc: {  	s10 =	sor.u32 $0x10, s4;
	s23 =	simm.s32 $0x270;
	s8 =	sand.u32 $0x1C00, s25;
	v12 =	vld.idx.msk [tilespmem:v4+s5+$0x0], $0xffff  }
0xfd: {  	s25 =	sadd.s32 s10, s20;
	s14 =	sand.u32 $0x70, s23;
	s8 =	sadd.s32 s8, s0;
	v13 =	vld.idx.msk [tilespmem:v7+s5+$0x0], $0xffff  }
0xfe: {  	v3 =	vld [tilespmem:s25+$0x0];
	s7 =	sadd.s32 s14, s8  }
0xff: {  	s2 =	rddreg [dreg:$0x5];
	v4 =	vld.idx.msk [tilespmem:v0+s7+$0x0 ss:$0x1], $0xffff  }
0x100: {  	s17 =	sadd.s32 s4, s17;
	s2 =	sadd.s32 s11, s2;
	s11 =	sor.u32 $0x30, s4;
	v7 =	vshrl.u32 v11, $0x10;
	v11 =	vand.u32 $0xFFFF0000, v8;
	v8 =	vld.idx.msk [tilespmem:v9+s5+$0x0], $0xffff  }
0x101: {  	s18 =	sadd.s32 s15, s2;
	s23 =	sadd.s32 s11, s20;
	v5 =	vshrl.u32 v5, $0x10;
	v6 =	vand.u32 $0xFFFF0000, v6;
	v9 =	vor.u32 v7, v11;
	v7 =	vld.idx.msk [tilespmem:v0+s17+$0x1000 ss:$0x1], $0xffff  }
0x102: {  	s24 =	sadd.s32 s24, s2;
	s15 =	sor.u32 $0x20, s4;
	v5 =	vor.u32 v5, v6;
	[tilespmem:s18+$0x0] =	vst v9;
	v9 =	vld [tilespmem:s23+$0x0];
	v11 =	vand.u32 $0xFFFF0000, v12;
	v6 =	vshrl.u32 v13, $0x10  }
0x103: {  	s1 =	sadd.s32 s1, s2;
	s25 =	sadd.s32 s15, s20;
	[tilespmem:s24+$0x0] =	vst v5;
	v5 =	vor.u32 v6, v11;
	v6 =	vld.idx.msk [tilespmem:v14+s5+$0x0], $0xffff  }
0x104: {  	s13 =	sadd.s32 s13, s2;
	s2 =	rddreg [dreg:$0x5];
	v10 =	vand.u32 $0xFFFF0000, v10;
	s24 =	simm.s32 $0x400;
	[tilespmem:s1+$0x0] =	vst v5;
	v5 =	vld [tilespmem:s25+$0x0]  }
.LBB2_19:
0x105: {  	s25 =	sand.u32 $0xC00, s24;
	s7 =	sadd.s32 $0x1100, s24;
	s8 =	smov.u32 s3;
	v11 =	vld.idx.msk [tilespmem:v2+s5+$0x0], $0xffff  }
0x106: {  	s3 =	sadd.s32 $0x40, s3;
	s18 =	sadd.s32 $0x1080, s24;
	s2 =	sadd.s32 s16, s2;
	v2 =	vshrl.u32 v8, $0x10;
	v8 =	vld.idx.msk [tilespmem:v1+s5+$0x0], $0xffff  }
0x107: {  	s1 =	sand.u32 $0x40, s3;
	s20 =	sadd.s32 $0x260, s8;
	s16 =	sadd.s32 s25, s0;
	v12 =	vld.idx.msk [tilespmem:v3+s5+$0x0], $0xffff  }
0x108: {  	s23 =	sadd.s32 $0x250, s8;
	s18 =	sand.u32 $0x1C00, s18;
	s7 =	sand.u32 $0x1C00, s7;
	v2 =	vor.u32 v2, v10;
	v3 =	vld.idx.msk [tilespmem:v4+s5+$0x0], $0xffff  }
0x109: {  	s8 =	sadd.s32 $0x270, s8;
	s18 =	sadd.s32 s18, s0;
	[tilespmem:s13+$0x0] =	vst v2;
	s13 =	sand.u32 $0x50, s23;
	v7 =	vld.idx.msk [tilespmem:v7+s5+$0x0], $0xffff  }
0x10a: {  	s20 =	sand.u32 $0x60, s20;
	s7 =	sadd.s32 s7, s0;
	v9 =	vld.idx.msk [tilespmem:v9+s5+$0x0], $0xffff;
	s13 =	sadd.s32 s13, s18  }
0x10b: {  	s7 =	sadd.s32 s20, s7;
	s23 =	sadd.s32 s31, s16;
	v13 =	vld.idx.msk [tilespmem:v0+s13+$0x0 ss:$0x1], $0xffff;
	s13 =	sadd.s32 $0x1180, s24  }
0x10c: {  	s14 =	sor.u32 $0x10, s1;
	s18 =	sadd.s32 s1, s23;
	v2 =	vld.idx.msk [tilespmem:v0+s7+$0x0 ss:$0x1], $0xffff;
	s13 =	sand.u32 $0x1C00, s13  }
0x10d: {  	s8 =	sand.u32 $0x70, s8;
	v1 =	vld [tilespmem:s18+$0x0];
	s18 =	sadd.s32 s14, s23;
	s20 =	sadd.s32 s13, s0  }
0x10e: {  	v10 =	vand.u32 $0xFFFF0000, v3;
	v3 =	vld [tilespmem:s18+$0x0];
	s7 =	sadd.s32 s8, s20  }
0x10f: {  	s10 =	sadd.s32 s10, s2;
	p2 =	slt.u32 s3, $0x1C0;
	s17 =	sor.u32 $0x20, s1;
	v8 =	vshrl.u32 v8, $0x10;
	v7 =	vand.u32 $0xFFFF0000, v7;
	v4 =	vld.idx.msk [tilespmem:v0+s7+$0x0 ss:$0x1], $0xffff  }
.Ltmp12:
0x110: {  	s16 =	sadd.s32 s1, s16;
	v6 =	vand.u32 $0xFFFF0000, v6;
	v12 =	vshrl.u32 v12, $0x10;
	s20 =	sor.u32 $0x30, s1;
	v63 =	vor.u32 v8, v7;
	v8 =	vld.idx.msk [tilespmem:v5+s5+$0x0], $0xffff;
	(pc) =	sbr.rel @p2 .LBB2_19-.Ltmp12, $4  }
0x111: {  	s4 =	sadd.s32 s4, s2;
	s18 =	sadd.s32 s17, s23;
	v6 =	vor.u32 v12, v6;
	v5 =	vshrl.u32 v9, $0x10;
	v7 =	vld.idx.msk [tilespmem:v0+s16+$0x1000 ss:$0x1], $0xffff;
	s23 =	sadd.s32 s20, s23  }
0x112: {  	s24 =	sadd.s32 $0x200, s24;
	s13 =	sadd.s32 s15, s2;
	s2 =	sadd.s32 s11, s2;
	[tilespmem:s10+$0x0] =	vst v6;
	v5 =	vor.u32 v5, v10;
	v9 =	vld [tilespmem:s23+$0x0]  }
0x113: {  	s15 =	smov.u32 s17;
	s16 =	smov.u32 s25;
	s10 =	smov.u32 s14;
	[tilespmem:s2+$0x0] =	vst v5;
	v5 =	vld [tilespmem:s18+$0x0]  }
0x114: {  	s11 =	smov.u32 s20;
	[tilespmem:s4+$0x0] =	vst v63;
	v10 =	vand.u32 $0xFFFF0000, v11;
	s4 =	smov.u32 s1;
	s2 =	rddreg [dreg:$0x5];
	v6 =	vld.idx.msk [tilespmem:v13+s5+$0x0], $0xffff  }
0x115: {  	_ =	sdelay $0x3  }
0x116: {  	v0 =	vld.idx.msk [tilespmem:v2+s5+$0x0], $0xffff  }
0x117: {  	v57 =	vld.idx.msk [tilespmem:v3+s5+$0x0], $0xffff  }
0x118: {  	v58 =	vld.idx.msk [tilespmem:v4+s5+$0x0], $0xffff  }
0x119: {  	v1 =	vld.idx.msk [tilespmem:v1+s5+$0x0], $0xffff  }
0x11a: {  	v59 =	vld.idx.msk [tilespmem:v7+s5+$0x0], $0xffff  }
0x11b: {  	v60 =	vld.idx.msk [tilespmem:v9+s5+$0x0], $0xffff  }
0x11c: {  	v5 =	vld.idx.msk [tilespmem:v5+s5+$0x0], $0xffff  }
0x11d: {  	v8 =	vshrl.u32 v8, $0x10;
	s30 =	sadd.s32 $0x1, s30  }
0x11e: {  	s0 =	sadd.s32 s16, s2;
	v8 =	vor.u32 v8, v10;
	p2 =	sne.s32 s30, $0x10;
	v6 =	vand.u32 $0xFFFF0000, v6;
	v2 =	vshrl.u32 v57, $0x10  }
.Ltmp13:
0x11f: {  	s1 =	sadd.s32 s10, s0;
	[tilespmem:s13+$0x0] =	vst v8;
	v1 =	vshrl.u32 v1, $0x10;
	v4 =	vand.u32 $0xFFFF0000, v59;
	v2 =	vor.u32 v2, v6;
	(pc) =	sbr.rel @p2 .LBB2_18-.Ltmp13, $4  }
0x120: {  	s2 =	sadd.s32 s4, s0;
	v3 =	vand.u32 $0xFFFF0000, v58;
	v1 =	vor.u32 v1, v4;
	[tilespmem:s1+$0x0] =	vst v2;
	v61 =	vshrl.u32 v60, $0x10  }
0x121: {  	s31 =	sadd.s32 s11, s0;
	v0 =	vand.u32 $0xFFFF0000, v0;
	[tilespmem:s2+$0x0] =	vst v1;
	v62 =	vor.u32 v61, v3;
	v63 =	vshrl.u32 v5, $0x10  }
0x122: {  	s0 =	sadd.s32 s15, s0;
	[tilespmem:s31+$0x0] =	vst v62;
	v0 =	vor.u32 v63, v0  }
0x123: {  	[tilespmem:s0+$0x0] =	vst v0  }
0x124: {  	p2 =	sne.s32 s26, $0x7  }
.Ltmp14:
0x125: {  	_ = 	snop;
	(pc) =	sbr.rel @p2 .LBB2_23-.Ltmp14, $4  }
0x126: {  	_ = 	snop  }
0x127: {  	s0 =	sshll.u32 s26, $0xB  }
0x128: {  	s1 =	simm.s32 $0x8200;
	s0 =	sadd.s32 s0, s12  }
0x129: {  	[hbm4b:s0+s5] =	stream.linear.scatter [tilespmem:s1], [sflag:$0x3], $0x2000, $0x38;
	[tilespmem:$0xC200] =	vst v63  }
.Ltmp15:
0x12a: {  	(pc) =	sbr.rel .LBB2_24-.Ltmp15, $4  }
0x12b: {  	_ = 	snop  }
0x12c: {  	_ =	swait.ge [sflag:s21], $0x4000  }
0x12d: {  	[sflag:s21] =	ssyncset.done $0x0  }
0x12e: {  	[sflag:s21] =	ssyncadd.s32 $0xFFFFC000  }
.LBB2_23:
0x12f: {  	s0 =	rddreg [dreg:$0xd]  }
0x130: {  	s0 =	sadd.s32 s29, s0  }
0x131: {  	s1 =	rddreg [dreg:$0x1];
	s0 =	sshrl.u32 s0, $0x3  }
.Ltmp16:
0x132: {  	s31 =	simm.s32 $0x200;
	s0 =	sadd.s32 s1, s0;
	(pc) =	sbr.rel @p1 .LBB2_25-.Ltmp16, $4  }
0x133: {  	[tilespmem:s31], [sflag:$0x1] =	stream.linear.gather [hbm4b:s0+s5], $0x4000, $0x38;
	[tilespmem:$0xC200] =	vst v63  }
0x134: {  	_ =	swait.ge [sflag:s21], $0x4000  }
0x135: {  	[sflag:s21] =	ssyncset.done $0x0  }
0x136: {  	[sflag:s21] =	ssyncadd.s32 $0xFFFFC000  }
.LBB2_24:
0x137: {  	_ =	swait.ge [sflag:s22], $0x2000  }
0x138: {  	[sflag:s22] =	ssyncset.done $0x0  }
0x139: {  	[sflag:s22] =	ssyncadd.s32 $0xFFFFE000  }
.LBB2_25:
0x13a: {  	s29 =	simm.s32 $0x0;
	s30 =	simm.s32 $0x0  }
.LBB2_26:
0x13b: {  	s0 =	sshll.u32 s30, $0x7  }
0x13c: {  	s1 =	sshll.u32 s30, $0x9;
	s17 =	sshll.u32 s30, $0xA;
	s18 =	simm.s32 $0x0  }
0x13d: {  	s11 =	sand.u32 $0xC00, s29;
	s20 =	simm.s32 $0x1100;
	s23 =	simm.s32 $0x1080  }
0x13e: {  	s3 =	simm.s32 $0x220;
	s4 =	simm.s32 $0x210;
	s31 =	sand.u32 $0x380, s0  }
0x13f: {  	s10 =	simm.s32 $0x1180;
	s13 =	simm.s32 $0x230;
	s16 =	sand.u32 $0x3FFFF000, s1;
	v0 =	vmov s31  }
0x140: {  	s1 =	sand.u32 $0x3FFFE000, s17;
	s24 =	sand.u32 $0x40, s18;
	s0 =	sor.u32 s31, s16  }
0x141: {  	s2 =	sadd.s32 $0xA200, s0;
	s0 =	sadd.s32 $0x4200, s1;
	s1 =	sand.u32 $0x1C00, s23  }
0x142: {  	s4 =	sand.u32 $0x50, s4;
	s7 =	sadd.s32 s11, s0;
	s1 =	sadd.s32 s1, s0  }
0x143: {  	[dreg:$0x6] =	wrdreg s2;
	s1 =	sadd.s32 s4, s1;
	s25 =	sadd.s32 s31, s7  }
0x144: {  	s3 =	sand.u32 $0x60, s3;
	s14 =	sand.u32 $0x70, s13;
	s16 =	sadd.s32 s24, s25;
	v1 =	vld.idx.msk [tilespmem:v0+s1+$0x0 ss:$0x1], $0xffff  }
0x145: {  	s13 =	sor.u32 $0x20, s24;
	s2 =	sand.u32 $0x1C00, s20;
	s17 =	sadd.s32 s24, s7;
	v5 =	vld [tilespmem:s16+$0x0]  }
0x146: {  	s8 =	sadd.s32 s2, s0;
	s2 =	sand.u32 $0x1C00, s10;
	s20 =	sadd.s32 s13, s25;
	v6 =	vld.idx.msk [tilespmem:v0+s17+$0x1000 ss:$0x1], $0xffff  }
0x147: {  	s2 =	sadd.s32 s2, s0;
	s1 =	sadd.s32 s3, s8;
	v9 =	vld [tilespmem:s20+$0x0]  }
0x148: {  	s15 =	sor.u32 $0x10, s24;
	v2 =	vld.idx.msk [tilespmem:v0+s1+$0x0 ss:$0x1], $0xffff;
	s1 =	sadd.s32 s14, s2  }
0x149: {  	s8 =	sadd.s32 s15, s25;
	v4 =	vld.idx.msk [tilespmem:v0+s1+$0x0 ss:$0x1], $0xffff;
	s1 =	sor.u32 $0x30, s24  }
0x14a: {  	s20 =	simm.s32 $0x1280;
	v3 =	vld [tilespmem:s8+$0x0];
	s18 =	sadd.s32 s1, s25  }
0x14b: {  	s8 =	sand.u32 $0x1C00, s20;
	v7 =	vld [tilespmem:s18+$0x0];
	s18 =	simm.s32 $0x250  }
0x14c: {  	s8 =	sadd.s32 s8, s0;
	s18 =	sand.u32 $0x50, s18  }
0x14d: {  	s23 =	simm.s32 $0x200;
	s8 =	sadd.s32 s18, s8  }
0x14e: {  	s16 =	sand.u32 $0xC00, s23;
	v14 =	vld.idx.msk [tilespmem:v0+s8+$0x0 ss:$0x1], $0xffff  }
0x14f: {  	s3 =	simm.s32 $0x40;
	s17 =	sadd.s32 s16, s0;
	v8 =	vld.idx.msk [tilespmem:v1+s5+$0x0], $0xffff  }
0x150: {  	s4 =	sand.u32 $0x40, s3;
	s20 =	sadd.s32 s31, s17;
	v5 =	vld.idx.msk [tilespmem:v5+s5+$0x0], $0xffff  }
0x151: {  	s25 =	simm.s32 $0x1300;
	s23 =	sadd.s32 s4, s20;
	v6 =	vld.idx.msk [tilespmem:v6+s5+$0x0], $0xffff  }
0x152: {  	s14 =	simm.s32 $0x260;
	s7 =	sand.u32 $0x1C00, s25;
	v1 =	vld [tilespmem:s23+$0x0]  }
0x153: {  	s14 =	sand.u32 $0x60, s14;
	s7 =	sadd.s32 s7, s0;
	v10 =	vld.idx.msk [tilespmem:v2+s5+$0x0], $0xffff  }
0x154: {  	s7 =	sadd.s32 s14, s7;
	v11 =	vld.idx.msk [tilespmem:v3+s5+$0x0], $0xffff  }
0x155: {  	s25 =	simm.s32 $0x1380;
	v2 =	vld.idx.msk [tilespmem:v0+s7+$0x0 ss:$0x1], $0xffff  }
0x156: {  	s10 =	sor.u32 $0x10, s4;
	s8 =	sand.u32 $0x1C00, s25;
	s23 =	simm.s32 $0x270;
	v12 =	vld.idx.msk [tilespmem:v4+s5+$0x0], $0xffff  }
0x157: {  	s25 =	sadd.s32 s10, s20;
	s8 =	sadd.s32 s8, s0;
	s14 =	sand.u32 $0x70, s23;
	v13 =	vld.idx.msk [tilespmem:v7+s5+$0x0], $0xffff  }
0x158: {  	v3 =	vld [tilespmem:s25+$0x0];
	s7 =	sadd.s32 s14, s8  }
0x159: {  	s2 =	rddreg [dreg:$0x6];
	v4 =	vld.idx.msk [tilespmem:v0+s7+$0x0 ss:$0x1], $0xffff  }
0x15a: {  	s2 =	sadd.s32 s11, s2;
	s17 =	sadd.s32 s4, s17;
	s11 =	sor.u32 $0x30, s4;
	v7 =	vshrl.u32 v11, $0x10;
	v11 =	vand.u32 $0xFFFF0000, v8;
	v8 =	vld.idx.msk [tilespmem:v9+s5+$0x0], $0xffff  }
0x15b: {  	s18 =	sadd.s32 s15, s2;
	s23 =	sadd.s32 s11, s20;
	v5 =	vshrl.u32 v5, $0x10;
	v6 =	vand.u32 $0xFFFF0000, v6;
	v9 =	vor.u32 v7, v11;
	v7 =	vld.idx.msk [tilespmem:v0+s17+$0x1000 ss:$0x1], $0xffff  }
0x15c: {  	s24 =	sadd.s32 s24, s2;
	s15 =	sor.u32 $0x20, s4;
	v5 =	vor.u32 v5, v6;
	v11 =	vand.u32 $0xFFFF0000, v12;
	[tilespmem:s18+$0x0] =	vst v9;
	v9 =	vld [tilespmem:s23+$0x0];
	v6 =	vshrl.u32 v13, $0x10  }
0x15d: {  	s1 =	sadd.s32 s1, s2;
	s25 =	sadd.s32 s15, s20;
	[tilespmem:s24+$0x0] =	vst v5;
	v5 =	vor.u32 v6, v11;
	v6 =	vld.idx.msk [tilespmem:v14+s5+$0x0], $0xffff  }
0x15e: {  	s13 =	sadd.s32 s13, s2;
	s2 =	rddreg [dreg:$0x6];
	v10 =	vand.u32 $0xFFFF0000, v10;
	s24 =	simm.s32 $0x400;
	[tilespmem:s1+$0x0] =	vst v5;
	v5 =	vld [tilespmem:s25+$0x0]  }
.LBB2_27:
0x15f: {  	s25 =	sand.u32 $0xC00, s24;
	s7 =	sadd.s32 $0x1100, s24;
	s8 =	smov.u32 s3;
	v11 =	vld.idx.msk [tilespmem:v2+s5+$0x0], $0xffff  }
0x160: {  	s3 =	sadd.s32 $0x40, s3;
	s18 =	sadd.s32 $0x1080, s24;
	s2 =	sadd.s32 s16, s2;
	v2 =	vshrl.u32 v8, $0x10;
	v8 =	vld.idx.msk [tilespmem:v1+s5+$0x0], $0xffff  }
0x161: {  	s1 =	sand.u32 $0x40, s3;
	s20 =	sadd.s32 $0x260, s8;
	s16 =	sadd.s32 s25, s0;
	v12 =	vld.idx.msk [tilespmem:v3+s5+$0x0], $0xffff  }
0x162: {  	s23 =	sadd.s32 $0x250, s8;
	s18 =	sand.u32 $0x1C00, s18;
	s7 =	sand.u32 $0x1C00, s7;
	v2 =	vor.u32 v2, v10;
	v3 =	vld.idx.msk [tilespmem:v4+s5+$0x0], $0xffff  }
0x163: {  	s8 =	sadd.s32 $0x270, s8;
	s18 =	sadd.s32 s18, s0;
	[tilespmem:s13+$0x0] =	vst v2;
	s13 =	sand.u32 $0x50, s23;
	v7 =	vld.idx.msk [tilespmem:v7+s5+$0x0], $0xffff  }
0x164: {  	s20 =	sand.u32 $0x60, s20;
	s7 =	sadd.s32 s7, s0;
	v9 =	vld.idx.msk [tilespmem:v9+s5+$0x0], $0xffff;
	s13 =	sadd.s32 s13, s18  }
0x165: {  	s7 =	sadd.s32 s20, s7;
	s23 =	sadd.s32 s31, s16;
	v13 =	vld.idx.msk [tilespmem:v0+s13+$0x0 ss:$0x1], $0xffff;
	s13 =	sadd.s32 $0x1180, s24  }
0x166: {  	s14 =	sor.u32 $0x10, s1;
	s18 =	sadd.s32 s1, s23;
	v2 =	vld.idx.msk [tilespmem:v0+s7+$0x0 ss:$0x1], $0xffff;
	s13 =	sand.u32 $0x1C00, s13  }
0x167: {  	s8 =	sand.u32 $0x70, s8;
	v1 =	vld [tilespmem:s18+$0x0];
	s18 =	sadd.s32 s14, s23;
	s20 =	sadd.s32 s13, s0  }
0x168: {  	v10 =	vand.u32 $0xFFFF0000, v3;
	v3 =	vld [tilespmem:s18+$0x0];
	s7 =	sadd.s32 s8, s20  }
0x169: {  	s10 =	sadd.s32 s10, s2;
	p1 =	slt.u32 s3, $0x1C0;
	s17 =	sor.u32 $0x20, s1;
	v8 =	vshrl.u32 v8, $0x10;
	v7 =	vand.u32 $0xFFFF0000, v7;
	v4 =	vld.idx.msk [tilespmem:v0+s7+$0x0 ss:$0x1], $0xffff  }
.Ltmp17:
0x16a: {  	s16 =	sadd.s32 s1, s16;
	v6 =	vand.u32 $0xFFFF0000, v6;
	v12 =	vshrl.u32 v12, $0x10;
	s20 =	sor.u32 $0x30, s1;
	v63 =	vor.u32 v8, v7;
	v8 =	vld.idx.msk [tilespmem:v5+s5+$0x0], $0xffff;
	(pc) =	sbr.rel @p1 .LBB2_27-.Ltmp17, $4  }
0x16b: {  	s4 =	sadd.s32 s4, s2;
	s18 =	sadd.s32 s17, s23;
	v6 =	vor.u32 v12, v6;
	v5 =	vshrl.u32 v9, $0x10;
	v7 =	vld.idx.msk [tilespmem:v0+s16+$0x1000 ss:$0x1], $0xffff;
	s23 =	sadd.s32 s20, s23  }
0x16c: {  	s24 =	sadd.s32 $0x200, s24;
	s13 =	sadd.s32 s15, s2;
	s2 =	sadd.s32 s11, s2;
	[tilespmem:s10+$0x0] =	vst v6;
	v5 =	vor.u32 v5, v10;
	v9 =	vld [tilespmem:s23+$0x0]  }
0x16d: {  	s15 =	smov.u32 s17;
	s16 =	smov.u32 s25;
	s10 =	smov.u32 s14;
	[tilespmem:s2+$0x0] =	vst v5;
	v5 =	vld [tilespmem:s18+$0x0]  }
0x16e: {  	s11 =	smov.u32 s20;
	[tilespmem:s4+$0x0] =	vst v63;
	v10 =	vand.u32 $0xFFFF0000, v11;
	s4 =	smov.u32 s1;
	s2 =	rddreg [dreg:$0x6];
	v6 =	vld.idx.msk [tilespmem:v13+s5+$0x0], $0xffff  }
0x16f: {  	_ =	sdelay $0x3  }
0x170: {  	v0 =	vld.idx.msk [tilespmem:v2+s5+$0x0], $0xffff  }
0x171: {  	v57 =	vld.idx.msk [tilespmem:v3+s5+$0x0], $0xffff  }
0x172: {  	v58 =	vld.idx.msk [tilespmem:v4+s5+$0x0], $0xffff  }
0x173: {  	v1 =	vld.idx.msk [tilespmem:v1+s5+$0x0], $0xffff  }
0x174: {  	v59 =	vld.idx.msk [tilespmem:v7+s5+$0x0], $0xffff  }
0x175: {  	v60 =	vld.idx.msk [tilespmem:v9+s5+$0x0], $0xffff  }
0x176: {  	v5 =	vld.idx.msk [tilespmem:v5+s5+$0x0], $0xffff  }
0x177: {  	v8 =	vshrl.u32 v8, $0x10;
	s30 =	sadd.s32 $0x1, s30  }
0x178: {  	s0 =	sadd.s32 s16, s2;
	v8 =	vor.u32 v8, v10;
	p1 =	sne.s32 s30, $0x10;
	v6 =	vand.u32 $0xFFFF0000, v6;
	v2 =	vshrl.u32 v57, $0x10  }
.Ltmp18:
0x179: {  	s1 =	sadd.s32 s10, s0;
	[tilespmem:s13+$0x0] =	vst v8;
	v1 =	vshrl.u32 v1, $0x10;
	v4 =	vand.u32 $0xFFFF0000, v59;
	v2 =	vor.u32 v2, v6;
	(pc) =	sbr.rel @p1 .LBB2_26-.Ltmp18, $4  }
0x17a: {  	s2 =	sadd.s32 s4, s0;
	v3 =	vand.u32 $0xFFFF0000, v58;
	v1 =	vor.u32 v1, v4;
	[tilespmem:s1+$0x0] =	vst v2;
	v61 =	vshrl.u32 v60, $0x10  }
0x17b: {  	s31 =	sadd.s32 s11, s0;
	v0 =	vand.u32 $0xFFFF0000, v0;
	[tilespmem:s2+$0x0] =	vst v1;
	v62 =	vor.u32 v61, v3;
	v63 =	vshrl.u32 v5, $0x10  }
0x17c: {  	s0 =	sadd.s32 s15, s0;
	[tilespmem:s31+$0x0] =	vst v62;
	v0 =	vor.u32 v63, v0  }
0x17d: {  	[tilespmem:s0+$0x0] =	vst v0  }
0x17e: {  	s26 =	sadd.s32 $0x1, s26  }
0x17f: {  	p1 =	sne.s32 s26, $0x8  }
.Ltmp19:
0x180: {  	_ = 	snop;
	(pc) =	sbr.rel @p1 .LBB2_17-.Ltmp19, $4  }
.Ltmp20:
0x181: {  	s0 =	sadd.s32 s9, s28;
	(pc) =	sbr.rel @!p1 .LBB2_30-.Ltmp20, $4  }
0x182: {  	s0 =	sshll.u32 s0, $0x6  }
0x183: {  	s1 =	simm.s32 $0xA200;
	s0 =	sadd.s32 s6, s0  }
0x184: {  	[hbm4b:s0+s5] =	stream.linear.scatter [tilespmem:s1], [sflag:$0x4], $0x2000, $0x38;
	[tilespmem:$0xC200] =	vst v63  }
0x185: {  	_ = 	snop  }
.LBB2_31:
0x186: {  	_ =	sfence.sel $0x180000  }
0x187: {  	[bflag:$0x0] =	sbarrier.arrive $0xFFFF  }
0x188: {  	_ =	strace $0x90000050  }
0x189: {  	s0 =	stileid.u32;
	[bflag:$0x2] =	sbarrier.arrive $0xFFFF  }
0x18a: {  	p0 =	sne.s32 s0, $0x0;
	s0 =	rddreg [dreg:$0x4]  }
0x18b: {  	s0 =	sadd.s32 @!p0 $0x100000, s0  }
0x18c: {  	[sflag:s0] =	ssyncadd.tile.s32 @!p0 $0x1;
	_ =	shalt  }
.Lfunc_end2:
_tile_overlayer_lowered:
.L_overlay_start_2:
0x18d: {  	(tag) =	ssettag $0x2  }
0x18e: {  	s0 =	rddreg [dreg:$0x0];
	s2 =	stileid.u32  }
0x18f: {  	s1 =	rddreg [dreg:$0x1];
	p0 =	sne.s32 s2, $0x0  }
0x190: {  	s3 =	rddreg [dreg:$0x2];
	[bflag:$0x3] =	sbarrier.arrive $0xFFFF;
	s2 =	simm.s32 @!p0 $0x1C05  }
0x191: {  	[timem:s3], [sflag:s2] =	dma.local @!p0 [hbm:s0], s1  }
0x192: {  	s0 =	simm.s32 @!p0 $0x5  }
0x193: {  	_ =	swait.ge @!p0 [sflag:s0], s1  }
0x194: {  	s1 =	ssub.s32 @!p0 $0x0, s1;
	[sflag:s0] =	ssyncset.done @!p0 $0x0  }
0x195: {  	[sflag:s0] =	ssyncadd.s32 @!p0 s1  }
0x196: {  	[bflag:$0x3] =	sbarrier.arrive $0xFFFF  }
0x197: {  	_ =	shalt  }

</sc_bundles>
